<compile_context>
chip_gen: v7x
topology: tpu7x:2x2x1
jax: 0.10.2.dev20260603
libtpu: 0.0.44.dev20260713+nightly
codegen_flags: <defaults>
</compile_context>

<pallas_src>
import functools

import jax
import jax.numpy as jnp
from jax import lax
from jax.experimental import pallas as pl
from jax.experimental.pallas import tpu as pltpu
from jax.experimental.pallas import tpu_sc as plsc

N = 10000
E = 320000
D = 128
NC = 2
NS = 16
NW = NC * NS
EPW = E // NW
CH = 80
RPT = N // NS



def _fc_body(h_ref, wt_ref, u_ref, z_ref, s2_ref):
    z = jnp.dot(h_ref[...], wt_ref[...], preferred_element_type=jnp.float32)
    z_ref[...] = z
    s2_ref[...] = jnp.dot(z, u_ref[...], preferred_element_type=jnp.float32)


def _stage1(h, wt, u):
    blk = 1000
    return pl.pallas_call(
        _fc_body,
        grid=(N // blk,),
        in_specs=[
            pl.BlockSpec((blk, D), lambda i: (i, 0)),
            pl.BlockSpec((D, D), lambda i: (0, 0)),
            pl.BlockSpec((D, D), lambda i: (0, 0)),
        ],
        out_specs=[
            pl.BlockSpec((blk, D), lambda i: (i, 0)),
            pl.BlockSpec((blk, D), lambda i: (i, 0)),
        ],
        out_shape=[
            jax.ShapeDtypeStruct((N, D), jnp.float32),
            jax.ShapeDtypeStruct((N, D), jnp.float32),
        ],
    )(h, wt, u)



_mesh = plsc.VectorSubcoreMesh(
    core_axis_name="c", subcore_axis_name="s", num_cores=NC, num_subcores=NS)


NCH = EPW // CH
SEG = 64


@functools.partial(
    pl.kernel,
    out_type=(
        jax.ShapeDtypeStruct((NC, N, D), jnp.float32),
        jax.ShapeDtypeStruct((NC * N,), jnp.float32),
    ),
    mesh=_mesh,
    compiler_params=pltpu.CompilerParams(needs_layout_passes=False,
                                         use_tc_tiling_on_sc=False),
    scratch_types=(
        [pltpu.VMEM((SEG, CH), jnp.int32)]
        + [pltpu.VMEM((CH,), jnp.int32)] * 4
        + [pltpu.VMEM((CH,), jnp.int32)] * 4
        + [pltpu.VMEM((CH + 16,), jnp.float32)] * 4
        + [pltpu.VMEM((CH,), jnp.float32)] * 4
        + [pltpu.VMEM((CH,), jnp.float32)] * 4
        + [pltpu.VMEM((CH, D // 2), jnp.int32)] * 2
        + [pltpu.VMEM((CH, D), jnp.float32)] * 2
        + [
            pltpu.VMEM_SHARED((N, D), jnp.float32),
            pltpu.VMEM_SHARED((N,), jnp.float32),
        ]
        + [pltpu.SemaphoreType.DMA] * 4
    ),
)
def _edge_kernel(z_hbm, sl_hbm, sr_hbm, pidx_hbm,
                 p_out, d_out,
                 pidx_v, sidx_0, sidx_1, sidx_2, sidx_3,
                 didx_0, didx_1, didx_2, didx_3,
                 w_0, w_1, w_2, w_3, sl_0, sl_1, sl_2, sl_3,
                 sr_0, sr_1, sr_2, sr_3,
                 g16_0, g16_1, rows_0, rows_1, acc_sh, den_sh,
                 semg_0, semg_1, sems_0, sems_1):
    cid = lax.axis_index("c")
    sid = lax.axis_index("s")
    wid = sid * NC + cid

    qb = (
        (sidx_0, didx_0, w_0, sl_0, sr_0),
        (sidx_1, didx_1, w_1, sl_1, sr_1),
        (sidx_2, didx_2, w_2, sl_2, sr_2),
        (sidx_3, didx_3, w_3, sl_3, sr_3),
    )
    gb = ((g16_0, semg_0), (g16_1, semg_1))
    sb = ((rows_0, sems_0), (rows_1, sems_1))
    rows_a = rows_0

    zeros16 = jnp.zeros((16,), jnp.float32)

    def _zero_rows(i, _):
        for j in range(D // 16):
            rows_a[i, pl.ds(j * 16, 16)] = zeros16
        return 0
    lax.fori_loop(0, CH, _zero_rows, 0)

    nrch = N // CH

    def _zero_acc(i, _):
        c = sid + i * NS

        @pl.when(c < nrch)
        def _():
            off = pl.multiple_of(c * CH, 8)
            pltpu.sync_copy(rows_a, acc_sh.at[pl.ds(off, CH)])
            pltpu.sync_copy(rows_a.at[0, pl.ds(0, CH)], den_sh.at[pl.ds(off, CH)])
        return 0
    lax.fori_loop(0, (nrch + NS - 1) // NS, _zero_acc, 0)

    plsc.subcore_barrier()

    def _unpack(c, q):
        si_v, di_v = qb[q][0], qb[q][1]
        mask = jnp.full((16,), 0xFFFF, jnp.int32)
        for k in range(CH // 16):
            pk = pidx_v[c, pl.ds(k * 16, 16)]
            si_v[pl.ds(k * 16, 16)] = jnp.bitwise_and(pk, mask)
            di_v[pl.ds(k * 16, 16)] = lax.shift_right_logical(pk, 16)

    def _start_g(q, g):
        si_v, di_v, sl_v, sr_v = qb[q][0], qb[q][1], qb[q][3], qb[q][4]
        g16_v, semg = gb[g]
        pltpu.async_copy(z_hbm.at[si_v], g16_v, semg)
        pltpu.async_copy(sl_hbm.at[si_v], sl_v, semg)
        pltpu.async_copy(sr_hbm.at[di_v], sr_v, semg)

    def _wait_g(q, g):
        si_v, di_v, sl_v, sr_v = qb[q][0], qb[q][1], qb[q][3], qb[q][4]
        g16_v, semg = gb[g]
        pltpu.make_async_copy(z_hbm.at[si_v], g16_v, semg).wait()
        pltpu.make_async_copy(sl_hbm.at[si_v], sl_v, semg).wait()
        pltpu.make_async_copy(sr_hbm.at[di_v], sr_v, semg).wait()

    def _start_s(q, s):
        di_v, w_v = qb[q][1], qb[q][2]
        rows_v, sems = sb[s]
        pltpu.async_copy(rows_v, acc_sh.at[di_v], sems, add=True)
        pltpu.async_copy(w_v.at[pl.ds(0, CH)], den_sh.at[di_v], sems, add=True)

    def _wait_s(q, s):
        di_v, w_v = qb[q][1], qb[q][2]
        rows_v, sems = sb[s]
        pltpu.make_async_copy(rows_v, acc_sh.at[di_v], sems).wait()
        pltpu.make_async_copy(w_v.at[pl.ds(0, CH)], den_sh.at[di_v], sems).wait()

    himask = jnp.full((16,), -65536, jnp.int32)

    def _compute_scale(q, g, s):
        w_v, sl_v, sr_v = qb[q][2], qb[q][3], qb[q][4]
        g16_v = gb[g][0]
        rows_v = sb[s][0]
        for k in range(CH // 16):
            a = sl_v[pl.ds(k * 16, 16)] + sr_v[pl.ds(k * 16, 16)]
            a = jnp.maximum(a, a * 0.01)
            w_v[pl.ds(k * 16, 16)] = jnp.exp(a)

        @plsc.parallel_loop(0, CH, step=1, unroll=4)
        def _scale(i):
            ws = w_v[pl.ds(i, 16)][0]
            for j in range(D // 32):
                v = g16_v[i, pl.ds(j * 16, 16)]
                flo = plsc.bitcast(lax.shift_left(v, 16), jnp.float32)
                fhi = plsc.bitcast(jnp.bitwise_and(v, himask), jnp.float32)
                rows_v[i, pl.ds(j * 32, 16)] = flo * ws
                rows_v[i, pl.ds(j * 32 + 16, 16)] = fhi * ws

    def _segment(nseg):
        _unpack(0, 0)
        _start_g(0, 0)
        if nseg > 1:
            _unpack(1, 1)
            _start_g(1, 1)

        def _quad(k, _):
            for j in range(4):
                c = 4 * k + j

                @pl.when(c < nseg)
                def _():
                    _wait_g(j, j % 2)

                    @pl.when(c >= 2)
                    def _():
                        _wait_s((j + 2) % 4, j % 2)
                    _compute_scale(j, j % 2, j % 2)
                    _start_s(j, j % 2)

                    @pl.when(c + 2 < nseg)
                    def _():
                        _unpack(c + 2, (j + 2) % 4)
                        _start_g((j + 2) % 4, j % 2)
            return 0
        lax.fori_loop(0, (nseg + 3) // 4, _quad, 0)
        if nseg > 1:
            _wait_s((nseg - 2) % 4, (nseg - 2) % 2)
        _wait_s((nseg - 1) % 4, (nseg - 1) % 2)

    pltpu.sync_copy(pidx_hbm.at[wid, pl.ds(0, SEG)], pidx_v)
    _segment(SEG)
    pltpu.sync_copy(pidx_hbm.at[wid, pl.ds(SEG, NCH - SEG)],
                    pidx_v.at[pl.ds(0, NCH - SEG)])
    _segment(NCH - SEG)

    plsc.subcore_barrier()

    def _wb(i, _):
        c = sid + i * NS

        @pl.when(c < nrch)
        def _():
            off = pl.multiple_of(c * CH, 8)
            pltpu.sync_copy(acc_sh.at[pl.ds(off, CH)], p_out.at[cid, pl.ds(off, CH)])
            doff = pl.multiple_of(cid * N + c * CH, 8)
            pltpu.sync_copy(den_sh.at[pl.ds(off, CH)], sl_0)
            pltpu.sync_copy(sl_0, d_out.at[pl.ds(doff, CH)])
        return 0
    lax.fori_loop(0, (nrch + NS - 1) // NS, _wb, 0)



def _fin_body(p_ref, d_ref, o_ref):
    p = p_ref[0] + p_ref[1]
    den = jnp.sum(d_ref[...], axis=1)
    den = jnp.where(den > 0.0, den, 1.0)
    o_ref[...] = p / den[:, None]


def _stage3(p, dpart_t):
    blk = 1000
    return pl.pallas_call(
        _fin_body,
        grid=(N // blk,),
        in_specs=[
            pl.BlockSpec((NC, blk, D), lambda i: (0, i, 0)),
            pl.BlockSpec((blk, NC), lambda i: (i, 0)),
        ],
        out_specs=pl.BlockSpec((blk, D), lambda i: (i, 0)),
        out_shape=jax.ShapeDtypeStruct((N, D), jnp.float32),
    )(p, dpart_t)



def kernel(h, edge_index, W_fc, W_attn):
    wt = W_fc.T
    a2 = W_attn.reshape(2, D)
    u = jnp.zeros((D, D), jnp.float32).at[:, 0].set(a2[0]).at[:, 1].set(a2[1])
    z, s2 = _stage1(h, wt, u)
    sl = s2[:, 0]
    sr = s2[:, 1]
    packed = jnp.bitwise_or(
        edge_index[0], jnp.left_shift(edge_index[1], 16)).reshape(NW, NCH, CH)
    zp16 = (z.reshape(N, D // 32, 2, 16).transpose(0, 1, 3, 2)
            .reshape(N, D).astype(jnp.bfloat16))
    zi = lax.bitcast_convert_type(zp16.reshape(N, D // 2, 2), jnp.int32)
    p, dpart = _edge_kernel(zi, sl, sr, packed)
    return _stage3(p, dpart.reshape(NC, N).T)

# --- scband reference (transcript-rebuilt; emitter-appended) ---
"""Pipeline reference for scband-gatlayer-36240934044288 (READ-ONLY COPY).

The authoritative reference and input builder live on the scoring server;
editing this copy changes nothing except your own understanding.
"""

import jax, jax.numpy as jnp
import numpy as np

N_NODES = 10000
N_EDGES = 320000
IN_DIM = 128
OUT_DIM = 128


def setup_inputs(seed: int = 0) -> dict:
    key = jax.random.key(seed)
    k1, k2, k3, k4 = jax.random.split(key, 4)
    h = jax.random.normal(k1, (N_NODES, IN_DIM), dtype=jnp.float32)
    edge_index = jax.random.randint(k2, (2, N_EDGES), 0, N_NODES, dtype=jnp.int32)
    # Learned params (torch nn.Linear stores weight as [out_features, in_features])
    W_fc = jax.random.normal(k3, (OUT_DIM, IN_DIM), dtype=jnp.float32) * 0.05
    W_attn = jax.random.normal(k4, (1, 2 * OUT_DIM), dtype=jnp.float32) * 0.05
    return {"h": h, "edge_index": edge_index, "W_fc": W_fc, "W_attn": W_attn}


def reference(h, edge_index, W_fc, W_attn):
    # z = self.fc(h)
    z = h @ W_fc.T
    src = edge_index[0]
    dst = edge_index[1]
    # edge_attention: cat([src z, dst z]) -> attn_fc -> leaky_relu
    z_src = jnp.take(z, src, axis=0)
    z_dst = jnp.take(z, dst, axis=0)
    z2 = jnp.concatenate([z_src, z_dst], axis=-1)
    a = z2 @ W_attn.T  # [E, 1]
    e = jax.nn.leaky_relu(a, negative_slope=0.01)
    # reduce_func: softmax over incoming edges per dst node (segment softmax)
    e_max = jax.ops.segment_max(e, dst, num_segments=N_NODES)
    e_exp = jnp.exp(e - jnp.take(e_max, dst, axis=0))
    denom = jax.ops.segment_sum(e_exp, dst, num_segments=N_NODES)
    alpha = e_exp / jnp.take(denom, dst, axis=0)  # [E, 1]
    # h_out = sum(alpha * z_src) per dst node
    out = jax.ops.segment_sum(alpha * z_src, dst, num_segments=N_NODES)
    return out

if __name__ == "__main__":
    import jax
    _d = setup_inputs()
    print(jax.jit(kernel)(*tuple(_d.values())))

</pallas_src>

<mosaic_0001>
#map = affine_map<(d0, d1) -> (0, 0)>
#map1 = affine_map<(d0, d1) -> (0)>
#map2 = affine_map<(d0, d1) -> (0, 0, 0)>
module attributes {stable_mosaic.version = 14 : i64} {
  func.func @_edge_kernel(%arg0: i32, %arg1: i32, %arg2: memref<10000x64xi32, #tpu.memory_space<hbm>>, %arg3: memref<10000xf32, #tpu.memory_space<hbm>>, %arg4: memref<10000xf32, #tpu.memory_space<hbm>>, %arg5: memref<32x125x80xi32, #tpu.memory_space<hbm>>, %arg6: memref<2x10000x128xf32, #tpu.memory_space<hbm>>, %arg7: memref<20000xf32, #tpu.memory_space<hbm>>, %arg8: memref<64x80xi32, #tpu.memory_space<vmem>>, %arg9: memref<80xi32, #tpu.memory_space<vmem>>, %arg10: memref<80xi32, #tpu.memory_space<vmem>>, %arg11: memref<80xi32, #tpu.memory_space<vmem>>, %arg12: memref<80xi32, #tpu.memory_space<vmem>>, %arg13: memref<80xi32, #tpu.memory_space<vmem>>, %arg14: memref<80xi32, #tpu.memory_space<vmem>>, %arg15: memref<80xi32, #tpu.memory_space<vmem>>, %arg16: memref<80xi32, #tpu.memory_space<vmem>>, %arg17: memref<96xf32, #tpu.memory_space<vmem>>, %arg18: memref<96xf32, #tpu.memory_space<vmem>>, %arg19: memref<96xf32, #tpu.memory_space<vmem>>, %arg20: memref<96xf32, #tpu.memory_space<vmem>>, %arg21: memref<80xf32, #tpu.memory_space<vmem>>, %arg22: memref<80xf32, #tpu.memory_space<vmem>>, %arg23: memref<80xf32, #tpu.memory_space<vmem>>, %arg24: memref<80xf32, #tpu.memory_space<vmem>>, %arg25: memref<80xf32, #tpu.memory_space<vmem>>, %arg26: memref<80xf32, #tpu.memory_space<vmem>>, %arg27: memref<80xf32, #tpu.memory_space<vmem>>, %arg28: memref<80xf32, #tpu.memory_space<vmem>>, %arg29: memref<80x64xi32, #tpu.memory_space<vmem>>, %arg30: memref<80x64xi32, #tpu.memory_space<vmem>>, %arg31: memref<80x128xf32, #tpu.memory_space<vmem>>, %arg32: memref<80x128xf32, #tpu.memory_space<vmem>>, %arg33: memref<10000x128xf32, #tpu.memory_space<vmem_shared>>, %arg34: memref<10000xf32, #tpu.memory_space<vmem_shared>>, %arg35: memref<!tpu.dma_semaphore, #tpu.memory_space<semaphore_mem>>, %arg36: memref<!tpu.dma_semaphore, #tpu.memory_space<semaphore_mem>>, %arg37: memref<!tpu.dma_semaphore, #tpu.memory_space<semaphore_mem>>, %arg38: memref<!tpu.dma_semaphore, #tpu.memory_space<semaphore_mem>>) attributes {dimension_semantics = [#tpu.dimension_semantics<core_parallel>, #tpu.dimension_semantics<subcore_parallel>], iteration_bounds = array<i64: 2, 16>, scalar_prefetch = 0 : i64, scratch_operands = 31 : i64, tpu.core_type = #tpu.core_type<sc_vector_subcore>, window_params = [{transform_indices = #map}, {transform_indices = #map1}, {transform_indices = #map1}, {transform_indices = #map2}, {transform_indices = #map2}, {transform_indices = #map1}]} {
    %mul3A = arith.constant 2 : i32
    %mul3A_0 = arith.muli %arg1, %mul3A : i32
    %add3A = arith.addi %mul3A_0, %arg0 : i32
    %broadcast_in_dim3A = arith.constant 0.000000e+00 : f32
    %broadcast_in_dim3A_1 = vector.broadcast %broadcast_in_dim3A : f32 to vector<16xf32>
    %scan3A = arith.constant 0 : i32
    %scan3A_2 = arith.constant 0 : i32
    %scan3A_3 = arith.constant 80 : i32
    %scan3A_4 = arith.addi %scan3A_2, %scan3A_3 : i32
    %scan3A_5 = arith.constant 1 : i32
    %scan3A_6 = scf.for %scan3A_337 = %scan3A_2 to %scan3A_4 step %scan3A_5 iter_args(%scan3A_338 = %scan3A) -> (i32)  : i32 {
      %swap3A_339 = arith.index_cast %scan3A_337 : i32 to index
      %swap3A_340 = arith.constant 0 : index
      %swap3A_341 = tpu.vector_load %arg31[%swap3A_339, %swap3A_340] {strides = array<i32>} : memref<80x128xf32, #tpu.memory_space<vmem>>, vector<16xf32>,
      tpu.vector_store %arg31[%swap3A_339, %swap3A_340], %broadcast_in_dim3A_1 {strides = array<i32>} : memref<80x128xf32, #tpu.memory_space<vmem>>, vector<16xf32>,
      %swap3A_342 = arith.index_cast %scan3A_337 : i32 to index
      %swap3A_343 = arith.constant 16 : index
      %swap3A_344 = tpu.vector_load %arg31[%swap3A_342, %swap3A_343] {strides = array<i32>} : memref<80x128xf32, #tpu.memory_space<vmem>>, vector<16xf32>,
      tpu.vector_store %arg31[%swap3A_342, %swap3A_343], %broadcast_in_dim3A_1 {strides = array<i32>} : memref<80x128xf32, #tpu.memory_space<vmem>>, vector<16xf32>,
      %swap3A_345 = arith.index_cast %scan3A_337 : i32 to index
      %swap3A_346 = arith.constant 32 : index
      %swap3A_347 = tpu.vector_load %arg31[%swap3A_345, %swap3A_346] {strides = array<i32>} : memref<80x128xf32, #tpu.memory_space<vmem>>, vector<16xf32>,
      tpu.vector_store %arg31[%swap3A_345, %swap3A_346], %broadcast_in_dim3A_1 {strides = array<i32>} : memref<80x128xf32, #tpu.memory_space<vmem>>, vector<16xf32>,
      %swap3A_348 = arith.index_cast %scan3A_337 : i32 to index
      %swap3A_349 = arith.constant 48 : index
      %swap3A_350 = tpu.vector_load %arg31[%swap3A_348, %swap3A_349] {strides = array<i32>} : memref<80x128xf32, #tpu.memory_space<vmem>>, vector<16xf32>,
      tpu.vector_store %arg31[%swap3A_348, %swap3A_349], %broadcast_in_dim3A_1 {strides = array<i32>} : memref<80x128xf32, #tpu.memory_space<vmem>>, vector<16xf32>,
      %swap3A_351 = arith.index_cast %scan3A_337 : i32 to index
      %swap3A_352 = arith.constant 64 : index
      %swap3A_353 = tpu.vector_load %arg31[%swap3A_351, %swap3A_352] {strides = array<i32>} : memref<80x128xf32, #tpu.memory_space<vmem>>, vector<16xf32>,
      tpu.vector_store %arg31[%swap3A_351, %swap3A_352], %broadcast_in_dim3A_1 {strides = array<i32>} : memref<80x128xf32, #tpu.memory_space<vmem>>, vector<16xf32>,
      %swap3A_354 = arith.index_cast %scan3A_337 : i32 to index
      %swap3A_355 = arith.constant 80 : index
      %swap3A_356 = tpu.vector_load %arg31[%swap3A_354, %swap3A_355] {strides = array<i32>} : memref<80x128xf32, #tpu.memory_space<vmem>>, vector<16xf32>,
      tpu.vector_store %arg31[%swap3A_354, %swap3A_355], %broadcast_in_dim3A_1 {strides = array<i32>} : memref<80x128xf32, #tpu.memory_space<vmem>>, vector<16xf32>,
      %swap3A_357 = arith.index_cast %scan3A_337 : i32 to index
      %swap3A_358 = arith.constant 96 : index
      %swap3A_359 = tpu.vector_load %arg31[%swap3A_357, %swap3A_358] {strides = array<i32>} : memref<80x128xf32, #tpu.memory_space<vmem>>, vector<16xf32>,
      tpu.vector_store %arg31[%swap3A_357, %swap3A_358], %broadcast_in_dim3A_1 {strides = array<i32>} : memref<80x128xf32, #tpu.memory_space<vmem>>, vector<16xf32>,
      %swap3A_360 = arith.index_cast %scan3A_337 : i32 to index
      %swap3A_361 = arith.constant 112 : index
      %swap3A_362 = tpu.vector_load %arg31[%swap3A_360, %swap3A_361] {strides = array<i32>} : memref<80x128xf32, #tpu.memory_space<vmem>>, vector<16xf32>,
      tpu.vector_store %arg31[%swap3A_360, %swap3A_361], %broadcast_in_dim3A_1 {strides = array<i32>} : memref<80x128xf32, #tpu.memory_space<vmem>>, vector<16xf32>,
      %scan3A_363 = arith.constant 0 : i32
      scf.yield %scan3A_363 : i32
    }
    %scan3A_7 = arith.constant 80 : i32
    %scan3A_8 = arith.constant 0 : i32
    %scan3A_9 = arith.constant 0 : i32
    %scan3A_10 = arith.constant 8 : i32
    %scan3A_11 = arith.addi %scan3A_9, %scan3A_10 : i32
    %scan3A_12 = arith.constant 1 : i32
    %scan3A_13 = scf.for %scan3A_337 = %scan3A_9 to %scan3A_11 step %scan3A_12 iter_args(%scan3A_338 = %scan3A_8) -> (i32)  : i32 {
      %mul3A_339 = arith.constant 16 : i32
      %mul3A_340 = arith.muli %scan3A_337, %mul3A_339 : i32
      %add3A_341 = arith.addi %arg1, %mul3A_340 : i32
      %lt3A = arith.constant 125 : i32
      %lt3A_342 = arith.cmpi slt, %add3A_341, %lt3A : i32
      %convert_element_type3A = arith.extui %lt3A_342 : i1 to i32
      %cond3A = arith.constant 0 : i32
      %cond3A_343 = arith.cmpi ne, %convert_element_type3A, %cond3A : i32
      scf.if %cond3A_343 {
        %mul3A_345 = arith.constant 80 : i32
        %mul3A_346 = arith.muli %add3A_341, %mul3A_345 : i32
        %multiple_of3A = tpu.assume_multiple %mul3A_346, 8 : i32
        "tpu.region"() ({
          %run_scoped3A_347 = tpu.sem_alloc : memref<!tpu.dma_semaphore, #tpu.memory_space<semaphore_mem>>
          %dma_start3A_348 = arith.constant 0 : i32
          %dma_start3A_349 = tpu.memref_slice %arg33[%multiple_of3A, %dma_start3A_348] : memref<10000x128xf32, #tpu.memory_space<vmem_shared>> -> memref<80x128xf32, #tpu.memory_space<vmem_shared>>
          %dma_start3A_350 = arith.constant 0 : i32
          %dma_start3A_351 = tpu.memref_slice %arg33[%multiple_of3A, %dma_start3A_350] : memref<10000x128xf32, #tpu.memory_space<vmem_shared>> -> memref<80x128xf32, #tpu.memory_space<vmem_shared>>
          tpu.enqueue_dma source(%arg31 : memref<80x128xf32, #tpu.memory_space<vmem>>) target(%dma_start3A_351 : memref<80x128xf32, #tpu.memory_space<vmem_shared>>) target_semaphore(%run_scoped3A_347 : memref<!tpu.dma_semaphore, #tpu.memory_space<semaphore_mem>>)
          %dma_wait3A_352 = arith.constant 0 : i32
          %dma_wait3A_353 = tpu.memref_slice %arg33[%multiple_of3A, %dma_wait3A_352] : memref<10000x128xf32, #tpu.memory_space<vmem_shared>> -> memref<80x128xf32, #tpu.memory_space<vmem_shared>>
          %dma_wait3A_354 = arith.constant 0 : i32
          %dma_wait3A_355 = tpu.memref_slice %arg33[%multiple_of3A, %dma_wait3A_354] : memref<10000x128xf32, #tpu.memory_space<vmem_shared>> -> memref<80x128xf32, #tpu.memory_space<vmem_shared>>
          tpu.wait_dma2 semaphore(%run_scoped3A_347 : memref<!tpu.dma_semaphore, #tpu.memory_space<semaphore_mem>>) src(%arg31 : memref<80x128xf32, #tpu.memory_space<vmem>>) dst(%dma_wait3A_355 : memref<80x128xf32, #tpu.memory_space<vmem_shared>>)
          tpu.yield
        }) : () -> ()
        %run_scoped3A = arith.constant 0 : i32
        "tpu.region"() ({
          %run_scoped3A_347 = tpu.sem_alloc : memref<!tpu.dma_semaphore, #tpu.memory_space<semaphore_mem>>
          %dma_start3A_348 = arith.constant 0 : i32
          %dma_start3A_349 = tpu.memref_slice %arg31[%run_scoped3A, %dma_start3A_348] : memref<80x128xf32, #tpu.memory_space<vmem>> -> memref<1x80xf32, #tpu.memory_space<vmem>>
          %dma_start3A_350 = tpu.memref_squeeze %dma_start3A_349 : memref<1x80xf32, #tpu.memory_space<vmem>> -> memref<80xf32, #tpu.memory_space<vmem>>
          %dma_start3A_351 = tpu.memref_slice %arg34[%multiple_of3A] : memref<10000xf32, #tpu.memory_space<vmem_shared>> -> memref<80xf32, #tpu.memory_space<vmem_shared>>
          %dma_start3A_352 = tpu.memref_slice %arg34[%multiple_of3A] : memref<10000xf32, #tpu.memory_space<vmem_shared>> -> memref<80xf32, #tpu.memory_space<vmem_shared>>
          %dma_start3A_353 = arith.constant 0 : i32
          %dma_start3A_354 = tpu.memref_slice %arg31[%run_scoped3A, %dma_start3A_353] : memref<80x128xf32, #tpu.memory_space<vmem>> -> memref<1x80xf32, #tpu.memory_space<vmem>>
          %dma_start3A_355 = tpu.memref_squeeze %dma_start3A_354 : memref<1x80xf32, #tpu.memory_space<vmem>> -> memref<80xf32, #tpu.memory_space<vmem>>
          tpu.enqueue_dma source(%dma_start3A_355 : memref<80xf32, #tpu.memory_space<vmem>>) target(%dma_start3A_352 : memref<80xf32, #tpu.memory_space<vmem_shared>>) target_semaphore(%run_scoped3A_347 : memref<!tpu.dma_semaphore, #tpu.memory_space<semaphore_mem>>)
          %dma_wait3A_356 = arith.constant 0 : i32
          %dma_wait3A_357 = tpu.memref_slice %arg31[%run_scoped3A, %dma_wait3A_356] : memref<80x128xf32, #tpu.memory_space<vmem>> -> memref<1x80xf32, #tpu.memory_space<vmem>>
          %dma_wait3A_358 = tpu.memref_squeeze %dma_wait3A_357 : memref<1x80xf32, #tpu.memory_space<vmem>> -> memref<80xf32, #tpu.memory_space<vmem>>
          %dma_wait3A_359 = tpu.memref_slice %arg34[%multiple_of3A] : memref<10000xf32, #tpu.memory_space<vmem_shared>> -> memref<80xf32, #tpu.memory_space<vmem_shared>>
          %dma_wait3A_360 = tpu.memref_slice %arg34[%multiple_of3A] : memref<10000xf32, #tpu.memory_space<vmem_shared>> -> memref<80xf32, #tpu.memory_space<vmem_shared>>
          %dma_wait3A_361 = arith.constant 0 : i32
          %dma_wait3A_362 = tpu.memref_slice %arg31[%run_scoped3A, %dma_wait3A_361] : memref<80x128xf32, #tpu.memory_space<vmem>> -> memref<1x80xf32, #tpu.memory_space<vmem>>
          %dma_wait3A_363 = tpu.memref_squeeze %dma_wait3A_362 : memref<1x80xf32, #tpu.memory_space<vmem>> -> memref<80xf32, #tpu.memory_space<vmem>>
          tpu.wait_dma2 semaphore(%run_scoped3A_347 : memref<!tpu.dma_semaphore, #tpu.memory_space<semaphore_mem>>) src(%dma_wait3A_363 : memref<80xf32, #tpu.memory_space<vmem>>) dst(%dma_wait3A_360 : memref<80xf32, #tpu.memory_space<vmem_shared>>)
          tpu.yield
        }) : () -> ()
      } else {
      }
      %scan3A_344 = arith.constant 0 : i32
      scf.yield %scan3A_344 : i32
    }
    %scan3A_14 = arith.constant 8 : i32
    %barrier3A = arith.constant 0 : index
    tpu.barrier barrier_id(%barrier3A)
    %broadcast_in_dim3A_15 = arith.constant -65536 : i32
    %broadcast_in_dim3A_16 = vector.broadcast %broadcast_in_dim3A_15 : i32 to vector<16xi32>
    "tpu.region"() ({
      %run_scoped3A = tpu.sem_alloc : memref<!tpu.dma_semaphore, #tpu.memory_space<semaphore_mem>>
      %dma_start3A_337 = arith.constant 0 : i32
      %dma_start3A_338 = arith.constant 0 : i32
      %dma_start3A_339 = tpu.memref_slice %arg5[%add3A, %dma_start3A_337, %dma_start3A_338] : memref<32x125x80xi32, #tpu.memory_space<hbm>> -> memref<1x64x80xi32, #tpu.memory_space<hbm>>
      %dma_start3A_340 = tpu.memref_squeeze %dma_start3A_339 : memref<1x64x80xi32, #tpu.memory_space<hbm>> -> memref<64x80xi32, #tpu.memory_space<hbm>>
      %dma_start3A_341 = arith.constant 0 : i32
      %dma_start3A_342 = arith.constant 0 : i32
      %dma_start3A_343 = tpu.memref_slice %arg5[%add3A, %dma_start3A_341, %dma_start3A_342] : memref<32x125x80xi32, #tpu.memory_space<hbm>> -> memref<1x64x80xi32, #tpu.memory_space<hbm>>
      %dma_start3A_344 = tpu.memref_squeeze %dma_start3A_343 : memref<1x64x80xi32, #tpu.memory_space<hbm>> -> memref<64x80xi32, #tpu.memory_space<hbm>>
      tpu.enqueue_dma source(%dma_start3A_344 : memref<64x80xi32, #tpu.memory_space<hbm>>) target(%arg8 : memref<64x80xi32, #tpu.memory_space<vmem>>) target_semaphore(%run_scoped3A : memref<!tpu.dma_semaphore, #tpu.memory_space<semaphore_mem>>)
      %dma_wait3A_345 = arith.constant 0 : i32
      %dma_wait3A_346 = arith.constant 0 : i32
      %dma_wait3A_347 = tpu.memref_slice %arg5[%add3A, %dma_wait3A_345, %dma_wait3A_346] : memref<32x125x80xi32, #tpu.memory_space<hbm>> -> memref<1x64x80xi32, #tpu.memory_space<hbm>>
      %dma_wait3A_348 = tpu.memref_squeeze %dma_wait3A_347 : memref<1x64x80xi32, #tpu.memory_space<hbm>> -> memref<64x80xi32, #tpu.memory_space<hbm>>
      %dma_wait3A_349 = arith.constant 0 : i32
      %dma_wait3A_350 = arith.constant 0 : i32
      %dma_wait3A_351 = tpu.memref_slice %arg5[%add3A, %dma_wait3A_349, %dma_wait3A_350] : memref<32x125x80xi32, #tpu.memory_space<hbm>> -> memref<1x64x80xi32, #tpu.memory_space<hbm>>
      %dma_wait3A_352 = tpu.memref_squeeze %dma_wait3A_351 : memref<1x64x80xi32, #tpu.memory_space<hbm>> -> memref<64x80xi32, #tpu.memory_space<hbm>>
      tpu.wait_dma2 semaphore(%run_scoped3A : memref<!tpu.dma_semaphore, #tpu.memory_space<semaphore_mem>>) src(%dma_wait3A_352 : memref<64x80xi32, #tpu.memory_space<hbm>>) dst(%arg8 : memref<64x80xi32, #tpu.memory_space<vmem>>)
      tpu.yield
    }) : () -> ()
    %broadcast_in_dim3A_17 = arith.constant 65535 : i32
    %broadcast_in_dim3A_18 = vector.broadcast %broadcast_in_dim3A_17 : i32 to vector<16xi32>
    %get3A = arith.constant 0 : i32
    %get3A_19 = arith.index_cast %get3A : i32 to index
    %get3A_20 = arith.constant 0 : index
    %get3A_21 = tpu.vector_load %arg8[%get3A_19, %get3A_20] {strides = array<i32>} : memref<64x80xi32, #tpu.memory_space<vmem>>, vector<16xi32>,
    %and3A = arith.andi %get3A_21, %broadcast_in_dim3A_18 : vector<16xi32>
    %swap3A = arith.constant 0 : index
    %swap3A_22 = tpu.vector_load %arg9[%swap3A] {strides = array<i32>} : memref<80xi32, #tpu.memory_space<vmem>>, vector<16xi32>,
    tpu.vector_store %arg9[%swap3A], %and3A {strides = array<i32>} : memref<80xi32, #tpu.memory_space<vmem>>, vector<16xi32>,
    %shift_right_logical3A = arith.constant 16 : i32
    %shift_right_logical3A_23 = vector.broadcast %shift_right_logical3A : i32 to vector<16xi32>
    %shift_right_logical3A_24 = arith.shrui %get3A_21, %shift_right_logical3A_23 : vector<16xi32>
    %swap3A_25 = arith.constant 0 : index
    %swap3A_26 = tpu.vector_load %arg13[%swap3A_25] {strides = array<i32>} : memref<80xi32, #tpu.memory_space<vmem>>, vector<16xi32>,
    tpu.vector_store %arg13[%swap3A_25], %shift_right_logical3A_24 {strides = array<i32>} : memref<80xi32, #tpu.memory_space<vmem>>, vector<16xi32>,
    %get3A_27 = arith.constant 0 : i32
    %get3A_28 = arith.index_cast %get3A_27 : i32 to index
    %get3A_29 = arith.constant 16 : index
    %get3A_30 = tpu.vector_load %arg8[%get3A_28, %get3A_29] {strides = array<i32>} : memref<64x80xi32, #tpu.memory_space<vmem>>, vector<16xi32>,
    %and3A_31 = arith.andi %get3A_30, %broadcast_in_dim3A_18 : vector<16xi32>
    %swap3A_32 = arith.constant 16 : index
    %swap3A_33 = tpu.vector_load %arg9[%swap3A_32] {strides = array<i32>} : memref<80xi32, #tpu.memory_space<vmem>>, vector<16xi32>,
    tpu.vector_store %arg9[%swap3A_32], %and3A_31 {strides = array<i32>} : memref<80xi32, #tpu.memory_space<vmem>>, vector<16xi32>,
    %shift_right_logical3A_34 = arith.constant 16 : i32
    %shift_right_logical3A_35 = vector.broadcast %shift_right_logical3A_34 : i32 to vector<16xi32>
    %shift_right_logical3A_36 = arith.shrui %get3A_30, %shift_right_logical3A_35 : vector<16xi32>
    %swap3A_37 = arith.constant 16 : index
    %swap3A_38 = tpu.vector_load %arg13[%swap3A_37] {strides = array<i32>} : memref<80xi32, #tpu.memory_space<vmem>>, vector<16xi32>,
    tpu.vector_store %arg13[%swap3A_37], %shift_right_logical3A_36 {strides = array<i32>} : memref<80xi32, #tpu.memory_space<vmem>>, vector<16xi32>,
    %get3A_39 = arith.constant 0 : i32
    %get3A_40 = arith.index_cast %get3A_39 : i32 to index
    %get3A_41 = arith.constant 32 : index
    %get3A_42 = tpu.vector_load %arg8[%get3A_40, %get3A_41] {strides = array<i32>} : memref<64x80xi32, #tpu.memory_space<vmem>>, vector<16xi32>,
    %and3A_43 = arith.andi %get3A_42, %broadcast_in_dim3A_18 : vector<16xi32>
    %swap3A_44 = arith.constant 32 : index
    %swap3A_45 = tpu.vector_load %arg9[%swap3A_44] {strides = array<i32>} : memref<80xi32, #tpu.memory_space<vmem>>, vector<16xi32>,
    tpu.vector_store %arg9[%swap3A_44], %and3A_43 {strides = array<i32>} : memref<80xi32, #tpu.memory_space<vmem>>, vector<16xi32>,
    %shift_right_logical3A_46 = arith.constant 16 : i32
    %shift_right_logical3A_47 = vector.broadcast %shift_right_logical3A_46 : i32 to vector<16xi32>
    %shift_right_logical3A_48 = arith.shrui %get3A_42, %shift_right_logical3A_47 : vector<16xi32>
    %swap3A_49 = arith.constant 32 : index
    %swap3A_50 = tpu.vector_load %arg13[%swap3A_49] {strides = array<i32>} : memref<80xi32, #tpu.memory_space<vmem>>, vector<16xi32>,
    tpu.vector_store %arg13[%swap3A_49], %shift_right_logical3A_48 {strides = array<i32>} : memref<80xi32, #tpu.memory_space<vmem>>, vector<16xi32>,
    %get3A_51 = arith.constant 0 : i32
    %get3A_52 = arith.index_cast %get3A_51 : i32 to index
    %get3A_53 = arith.constant 48 : index
    %get3A_54 = tpu.vector_load %arg8[%get3A_52, %get3A_53] {strides = array<i32>} : memref<64x80xi32, #tpu.memory_space<vmem>>, vector<16xi32>,
    %and3A_55 = arith.andi %get3A_54, %broadcast_in_dim3A_18 : vector<16xi32>
    %swap3A_56 = arith.constant 48 : index
    %swap3A_57 = tpu.vector_load %arg9[%swap3A_56] {strides = array<i32>} : memref<80xi32, #tpu.memory_space<vmem>>, vector<16xi32>,
    tpu.vector_store %arg9[%swap3A_56], %and3A_55 {strides = array<i32>} : memref<80xi32, #tpu.memory_space<vmem>>, vector<16xi32>,
    %shift_right_logical3A_58 = arith.constant 16 : i32
    %shift_right_logical3A_59 = vector.broadcast %shift_right_logical3A_58 : i32 to vector<16xi32>
    %shift_right_logical3A_60 = arith.shrui %get3A_54, %shift_right_logical3A_59 : vector<16xi32>
    %swap3A_61 = arith.constant 48 : index
    %swap3A_62 = tpu.vector_load %arg13[%swap3A_61] {strides = array<i32>} : memref<80xi32, #tpu.memory_space<vmem>>, vector<16xi32>,
    tpu.vector_store %arg13[%swap3A_61], %shift_right_logical3A_60 {strides = array<i32>} : memref<80xi32, #tpu.memory_space<vmem>>, vector<16xi32>,
    %get3A_63 = arith.constant 0 : i32
    %get3A_64 = arith.index_cast %get3A_63 : i32 to index
    %get3A_65 = arith.constant 64 : index
    %get3A_66 = tpu.vector_load %arg8[%get3A_64, %get3A_65] {strides = array<i32>} : memref<64x80xi32, #tpu.memory_space<vmem>>, vector<16xi32>,
    %and3A_67 = arith.andi %get3A_66, %broadcast_in_dim3A_18 : vector<16xi32>
    %swap3A_68 = arith.constant 64 : index
    %swap3A_69 = tpu.vector_load %arg9[%swap3A_68] {strides = array<i32>} : memref<80xi32, #tpu.memory_space<vmem>>, vector<16xi32>,
    tpu.vector_store %arg9[%swap3A_68], %and3A_67 {strides = array<i32>} : memref<80xi32, #tpu.memory_space<vmem>>, vector<16xi32>,
    %shift_right_logical3A_70 = arith.constant 16 : i32
    %shift_right_logical3A_71 = vector.broadcast %shift_right_logical3A_70 : i32 to vector<16xi32>
    %shift_right_logical3A_72 = arith.shrui %get3A_66, %shift_right_logical3A_71 : vector<16xi32>
    %swap3A_73 = arith.constant 64 : index
    %swap3A_74 = tpu.vector_load %arg13[%swap3A_73] {strides = array<i32>} : memref<80xi32, #tpu.memory_space<vmem>>, vector<16xi32>,
    tpu.vector_store %arg13[%swap3A_73], %shift_right_logical3A_72 {strides = array<i32>} : memref<80xi32, #tpu.memory_space<vmem>>, vector<16xi32>,
    %dma_start3A = arith.constant 0 : i32
    %dma_start3A_75 = arith.constant 0 : i32
    %dma_start3A_76 = tpu.memref_slice %arg2[%dma_start3A, %dma_start3A_75] : memref<10000x64xi32, #tpu.memory_space<hbm>> -> memref<10000x64xi32, #tpu.memory_space<hbm>>
    tpu.enqueue_indirect_dma source(%dma_start3A_76 : memref<10000x64xi32, #tpu.memory_space<hbm>>) target(%arg29 : memref<80x64xi32, #tpu.memory_space<vmem>>) offsets(%arg9 : memref<80xi32, #tpu.memory_space<vmem>>) semaphore(%arg35 : memref<!tpu.dma_semaphore, #tpu.memory_space<semaphore_mem>>)
    %dma_start3A_77 = arith.constant 0 : i32
    %dma_start3A_78 = tpu.memref_slice %arg3[%dma_start3A_77] : memref<10000xf32, #tpu.memory_space<hbm>> -> memref<10000xf32, #tpu.memory_space<hbm>>
    tpu.enqueue_indirect_dma source(%dma_start3A_78 : memref<10000xf32, #tpu.memory_space<hbm>>) target(%arg21 : memref<80xf32, #tpu.memory_space<vmem>>) offsets(%arg9 : memref<80xi32, #tpu.memory_space<vmem>>) semaphore(%arg35 : memref<!tpu.dma_semaphore, #tpu.memory_space<semaphore_mem>>)
    %dma_start3A_79 = arith.constant 0 : i32
    %dma_start3A_80 = tpu.memref_slice %arg4[%dma_start3A_79] : memref<10000xf32, #tpu.memory_space<hbm>> -> memref<10000xf32, #tpu.memory_space<hbm>>
    tpu.enqueue_indirect_dma source(%dma_start3A_80 : memref<10000xf32, #tpu.memory_space<hbm>>) target(%arg25 : memref<80xf32, #tpu.memory_space<vmem>>) offsets(%arg13 : memref<80xi32, #tpu.memory_space<vmem>>) semaphore(%arg35 : memref<!tpu.dma_semaphore, #tpu.memory_space<semaphore_mem>>)
    %broadcast_in_dim3A_81 = arith.constant 65535 : i32
    %broadcast_in_dim3A_82 = vector.broadcast %broadcast_in_dim3A_81 : i32 to vector<16xi32>
    %get3A_83 = arith.constant 1 : i32
    %get3A_84 = arith.index_cast %get3A_83 : i32 to index
    %get3A_85 = arith.constant 0 : index
    %get3A_86 = tpu.vector_load %arg8[%get3A_84, %get3A_85] {strides = array<i32>} : memref<64x80xi32, #tpu.memory_space<vmem>>, vector<16xi32>,
    %and3A_87 = arith.andi %get3A_86, %broadcast_in_dim3A_82 : vector<16xi32>
    %swap3A_88 = arith.constant 0 : index
    %swap3A_89 = tpu.vector_load %arg10[%swap3A_88] {strides = array<i32>} : memref<80xi32, #tpu.memory_space<vmem>>, vector<16xi32>,
    tpu.vector_store %arg10[%swap3A_88], %and3A_87 {strides = array<i32>} : memref<80xi32, #tpu.memory_space<vmem>>, vector<16xi32>,
    %shift_right_logical3A_90 = arith.constant 16 : i32
    %shift_right_logical3A_91 = vector.broadcast %shift_right_logical3A_90 : i32 to vector<16xi32>
    %shift_right_logical3A_92 = arith.shrui %get3A_86, %shift_right_logical3A_91 : vector<16xi32>
    %swap3A_93 = arith.constant 0 : index
    %swap3A_94 = tpu.vector_load %arg14[%swap3A_93] {strides = array<i32>} : memref<80xi32, #tpu.memory_space<vmem>>, vector<16xi32>,
    tpu.vector_store %arg14[%swap3A_93], %shift_right_logical3A_92 {strides = array<i32>} : memref<80xi32, #tpu.memory_space<vmem>>, vector<16xi32>,
    %get3A_95 = arith.constant 1 : i32
    %get3A_96 = arith.index_cast %get3A_95 : i32 to index
    %get3A_97 = arith.constant 16 : index
    %get3A_98 = tpu.vector_load %arg8[%get3A_96, %get3A_97] {strides = array<i32>} : memref<64x80xi32, #tpu.memory_space<vmem>>, vector<16xi32>,
    %and3A_99 = arith.andi %get3A_98, %broadcast_in_dim3A_82 : vector<16xi32>
    %swap3A_100 = arith.constant 16 : index
    %swap3A_101 = tpu.vector_load %arg10[%swap3A_100] {strides = array<i32>} : memref<80xi32, #tpu.memory_space<vmem>>, vector<16xi32>,
    tpu.vector_store %arg10[%swap3A_100], %and3A_99 {strides = array<i32>} : memref<80xi32, #tpu.memory_space<vmem>>, vector<16xi32>,
    %shift_right_logical3A_102 = arith.constant 16 : i32
    %shift_right_logical3A_103 = vector.broadcast %shift_right_logical3A_102 : i32 to vector<16xi32>
    %shift_right_logical3A_104 = arith.shrui %get3A_98, %shift_right_logical3A_103 : vector<16xi32>
    %swap3A_105 = arith.constant 16 : index
    %swap3A_106 = tpu.vector_load %arg14[%swap3A_105] {strides = array<i32>} : memref<80xi32, #tpu.memory_space<vmem>>, vector<16xi32>,
    tpu.vector_store %arg14[%swap3A_105], %shift_right_logical3A_104 {strides = array<i32>} : memref<80xi32, #tpu.memory_space<vmem>>, vector<16xi32>,
    %get3A_107 = arith.constant 1 : i32
    %get3A_108 = arith.index_cast %get3A_107 : i32 to index
    %get3A_109 = arith.constant 32 : index
    %get3A_110 = tpu.vector_load %arg8[%get3A_108, %get3A_109] {strides = array<i32>} : memref<64x80xi32, #tpu.memory_space<vmem>>, vector<16xi32>,
    %and3A_111 = arith.andi %get3A_110, %broadcast_in_dim3A_82 : vector<16xi32>
    %swap3A_112 = arith.constant 32 : index
    %swap3A_113 = tpu.vector_load %arg10[%swap3A_112] {strides = array<i32>} : memref<80xi32, #tpu.memory_space<vmem>>, vector<16xi32>,
    tpu.vector_store %arg10[%swap3A_112], %and3A_111 {strides = array<i32>} : memref<80xi32, #tpu.memory_space<vmem>>, vector<16xi32>,
    %shift_right_logical3A_114 = arith.constant 16 : i32
    %shift_right_logical3A_115 = vector.broadcast %shift_right_logical3A_114 : i32 to vector<16xi32>
    %shift_right_logical3A_116 = arith.shrui %get3A_110, %shift_right_logical3A_115 : vector<16xi32>
    %swap3A_117 = arith.constant 32 : index
    %swap3A_118 = tpu.vector_load %arg14[%swap3A_117] {strides = array<i32>} : memref<80xi32, #tpu.memory_space<vmem>>, vector<16xi32>,
    tpu.vector_store %arg14[%swap3A_117], %shift_right_logical3A_116 {strides = array<i32>} : memref<80xi32, #tpu.memory_space<vmem>>, vector<16xi32>,
    %get3A_119 = arith.constant 1 : i32
    %get3A_120 = arith.index_cast %get3A_119 : i32 to index
    %get3A_121 = arith.constant 48 : index
    %get3A_122 = tpu.vector_load %arg8[%get3A_120, %get3A_121] {strides = array<i32>} : memref<64x80xi32, #tpu.memory_space<vmem>>, vector<16xi32>,
    %and3A_123 = arith.andi %get3A_122, %broadcast_in_dim3A_82 : vector<16xi32>
    %swap3A_124 = arith.constant 48 : index
    %swap3A_125 = tpu.vector_load %arg10[%swap3A_124] {strides = array<i32>} : memref<80xi32, #tpu.memory_space<vmem>>, vector<16xi32>,
    tpu.vector_store %arg10[%swap3A_124], %and3A_123 {strides = array<i32>} : memref<80xi32, #tpu.memory_space<vmem>>, vector<16xi32>,
    %shift_right_logical3A_126 = arith.constant 16 : i32
    %shift_right_logical3A_127 = vector.broadcast %shift_right_logical3A_126 : i32 to vector<16xi32>
    %shift_right_logical3A_128 = arith.shrui %get3A_122, %shift_right_logical3A_127 : vector<16xi32>
    %swap3A_129 = arith.constant 48 : index
    %swap3A_130 = tpu.vector_load %arg14[%swap3A_129] {strides = array<i32>} : memref<80xi32, #tpu.memory_space<vmem>>, vector<16xi32>,
    tpu.vector_store %arg14[%swap3A_129], %shift_right_logical3A_128 {strides = array<i32>} : memref<80xi32, #tpu.memory_space<vmem>>, vector<16xi32>,
    %get3A_131 = arith.constant 1 : i32
    %get3A_132 = arith.index_cast %get3A_131 : i32 to index
    %get3A_133 = arith.constant 64 : index
    %get3A_134 = tpu.vector_load %arg8[%get3A_132, %get3A_133] {strides = array<i32>} : memref<64x80xi32, #tpu.memory_space<vmem>>, vector<16xi32>,
    %and3A_135 = arith.andi %get3A_134, %broadcast_in_dim3A_82 : vector<16xi32>
    %swap3A_136 = arith.constant 64 : index
    %swap3A_137 = tpu.vector_load %arg10[%swap3A_136] {strides = array<i32>} : memref<80xi32, #tpu.memory_space<vmem>>, vector<16xi32>,
    tpu.vector_store %arg10[%swap3A_136], %and3A_135 {strides = array<i32>} : memref<80xi32, #tpu.memory_space<vmem>>, vector<16xi32>,
    %shift_right_logical3A_138 = arith.constant 16 : i32
    %shift_right_logical3A_139 = vector.broadcast %shift_right_logical3A_138 : i32 to vector<16xi32>
    %shift_right_logical3A_140 = arith.shrui %get3A_134, %shift_right_logical3A_139 : vector<16xi32>
    %swap3A_141 = arith.constant 64 : index
    %swap3A_142 = tpu.vector_load %arg14[%swap3A_141] {strides = array<i32>} : memref<80xi32, #tpu.memory_space<vmem>>, vector<16xi32>,
    tpu.vector_store %arg14[%swap3A_141], %shift_right_logical3A_140 {strides = array<i32>} : memref<80xi32, #tpu.memory_space<vmem>>, vector<16xi32>,
    %dma_start3A_143 = arith.constant 0 : i32
    %dma_start3A_144 = arith.constant 0 : i32
    %dma_start3A_145 = tpu.memref_slice %arg2[%dma_start3A_143, %dma_start3A_144] : memref<10000x64xi32, #tpu.memory_space<hbm>> -> memref<10000x64xi32, #tpu.memory_space<hbm>>
    tpu.enqueue_indirect_dma source(%dma_start3A_145 : memref<10000x64xi32, #tpu.memory_space<hbm>>) target(%arg30 : memref<80x64xi32, #tpu.memory_space<vmem>>) offsets(%arg10 : memref<80xi32, #tpu.memory_space<vmem>>) semaphore(%arg36 : memref<!tpu.dma_semaphore, #tpu.memory_space<semaphore_mem>>)
    %dma_start3A_146 = arith.constant 0 : i32
    %dma_start3A_147 = tpu.memref_slice %arg3[%dma_start3A_146] : memref<10000xf32, #tpu.memory_space<hbm>> -> memref<10000xf32, #tpu.memory_space<hbm>>
    tpu.enqueue_indirect_dma source(%dma_start3A_147 : memref<10000xf32, #tpu.memory_space<hbm>>) target(%arg22 : memref<80xf32, #tpu.memory_space<vmem>>) offsets(%arg10 : memref<80xi32, #tpu.memory_space<vmem>>) semaphore(%arg36 : memref<!tpu.dma_semaphore, #tpu.memory_space<semaphore_mem>>)
    %dma_start3A_148 = arith.constant 0 : i32
    %dma_start3A_149 = tpu.memref_slice %arg4[%dma_start3A_148] : memref<10000xf32, #tpu.memory_space<hbm>> -> memref<10000xf32, #tpu.memory_space<hbm>>
    tpu.enqueue_indirect_dma source(%dma_start3A_149 : memref<10000xf32, #tpu.memory_space<hbm>>) target(%arg26 : memref<80xf32, #tpu.memory_space<vmem>>) offsets(%arg14 : memref<80xi32, #tpu.memory_space<vmem>>) semaphore(%arg36 : memref<!tpu.dma_semaphore, #tpu.memory_space<semaphore_mem>>)
    %scan3A_150 = arith.constant 0 : i32
    %scan3A_151 = arith.constant 0 : i32
    %scan3A_152 = arith.constant 16 : i32
    %scan3A_153 = arith.addi %scan3A_151, %scan3A_152 : i32
    %scan3A_154 = arith.constant 1 : i32
    %scan3A_155 = scf.for %scan3A_337 = %scan3A_151 to %scan3A_153 step %scan3A_154 iter_args(%scan3A_338 = %scan3A_150) -> (i32)  : i32 {
      %mul3A_339 = arith.constant 4 : i32
      %mul3A_340 = arith.muli %mul3A_339, %scan3A_337 : i32
      %add3A_341 = arith.constant 0 : i32
      %add3A_342 = arith.addi %mul3A_340, %add3A_341 : i32
      %lt3A = arith.constant 64 : i32
      %lt3A_343 = arith.cmpi slt, %add3A_342, %lt3A : i32
      %convert_element_type3A = arith.extui %lt3A_343 : i1 to i32
      %cond3A = arith.constant 0 : i32
      %cond3A_344 = arith.cmpi ne, %convert_element_type3A, %cond3A : i32
      scf.if %cond3A_344 {
        %dma_wait3A_373 = arith.constant 0 : i32
        %dma_wait3A_374 = arith.constant 0 : i32
        %dma_wait3A_375 = tpu.memref_slice %arg2[%dma_wait3A_373, %dma_wait3A_374] : memref<10000x64xi32, #tpu.memory_space<hbm>> -> memref<10000x64xi32, #tpu.memory_space<hbm>>
        tpu.wait_indirect_dma semaphore(%arg35 : memref<!tpu.dma_semaphore, #tpu.memory_space<semaphore_mem>>) src(%dma_wait3A_375 : memref<10000x64xi32, #tpu.memory_space<hbm>>) dst(%arg29 : memref<80x64xi32, #tpu.memory_space<vmem>>)
        %dma_wait3A_376 = arith.constant 0 : i32
        %dma_wait3A_377 = tpu.memref_slice %arg3[%dma_wait3A_376] : memref<10000xf32, #tpu.memory_space<hbm>> -> memref<10000xf32, #tpu.memory_space<hbm>>
        tpu.wait_indirect_dma semaphore(%arg35 : memref<!tpu.dma_semaphore, #tpu.memory_space<semaphore_mem>>) src(%dma_wait3A_377 : memref<10000xf32, #tpu.memory_space<hbm>>) dst(%arg21 : memref<80xf32, #tpu.memory_space<vmem>>)
        %dma_wait3A_378 = arith.constant 0 : i32
        %dma_wait3A_379 = tpu.memref_slice %arg4[%dma_wait3A_378] : memref<10000xf32, #tpu.memory_space<hbm>> -> memref<10000xf32, #tpu.memory_space<hbm>>
        tpu.wait_indirect_dma semaphore(%arg35 : memref<!tpu.dma_semaphore, #tpu.memory_space<semaphore_mem>>) src(%dma_wait3A_379 : memref<10000xf32, #tpu.memory_space<hbm>>) dst(%arg25 : memref<80xf32, #tpu.memory_space<vmem>>)
        %ge3A = arith.constant 2 : i32
        %ge3A_380 = arith.cmpi sge, %add3A_342, %ge3A : i32
        %convert_element_type3A_381 = arith.extui %ge3A_380 : i1 to i32
        %cond3A_382 = arith.constant 0 : i32
        %cond3A_383 = arith.cmpi ne, %convert_element_type3A_381, %cond3A_382 : i32
        scf.if %cond3A_383 {
          %dma_wait3A_458 = arith.constant 0 : i32
          %dma_wait3A_459 = arith.constant 0 : i32
          %dma_wait3A_460 = tpu.memref_slice %arg33[%dma_wait3A_458, %dma_wait3A_459] : memref<10000x128xf32, #tpu.memory_space<vmem_shared>> -> memref<10000x128xf32, #tpu.memory_space<vmem_shared>>
          tpu.wait_indirect_dma semaphore(%arg37 : memref<!tpu.dma_semaphore, #tpu.memory_space<semaphore_mem>>) src(%arg31 : memref<80x128xf32, #tpu.memory_space<vmem>>) dst(%dma_wait3A_460 : memref<10000x128xf32, #tpu.memory_space<vmem_shared>>)
          %dma_wait3A_461 = arith.constant 0 : i32
          %dma_wait3A_462 = tpu.memref_slice %arg19[%dma_wait3A_461] : memref<96xf32, #tpu.memory_space<vmem>> -> memref<80xf32, #tpu.memory_space<vmem>>
          %dma_wait3A_463 = arith.constant 0 : i32
          %dma_wait3A_464 = tpu.memref_slice %arg34[%dma_wait3A_463] : memref<10000xf32, #tpu.memory_space<vmem_shared>> -> memref<10000xf32, #tpu.memory_space<vmem_shared>>
          tpu.wait_indirect_dma semaphore(%arg37 : memref<!tpu.dma_semaphore, #tpu.memory_space<semaphore_mem>>) src(%dma_wait3A_462 : memref<80xf32, #tpu.memory_space<vmem>>) dst(%dma_wait3A_464 : memref<10000xf32, #tpu.memory_space<vmem_shared>>)
        } else {
        }
        %get3A_384 = arith.constant 0 : index
        %get3A_385 = tpu.vector_load %arg21[%get3A_384] {strides = array<i32>} : memref<80xf32, #tpu.memory_space<vmem>>, vector<16xf32>,
        %get3A_386 = arith.constant 0 : index
        %get3A_387 = tpu.vector_load %arg25[%get3A_386] {strides = array<i32>} : memref<80xf32, #tpu.memory_space<vmem>>, vector<16xf32>,
        %add3A_388 = arith.addf %get3A_385, %get3A_387 : vector<16xf32>
        %mul3A_389 = arith.constant 0.00999999977 : f32
        %mul3A_390 = vector.broadcast %mul3A_389 : f32 to vector<16xf32>
        %mul3A_391 = arith.mulf %add3A_388, %mul3A_390 : vector<16xf32>
        %max3A = arith.maximumf %add3A_388, %mul3A_391 : vector<16xf32>
        %exp3A = math.exp %max3A : vector<16xf32>
        %swap3A_392 = arith.constant 0 : index
        %swap3A_393 = tpu.vector_load %arg17[%swap3A_392] {strides = array<i32>} : memref<96xf32, #tpu.memory_space<vmem>>, vector<16xf32>,
        tpu.vector_store %arg17[%swap3A_392], %exp3A {strides = array<i32>} : memref<96xf32, #tpu.memory_space<vmem>>, vector<16xf32>,
        %get3A_394 = arith.constant 16 : index
        %get3A_395 = tpu.vector_load %arg21[%get3A_394] {strides = array<i32>} : memref<80xf32, #tpu.memory_space<vmem>>, vector<16xf32>,
        %get3A_396 = arith.constant 16 : index
        %get3A_397 = tpu.vector_load %arg25[%get3A_396] {strides = array<i32>} : memref<80xf32, #tpu.memory_space<vmem>>, vector<16xf32>,
        %add3A_398 = arith.addf %get3A_395, %get3A_397 : vector<16xf32>
        %mul3A_399 = arith.constant 0.00999999977 : f32
        %mul3A_400 = vector.broadcast %mul3A_399 : f32 to vector<16xf32>
        %mul3A_401 = arith.mulf %add3A_398, %mul3A_400 : vector<16xf32>
        %max3A_402 = arith.maximumf %add3A_398, %mul3A_401 : vector<16xf32>
        %exp3A_403 = math.exp %max3A_402 : vector<16xf32>
        %swap3A_404 = arith.constant 16 : index
        %swap3A_405 = tpu.vector_load %arg17[%swap3A_404] {strides = array<i32>} : memref<96xf32, #tpu.memory_space<vmem>>, vector<16xf32>,
        tpu.vector_store %arg17[%swap3A_404], %exp3A_403 {strides = array<i32>} : memref<96xf32, #tpu.memory_space<vmem>>, vector<16xf32>,
        %get3A_406 = arith.constant 32 : index
        %get3A_407 = tpu.vector_load %arg21[%get3A_406] {strides = array<i32>} : memref<80xf32, #tpu.memory_space<vmem>>, vector<16xf32>,
        %get3A_408 = arith.constant 32 : index
        %get3A_409 = tpu.vector_load %arg25[%get3A_408] {strides = array<i32>} : memref<80xf32, #tpu.memory_space<vmem>>, vector<16xf32>,
        %add3A_410 = arith.addf %get3A_407, %get3A_409 : vector<16xf32>
        %mul3A_411 = arith.constant 0.00999999977 : f32
        %mul3A_412 = vector.broadcast %mul3A_411 : f32 to vector<16xf32>
        %mul3A_413 = arith.mulf %add3A_410, %mul3A_412 : vector<16xf32>
        %max3A_414 = arith.maximumf %add3A_410, %mul3A_413 : vector<16xf32>
        %exp3A_415 = math.exp %max3A_414 : vector<16xf32>
        %swap3A_416 = arith.constant 32 : index
        %swap3A_417 = tpu.vector_load %arg17[%swap3A_416] {strides = array<i32>} : memref<96xf32, #tpu.memory_space<vmem>>, vector<16xf32>,
        tpu.vector_store %arg17[%swap3A_416], %exp3A_415 {strides = array<i32>} : memref<96xf32, #tpu.memory_space<vmem>>, vector<16xf32>,
        %get3A_418 = arith.constant 48 : index
        %get3A_419 = tpu.vector_load %arg21[%get3A_418] {strides = array<i32>} : memref<80xf32, #tpu.memory_space<vmem>>, vector<16xf32>,
        %get3A_420 = arith.constant 48 : index
        %get3A_421 = tpu.vector_load %arg25[%get3A_420] {strides = array<i32>} : memref<80xf32, #tpu.memory_space<vmem>>, vector<16xf32>,
        %add3A_422 = arith.addf %get3A_419, %get3A_421 : vector<16xf32>
        %mul3A_423 = arith.constant 0.00999999977 : f32
        %mul3A_424 = vector.broadcast %mul3A_423 : f32 to vector<16xf32>
        %mul3A_425 = arith.mulf %add3A_422, %mul3A_424 : vector<16xf32>
        %max3A_426 = arith.maximumf %add3A_422, %mul3A_425 : vector<16xf32>
        %exp3A_427 = math.exp %max3A_426 : vector<16xf32>
        %swap3A_428 = arith.constant 48 : index
        %swap3A_429 = tpu.vector_load %arg17[%swap3A_428] {strides = array<i32>} : memref<96xf32, #tpu.memory_space<vmem>>, vector<16xf32>,
        tpu.vector_store %arg17[%swap3A_428], %exp3A_427 {strides = array<i32>} : memref<96xf32, #tpu.memory_space<vmem>>, vector<16xf32>,
        %get3A_430 = arith.constant 64 : index
        %get3A_431 = tpu.vector_load %arg21[%get3A_430] {strides = array<i32>} : memref<80xf32, #tpu.memory_space<vmem>>, vector<16xf32>,
        %get3A_432 = arith.constant 64 : index
        %get3A_433 = tpu.vector_load %arg25[%get3A_432] {strides = array<i32>} : memref<80xf32, #tpu.memory_space<vmem>>, vector<16xf32>,
        %add3A_434 = arith.addf %get3A_431, %get3A_433 : vector<16xf32>
        %mul3A_435 = arith.constant 0.00999999977 : f32
        %mul3A_436 = vector.broadcast %mul3A_435 : f32 to vector<16xf32>
        %mul3A_437 = arith.mulf %add3A_434, %mul3A_436 : vector<16xf32>
        %max3A_438 = arith.maximumf %add3A_434, %mul3A_437 : vector<16xf32>
        %exp3A_439 = math.exp %max3A_438 : vector<16xf32>
        %swap3A_440 = arith.constant 64 : index
        %swap3A_441 = tpu.vector_load %arg17[%swap3A_440] {strides = array<i32>} : memref<96xf32, #tpu.memory_space<vmem>>, vector<16xf32>,
        tpu.vector_store %arg17[%swap3A_440], %exp3A_439 {strides = array<i32>} : memref<96xf32, #tpu.memory_space<vmem>>, vector<16xf32>,
        %parallel_loop3A = arith.constant 0 : i32
        %parallel_loop3A_442 = arith.constant 80 : i32
        %parallel_loop3A_443 = arith.constant 1 : i32
        scf.for %parallel_loop3A_458 = %parallel_loop3A to %parallel_loop3A_442 step %parallel_loop3A_443  : i32 {
          %parallel_loop3A_459 = arith.index_cast %parallel_loop3A_458 : i32 to index
          %parallel_loop3A_460 = tpu.vector_load %arg17[%parallel_loop3A_459] {strides = array<i32>} : memref<96xf32, #tpu.memory_space<vmem>>, vector<16xf32>,
          %parallel_loop3A_461 = vector.extract_strided_slice %parallel_loop3A_460 {offsets = [0], sizes = [1], strides = [1]} : vector<16xf32> to vector<1xf32>
          %parallel_loop3A_462 = vector.extract %parallel_loop3A_461[0] : f32 from vector<1xf32>
          %parallel_loop3A_463 = arith.index_cast %parallel_loop3A_458 : i32 to index
          %parallel_loop3A_464 = arith.constant 0 : index
          %parallel_loop3A_465 = tpu.vector_load %arg29[%parallel_loop3A_463, %parallel_loop3A_464] {strides = array<i32>} : memref<80x64xi32, #tpu.memory_space<vmem>>, vector<16xi32>,
          %parallel_loop3A_466 = arith.constant 16 : i32
          %parallel_loop3A_467 = vector.broadcast %parallel_loop3A_466 : i32 to vector<16xi32>
          %parallel_loop3A_468 = arith.shli %parallel_loop3A_465, %parallel_loop3A_467 : vector<16xi32>
          %parallel_loop3A_469 = vector.bitcast %parallel_loop3A_468 : vector<16xi32> to vector<16xf32>
          %parallel_loop3A_470 = arith.andi %parallel_loop3A_465, %broadcast_in_dim3A_16 : vector<16xi32>
          %parallel_loop3A_471 = vector.bitcast %parallel_loop3A_470 : vector<16xi32> to vector<16xf32>
          %parallel_loop3A_472 = vector.broadcast %parallel_loop3A_462 : f32 to vector<16xf32>
          %parallel_loop3A_473 = arith.mulf %parallel_loop3A_469, %parallel_loop3A_472 : vector<16xf32>
          %parallel_loop3A_474 = arith.index_cast %parallel_loop3A_458 : i32 to index
          %parallel_loop3A_475 = arith.constant 0 : index
          %parallel_loop3A_476 = tpu.vector_load %arg31[%parallel_loop3A_474, %parallel_loop3A_475] {strides = array<i32>} : memref<80x128xf32, #tpu.memory_space<vmem>>, vector<16xf32>,
          tpu.vector_store %arg31[%parallel_loop3A_474, %parallel_loop3A_475], %parallel_loop3A_473 {strides = array<i32>} : memref<80x128xf32, #tpu.memory_space<vmem>>, vector<16xf32>,
          %parallel_loop3A_477 = vector.broadcast %parallel_loop3A_462 : f32 to vector<16xf32>
          %parallel_loop3A_478 = arith.mulf %parallel_loop3A_471, %parallel_loop3A_477 : vector<16xf32>
          %parallel_loop3A_479 = arith.index_cast %parallel_loop3A_458 : i32 to index
          %parallel_loop3A_480 = arith.constant 16 : index
          %parallel_loop3A_481 = tpu.vector_load %arg31[%parallel_loop3A_479, %parallel_loop3A_480] {strides = array<i32>} : memref<80x128xf32, #tpu.memory_space<vmem>>, vector<16xf32>,
          tpu.vector_store %arg31[%parallel_loop3A_479, %parallel_loop3A_480], %parallel_loop3A_478 {strides = array<i32>} : memref<80x128xf32, #tpu.memory_space<vmem>>, vector<16xf32>,
          %parallel_loop3A_482 = arith.index_cast %parallel_loop3A_458 : i32 to index
          %parallel_loop3A_483 = arith.constant 16 : index
          %parallel_loop3A_484 = tpu.vector_load %arg29[%parallel_loop3A_482, %parallel_loop3A_483] {strides = array<i32>} : memref<80x64xi32, #tpu.memory_space<vmem>>, vector<16xi32>,
          %parallel_loop3A_485 = arith.constant 16 : i32
          %parallel_loop3A_486 = vector.broadcast %parallel_loop3A_485 : i32 to vector<16xi32>
          %parallel_loop3A_487 = arith.shli %parallel_loop3A_484, %parallel_loop3A_486 : vector<16xi32>
          %parallel_loop3A_488 = vector.bitcast %parallel_loop3A_487 : vector<16xi32> to vector<16xf32>
          %parallel_loop3A_489 = arith.andi %parallel_loop3A_484, %broadcast_in_dim3A_16 : vector<16xi32>
          %parallel_loop3A_490 = vector.bitcast %parallel_loop3A_489 : vector<16xi32> to vector<16xf32>
          %parallel_loop3A_491 = vector.broadcast %parallel_loop3A_462 : f32 to vector<16xf32>
          %parallel_loop3A_492 = arith.mulf %parallel_loop3A_488, %parallel_loop3A_491 : vector<16xf32>
          %parallel_loop3A_493 = arith.index_cast %parallel_loop3A_458 : i32 to index
          %parallel_loop3A_494 = arith.constant 32 : index
          %parallel_loop3A_495 = tpu.vector_load %arg31[%parallel_loop3A_493, %parallel_loop3A_494] {strides = array<i32>} : memref<80x128xf32, #tpu.memory_space<vmem>>, vector<16xf32>,
          tpu.vector_store %arg31[%parallel_loop3A_493, %parallel_loop3A_494], %parallel_loop3A_492 {strides = array<i32>} : memref<80x128xf32, #tpu.memory_space<vmem>>, vector<16xf32>,
          %parallel_loop3A_496 = vector.broadcast %parallel_loop3A_462 : f32 to vector<16xf32>
          %parallel_loop3A_497 = arith.mulf %parallel_loop3A_490, %parallel_loop3A_496 : vector<16xf32>
          %parallel_loop3A_498 = arith.index_cast %parallel_loop3A_458 : i32 to index
          %parallel_loop3A_499 = arith.constant 48 : index
          %parallel_loop3A_500 = tpu.vector_load %arg31[%parallel_loop3A_498, %parallel_loop3A_499] {strides = array<i32>} : memref<80x128xf32, #tpu.memory_space<vmem>>, vector<16xf32>,
          tpu.vector_store %arg31[%parallel_loop3A_498, %parallel_loop3A_499], %parallel_loop3A_497 {strides = array<i32>} : memref<80x128xf32, #tpu.memory_space<vmem>>, vector<16xf32>,
          %parallel_loop3A_501 = arith.index_cast %parallel_loop3A_458 : i32 to index
          %parallel_loop3A_502 = arith.constant 32 : index
          %parallel_loop3A_503 = tpu.vector_load %arg29[%parallel_loop3A_501, %parallel_loop3A_502] {strides = array<i32>} : memref<80x64xi32, #tpu.memory_space<vmem>>, vector<16xi32>,
          %parallel_loop3A_504 = arith.constant 16 : i32
          %parallel_loop3A_505 = vector.broadcast %parallel_loop3A_504 : i32 to vector<16xi32>
          %parallel_loop3A_506 = arith.shli %parallel_loop3A_503, %parallel_loop3A_505 : vector<16xi32>
          %parallel_loop3A_507 = vector.bitcast %parallel_loop3A_506 : vector<16xi32> to vector<16xf32>
          %parallel_loop3A_508 = arith.andi %parallel_loop3A_503, %broadcast_in_dim3A_16 : vector<16xi32>
          %parallel_loop3A_509 = vector.bitcast %parallel_loop3A_508 : vector<16xi32> to vector<16xf32>
          %parallel_loop3A_510 = vector.broadcast %parallel_loop3A_462 : f32 to vector<16xf32>
          %parallel_loop3A_511 = arith.mulf %parallel_loop3A_507, %parallel_loop3A_510 : vector<16xf32>
          %parallel_loop3A_512 = arith.index_cast %parallel_loop3A_458 : i32 to index
          %parallel_loop3A_513 = arith.constant 64 : index
          %parallel_loop3A_514 = tpu.vector_load %arg31[%parallel_loop3A_512, %parallel_loop3A_513] {strides = array<i32>} : memref<80x128xf32, #tpu.memory_space<vmem>>, vector<16xf32>,
          tpu.vector_store %arg31[%parallel_loop3A_512, %parallel_loop3A_513], %parallel_loop3A_511 {strides = array<i32>} : memref<80x128xf32, #tpu.memory_space<vmem>>, vector<16xf32>,
          %parallel_loop3A_515 = vector.broadcast %parallel_loop3A_462 : f32 to vector<16xf32>
          %parallel_loop3A_516 = arith.mulf %parallel_loop3A_509, %parallel_loop3A_515 : vector<16xf32>
          %parallel_loop3A_517 = arith.index_cast %parallel_loop3A_458 : i32 to index
          %parallel_loop3A_518 = arith.constant 80 : index
          %parallel_loop3A_519 = tpu.vector_load %arg31[%parallel_loop3A_517, %parallel_loop3A_518] {strides = array<i32>} : memref<80x128xf32, #tpu.memory_space<vmem>>, vector<16xf32>,
          tpu.vector_store %arg31[%parallel_loop3A_517, %parallel_loop3A_518], %parallel_loop3A_516 {strides = array<i32>} : memref<80x128xf32, #tpu.memory_space<vmem>>, vector<16xf32>,
          %parallel_loop3A_520 = arith.index_cast %parallel_loop3A_458 : i32 to index
          %parallel_loop3A_521 = arith.constant 48 : index
          %parallel_loop3A_522 = tpu.vector_load %arg29[%parallel_loop3A_520, %parallel_loop3A_521] {strides = array<i32>} : memref<80x64xi32, #tpu.memory_space<vmem>>, vector<16xi32>,
          %parallel_loop3A_523 = arith.constant 16 : i32
          %parallel_loop3A_524 = vector.broadcast %parallel_loop3A_523 : i32 to vector<16xi32>
          %parallel_loop3A_525 = arith.shli %parallel_loop3A_522, %parallel_loop3A_524 : vector<16xi32>
          %parallel_loop3A_526 = vector.bitcast %parallel_loop3A_525 : vector<16xi32> to vector<16xf32>
          %parallel_loop3A_527 = arith.andi %parallel_loop3A_522, %broadcast_in_dim3A_16 : vector<16xi32>
          %parallel_loop3A_528 = vector.bitcast %parallel_loop3A_527 : vector<16xi32> to vector<16xf32>
          %parallel_loop3A_529 = vector.broadcast %parallel_loop3A_462 : f32 to vector<16xf32>
          %parallel_loop3A_530 = arith.mulf %parallel_loop3A_526, %parallel_loop3A_529 : vector<16xf32>
          %parallel_loop3A_531 = arith.index_cast %parallel_loop3A_458 : i32 to index
          %parallel_loop3A_532 = arith.constant 96 : index
          %parallel_loop3A_533 = tpu.vector_load %arg31[%parallel_loop3A_531, %parallel_loop3A_532] {strides = array<i32>} : memref<80x128xf32, #tpu.memory_space<vmem>>, vector<16xf32>,
          tpu.vector_store %arg31[%parallel_loop3A_531, %parallel_loop3A_532], %parallel_loop3A_530 {strides = array<i32>} : memref<80x128xf32, #tpu.memory_space<vmem>>, vector<16xf32>,
          %parallel_loop3A_534 = vector.broadcast %parallel_loop3A_462 : f32 to vector<16xf32>
          %parallel_loop3A_535 = arith.mulf %parallel_loop3A_528, %parallel_loop3A_534 : vector<16xf32>
          %parallel_loop3A_536 = arith.index_cast %parallel_loop3A_458 : i32 to index
          %parallel_loop3A_537 = arith.constant 112 : index
          %parallel_loop3A_538 = tpu.vector_load %arg31[%parallel_loop3A_536, %parallel_loop3A_537] {strides = array<i32>} : memref<80x128xf32, #tpu.memory_space<vmem>>, vector<16xf32>,
          tpu.vector_store %arg31[%parallel_loop3A_536, %parallel_loop3A_537], %parallel_loop3A_535 {strides = array<i32>} : memref<80x128xf32, #tpu.memory_space<vmem>>, vector<16xf32>,
        } {sc.loop_unroll_factor = 4 : i64, sc.parallel_access}
        %dma_start3A_444 = arith.constant 0 : i32
        %dma_start3A_445 = arith.constant 0 : i32
        %dma_start3A_446 = tpu.memref_slice %arg33[%dma_start3A_444, %dma_start3A_445] : memref<10000x128xf32, #tpu.memory_space<vmem_shared>> -> memref<10000x128xf32, #tpu.memory_space<vmem_shared>>
        tpu.enqueue_indirect_dma source(%arg31 : memref<80x128xf32, #tpu.memory_space<vmem>>) target(%dma_start3A_446 : memref<10000x128xf32, #tpu.memory_space<vmem_shared>>) offsets(%arg13 : memref<80xi32, #tpu.memory_space<vmem>>) semaphore(%arg37 : memref<!tpu.dma_semaphore, #tpu.memory_space<semaphore_mem>>) {add = true}
        %dma_start3A_447 = arith.constant 0 : i32
        %dma_start3A_448 = tpu.memref_slice %arg17[%dma_start3A_447] : memref<96xf32, #tpu.memory_space<vmem>> -> memref<80xf32, #tpu.memory_space<vmem>>
        %dma_start3A_449 = arith.constant 0 : i32
        %dma_start3A_450 = tpu.memref_slice %arg34[%dma_start3A_449] : memref<10000xf32, #tpu.memory_space<vmem_shared>> -> memref<10000xf32, #tpu.memory_space<vmem_shared>>
        tpu.enqueue_indirect_dma source(%dma_start3A_448 : memref<80xf32, #tpu.memory_space<vmem>>) target(%dma_start3A_450 : memref<10000xf32, #tpu.memory_space<vmem_shared>>) offsets(%arg13 : memref<80xi32, #tpu.memory_space<vmem>>) semaphore(%arg37 : memref<!tpu.dma_semaphore, #tpu.memory_space<semaphore_mem>>) {add = true}
        %add3A_451 = arith.constant 2 : i32
        %add3A_452 = arith.addi %add3A_342, %add3A_451 : i32
        %lt3A_453 = arith.constant 64 : i32
        %lt3A_454 = arith.cmpi slt, %add3A_452, %lt3A_453 : i32
        %convert_element_type3A_455 = arith.extui %lt3A_454 : i1 to i32
        %cond3A_456 = arith.constant 0 : i32
        %cond3A_457 = arith.cmpi ne, %convert_element_type3A_455, %cond3A_456 : i32
        scf.if %cond3A_457 {
          %add3A_458 = arith.constant 2 : i32
          %add3A_459 = arith.addi %add3A_342, %add3A_458 : i32
          %broadcast_in_dim3A_460 = arith.constant 65535 : i32
          %broadcast_in_dim3A_461 = vector.broadcast %broadcast_in_dim3A_460 : i32 to vector<16xi32>
          %get3A_462 = arith.index_cast %add3A_459 : i32 to index
          %get3A_463 = arith.constant 0 : index
          %get3A_464 = tpu.vector_load %arg8[%get3A_462, %get3A_463] {strides = array<i32>} : memref<64x80xi32, #tpu.memory_space<vmem>>, vector<16xi32>,
          %and3A_465 = arith.andi %get3A_464, %broadcast_in_dim3A_461 : vector<16xi32>
          %swap3A_466 = arith.constant 0 : index
          %swap3A_467 = tpu.vector_load %arg11[%swap3A_466] {strides = array<i32>} : memref<80xi32, #tpu.memory_space<vmem>>, vector<16xi32>,
          tpu.vector_store %arg11[%swap3A_466], %and3A_465 {strides = array<i32>} : memref<80xi32, #tpu.memory_space<vmem>>, vector<16xi32>,
          %shift_right_logical3A_468 = arith.constant 16 : i32
          %shift_right_logical3A_469 = vector.broadcast %shift_right_logical3A_468 : i32 to vector<16xi32>
          %shift_right_logical3A_470 = arith.shrui %get3A_464, %shift_right_logical3A_469 : vector<16xi32>
          %swap3A_471 = arith.constant 0 : index
          %swap3A_472 = tpu.vector_load %arg15[%swap3A_471] {strides = array<i32>} : memref<80xi32, #tpu.memory_space<vmem>>, vector<16xi32>,
          tpu.vector_store %arg15[%swap3A_471], %shift_right_logical3A_470 {strides = array<i32>} : memref<80xi32, #tpu.memory_space<vmem>>, vector<16xi32>,
          %get3A_473 = arith.index_cast %add3A_459 : i32 to index
          %get3A_474 = arith.constant 16 : index
          %get3A_475 = tpu.vector_load %arg8[%get3A_473, %get3A_474] {strides = array<i32>} : memref<64x80xi32, #tpu.memory_space<vmem>>, vector<16xi32>,
          %and3A_476 = arith.andi %get3A_475, %broadcast_in_dim3A_461 : vector<16xi32>
          %swap3A_477 = arith.constant 16 : index
          %swap3A_478 = tpu.vector_load %arg11[%swap3A_477] {strides = array<i32>} : memref<80xi32, #tpu.memory_space<vmem>>, vector<16xi32>,
          tpu.vector_store %arg11[%swap3A_477], %and3A_476 {strides = array<i32>} : memref<80xi32, #tpu.memory_space<vmem>>, vector<16xi32>,
          %shift_right_logical3A_479 = arith.constant 16 : i32
          %shift_right_logical3A_480 = vector.broadcast %shift_right_logical3A_479 : i32 to vector<16xi32>
          %shift_right_logical3A_481 = arith.shrui %get3A_475, %shift_right_logical3A_480 : vector<16xi32>
          %swap3A_482 = arith.constant 16 : index
          %swap3A_483 = tpu.vector_load %arg15[%swap3A_482] {strides = array<i32>} : memref<80xi32, #tpu.memory_space<vmem>>, vector<16xi32>,
          tpu.vector_store %arg15[%swap3A_482], %shift_right_logical3A_481 {strides = array<i32>} : memref<80xi32, #tpu.memory_space<vmem>>, vector<16xi32>,
          %get3A_484 = arith.index_cast %add3A_459 : i32 to index
          %get3A_485 = arith.constant 32 : index
          %get3A_486 = tpu.vector_load %arg8[%get3A_484, %get3A_485] {strides = array<i32>} : memref<64x80xi32, #tpu.memory_space<vmem>>, vector<16xi32>,
          %and3A_487 = arith.andi %get3A_486, %broadcast_in_dim3A_461 : vector<16xi32>
          %swap3A_488 = arith.constant 32 : index
          %swap3A_489 = tpu.vector_load %arg11[%swap3A_488] {strides = array<i32>} : memref<80xi32, #tpu.memory_space<vmem>>, vector<16xi32>,
          tpu.vector_store %arg11[%swap3A_488], %and3A_487 {strides = array<i32>} : memref<80xi32, #tpu.memory_space<vmem>>, vector<16xi32>,
          %shift_right_logical3A_490 = arith.constant 16 : i32
          %shift_right_logical3A_491 = vector.broadcast %shift_right_logical3A_490 : i32 to vector<16xi32>
          %shift_right_logical3A_492 = arith.shrui %get3A_486, %shift_right_logical3A_491 : vector<16xi32>
          %swap3A_493 = arith.constant 32 : index
          %swap3A_494 = tpu.vector_load %arg15[%swap3A_493] {strides = array<i32>} : memref<80xi32, #tpu.memory_space<vmem>>, vector<16xi32>,
          tpu.vector_store %arg15[%swap3A_493], %shift_right_logical3A_492 {strides = array<i32>} : memref<80xi32, #tpu.memory_space<vmem>>, vector<16xi32>,
          %get3A_495 = arith.index_cast %add3A_459 : i32 to index
          %get3A_496 = arith.constant 48 : index
          %get3A_497 = tpu.vector_load %arg8[%get3A_495, %get3A_496] {strides = array<i32>} : memref<64x80xi32, #tpu.memory_space<vmem>>, vector<16xi32>,
          %and3A_498 = arith.andi %get3A_497, %broadcast_in_dim3A_461 : vector<16xi32>
          %swap3A_499 = arith.constant 48 : index
          %swap3A_500 = tpu.vector_load %arg11[%swap3A_499] {strides = array<i32>} : memref<80xi32, #tpu.memory_space<vmem>>, vector<16xi32>,
          tpu.vector_store %arg11[%swap3A_499], %and3A_498 {strides = array<i32>} : memref<80xi32, #tpu.memory_space<vmem>>, vector<16xi32>,
          %shift_right_logical3A_501 = arith.constant 16 : i32
          %shift_right_logical3A_502 = vector.broadcast %shift_right_logical3A_501 : i32 to vector<16xi32>
          %shift_right_logical3A_503 = arith.shrui %get3A_497, %shift_right_logical3A_502 : vector<16xi32>
          %swap3A_504 = arith.constant 48 : index
          %swap3A_505 = tpu.vector_load %arg15[%swap3A_504] {strides = array<i32>} : memref<80xi32, #tpu.memory_space<vmem>>, vector<16xi32>,
          tpu.vector_store %arg15[%swap3A_504], %shift_right_logical3A_503 {strides = array<i32>} : memref<80xi32, #tpu.memory_space<vmem>>, vector<16xi32>,
          %get3A_506 = arith.index_cast %add3A_459 : i32 to index
          %get3A_507 = arith.constant 64 : index
          %get3A_508 = tpu.vector_load %arg8[%get3A_506, %get3A_507] {strides = array<i32>} : memref<64x80xi32, #tpu.memory_space<vmem>>, vector<16xi32>,
          %and3A_509 = arith.andi %get3A_508, %broadcast_in_dim3A_461 : vector<16xi32>
          %swap3A_510 = arith.constant 64 : index
          %swap3A_511 = tpu.vector_load %arg11[%swap3A_510] {strides = array<i32>} : memref<80xi32, #tpu.memory_space<vmem>>, vector<16xi32>,
          tpu.vector_store %arg11[%swap3A_510], %and3A_509 {strides = array<i32>} : memref<80xi32, #tpu.memory_space<vmem>>, vector<16xi32>,
          %shift_right_logical3A_512 = arith.constant 16 : i32
          %shift_right_logical3A_513 = vector.broadcast %shift_right_logical3A_512 : i32 to vector<16xi32>
          %shift_right_logical3A_514 = arith.shrui %get3A_508, %shift_right_logical3A_513 : vector<16xi32>
          %swap3A_515 = arith.constant 64 : index
          %swap3A_516 = tpu.vector_load %arg15[%swap3A_515] {strides = array<i32>} : memref<80xi32, #tpu.memory_space<vmem>>, vector<16xi32>,
          tpu.vector_store %arg15[%swap3A_515], %shift_right_logical3A_514 {strides = array<i32>} : memref<80xi32, #tpu.memory_space<vmem>>, vector<16xi32>,
          %dma_start3A_517 = arith.constant 0 : i32
          %dma_start3A_518 = arith.constant 0 : i32
          %dma_start3A_519 = tpu.memref_slice %arg2[%dma_start3A_517, %dma_start3A_518] : memref<10000x64xi32, #tpu.memory_space<hbm>> -> memref<10000x64xi32, #tpu.memory_space<hbm>>
          tpu.enqueue_indirect_dma source(%dma_start3A_519 : memref<10000x64xi32, #tpu.memory_space<hbm>>) target(%arg29 : memref<80x64xi32, #tpu.memory_space<vmem>>) offsets(%arg11 : memref<80xi32, #tpu.memory_space<vmem>>) semaphore(%arg35 : memref<!tpu.dma_semaphore, #tpu.memory_space<semaphore_mem>>)
          %dma_start3A_520 = arith.constant 0 : i32
          %dma_start3A_521 = tpu.memref_slice %arg3[%dma_start3A_520] : memref<10000xf32, #tpu.memory_space<hbm>> -> memref<10000xf32, #tpu.memory_space<hbm>>
          tpu.enqueue_indirect_dma source(%dma_start3A_521 : memref<10000xf32, #tpu.memory_space<hbm>>) target(%arg23 : memref<80xf32, #tpu.memory_space<vmem>>) offsets(%arg11 : memref<80xi32, #tpu.memory_space<vmem>>) semaphore(%arg35 : memref<!tpu.dma_semaphore, #tpu.memory_space<semaphore_mem>>)
          %dma_start3A_522 = arith.constant 0 : i32
          %dma_start3A_523 = tpu.memref_slice %arg4[%dma_start3A_522] : memref<10000xf32, #tpu.memory_space<hbm>> -> memref<10000xf32, #tpu.memory_space<hbm>>
          tpu.enqueue_indirect_dma source(%dma_start3A_523 : memref<10000xf32, #tpu.memory_space<hbm>>) target(%arg27 : memref<80xf32, #tpu.memory_space<vmem>>) offsets(%arg15 : memref<80xi32, #tpu.memory_space<vmem>>) semaphore(%arg35 : memref<!tpu.dma_semaphore, #tpu.memory_space<semaphore_mem>>)
        } else {
        }
      } else {
      }
      %mul3A_345 = arith.constant 4 : i32
      %mul3A_346 = arith.muli %mul3A_345, %scan3A_337 : i32
      %add3A_347 = arith.constant 1 : i32
      %add3A_348 = arith.addi %mul3A_346, %add3A_347 : i32
      %lt3A_349 = arith.constant 64 : i32
      %lt3A_350 = arith.cmpi slt, %add3A_348, %lt3A_349 : i32
      %convert_element_type3A_351 = arith.extui %lt3A_350 : i1 to i32
      %cond3A_352 = arith.constant 0 : i32
      %cond3A_353 = arith.cmpi ne, %convert_element_type3A_351, %cond3A_352 : i32
      scf.if %cond3A_353 {
        %dma_wait3A_373 = arith.constant 0 : i32
        %dma_wait3A_374 = arith.constant 0 : i32
        %dma_wait3A_375 = tpu.memref_slice %arg2[%dma_wait3A_373, %dma_wait3A_374] : memref<10000x64xi32, #tpu.memory_space<hbm>> -> memref<10000x64xi32, #tpu.memory_space<hbm>>
        tpu.wait_indirect_dma semaphore(%arg36 : memref<!tpu.dma_semaphore, #tpu.memory_space<semaphore_mem>>) src(%dma_wait3A_375 : memref<10000x64xi32, #tpu.memory_space<hbm>>) dst(%arg30 : memref<80x64xi32, #tpu.memory_space<vmem>>)
        %dma_wait3A_376 = arith.constant 0 : i32
        %dma_wait3A_377 = tpu.memref_slice %arg3[%dma_wait3A_376] : memref<10000xf32, #tpu.memory_space<hbm>> -> memref<10000xf32, #tpu.memory_space<hbm>>
        tpu.wait_indirect_dma semaphore(%arg36 : memref<!tpu.dma_semaphore, #tpu.memory_space<semaphore_mem>>) src(%dma_wait3A_377 : memref<10000xf32, #tpu.memory_space<hbm>>) dst(%arg22 : memref<80xf32, #tpu.memory_space<vmem>>)
        %dma_wait3A_378 = arith.constant 0 : i32
        %dma_wait3A_379 = tpu.memref_slice %arg4[%dma_wait3A_378] : memref<10000xf32, #tpu.memory_space<hbm>> -> memref<10000xf32, #tpu.memory_space<hbm>>
        tpu.wait_indirect_dma semaphore(%arg36 : memref<!tpu.dma_semaphore, #tpu.memory_space<semaphore_mem>>) src(%dma_wait3A_379 : memref<10000xf32, #tpu.memory_space<hbm>>) dst(%arg26 : memref<80xf32, #tpu.memory_space<vmem>>)
        %ge3A = arith.constant 2 : i32
        %ge3A_380 = arith.cmpi sge, %add3A_348, %ge3A : i32
        %convert_element_type3A_381 = arith.extui %ge3A_380 : i1 to i32
        %cond3A_382 = arith.constant 0 : i32
        %cond3A_383 = arith.cmpi ne, %convert_element_type3A_381, %cond3A_382 : i32
        scf.if %cond3A_383 {
          %dma_wait3A_458 = arith.constant 0 : i32
          %dma_wait3A_459 = arith.constant 0 : i32
          %dma_wait3A_460 = tpu.memref_slice %arg33[%dma_wait3A_458, %dma_wait3A_459] : memref<10000x128xf32, #tpu.memory_space<vmem_shared>> -> memref<10000x128xf32, #tpu.memory_space<vmem_shared>>
          tpu.wait_indirect_dma semaphore(%arg38 : memref<!tpu.dma_semaphore, #tpu.memory_space<semaphore_mem>>) src(%arg32 : memref<80x128xf32, #tpu.memory_space<vmem>>) dst(%dma_wait3A_460 : memref<10000x128xf32, #tpu.memory_space<vmem_shared>>)
          %dma_wait3A_461 = arith.constant 0 : i32
          %dma_wait3A_462 = tpu.memref_slice %arg20[%dma_wait3A_461] : memref<96xf32, #tpu.memory_space<vmem>> -> memref<80xf32, #tpu.memory_space<vmem>>
          %dma_wait3A_463 = arith.constant 0 : i32
          %dma_wait3A_464 = tpu.memref_slice %arg34[%dma_wait3A_463] : memref<10000xf32, #tpu.memory_space<vmem_shared>> -> memref<10000xf32, #tpu.memory_space<vmem_shared>>
          tpu.wait_indirect_dma semaphore(%arg38 : memref<!tpu.dma_semaphore, #tpu.memory_space<semaphore_mem>>) src(%dma_wait3A_462 : memref<80xf32, #tpu.memory_space<vmem>>) dst(%dma_wait3A_464 : memref<10000xf32, #tpu.memory_space<vmem_shared>>)
        } else {
        }
        %get3A_384 = arith.constant 0 : index
        %get3A_385 = tpu.vector_load %arg22[%get3A_384] {strides = array<i32>} : memref<80xf32, #tpu.memory_space<vmem>>, vector<16xf32>,
        %get3A_386 = arith.constant 0 : index
        %get3A_387 = tpu.vector_load %arg26[%get3A_386] {strides = array<i32>} : memref<80xf32, #tpu.memory_space<vmem>>, vector<16xf32>,
        %add3A_388 = arith.addf %get3A_385, %get3A_387 : vector<16xf32>
        %mul3A_389 = arith.constant 0.00999999977 : f32
        %mul3A_390 = vector.broadcast %mul3A_389 : f32 to vector<16xf32>
        %mul3A_391 = arith.mulf %add3A_388, %mul3A_390 : vector<16xf32>
        %max3A = arith.maximumf %add3A_388, %mul3A_391 : vector<16xf32>
        %exp3A = math.exp %max3A : vector<16xf32>
        %swap3A_392 = arith.constant 0 : index
        %swap3A_393 = tpu.vector_load %arg18[%swap3A_392] {strides = array<i32>} : memref<96xf32, #tpu.memory_space<vmem>>, vector<16xf32>,
        tpu.vector_store %arg18[%swap3A_392], %exp3A {strides = array<i32>} : memref<96xf32, #tpu.memory_space<vmem>>, vector<16xf32>,
        %get3A_394 = arith.constant 16 : index
        %get3A_395 = tpu.vector_load %arg22[%get3A_394] {strides = array<i32>} : memref<80xf32, #tpu.memory_space<vmem>>, vector<16xf32>,
        %get3A_396 = arith.constant 16 : index
        %get3A_397 = tpu.vector_load %arg26[%get3A_396] {strides = array<i32>} : memref<80xf32, #tpu.memory_space<vmem>>, vector<16xf32>,
        %add3A_398 = arith.addf %get3A_395, %get3A_397 : vector<16xf32>
        %mul3A_399 = arith.constant 0.00999999977 : f32
        %mul3A_400 = vector.broadcast %mul3A_399 : f32 to vector<16xf32>
        %mul3A_401 = arith.mulf %add3A_398, %mul3A_400 : vector<16xf32>
        %max3A_402 = arith.maximumf %add3A_398, %mul3A_401 : vector<16xf32>
        %exp3A_403 = math.exp %max3A_402 : vector<16xf32>
        %swap3A_404 = arith.constant 16 : index
        %swap3A_405 = tpu.vector_load %arg18[%swap3A_404] {strides = array<i32>} : memref<96xf32, #tpu.memory_space<vmem>>, vector<16xf32>,
        tpu.vector_store %arg18[%swap3A_404], %exp3A_403 {strides = array<i32>} : memref<96xf32, #tpu.memory_space<vmem>>, vector<16xf32>,
        %get3A_406 = arith.constant 32 : index
        %get3A_407 = tpu.vector_load %arg22[%get3A_406] {strides = array<i32>} : memref<80xf32, #tpu.memory_space<vmem>>, vector<16xf32>,
        %get3A_408 = arith.constant 32 : index
        %get3A_409 = tpu.vector_load %arg26[%get3A_408] {strides = array<i32>} : memref<80xf32, #tpu.memory_space<vmem>>, vector<16xf32>,
        %add3A_410 = arith.addf %get3A_407, %get3A_409 : vector<16xf32>
        %mul3A_411 = arith.constant 0.00999999977 : f32
        %mul3A_412 = vector.broadcast %mul3A_411 : f32 to vector<16xf32>
        %mul3A_413 = arith.mulf %add3A_410, %mul3A_412 : vector<16xf32>
        %max3A_414 = arith.maximumf %add3A_410, %mul3A_413 : vector<16xf32>
        %exp3A_415 = math.exp %max3A_414 : vector<16xf32>
        %swap3A_416 = arith.constant 32 : index
        %swap3A_417 = tpu.vector_load %arg18[%swap3A_416] {strides = array<i32>} : memref<96xf32, #tpu.memory_space<vmem>>, vector<16xf32>,
        tpu.vector_store %arg18[%swap3A_416], %exp3A_415 {strides = array<i32>} : memref<96xf32, #tpu.memory_space<vmem>>, vector<16xf32>,
        %get3A_418 = arith.constant 48 : index
        %get3A_419 = tpu.vector_load %arg22[%get3A_418] {strides = array<i32>} : memref<80xf32, #tpu.memory_space<vmem>>, vector<16xf32>,
        %get3A_420 = arith.constant 48 : index
        %get3A_421 = tpu.vector_load %arg26[%get3A_420] {strides = array<i32>} : memref<80xf32, #tpu.memory_space<vmem>>, vector<16xf32>,
        %add3A_422 = arith.addf %get3A_419, %get3A_421 : vector<16xf32>
        %mul3A_423 = arith.constant 0.00999999977 : f32
        %mul3A_424 = vector.broadcast %mul3A_423 : f32 to vector<16xf32>
        %mul3A_425 = arith.mulf %add3A_422, %mul3A_424 : vector<16xf32>
        %max3A_426 = arith.maximumf %add3A_422, %mul3A_425 : vector<16xf32>
        %exp3A_427 = math.exp %max3A_426 : vector<16xf32>
        %swap3A_428 = arith.constant 48 : index
        %swap3A_429 = tpu.vector_load %arg18[%swap3A_428] {strides = array<i32>} : memref<96xf32, #tpu.memory_space<vmem>>, vector<16xf32>,
        tpu.vector_store %arg18[%swap3A_428], %exp3A_427 {strides = array<i32>} : memref<96xf32, #tpu.memory_space<vmem>>, vector<16xf32>,
        %get3A_430 = arith.constant 64 : index
        %get3A_431 = tpu.vector_load %arg22[%get3A_430] {strides = array<i32>} : memref<80xf32, #tpu.memory_space<vmem>>, vector<16xf32>,
        %get3A_432 = arith.constant 64 : index
        %get3A_433 = tpu.vector_load %arg26[%get3A_432] {strides = array<i32>} : memref<80xf32, #tpu.memory_space<vmem>>, vector<16xf32>,
        %add3A_434 = arith.addf %get3A_431, %get3A_433 : vector<16xf32>
        %mul3A_435 = arith.constant 0.00999999977 : f32
        %mul3A_436 = vector.broadcast %mul3A_435 : f32 to vector<16xf32>
        %mul3A_437 = arith.mulf %add3A_434, %mul3A_436 : vector<16xf32>
        %max3A_438 = arith.maximumf %add3A_434, %mul3A_437 : vector<16xf32>
        %exp3A_439 = math.exp %max3A_438 : vector<16xf32>
        %swap3A_440 = arith.constant 64 : index
        %swap3A_441 = tpu.vector_load %arg18[%swap3A_440] {strides = array<i32>} : memref<96xf32, #tpu.memory_space<vmem>>, vector<16xf32>,
        tpu.vector_store %arg18[%swap3A_440], %exp3A_439 {strides = array<i32>} : memref<96xf32, #tpu.memory_space<vmem>>, vector<16xf32>,
        %parallel_loop3A = arith.constant 0 : i32
        %parallel_loop3A_442 = arith.constant 80 : i32
        %parallel_loop3A_443 = arith.constant 1 : i32
        scf.for %parallel_loop3A_458 = %parallel_loop3A to %parallel_loop3A_442 step %parallel_loop3A_443  : i32 {
          %parallel_loop3A_459 = arith.index_cast %parallel_loop3A_458 : i32 to index
          %parallel_loop3A_460 = tpu.vector_load %arg18[%parallel_loop3A_459] {strides = array<i32>} : memref<96xf32, #tpu.memory_space<vmem>>, vector<16xf32>,
          %parallel_loop3A_461 = vector.extract_strided_slice %parallel_loop3A_460 {offsets = [0], sizes = [1], strides = [1]} : vector<16xf32> to vector<1xf32>
          %parallel_loop3A_462 = vector.extract %parallel_loop3A_461[0] : f32 from vector<1xf32>
          %parallel_loop3A_463 = arith.index_cast %parallel_loop3A_458 : i32 to index
          %parallel_loop3A_464 = arith.constant 0 : index
          %parallel_loop3A_465 = tpu.vector_load %arg30[%parallel_loop3A_463, %parallel_loop3A_464] {strides = array<i32>} : memref<80x64xi32, #tpu.memory_space<vmem>>, vector<16xi32>,
          %parallel_loop3A_466 = arith.constant 16 : i32
          %parallel_loop3A_467 = vector.broadcast %parallel_loop3A_466 : i32 to vector<16xi32>
          %parallel_loop3A_468 = arith.shli %parallel_loop3A_465, %parallel_loop3A_467 : vector<16xi32>
          %parallel_loop3A_469 = vector.bitcast %parallel_loop3A_468 : vector<16xi32> to vector<16xf32>
          %parallel_loop3A_470 = arith.andi %parallel_loop3A_465, %broadcast_in_dim3A_16 : vector<16xi32>
          %parallel_loop3A_471 = vector.bitcast %parallel_loop3A_470 : vector<16xi32> to vector<16xf32>
          %parallel_loop3A_472 = vector.broadcast %parallel_loop3A_462 : f32 to vector<16xf32>
          %parallel_loop3A_473 = arith.mulf %parallel_loop3A_469, %parallel_loop3A_472 : vector<16xf32>
          %parallel_loop3A_474 = arith.index_cast %parallel_loop3A_458 : i32 to index
          %parallel_loop3A_475 = arith.constant 0 : index
          %parallel_loop3A_476 = tpu.vector_load %arg32[%parallel_loop3A_474, %parallel_loop3A_475] {strides = array<i32>} : memref<80x128xf32, #tpu.memory_space<vmem>>, vector<16xf32>,
          tpu.vector_store %arg32[%parallel_loop3A_474, %parallel_loop3A_475], %parallel_loop3A_473 {strides = array<i32>} : memref<80x128xf32, #tpu.memory_space<vmem>>, vector<16xf32>,
          %parallel_loop3A_477 = vector.broadcast %parallel_loop3A_462 : f32 to vector<16xf32>
          %parallel_loop3A_478 = arith.mulf %parallel_loop3A_471, %parallel_loop3A_477 : vector<16xf32>
          %parallel_loop3A_479 = arith.index_cast %parallel_loop3A_458 : i32 to index
          %parallel_loop3A_480 = arith.constant 16 : index
          %parallel_loop3A_481 = tpu.vector_load %arg32[%parallel_loop3A_479, %parallel_loop3A_480] {strides = array<i32>} : memref<80x128xf32, #tpu.memory_space<vmem>>, vector<16xf32>,
          tpu.vector_store %arg32[%parallel_loop3A_479, %parallel_loop3A_480], %parallel_loop3A_478 {strides = array<i32>} : memref<80x128xf32, #tpu.memory_space<vmem>>, vector<16xf32>,
          %parallel_loop3A_482 = arith.index_cast %parallel_loop3A_458 : i32 to index
          %parallel_loop3A_483 = arith.constant 16 : index
          %parallel_loop3A_484 = tpu.vector_load %arg30[%parallel_loop3A_482, %parallel_loop3A_483] {strides = array<i32>} : memref<80x64xi32, #tpu.memory_space<vmem>>, vector<16xi32>,
          %parallel_loop3A_485 = arith.constant 16 : i32
          %parallel_loop3A_486 = vector.broadcast %parallel_loop3A_485 : i32 to vector<16xi32>
          %parallel_loop3A_487 = arith.shli %parallel_loop3A_484, %parallel_loop3A_486 : vector<16xi32>
          %parallel_loop3A_488 = vector.bitcast %parallel_loop3A_487 : vector<16xi32> to vector<16xf32>
          %parallel_loop3A_489 = arith.andi %parallel_loop3A_484, %broadcast_in_dim3A_16 : vector<16xi32>
          %parallel_loop3A_490 = vector.bitcast %parallel_loop3A_489 : vector<16xi32> to vector<16xf32>
          %parallel_loop3A_491 = vector.broadcast %parallel_loop3A_462 : f32 to vector<16xf32>
          %parallel_loop3A_492 = arith.mulf %parallel_loop3A_488, %parallel_loop3A_491 : vector<16xf32>
          %parallel_loop3A_493 = arith.index_cast %parallel_loop3A_458 : i32 to index
          %parallel_loop3A_494 = arith.constant 32 : index
          %parallel_loop3A_495 = tpu.vector_load %arg32[%parallel_loop3A_493, %parallel_loop3A_494] {strides = array<i32>} : memref<80x128xf32, #tpu.memory_space<vmem>>, vector<16xf32>,
          tpu.vector_store %arg32[%parallel_loop3A_493, %parallel_loop3A_494], %parallel_loop3A_492 {strides = array<i32>} : memref<80x128xf32, #tpu.memory_space<vmem>>, vector<16xf32>,
          %parallel_loop3A_496 = vector.broadcast %parallel_loop3A_462 : f32 to vector<16xf32>
          %parallel_loop3A_497 = arith.mulf %parallel_loop3A_490, %parallel_loop3A_496 : vector<16xf32>
          %parallel_loop3A_498 = arith.index_cast %parallel_loop3A_458 : i32 to index
          %parallel_loop3A_499 = arith.constant 48 : index
          %parallel_loop3A_500 = tpu.vector_load %arg32[%parallel_loop3A_498, %parallel_loop3A_499] {strides = array<i32>} : memref<80x128xf32, #tpu.memory_space<vmem>>, vector<16xf32>,
          tpu.vector_store %arg32[%parallel_loop3A_498, %parallel_loop3A_499], %parallel_loop3A_497 {strides = array<i32>} : memref<80x128xf32, #tpu.memory_space<vmem>>, vector<16xf32>,
          %parallel_loop3A_501 = arith.index_cast %parallel_loop3A_458 : i32 to index
          %parallel_loop3A_502 = arith.constant 32 : index
          %parallel_loop3A_503 = tpu.vector_load %arg30[%parallel_loop3A_501, %parallel_loop3A_502] {strides = array<i32>} : memref<80x64xi32, #tpu.memory_space<vmem>>, vector<16xi32>,
          %parallel_loop3A_504 = arith.constant 16 : i32
          %parallel_loop3A_505 = vector.broadcast %parallel_loop3A_504 : i32 to vector<16xi32>
          %parallel_loop3A_506 = arith.shli %parallel_loop3A_503, %parallel_loop3A_505 : vector<16xi32>
          %parallel_loop3A_507 = vector.bitcast %parallel_loop3A_506 : vector<16xi32> to vector<16xf32>
          %parallel_loop3A_508 = arith.andi %parallel_loop3A_503, %broadcast_in_dim3A_16 : vector<16xi32>
          %parallel_loop3A_509 = vector.bitcast %parallel_loop3A_508 : vector<16xi32> to vector<16xf32>
          %parallel_loop3A_510 = vector.broadcast %parallel_loop3A_462 : f32 to vector<16xf32>
          %parallel_loop3A_511 = arith.mulf %parallel_loop3A_507, %parallel_loop3A_510 : vector<16xf32>
          %parallel_loop3A_512 = arith.index_cast %parallel_loop3A_458 : i32 to index
          %parallel_loop3A_513 = arith.constant 64 : index
          %parallel_loop3A_514 = tpu.vector_load %arg32[%parallel_loop3A_512, %parallel_loop3A_513] {strides = array<i32>} : memref<80x128xf32, #tpu.memory_space<vmem>>, vector<16xf32>,
          tpu.vector_store %arg32[%parallel_loop3A_512, %parallel_loop3A_513], %parallel_loop3A_511 {strides = array<i32>} : memref<80x128xf32, #tpu.memory_space<vmem>>, vector<16xf32>,
          %parallel_loop3A_515 = vector.broadcast %parallel_loop3A_462 : f32 to vector<16xf32>
          %parallel_loop3A_516 = arith.mulf %parallel_loop3A_509, %parallel_loop3A_515 : vector<16xf32>
          %parallel_loop3A_517 = arith.index_cast %parallel_loop3A_458 : i32 to index
          %parallel_loop3A_518 = arith.constant 80 : index
          %parallel_loop3A_519 = tpu.vector_load %arg32[%parallel_loop3A_517, %parallel_loop3A_518] {strides = array<i32>} : memref<80x128xf32, #tpu.memory_space<vmem>>, vector<16xf32>,
          tpu.vector_store %arg32[%parallel_loop3A_517, %parallel_loop3A_518], %parallel_loop3A_516 {strides = array<i32>} : memref<80x128xf32, #tpu.memory_space<vmem>>, vector<16xf32>,
          %parallel_loop3A_520 = arith.index_cast %parallel_loop3A_458 : i32 to index
          %parallel_loop3A_521 = arith.constant 48 : index
          %parallel_loop3A_522 = tpu.vector_load %arg30[%parallel_loop3A_520, %parallel_loop3A_521] {strides = array<i32>} : memref<80x64xi32, #tpu.memory_space<vmem>>, vector<16xi32>,
          %parallel_loop3A_523 = arith.constant 16 : i32
          %parallel_loop3A_524 = vector.broadcast %parallel_loop3A_523 : i32 to vector<16xi32>
          %parallel_loop3A_525 = arith.shli %parallel_loop3A_522, %parallel_loop3A_524 : vector<16xi32>
          %parallel_loop3A_526 = vector.bitcast %parallel_loop3A_525 : vector<16xi32> to vector<16xf32>
          %parallel_loop3A_527 = arith.andi %parallel_loop3A_522, %broadcast_in_dim3A_16 : vector<16xi32>
          %parallel_loop3A_528 = vector.bitcast %parallel_loop3A_527 : vector<16xi32> to vector<16xf32>
          %parallel_loop3A_529 = vector.broadcast %parallel_loop3A_462 : f32 to vector<16xf32>
          %parallel_loop3A_530 = arith.mulf %parallel_loop3A_526, %parallel_loop3A_529 : vector<16xf32>
          %parallel_loop3A_531 = arith.index_cast %parallel_loop3A_458 : i32 to index
          %parallel_loop3A_532 = arith.constant 96 : index
          %parallel_loop3A_533 = tpu.vector_load %arg32[%parallel_loop3A_531, %parallel_loop3A_532] {strides = array<i32>} : memref<80x128xf32, #tpu.memory_space<vmem>>, vector<16xf32>,
          tpu.vector_store %arg32[%parallel_loop3A_531, %parallel_loop3A_532], %parallel_loop3A_530 {strides = array<i32>} : memref<80x128xf32, #tpu.memory_space<vmem>>, vector<16xf32>,
          %parallel_loop3A_534 = vector.broadcast %parallel_loop3A_462 : f32 to vector<16xf32>
          %parallel_loop3A_535 = arith.mulf %parallel_loop3A_528, %parallel_loop3A_534 : vector<16xf32>
          %parallel_loop3A_536 = arith.index_cast %parallel_loop3A_458 : i32 to index
          %parallel_loop3A_537 = arith.constant 112 : index
          %parallel_loop3A_538 = tpu.vector_load %arg32[%parallel_loop3A_536, %parallel_loop3A_537] {strides = array<i32>} : memref<80x128xf32, #tpu.memory_space<vmem>>, vector<16xf32>,
          tpu.vector_store %arg32[%parallel_loop3A_536, %parallel_loop3A_537], %parallel_loop3A_535 {strides = array<i32>} : memref<80x128xf32, #tpu.memory_space<vmem>>, vector<16xf32>,
        } {sc.loop_unroll_factor = 4 : i64, sc.parallel_access}
        %dma_start3A_444 = arith.constant 0 : i32
        %dma_start3A_445 = arith.constant 0 : i32
        %dma_start3A_446 = tpu.memref_slice %arg33[%dma_start3A_444, %dma_start3A_445] : memref<10000x128xf32, #tpu.memory_space<vmem_shared>> -> memref<10000x128xf32, #tpu.memory_space<vmem_shared>>
        tpu.enqueue_indirect_dma source(%arg32 : memref<80x128xf32, #tpu.memory_space<vmem>>) target(%dma_start3A_446 : memref<10000x128xf32, #tpu.memory_space<vmem_shared>>) offsets(%arg14 : memref<80xi32, #tpu.memory_space<vmem>>) semaphore(%arg38 : memref<!tpu.dma_semaphore, #tpu.memory_space<semaphore_mem>>) {add = true}
        %dma_start3A_447 = arith.constant 0 : i32
        %dma_start3A_448 = tpu.memref_slice %arg18[%dma_start3A_447] : memref<96xf32, #tpu.memory_space<vmem>> -> memref<80xf32, #tpu.memory_space<vmem>>
        %dma_start3A_449 = arith.constant 0 : i32
        %dma_start3A_450 = tpu.memref_slice %arg34[%dma_start3A_449] : memref<10000xf32, #tpu.memory_space<vmem_shared>> -> memref<10000xf32, #tpu.memory_space<vmem_shared>>
        tpu.enqueue_indirect_dma source(%dma_start3A_448 : memref<80xf32, #tpu.memory_space<vmem>>) target(%dma_start3A_450 : memref<10000xf32, #tpu.memory_space<vmem_shared>>) offsets(%arg14 : memref<80xi32, #tpu.memory_space<vmem>>) semaphore(%arg38 : memref<!tpu.dma_semaphore, #tpu.memory_space<semaphore_mem>>) {add = true}
        %add3A_451 = arith.constant 2 : i32
        %add3A_452 = arith.addi %add3A_348, %add3A_451 : i32
        %lt3A_453 = arith.constant 64 : i32
        %lt3A_454 = arith.cmpi slt, %add3A_452, %lt3A_453 : i32
        %convert_element_type3A_455 = arith.extui %lt3A_454 : i1 to i32
        %cond3A_456 = arith.constant 0 : i32
        %cond3A_457 = arith.cmpi ne, %convert_element_type3A_455, %cond3A_456 : i32
        scf.if %cond3A_457 {
          %add3A_458 = arith.constant 2 : i32
          %add3A_459 = arith.addi %add3A_348, %add3A_458 : i32
          %broadcast_in_dim3A_460 = arith.constant 65535 : i32
          %broadcast_in_dim3A_461 = vector.broadcast %broadcast_in_dim3A_460 : i32 to vector<16xi32>
          %get3A_462 = arith.index_cast %add3A_459 : i32 to index
          %get3A_463 = arith.constant 0 : index
          %get3A_464 = tpu.vector_load %arg8[%get3A_462, %get3A_463] {strides = array<i32>} : memref<64x80xi32, #tpu.memory_space<vmem>>, vector<16xi32>,
          %and3A_465 = arith.andi %get3A_464, %broadcast_in_dim3A_461 : vector<16xi32>
          %swap3A_466 = arith.constant 0 : index
          %swap3A_467 = tpu.vector_load %arg12[%swap3A_466] {strides = array<i32>} : memref<80xi32, #tpu.memory_space<vmem>>, vector<16xi32>,
          tpu.vector_store %arg12[%swap3A_466], %and3A_465 {strides = array<i32>} : memref<80xi32, #tpu.memory_space<vmem>>, vector<16xi32>,
          %shift_right_logical3A_468 = arith.constant 16 : i32
          %shift_right_logical3A_469 = vector.broadcast %shift_right_logical3A_468 : i32 to vector<16xi32>
          %shift_right_logical3A_470 = arith.shrui %get3A_464, %shift_right_logical3A_469 : vector<16xi32>
          %swap3A_471 = arith.constant 0 : index
          %swap3A_472 = tpu.vector_load %arg16[%swap3A_471] {strides = array<i32>} : memref<80xi32, #tpu.memory_space<vmem>>, vector<16xi32>,
          tpu.vector_store %arg16[%swap3A_471], %shift_right_logical3A_470 {strides = array<i32>} : memref<80xi32, #tpu.memory_space<vmem>>, vector<16xi32>,
          %get3A_473 = arith.index_cast %add3A_459 : i32 to index
          %get3A_474 = arith.constant 16 : index
          %get3A_475 = tpu.vector_load %arg8[%get3A_473, %get3A_474] {strides = array<i32>} : memref<64x80xi32, #tpu.memory_space<vmem>>, vector<16xi32>,
          %and3A_476 = arith.andi %get3A_475, %broadcast_in_dim3A_461 : vector<16xi32>
          %swap3A_477 = arith.constant 16 : index
          %swap3A_478 = tpu.vector_load %arg12[%swap3A_477] {strides = array<i32>} : memref<80xi32, #tpu.memory_space<vmem>>, vector<16xi32>,
          tpu.vector_store %arg12[%swap3A_477], %and3A_476 {strides = array<i32>} : memref<80xi32, #tpu.memory_space<vmem>>, vector<16xi32>,
          %shift_right_logical3A_479 = arith.constant 16 : i32
          %shift_right_logical3A_480 = vector.broadcast %shift_right_logical3A_479 : i32 to vector<16xi32>
          %shift_right_logical3A_481 = arith.shrui %get3A_475, %shift_right_logical3A_480 : vector<16xi32>
          %swap3A_482 = arith.constant 16 : index
          %swap3A_483 = tpu.vector_load %arg16[%swap3A_482] {strides = array<i32>} : memref<80xi32, #tpu.memory_space<vmem>>, vector<16xi32>,
          tpu.vector_store %arg16[%swap3A_482], %shift_right_logical3A_481 {strides = array<i32>} : memref<80xi32, #tpu.memory_space<vmem>>, vector<16xi32>,
          %get3A_484 = arith.index_cast %add3A_459 : i32 to index
          %get3A_485 = arith.constant 32 : index
          %get3A_486 = tpu.vector_load %arg8[%get3A_484, %get3A_485] {strides = array<i32>} : memref<64x80xi32, #tpu.memory_space<vmem>>, vector<16xi32>,
          %and3A_487 = arith.andi %get3A_486, %broadcast_in_dim3A_461 : vector<16xi32>
          %swap3A_488 = arith.constant 32 : index
          %swap3A_489 = tpu.vector_load %arg12[%swap3A_488] {strides = array<i32>} : memref<80xi32, #tpu.memory_space<vmem>>, vector<16xi32>,
          tpu.vector_store %arg12[%swap3A_488], %and3A_487 {strides = array<i32>} : memref<80xi32, #tpu.memory_space<vmem>>, vector<16xi32>,
          %shift_right_logical3A_490 = arith.constant 16 : i32
          %shift_right_logical3A_491 = vector.broadcast %shift_right_logical3A_490 : i32 to vector<16xi32>
          %shift_right_logical3A_492 = arith.shrui %get3A_486, %shift_right_logical3A_491 : vector<16xi32>
          %swap3A_493 = arith.constant 32 : index
          %swap3A_494 = tpu.vector_load %arg16[%swap3A_493] {strides = array<i32>} : memref<80xi32, #tpu.memory_space<vmem>>, vector<16xi32>,
          tpu.vector_store %arg16[%swap3A_493], %shift_right_logical3A_492 {strides = array<i32>} : memref<80xi32, #tpu.memory_space<vmem>>, vector<16xi32>,
          %get3A_495 = arith.index_cast %add3A_459 : i32 to index
          %get3A_496 = arith.constant 48 : index
          %get3A_497 = tpu.vector_load %arg8[%get3A_495, %get3A_496] {strides = array<i32>} : memref<64x80xi32, #tpu.memory_space<vmem>>, vector<16xi32>,
          %and3A_498 = arith.andi %get3A_497, %broadcast_in_dim3A_461 : vector<16xi32>
          %swap3A_499 = arith.constant 48 : index
          %swap3A_500 = tpu.vector_load %arg12[%swap3A_499] {strides = array<i32>} : memref<80xi32, #tpu.memory_space<vmem>>, vector<16xi32>,
          tpu.vector_store %arg12[%swap3A_499], %and3A_498 {strides = array<i32>} : memref<80xi32, #tpu.memory_space<vmem>>, vector<16xi32>,
          %shift_right_logical3A_501 = arith.constant 16 : i32
          %shift_right_logical3A_502 = vector.broadcast %shift_right_logical3A_501 : i32 to vector<16xi32>
          %shift_right_logical3A_503 = arith.shrui %get3A_497, %shift_right_logical3A_502 : vector<16xi32>
          %swap3A_504 = arith.constant 48 : index
          %swap3A_505 = tpu.vector_load %arg16[%swap3A_504] {strides = array<i32>} : memref<80xi32, #tpu.memory_space<vmem>>, vector<16xi32>,
          tpu.vector_store %arg16[%swap3A_504], %shift_right_logical3A_503 {strides = array<i32>} : memref<80xi32, #tpu.memory_space<vmem>>, vector<16xi32>,
          %get3A_506 = arith.index_cast %add3A_459 : i32 to index
          %get3A_507 = arith.constant 64 : index
          %get3A_508 = tpu.vector_load %arg8[%get3A_506, %get3A_507] {strides = array<i32>} : memref<64x80xi32, #tpu.memory_space<vmem>>, vector<16xi32>,
          %and3A_509 = arith.andi %get3A_508, %broadcast_in_dim3A_461 : vector<16xi32>
          %swap3A_510 = arith.constant 64 : index
          %swap3A_511 = tpu.vector_load %arg12[%swap3A_510] {strides = array<i32>} : memref<80xi32, #tpu.memory_space<vmem>>, vector<16xi32>,
          tpu.vector_store %arg12[%swap3A_510], %and3A_509 {strides = array<i32>} : memref<80xi32, #tpu.memory_space<vmem>>, vector<16xi32>,
          %shift_right_logical3A_512 = arith.constant 16 : i32
          %shift_right_logical3A_513 = vector.broadcast %shift_right_logical3A_512 : i32 to vector<16xi32>
          %shift_right_logical3A_514 = arith.shrui %get3A_508, %shift_right_logical3A_513 : vector<16xi32>
          %swap3A_515 = arith.constant 64 : index
          %swap3A_516 = tpu.vector_load %arg16[%swap3A_515] {strides = array<i32>} : memref<80xi32, #tpu.memory_space<vmem>>, vector<16xi32>,
          tpu.vector_store %arg16[%swap3A_515], %shift_right_logical3A_514 {strides = array<i32>} : memref<80xi32, #tpu.memory_space<vmem>>, vector<16xi32>,
          %dma_start3A_517 = arith.constant 0 : i32
          %dma_start3A_518 = arith.constant 0 : i32
          %dma_start3A_519 = tpu.memref_slice %arg2[%dma_start3A_517, %dma_start3A_518] : memref<10000x64xi32, #tpu.memory_space<hbm>> -> memref<10000x64xi32, #tpu.memory_space<hbm>>
          tpu.enqueue_indirect_dma source(%dma_start3A_519 : memref<10000x64xi32, #tpu.memory_space<hbm>>) target(%arg30 : memref<80x64xi32, #tpu.memory_space<vmem>>) offsets(%arg12 : memref<80xi32, #tpu.memory_space<vmem>>) semaphore(%arg36 : memref<!tpu.dma_semaphore, #tpu.memory_space<semaphore_mem>>)
          %dma_start3A_520 = arith.constant 0 : i32
          %dma_start3A_521 = tpu.memref_slice %arg3[%dma_start3A_520] : memref<10000xf32, #tpu.memory_space<hbm>> -> memref<10000xf32, #tpu.memory_space<hbm>>
          tpu.enqueue_indirect_dma source(%dma_start3A_521 : memref<10000xf32, #tpu.memory_space<hbm>>) target(%arg24 : memref<80xf32, #tpu.memory_space<vmem>>) offsets(%arg12 : memref<80xi32, #tpu.memory_space<vmem>>) semaphore(%arg36 : memref<!tpu.dma_semaphore, #tpu.memory_space<semaphore_mem>>)
          %dma_start3A_522 = arith.constant 0 : i32
          %dma_start3A_523 = tpu.memref_slice %arg4[%dma_start3A_522] : memref<10000xf32, #tpu.memory_space<hbm>> -> memref<10000xf32, #tpu.memory_space<hbm>>
          tpu.enqueue_indirect_dma source(%dma_start3A_523 : memref<10000xf32, #tpu.memory_space<hbm>>) target(%arg28 : memref<80xf32, #tpu.memory_space<vmem>>) offsets(%arg16 : memref<80xi32, #tpu.memory_space<vmem>>) semaphore(%arg36 : memref<!tpu.dma_semaphore, #tpu.memory_space<semaphore_mem>>)
        } else {
        }
      } else {
      }
      %mul3A_354 = arith.constant 4 : i32
      %mul3A_355 = arith.muli %mul3A_354, %scan3A_337 : i32
      %add3A_356 = arith.constant 2 : i32
      %add3A_357 = arith.addi %mul3A_355, %add3A_356 : i32
      %lt3A_358 = arith.constant 64 : i32
      %lt3A_359 = arith.cmpi slt, %add3A_357, %lt3A_358 : i32
      %convert_element_type3A_360 = arith.extui %lt3A_359 : i1 to i32
      %cond3A_361 = arith.constant 0 : i32
      %cond3A_362 = arith.cmpi ne, %convert_element_type3A_360, %cond3A_361 : i32
      scf.if %cond3A_362 {
        %dma_wait3A_373 = arith.constant 0 : i32
        %dma_wait3A_374 = arith.constant 0 : i32
        %dma_wait3A_375 = tpu.memref_slice %arg2[%dma_wait3A_373, %dma_wait3A_374] : memref<10000x64xi32, #tpu.memory_space<hbm>> -> memref<10000x64xi32, #tpu.memory_space<hbm>>
        tpu.wait_indirect_dma semaphore(%arg35 : memref<!tpu.dma_semaphore, #tpu.memory_space<semaphore_mem>>) src(%dma_wait3A_375 : memref<10000x64xi32, #tpu.memory_space<hbm>>) dst(%arg29 : memref<80x64xi32, #tpu.memory_space<vmem>>)
        %dma_wait3A_376 = arith.constant 0 : i32
        %dma_wait3A_377 = tpu.memref_slice %arg3[%dma_wait3A_376] : memref<10000xf32, #tpu.memory_space<hbm>> -> memref<10000xf32, #tpu.memory_space<hbm>>
        tpu.wait_indirect_dma semaphore(%arg35 : memref<!tpu.dma_semaphore, #tpu.memory_space<semaphore_mem>>) src(%dma_wait3A_377 : memref<10000xf32, #tpu.memory_space<hbm>>) dst(%arg23 : memref<80xf32, #tpu.memory_space<vmem>>)
        %dma_wait3A_378 = arith.constant 0 : i32
        %dma_wait3A_379 = tpu.memref_slice %arg4[%dma_wait3A_378] : memref<10000xf32, #tpu.memory_space<hbm>> -> memref<10000xf32, #tpu.memory_space<hbm>>
        tpu.wait_indirect_dma semaphore(%arg35 : memref<!tpu.dma_semaphore, #tpu.memory_space<semaphore_mem>>) src(%dma_wait3A_379 : memref<10000xf32, #tpu.memory_space<hbm>>) dst(%arg27 : memref<80xf32, #tpu.memory_space<vmem>>)
        %ge3A = arith.constant 2 : i32
        %ge3A_380 = arith.cmpi sge, %add3A_357, %ge3A : i32
        %convert_element_type3A_381 = arith.extui %ge3A_380 : i1 to i32
        %cond3A_382 = arith.constant 0 : i32
        %cond3A_383 = arith.cmpi ne, %convert_element_type3A_381, %cond3A_382 : i32
        scf.if %cond3A_383 {
          %dma_wait3A_458 = arith.constant 0 : i32
          %dma_wait3A_459 = arith.constant 0 : i32
          %dma_wait3A_460 = tpu.memref_slice %arg33[%dma_wait3A_458, %dma_wait3A_459] : memref<10000x128xf32, #tpu.memory_space<vmem_shared>> -> memref<10000x128xf32, #tpu.memory_space<vmem_shared>>
          tpu.wait_indirect_dma semaphore(%arg37 : memref<!tpu.dma_semaphore, #tpu.memory_space<semaphore_mem>>) src(%arg31 : memref<80x128xf32, #tpu.memory_space<vmem>>) dst(%dma_wait3A_460 : memref<10000x128xf32, #tpu.memory_space<vmem_shared>>)
          %dma_wait3A_461 = arith.constant 0 : i32
          %dma_wait3A_462 = tpu.memref_slice %arg17[%dma_wait3A_461] : memref<96xf32, #tpu.memory_space<vmem>> -> memref<80xf32, #tpu.memory_space<vmem>>
          %dma_wait3A_463 = arith.constant 0 : i32
          %dma_wait3A_464 = tpu.memref_slice %arg34[%dma_wait3A_463] : memref<10000xf32, #tpu.memory_space<vmem_shared>> -> memref<10000xf32, #tpu.memory_space<vmem_shared>>
          tpu.wait_indirect_dma semaphore(%arg37 : memref<!tpu.dma_semaphore, #tpu.memory_space<semaphore_mem>>) src(%dma_wait3A_462 : memref<80xf32, #tpu.memory_space<vmem>>) dst(%dma_wait3A_464 : memref<10000xf32, #tpu.memory_space<vmem_shared>>)
        } else {
        }
        %get3A_384 = arith.constant 0 : index
        %get3A_385 = tpu.vector_load %arg23[%get3A_384] {strides = array<i32>} : memref<80xf32, #tpu.memory_space<vmem>>, vector<16xf32>,
        %get3A_386 = arith.constant 0 : index
        %get3A_387 = tpu.vector_load %arg27[%get3A_386] {strides = array<i32>} : memref<80xf32, #tpu.memory_space<vmem>>, vector<16xf32>,
        %add3A_388 = arith.addf %get3A_385, %get3A_387 : vector<16xf32>
        %mul3A_389 = arith.constant 0.00999999977 : f32
        %mul3A_390 = vector.broadcast %mul3A_389 : f32 to vector<16xf32>
        %mul3A_391 = arith.mulf %add3A_388, %mul3A_390 : vector<16xf32>
        %max3A = arith.maximumf %add3A_388, %mul3A_391 : vector<16xf32>
        %exp3A = math.exp %max3A : vector<16xf32>
        %swap3A_392 = arith.constant 0 : index
        %swap3A_393 = tpu.vector_load %arg19[%swap3A_392] {strides = array<i32>} : memref<96xf32, #tpu.memory_space<vmem>>, vector<16xf32>,
        tpu.vector_store %arg19[%swap3A_392], %exp3A {strides = array<i32>} : memref<96xf32, #tpu.memory_space<vmem>>, vector<16xf32>,
        %get3A_394 = arith.constant 16 : index
        %get3A_395 = tpu.vector_load %arg23[%get3A_394] {strides = array<i32>} : memref<80xf32, #tpu.memory_space<vmem>>, vector<16xf32>,
        %get3A_396 = arith.constant 16 : index
        %get3A_397 = tpu.vector_load %arg27[%get3A_396] {strides = array<i32>} : memref<80xf32, #tpu.memory_space<vmem>>, vector<16xf32>,
        %add3A_398 = arith.addf %get3A_395, %get3A_397 : vector<16xf32>
        %mul3A_399 = arith.constant 0.00999999977 : f32
        %mul3A_400 = vector.broadcast %mul3A_399 : f32 to vector<16xf32>
        %mul3A_401 = arith.mulf %add3A_398, %mul3A_400 : vector<16xf32>
        %max3A_402 = arith.maximumf %add3A_398, %mul3A_401 : vector<16xf32>
        %exp3A_403 = math.exp %max3A_402 : vector<16xf32>
        %swap3A_404 = arith.constant 16 : index
        %swap3A_405 = tpu.vector_load %arg19[%swap3A_404] {strides = array<i32>} : memref<96xf32, #tpu.memory_space<vmem>>, vector<16xf32>,
        tpu.vector_store %arg19[%swap3A_404], %exp3A_403 {strides = array<i32>} : memref<96xf32, #tpu.memory_space<vmem>>, vector<16xf32>,
        %get3A_406 = arith.constant 32 : index
        %get3A_407 = tpu.vector_load %arg23[%get3A_406] {strides = array<i32>} : memref<80xf32, #tpu.memory_space<vmem>>, vector<16xf32>,
        %get3A_408 = arith.constant 32 : index
        %get3A_409 = tpu.vector_load %arg27[%get3A_408] {strides = array<i32>} : memref<80xf32, #tpu.memory_space<vmem>>, vector<16xf32>,
        %add3A_410 = arith.addf %get3A_407, %get3A_409 : vector<16xf32>
        %mul3A_411 = arith.constant 0.00999999977 : f32
        %mul3A_412 = vector.broadcast %mul3A_411 : f32 to vector<16xf32>
        %mul3A_413 = arith.mulf %add3A_410, %mul3A_412 : vector<16xf32>
        %max3A_414 = arith.maximumf %add3A_410, %mul3A_413 : vector<16xf32>
        %exp3A_415 = math.exp %max3A_414 : vector<16xf32>
        %swap3A_416 = arith.constant 32 : index
        %swap3A_417 = tpu.vector_load %arg19[%swap3A_416] {strides = array<i32>} : memref<96xf32, #tpu.memory_space<vmem>>, vector<16xf32>,
        tpu.vector_store %arg19[%swap3A_416], %exp3A_415 {strides = array<i32>} : memref<96xf32, #tpu.memory_space<vmem>>, vector<16xf32>,
        %get3A_418 = arith.constant 48 : index
        %get3A_419 = tpu.vector_load %arg23[%get3A_418] {strides = array<i32>} : memref<80xf32, #tpu.memory_space<vmem>>, vector<16xf32>,
        %get3A_420 = arith.constant 48 : index
        %get3A_421 = tpu.vector_load %arg27[%get3A_420] {strides = array<i32>} : memref<80xf32, #tpu.memory_space<vmem>>, vector<16xf32>,
        %add3A_422 = arith.addf %get3A_419, %get3A_421 : vector<16xf32>
        %mul3A_423 = arith.constant 0.00999999977 : f32
        %mul3A_424 = vector.broadcast %mul3A_423 : f32 to vector<16xf32>
        %mul3A_425 = arith.mulf %add3A_422, %mul3A_424 : vector<16xf32>
        %max3A_426 = arith.maximumf %add3A_422, %mul3A_425 : vector<16xf32>
        %exp3A_427 = math.exp %max3A_426 : vector<16xf32>
        %swap3A_428 = arith.constant 48 : index
        %swap3A_429 = tpu.vector_load %arg19[%swap3A_428] {strides = array<i32>} : memref<96xf32, #tpu.memory_space<vmem>>, vector<16xf32>,
        tpu.vector_store %arg19[%swap3A_428], %exp3A_427 {strides = array<i32>} : memref<96xf32, #tpu.memory_space<vmem>>, vector<16xf32>,
        %get3A_430 = arith.constant 64 : index
        %get3A_431 = tpu.vector_load %arg23[%get3A_430] {strides = array<i32>} : memref<80xf32, #tpu.memory_space<vmem>>, vector<16xf32>,
        %get3A_432 = arith.constant 64 : index
        %get3A_433 = tpu.vector_load %arg27[%get3A_432] {strides = array<i32>} : memref<80xf32, #tpu.memory_space<vmem>>, vector<16xf32>,
        %add3A_434 = arith.addf %get3A_431, %get3A_433 : vector<16xf32>
        %mul3A_435 = arith.constant 0.00999999977 : f32
        %mul3A_436 = vector.broadcast %mul3A_435 : f32 to vector<16xf32>
        %mul3A_437 = arith.mulf %add3A_434, %mul3A_436 : vector<16xf32>
        %max3A_438 = arith.maximumf %add3A_434, %mul3A_437 : vector<16xf32>
        %exp3A_439 = math.exp %max3A_438 : vector<16xf32>
        %swap3A_440 = arith.constant 64 : index
        %swap3A_441 = tpu.vector_load %arg19[%swap3A_440] {strides = array<i32>} : memref<96xf32, #tpu.memory_space<vmem>>, vector<16xf32>,
        tpu.vector_store %arg19[%swap3A_440], %exp3A_439 {strides = array<i32>} : memref<96xf32, #tpu.memory_space<vmem>>, vector<16xf32>,
        %parallel_loop3A = arith.constant 0 : i32
        %parallel_loop3A_442 = arith.constant 80 : i32
        %parallel_loop3A_443 = arith.constant 1 : i32
        scf.for %parallel_loop3A_458 = %parallel_loop3A to %parallel_loop3A_442 step %parallel_loop3A_443  : i32 {
          %parallel_loop3A_459 = arith.index_cast %parallel_loop3A_458 : i32 to index
          %parallel_loop3A_460 = tpu.vector_load %arg19[%parallel_loop3A_459] {strides = array<i32>} : memref<96xf32, #tpu.memory_space<vmem>>, vector<16xf32>,
          %parallel_loop3A_461 = vector.extract_strided_slice %parallel_loop3A_460 {offsets = [0], sizes = [1], strides = [1]} : vector<16xf32> to vector<1xf32>
          %parallel_loop3A_462 = vector.extract %parallel_loop3A_461[0] : f32 from vector<1xf32>
          %parallel_loop3A_463 = arith.index_cast %parallel_loop3A_458 : i32 to index
          %parallel_loop3A_464 = arith.constant 0 : index
          %parallel_loop3A_465 = tpu.vector_load %arg29[%parallel_loop3A_463, %parallel_loop3A_464] {strides = array<i32>} : memref<80x64xi32, #tpu.memory_space<vmem>>, vector<16xi32>,
          %parallel_loop3A_466 = arith.constant 16 : i32
          %parallel_loop3A_467 = vector.broadcast %parallel_loop3A_466 : i32 to vector<16xi32>
          %parallel_loop3A_468 = arith.shli %parallel_loop3A_465, %parallel_loop3A_467 : vector<16xi32>
          %parallel_loop3A_469 = vector.bitcast %parallel_loop3A_468 : vector<16xi32> to vector<16xf32>
          %parallel_loop3A_470 = arith.andi %parallel_loop3A_465, %broadcast_in_dim3A_16 : vector<16xi32>
          %parallel_loop3A_471 = vector.bitcast %parallel_loop3A_470 : vector<16xi32> to vector<16xf32>
          %parallel_loop3A_472 = vector.broadcast %parallel_loop3A_462 : f32 to vector<16xf32>
          %parallel_loop3A_473 = arith.mulf %parallel_loop3A_469, %parallel_loop3A_472 : vector<16xf32>
          %parallel_loop3A_474 = arith.index_cast %parallel_loop3A_458 : i32 to index
          %parallel_loop3A_475 = arith.constant 0 : index
          %parallel_loop3A_476 = tpu.vector_load %arg31[%parallel_loop3A_474, %parallel_loop3A_475] {strides = array<i32>} : memref<80x128xf32, #tpu.memory_space<vmem>>, vector<16xf32>,
          tpu.vector_store %arg31[%parallel_loop3A_474, %parallel_loop3A_475], %parallel_loop3A_473 {strides = array<i32>} : memref<80x128xf32, #tpu.memory_space<vmem>>, vector<16xf32>,
          %parallel_loop3A_477 = vector.broadcast %parallel_loop3A_462 : f32 to vector<16xf32>
          %parallel_loop3A_478 = arith.mulf %parallel_loop3A_471, %parallel_loop3A_477 : vector<16xf32>
          %parallel_loop3A_479 = arith.index_cast %parallel_loop3A_458 : i32 to index
          %parallel_loop3A_480 = arith.constant 16 : index
          %parallel_loop3A_481 = tpu.vector_load %arg31[%parallel_loop3A_479, %parallel_loop3A_480] {strides = array<i32>} : memref<80x128xf32, #tpu.memory_space<vmem>>, vector<16xf32>,
          tpu.vector_store %arg31[%parallel_loop3A_479, %parallel_loop3A_480], %parallel_loop3A_478 {strides = array<i32>} : memref<80x128xf32, #tpu.memory_space<vmem>>, vector<16xf32>,
          %parallel_loop3A_482 = arith.index_cast %parallel_loop3A_458 : i32 to index
          %parallel_loop3A_483 = arith.constant 16 : index
          %parallel_loop3A_484 = tpu.vector_load %arg29[%parallel_loop3A_482, %parallel_loop3A_483] {strides = array<i32>} : memref<80x64xi32, #tpu.memory_space<vmem>>, vector<16xi32>,
          %parallel_loop3A_485 = arith.constant 16 : i32
          %parallel_loop3A_486 = vector.broadcast %parallel_loop3A_485 : i32 to vector<16xi32>
          %parallel_loop3A_487 = arith.shli %parallel_loop3A_484, %parallel_loop3A_486 : vector<16xi32>
          %parallel_loop3A_488 = vector.bitcast %parallel_loop3A_487 : vector<16xi32> to vector<16xf32>
          %parallel_loop3A_489 = arith.andi %parallel_loop3A_484, %broadcast_in_dim3A_16 : vector<16xi32>
          %parallel_loop3A_490 = vector.bitcast %parallel_loop3A_489 : vector<16xi32> to vector<16xf32>
          %parallel_loop3A_491 = vector.broadcast %parallel_loop3A_462 : f32 to vector<16xf32>
          %parallel_loop3A_492 = arith.mulf %parallel_loop3A_488, %parallel_loop3A_491 : vector<16xf32>
          %parallel_loop3A_493 = arith.index_cast %parallel_loop3A_458 : i32 to index
          %parallel_loop3A_494 = arith.constant 32 : index
          %parallel_loop3A_495 = tpu.vector_load %arg31[%parallel_loop3A_493, %parallel_loop3A_494] {strides = array<i32>} : memref<80x128xf32, #tpu.memory_space<vmem>>, vector<16xf32>,
          tpu.vector_store %arg31[%parallel_loop3A_493, %parallel_loop3A_494], %parallel_loop3A_492 {strides = array<i32>} : memref<80x128xf32, #tpu.memory_space<vmem>>, vector<16xf32>,
          %parallel_loop3A_496 = vector.broadcast %parallel_loop3A_462 : f32 to vector<16xf32>
          %parallel_loop3A_497 = arith.mulf %parallel_loop3A_490, %parallel_loop3A_496 : vector<16xf32>
          %parallel_loop3A_498 = arith.index_cast %parallel_loop3A_458 : i32 to index
          %parallel_loop3A_499 = arith.constant 48 : index
          %parallel_loop3A_500 = tpu.vector_load %arg31[%parallel_loop3A_498, %parallel_loop3A_499] {strides = array<i32>} : memref<80x128xf32, #tpu.memory_space<vmem>>, vector<16xf32>,
          tpu.vector_store %arg31[%parallel_loop3A_498, %parallel_loop3A_499], %parallel_loop3A_497 {strides = array<i32>} : memref<80x128xf32, #tpu.memory_space<vmem>>, vector<16xf32>,
          %parallel_loop3A_501 = arith.index_cast %parallel_loop3A_458 : i32 to index
          %parallel_loop3A_502 = arith.constant 32 : index
          %parallel_loop3A_503 = tpu.vector_load %arg29[%parallel_loop3A_501, %parallel_loop3A_502] {strides = array<i32>} : memref<80x64xi32, #tpu.memory_space<vmem>>, vector<16xi32>,
          %parallel_loop3A_504 = arith.constant 16 : i32
          %parallel_loop3A_505 = vector.broadcast %parallel_loop3A_504 : i32 to vector<16xi32>
          %parallel_loop3A_506 = arith.shli %parallel_loop3A_503, %parallel_loop3A_505 : vector<16xi32>
          %parallel_loop3A_507 = vector.bitcast %parallel_loop3A_506 : vector<16xi32> to vector<16xf32>
          %parallel_loop3A_508 = arith.andi %parallel_loop3A_503, %broadcast_in_dim3A_16 : vector<16xi32>
          %parallel_loop3A_509 = vector.bitcast %parallel_loop3A_508 : vector<16xi32> to vector<16xf32>
          %parallel_loop3A_510 = vector.broadcast %parallel_loop3A_462 : f32 to vector<16xf32>
          %parallel_loop3A_511 = arith.mulf %parallel_loop3A_507, %parallel_loop3A_510 : vector<16xf32>
          %parallel_loop3A_512 = arith.index_cast %parallel_loop3A_458 : i32 to index
          %parallel_loop3A_513 = arith.constant 64 : index
          %parallel_loop3A_514 = tpu.vector_load %arg31[%parallel_loop3A_512, %parallel_loop3A_513] {strides = array<i32>} : memref<80x128xf32, #tpu.memory_space<vmem>>, vector<16xf32>,
          tpu.vector_store %arg31[%parallel_loop3A_512, %parallel_loop3A_513], %parallel_loop3A_511 {strides = array<i32>} : memref<80x128xf32, #tpu.memory_space<vmem>>, vector<16xf32>,
          %parallel_loop3A_515 = vector.broadcast %parallel_loop3A_462 : f32 to vector<16xf32>
          %parallel_loop3A_516 = arith.mulf %parallel_loop3A_509, %parallel_loop3A_515 : vector<16xf32>
          %parallel_loop3A_517 = arith.index_cast %parallel_loop3A_458 : i32 to index
          %parallel_loop3A_518 = arith.constant 80 : index
          %parallel_loop3A_519 = tpu.vector_load %arg31[%parallel_loop3A_517, %parallel_loop3A_518] {strides = array<i32>} : memref<80x128xf32, #tpu.memory_space<vmem>>, vector<16xf32>,
          tpu.vector_store %arg31[%parallel_loop3A_517, %parallel_loop3A_518], %parallel_loop3A_516 {strides = array<i32>} : memref<80x128xf32, #tpu.memory_space<vmem>>, vector<16xf32>,
          %parallel_loop3A_520 = arith.index_cast %parallel_loop3A_458 : i32 to index
          %parallel_loop3A_521 = arith.constant 48 : index
          %parallel_loop3A_522 = tpu.vector_load %arg29[%parallel_loop3A_520, %parallel_loop3A_521] {strides = array<i32>} : memref<80x64xi32, #tpu.memory_space<vmem>>, vector<16xi32>,
          %parallel_loop3A_523 = arith.constant 16 : i32
          %parallel_loop3A_524 = vector.broadcast %parallel_loop3A_523 : i32 to vector<16xi32>
          %parallel_loop3A_525 = arith.shli %parallel_loop3A_522, %parallel_loop3A_524 : vector<16xi32>
          %parallel_loop3A_526 = vector.bitcast %parallel_loop3A_525 : vector<16xi32> to vector<16xf32>
          %parallel_loop3A_527 = arith.andi %parallel_loop3A_522, %broadcast_in_dim3A_16 : vector<16xi32>
          %parallel_loop3A_528 = vector.bitcast %parallel_loop3A_527 : vector<16xi32> to vector<16xf32>
          %parallel_loop3A_529 = vector.broadcast %parallel_loop3A_462 : f32 to vector<16xf32>
          %parallel_loop3A_530 = arith.mulf %parallel_loop3A_526, %parallel_loop3A_529 : vector<16xf32>
          %parallel_loop3A_531 = arith.index_cast %parallel_loop3A_458 : i32 to index
          %parallel_loop3A_532 = arith.constant 96 : index
          %parallel_loop3A_533 = tpu.vector_load %arg31[%parallel_loop3A_531, %parallel_loop3A_532] {strides = array<i32>} : memref<80x128xf32, #tpu.memory_space<vmem>>, vector<16xf32>,
          tpu.vector_store %arg31[%parallel_loop3A_531, %parallel_loop3A_532], %parallel_loop3A_530 {strides = array<i32>} : memref<80x128xf32, #tpu.memory_space<vmem>>, vector<16xf32>,
          %parallel_loop3A_534 = vector.broadcast %parallel_loop3A_462 : f32 to vector<16xf32>
          %parallel_loop3A_535 = arith.mulf %parallel_loop3A_528, %parallel_loop3A_534 : vector<16xf32>
          %parallel_loop3A_536 = arith.index_cast %parallel_loop3A_458 : i32 to index
          %parallel_loop3A_537 = arith.constant 112 : index
          %parallel_loop3A_538 = tpu.vector_load %arg31[%parallel_loop3A_536, %parallel_loop3A_537] {strides = array<i32>} : memref<80x128xf32, #tpu.memory_space<vmem>>, vector<16xf32>,
          tpu.vector_store %arg31[%parallel_loop3A_536, %parallel_loop3A_537], %parallel_loop3A_535 {strides = array<i32>} : memref<80x128xf32, #tpu.memory_space<vmem>>, vector<16xf32>,
        } {sc.loop_unroll_factor = 4 : i64, sc.parallel_access}
        %dma_start3A_444 = arith.constant 0 : i32
        %dma_start3A_445 = arith.constant 0 : i32
        %dma_start3A_446 = tpu.memref_slice %arg33[%dma_start3A_444, %dma_start3A_445] : memref<10000x128xf32, #tpu.memory_space<vmem_shared>> -> memref<10000x128xf32, #tpu.memory_space<vmem_shared>>
        tpu.enqueue_indirect_dma source(%arg31 : memref<80x128xf32, #tpu.memory_space<vmem>>) target(%dma_start3A_446 : memref<10000x128xf32, #tpu.memory_space<vmem_shared>>) offsets(%arg15 : memref<80xi32, #tpu.memory_space<vmem>>) semaphore(%arg37 : memref<!tpu.dma_semaphore, #tpu.memory_space<semaphore_mem>>) {add = true}
        %dma_start3A_447 = arith.constant 0 : i32
        %dma_start3A_448 = tpu.memref_slice %arg19[%dma_start3A_447] : memref<96xf32, #tpu.memory_space<vmem>> -> memref<80xf32, #tpu.memory_space<vmem>>
        %dma_start3A_449 = arith.constant 0 : i32
        %dma_start3A_450 = tpu.memref_slice %arg34[%dma_start3A_449] : memref<10000xf32, #tpu.memory_space<vmem_shared>> -> memref<10000xf32, #tpu.memory_space<vmem_shared>>
        tpu.enqueue_indirect_dma source(%dma_start3A_448 : memref<80xf32, #tpu.memory_space<vmem>>) target(%dma_start3A_450 : memref<10000xf32, #tpu.memory_space<vmem_shared>>) offsets(%arg15 : memref<80xi32, #tpu.memory_space<vmem>>) semaphore(%arg37 : memref<!tpu.dma_semaphore, #tpu.memory_space<semaphore_mem>>) {add = true}
        %add3A_451 = arith.constant 2 : i32
        %add3A_452 = arith.addi %add3A_357, %add3A_451 : i32
        %lt3A_453 = arith.constant 64 : i32
        %lt3A_454 = arith.cmpi slt, %add3A_452, %lt3A_453 : i32
        %convert_element_type3A_455 = arith.extui %lt3A_454 : i1 to i32
        %cond3A_456 = arith.constant 0 : i32
        %cond3A_457 = arith.cmpi ne, %convert_element_type3A_455, %cond3A_456 : i32
        scf.if %cond3A_457 {
          %add3A_458 = arith.constant 2 : i32
          %add3A_459 = arith.addi %add3A_357, %add3A_458 : i32
          %broadcast_in_dim3A_460 = arith.constant 65535 : i32
          %broadcast_in_dim3A_461 = vector.broadcast %broadcast_in_dim3A_460 : i32 to vector<16xi32>
          %get3A_462 = arith.index_cast %add3A_459 : i32 to index
          %get3A_463 = arith.constant 0 : index
          %get3A_464 = tpu.vector_load %arg8[%get3A_462, %get3A_463] {strides = array<i32>} : memref<64x80xi32, #tpu.memory_space<vmem>>, vector<16xi32>,
          %and3A_465 = arith.andi %get3A_464, %broadcast_in_dim3A_461 : vector<16xi32>
          %swap3A_466 = arith.constant 0 : index
          %swap3A_467 = tpu.vector_load %arg9[%swap3A_466] {strides = array<i32>} : memref<80xi32, #tpu.memory_space<vmem>>, vector<16xi32>,
          tpu.vector_store %arg9[%swap3A_466], %and3A_465 {strides = array<i32>} : memref<80xi32, #tpu.memory_space<vmem>>, vector<16xi32>,
          %shift_right_logical3A_468 = arith.constant 16 : i32
          %shift_right_logical3A_469 = vector.broadcast %shift_right_logical3A_468 : i32 to vector<16xi32>
          %shift_right_logical3A_470 = arith.shrui %get3A_464, %shift_right_logical3A_469 : vector<16xi32>
          %swap3A_471 = arith.constant 0 : index
          %swap3A_472 = tpu.vector_load %arg13[%swap3A_471] {strides = array<i32>} : memref<80xi32, #tpu.memory_space<vmem>>, vector<16xi32>,
          tpu.vector_store %arg13[%swap3A_471], %shift_right_logical3A_470 {strides = array<i32>} : memref<80xi32, #tpu.memory_space<vmem>>, vector<16xi32>,
          %get3A_473 = arith.index_cast %add3A_459 : i32 to index
          %get3A_474 = arith.constant 16 : index
          %get3A_475 = tpu.vector_load %arg8[%get3A_473, %get3A_474] {strides = array<i32>} : memref<64x80xi32, #tpu.memory_space<vmem>>, vector<16xi32>,
          %and3A_476 = arith.andi %get3A_475, %broadcast_in_dim3A_461 : vector<16xi32>
          %swap3A_477 = arith.constant 16 : index
          %swap3A_478 = tpu.vector_load %arg9[%swap3A_477] {strides = array<i32>} : memref<80xi32, #tpu.memory_space<vmem>>, vector<16xi32>,
          tpu.vector_store %arg9[%swap3A_477], %and3A_476 {strides = array<i32>} : memref<80xi32, #tpu.memory_space<vmem>>, vector<16xi32>,
          %shift_right_logical3A_479 = arith.constant 16 : i32
          %shift_right_logical3A_480 = vector.broadcast %shift_right_logical3A_479 : i32 to vector<16xi32>
          %shift_right_logical3A_481 = arith.shrui %get3A_475, %shift_right_logical3A_480 : vector<16xi32>
          %swap3A_482 = arith.constant 16 : index
          %swap3A_483 = tpu.vector_load %arg13[%swap3A_482] {strides = array<i32>} : memref<80xi32, #tpu.memory_space<vmem>>, vector<16xi32>,
          tpu.vector_store %arg13[%swap3A_482], %shift_right_logical3A_481 {strides = array<i32>} : memref<80xi32, #tpu.memory_space<vmem>>, vector<16xi32>,
          %get3A_484 = arith.index_cast %add3A_459 : i32 to index
          %get3A_485 = arith.constant 32 : index
          %get3A_486 = tpu.vector_load %arg8[%get3A_484, %get3A_485] {strides = array<i32>} : memref<64x80xi32, #tpu.memory_space<vmem>>, vector<16xi32>,
          %and3A_487 = arith.andi %get3A_486, %broadcast_in_dim3A_461 : vector<16xi32>
          %swap3A_488 = arith.constant 32 : index
          %swap3A_489 = tpu.vector_load %arg9[%swap3A_488] {strides = array<i32>} : memref<80xi32, #tpu.memory_space<vmem>>, vector<16xi32>,
          tpu.vector_store %arg9[%swap3A_488], %and3A_487 {strides = array<i32>} : memref<80xi32, #tpu.memory_space<vmem>>, vector<16xi32>,
          %shift_right_logical3A_490 = arith.constant 16 : i32
          %shift_right_logical3A_491 = vector.broadcast %shift_right_logical3A_490 : i32 to vector<16xi32>
          %shift_right_logical3A_492 = arith.shrui %get3A_486, %shift_right_logical3A_491 : vector<16xi32>
          %swap3A_493 = arith.constant 32 : index
          %swap3A_494 = tpu.vector_load %arg13[%swap3A_493] {strides = array<i32>} : memref<80xi32, #tpu.memory_space<vmem>>, vector<16xi32>,
          tpu.vector_store %arg13[%swap3A_493], %shift_right_logical3A_492 {strides = array<i32>} : memref<80xi32, #tpu.memory_space<vmem>>, vector<16xi32>,
          %get3A_495 = arith.index_cast %add3A_459 : i32 to index
          %get3A_496 = arith.constant 48 : index
          %get3A_497 = tpu.vector_load %arg8[%get3A_495, %get3A_496] {strides = array<i32>} : memref<64x80xi32, #tpu.memory_space<vmem>>, vector<16xi32>,
          %and3A_498 = arith.andi %get3A_497, %broadcast_in_dim3A_461 : vector<16xi32>
          %swap3A_499 = arith.constant 48 : index
          %swap3A_500 = tpu.vector_load %arg9[%swap3A_499] {strides = array<i32>} : memref<80xi32, #tpu.memory_space<vmem>>, vector<16xi32>,
          tpu.vector_store %arg9[%swap3A_499], %and3A_498 {strides = array<i32>} : memref<80xi32, #tpu.memory_space<vmem>>, vector<16xi32>,
          %shift_right_logical3A_501 = arith.constant 16 : i32
          %shift_right_logical3A_502 = vector.broadcast %shift_right_logical3A_501 : i32 to vector<16xi32>
          %shift_right_logical3A_503 = arith.shrui %get3A_497, %shift_right_logical3A_502 : vector<16xi32>
          %swap3A_504 = arith.constant 48 : index
          %swap3A_505 = tpu.vector_load %arg13[%swap3A_504] {strides = array<i32>} : memref<80xi32, #tpu.memory_space<vmem>>, vector<16xi32>,
          tpu.vector_store %arg13[%swap3A_504], %shift_right_logical3A_503 {strides = array<i32>} : memref<80xi32, #tpu.memory_space<vmem>>, vector<16xi32>,
          %get3A_506 = arith.index_cast %add3A_459 : i32 to index
          %get3A_507 = arith.constant 64 : index
          %get3A_508 = tpu.vector_load %arg8[%get3A_506, %get3A_507] {strides = array<i32>} : memref<64x80xi32, #tpu.memory_space<vmem>>, vector<16xi32>,
          %and3A_509 = arith.andi %get3A_508, %broadcast_in_dim3A_461 : vector<16xi32>
          %swap3A_510 = arith.constant 64 : index
          %swap3A_511 = tpu.vector_load %arg9[%swap3A_510] {strides = array<i32>} : memref<80xi32, #tpu.memory_space<vmem>>, vector<16xi32>,
          tpu.vector_store %arg9[%swap3A_510], %and3A_509 {strides = array<i32>} : memref<80xi32, #tpu.memory_space<vmem>>, vector<16xi32>,
          %shift_right_logical3A_512 = arith.constant 16 : i32
          %shift_right_logical3A_513 = vector.broadcast %shift_right_logical3A_512 : i32 to vector<16xi32>
          %shift_right_logical3A_514 = arith.shrui %get3A_508, %shift_right_logical3A_513 : vector<16xi32>
          %swap3A_515 = arith.constant 64 : index
          %swap3A_516 = tpu.vector_load %arg13[%swap3A_515] {strides = array<i32>} : memref<80xi32, #tpu.memory_space<vmem>>, vector<16xi32>,
          tpu.vector_store %arg13[%swap3A_515], %shift_right_logical3A_514 {strides = array<i32>} : memref<80xi32, #tpu.memory_space<vmem>>, vector<16xi32>,
          %dma_start3A_517 = arith.constant 0 : i32
          %dma_start3A_518 = arith.constant 0 : i32
          %dma_start3A_519 = tpu.memref_slice %arg2[%dma_start3A_517, %dma_start3A_518] : memref<10000x64xi32, #tpu.memory_space<hbm>> -> memref<10000x64xi32, #tpu.memory_space<hbm>>
          tpu.enqueue_indirect_dma source(%dma_start3A_519 : memref<10000x64xi32, #tpu.memory_space<hbm>>) target(%arg29 : memref<80x64xi32, #tpu.memory_space<vmem>>) offsets(%arg9 : memref<80xi32, #tpu.memory_space<vmem>>) semaphore(%arg35 : memref<!tpu.dma_semaphore, #tpu.memory_space<semaphore_mem>>)
          %dma_start3A_520 = arith.constant 0 : i32
          %dma_start3A_521 = tpu.memref_slice %arg3[%dma_start3A_520] : memref<10000xf32, #tpu.memory_space<hbm>> -> memref<10000xf32, #tpu.memory_space<hbm>>
          tpu.enqueue_indirect_dma source(%dma_start3A_521 : memref<10000xf32, #tpu.memory_space<hbm>>) target(%arg21 : memref<80xf32, #tpu.memory_space<vmem>>) offsets(%arg9 : memref<80xi32, #tpu.memory_space<vmem>>) semaphore(%arg35 : memref<!tpu.dma_semaphore, #tpu.memory_space<semaphore_mem>>)
          %dma_start3A_522 = arith.constant 0 : i32
          %dma_start3A_523 = tpu.memref_slice %arg4[%dma_start3A_522] : memref<10000xf32, #tpu.memory_space<hbm>> -> memref<10000xf32, #tpu.memory_space<hbm>>
          tpu.enqueue_indirect_dma source(%dma_start3A_523 : memref<10000xf32, #tpu.memory_space<hbm>>) target(%arg25 : memref<80xf32, #tpu.memory_space<vmem>>) offsets(%arg13 : memref<80xi32, #tpu.memory_space<vmem>>) semaphore(%arg35 : memref<!tpu.dma_semaphore, #tpu.memory_space<semaphore_mem>>)
        } else {
        }
      } else {
      }
      %mul3A_363 = arith.constant 4 : i32
      %mul3A_364 = arith.muli %mul3A_363, %scan3A_337 : i32
      %add3A_365 = arith.constant 3 : i32
      %add3A_366 = arith.addi %mul3A_364, %add3A_365 : i32
      %lt3A_367 = arith.constant 64 : i32
      %lt3A_368 = arith.cmpi slt, %add3A_366, %lt3A_367 : i32
      %convert_element_type3A_369 = arith.extui %lt3A_368 : i1 to i32
      %cond3A_370 = arith.constant 0 : i32
      %cond3A_371 = arith.cmpi ne, %convert_element_type3A_369, %cond3A_370 : i32
      scf.if %cond3A_371 {
        %dma_wait3A_373 = arith.constant 0 : i32
        %dma_wait3A_374 = arith.constant 0 : i32
        %dma_wait3A_375 = tpu.memref_slice %arg2[%dma_wait3A_373, %dma_wait3A_374] : memref<10000x64xi32, #tpu.memory_space<hbm>> -> memref<10000x64xi32, #tpu.memory_space<hbm>>
        tpu.wait_indirect_dma semaphore(%arg36 : memref<!tpu.dma_semaphore, #tpu.memory_space<semaphore_mem>>) src(%dma_wait3A_375 : memref<10000x64xi32, #tpu.memory_space<hbm>>) dst(%arg30 : memref<80x64xi32, #tpu.memory_space<vmem>>)
        %dma_wait3A_376 = arith.constant 0 : i32
        %dma_wait3A_377 = tpu.memref_slice %arg3[%dma_wait3A_376] : memref<10000xf32, #tpu.memory_space<hbm>> -> memref<10000xf32, #tpu.memory_space<hbm>>
        tpu.wait_indirect_dma semaphore(%arg36 : memref<!tpu.dma_semaphore, #tpu.memory_space<semaphore_mem>>) src(%dma_wait3A_377 : memref<10000xf32, #tpu.memory_space<hbm>>) dst(%arg24 : memref<80xf32, #tpu.memory_space<vmem>>)
        %dma_wait3A_378 = arith.constant 0 : i32
        %dma_wait3A_379 = tpu.memref_slice %arg4[%dma_wait3A_378] : memref<10000xf32, #tpu.memory_space<hbm>> -> memref<10000xf32, #tpu.memory_space<hbm>>
        tpu.wait_indirect_dma semaphore(%arg36 : memref<!tpu.dma_semaphore, #tpu.memory_space<semaphore_mem>>) src(%dma_wait3A_379 : memref<10000xf32, #tpu.memory_space<hbm>>) dst(%arg28 : memref<80xf32, #tpu.memory_space<vmem>>)
        %ge3A = arith.constant 2 : i32
        %ge3A_380 = arith.cmpi sge, %add3A_366, %ge3A : i32
        %convert_element_type3A_381 = arith.extui %ge3A_380 : i1 to i32
        %cond3A_382 = arith.constant 0 : i32
        %cond3A_383 = arith.cmpi ne, %convert_element_type3A_381, %cond3A_382 : i32
        scf.if %cond3A_383 {
          %dma_wait3A_458 = arith.constant 0 : i32
          %dma_wait3A_459 = arith.constant 0 : i32
          %dma_wait3A_460 = tpu.memref_slice %arg33[%dma_wait3A_458, %dma_wait3A_459] : memref<10000x128xf32, #tpu.memory_space<vmem_shared>> -> memref<10000x128xf32, #tpu.memory_space<vmem_shared>>
          tpu.wait_indirect_dma semaphore(%arg38 : memref<!tpu.dma_semaphore, #tpu.memory_space<semaphore_mem>>) src(%arg32 : memref<80x128xf32, #tpu.memory_space<vmem>>) dst(%dma_wait3A_460 : memref<10000x128xf32, #tpu.memory_space<vmem_shared>>)
          %dma_wait3A_461 = arith.constant 0 : i32
          %dma_wait3A_462 = tpu.memref_slice %arg18[%dma_wait3A_461] : memref<96xf32, #tpu.memory_space<vmem>> -> memref<80xf32, #tpu.memory_space<vmem>>
          %dma_wait3A_463 = arith.constant 0 : i32
          %dma_wait3A_464 = tpu.memref_slice %arg34[%dma_wait3A_463] : memref<10000xf32, #tpu.memory_space<vmem_shared>> -> memref<10000xf32, #tpu.memory_space<vmem_shared>>
          tpu.wait_indirect_dma semaphore(%arg38 : memref<!tpu.dma_semaphore, #tpu.memory_space<semaphore_mem>>) src(%dma_wait3A_462 : memref<80xf32, #tpu.memory_space<vmem>>) dst(%dma_wait3A_464 : memref<10000xf32, #tpu.memory_space<vmem_shared>>)
        } else {
        }
        %get3A_384 = arith.constant 0 : index
        %get3A_385 = tpu.vector_load %arg24[%get3A_384] {strides = array<i32>} : memref<80xf32, #tpu.memory_space<vmem>>, vector<16xf32>,
        %get3A_386 = arith.constant 0 : index
        %get3A_387 = tpu.vector_load %arg28[%get3A_386] {strides = array<i32>} : memref<80xf32, #tpu.memory_space<vmem>>, vector<16xf32>,
        %add3A_388 = arith.addf %get3A_385, %get3A_387 : vector<16xf32>
        %mul3A_389 = arith.constant 0.00999999977 : f32
        %mul3A_390 = vector.broadcast %mul3A_389 : f32 to vector<16xf32>
        %mul3A_391 = arith.mulf %add3A_388, %mul3A_390 : vector<16xf32>
        %max3A = arith.maximumf %add3A_388, %mul3A_391 : vector<16xf32>
        %exp3A = math.exp %max3A : vector<16xf32>
        %swap3A_392 = arith.constant 0 : index
        %swap3A_393 = tpu.vector_load %arg20[%swap3A_392] {strides = array<i32>} : memref<96xf32, #tpu.memory_space<vmem>>, vector<16xf32>,
        tpu.vector_store %arg20[%swap3A_392], %exp3A {strides = array<i32>} : memref<96xf32, #tpu.memory_space<vmem>>, vector<16xf32>,
        %get3A_394 = arith.constant 16 : index
        %get3A_395 = tpu.vector_load %arg24[%get3A_394] {strides = array<i32>} : memref<80xf32, #tpu.memory_space<vmem>>, vector<16xf32>,
        %get3A_396 = arith.constant 16 : index
        %get3A_397 = tpu.vector_load %arg28[%get3A_396] {strides = array<i32>} : memref<80xf32, #tpu.memory_space<vmem>>, vector<16xf32>,
        %add3A_398 = arith.addf %get3A_395, %get3A_397 : vector<16xf32>
        %mul3A_399 = arith.constant 0.00999999977 : f32
        %mul3A_400 = vector.broadcast %mul3A_399 : f32 to vector<16xf32>
        %mul3A_401 = arith.mulf %add3A_398, %mul3A_400 : vector<16xf32>
        %max3A_402 = arith.maximumf %add3A_398, %mul3A_401 : vector<16xf32>
        %exp3A_403 = math.exp %max3A_402 : vector<16xf32>
        %swap3A_404 = arith.constant 16 : index
        %swap3A_405 = tpu.vector_load %arg20[%swap3A_404] {strides = array<i32>} : memref<96xf32, #tpu.memory_space<vmem>>, vector<16xf32>,
        tpu.vector_store %arg20[%swap3A_404], %exp3A_403 {strides = array<i32>} : memref<96xf32, #tpu.memory_space<vmem>>, vector<16xf32>,
        %get3A_406 = arith.constant 32 : index
        %get3A_407 = tpu.vector_load %arg24[%get3A_406] {strides = array<i32>} : memref<80xf32, #tpu.memory_space<vmem>>, vector<16xf32>,
        %get3A_408 = arith.constant 32 : index
        %get3A_409 = tpu.vector_load %arg28[%get3A_408] {strides = array<i32>} : memref<80xf32, #tpu.memory_space<vmem>>, vector<16xf32>,
        %add3A_410 = arith.addf %get3A_407, %get3A_409 : vector<16xf32>
        %mul3A_411 = arith.constant 0.00999999977 : f32
        %mul3A_412 = vector.broadcast %mul3A_411 : f32 to vector<16xf32>
        %mul3A_413 = arith.mulf %add3A_410, %mul3A_412 : vector<16xf32>
        %max3A_414 = arith.maximumf %add3A_410, %mul3A_413 : vector<16xf32>
        %exp3A_415 = math.exp %max3A_414 : vector<16xf32>
        %swap3A_416 = arith.constant 32 : index
        %swap3A_417 = tpu.vector_load %arg20[%swap3A_416] {strides = array<i32>} : memref<96xf32, #tpu.memory_space<vmem>>, vector<16xf32>,
        tpu.vector_store %arg20[%swap3A_416], %exp3A_415 {strides = array<i32>} : memref<96xf32, #tpu.memory_space<vmem>>, vector<16xf32>,
        %get3A_418 = arith.constant 48 : index
        %get3A_419 = tpu.vector_load %arg24[%get3A_418] {strides = array<i32>} : memref<80xf32, #tpu.memory_space<vmem>>, vector<16xf32>,
        %get3A_420 = arith.constant 48 : index
        %get3A_421 = tpu.vector_load %arg28[%get3A_420] {strides = array<i32>} : memref<80xf32, #tpu.memory_space<vmem>>, vector<16xf32>,
        %add3A_422 = arith.addf %get3A_419, %get3A_421 : vector<16xf32>
        %mul3A_423 = arith.constant 0.00999999977 : f32
        %mul3A_424 = vector.broadcast %mul3A_423 : f32 to vector<16xf32>
        %mul3A_425 = arith.mulf %add3A_422, %mul3A_424 : vector<16xf32>
        %max3A_426 = arith.maximumf %add3A_422, %mul3A_425 : vector<16xf32>
        %exp3A_427 = math.exp %max3A_426 : vector<16xf32>
        %swap3A_428 = arith.constant 48 : index
        %swap3A_429 = tpu.vector_load %arg20[%swap3A_428] {strides = array<i32>} : memref<96xf32, #tpu.memory_space<vmem>>, vector<16xf32>,
        tpu.vector_store %arg20[%swap3A_428], %exp3A_427 {strides = array<i32>} : memref<96xf32, #tpu.memory_space<vmem>>, vector<16xf32>,
        %get3A_430 = arith.constant 64 : index
        %get3A_431 = tpu.vector_load %arg24[%get3A_430] {strides = array<i32>} : memref<80xf32, #tpu.memory_space<vmem>>, vector<16xf32>,
        %get3A_432 = arith.constant 64 : index
        %get3A_433 = tpu.vector_load %arg28[%get3A_432] {strides = array<i32>} : memref<80xf32, #tpu.memory_space<vmem>>, vector<16xf32>,
        %add3A_434 = arith.addf %get3A_431, %get3A_433 : vector<16xf32>
        %mul3A_435 = arith.constant 0.00999999977 : f32
        %mul3A_436 = vector.broadcast %mul3A_435 : f32 to vector<16xf32>
        %mul3A_437 = arith.mulf %add3A_434, %mul3A_436 : vector<16xf32>
        %max3A_438 = arith.maximumf %add3A_434, %mul3A_437 : vector<16xf32>
        %exp3A_439 = math.exp %max3A_438 : vector<16xf32>
        %swap3A_440 = arith.constant 64 : index
        %swap3A_441 = tpu.vector_load %arg20[%swap3A_440] {strides = array<i32>} : memref<96xf32, #tpu.memory_space<vmem>>, vector<16xf32>,
        tpu.vector_store %arg20[%swap3A_440], %exp3A_439 {strides = array<i32>} : memref<96xf32, #tpu.memory_space<vmem>>, vector<16xf32>,
        %parallel_loop3A = arith.constant 0 : i32
        %parallel_loop3A_442 = arith.constant 80 : i32
        %parallel_loop3A_443 = arith.constant 1 : i32
        scf.for %parallel_loop3A_458 = %parallel_loop3A to %parallel_loop3A_442 step %parallel_loop3A_443  : i32 {
          %parallel_loop3A_459 = arith.index_cast %parallel_loop3A_458 : i32 to index
          %parallel_loop3A_460 = tpu.vector_load %arg20[%parallel_loop3A_459] {strides = array<i32>} : memref<96xf32, #tpu.memory_space<vmem>>, vector<16xf32>,
          %parallel_loop3A_461 = vector.extract_strided_slice %parallel_loop3A_460 {offsets = [0], sizes = [1], strides = [1]} : vector<16xf32> to vector<1xf32>
          %parallel_loop3A_462 = vector.extract %parallel_loop3A_461[0] : f32 from vector<1xf32>
          %parallel_loop3A_463 = arith.index_cast %parallel_loop3A_458 : i32 to index
          %parallel_loop3A_464 = arith.constant 0 : index
          %parallel_loop3A_465 = tpu.vector_load %arg30[%parallel_loop3A_463, %parallel_loop3A_464] {strides = array<i32>} : memref<80x64xi32, #tpu.memory_space<vmem>>, vector<16xi32>,
          %parallel_loop3A_466 = arith.constant 16 : i32
          %parallel_loop3A_467 = vector.broadcast %parallel_loop3A_466 : i32 to vector<16xi32>
          %parallel_loop3A_468 = arith.shli %parallel_loop3A_465, %parallel_loop3A_467 : vector<16xi32>
          %parallel_loop3A_469 = vector.bitcast %parallel_loop3A_468 : vector<16xi32> to vector<16xf32>
          %parallel_loop3A_470 = arith.andi %parallel_loop3A_465, %broadcast_in_dim3A_16 : vector<16xi32>
          %parallel_loop3A_471 = vector.bitcast %parallel_loop3A_470 : vector<16xi32> to vector<16xf32>
          %parallel_loop3A_472 = vector.broadcast %parallel_loop3A_462 : f32 to vector<16xf32>
          %parallel_loop3A_473 = arith.mulf %parallel_loop3A_469, %parallel_loop3A_472 : vector<16xf32>
          %parallel_loop3A_474 = arith.index_cast %parallel_loop3A_458 : i32 to index
          %parallel_loop3A_475 = arith.constant 0 : index
          %parallel_loop3A_476 = tpu.vector_load %arg32[%parallel_loop3A_474, %parallel_loop3A_475] {strides = array<i32>} : memref<80x128xf32, #tpu.memory_space<vmem>>, vector<16xf32>,
          tpu.vector_store %arg32[%parallel_loop3A_474, %parallel_loop3A_475], %parallel_loop3A_473 {strides = array<i32>} : memref<80x128xf32, #tpu.memory_space<vmem>>, vector<16xf32>,
          %parallel_loop3A_477 = vector.broadcast %parallel_loop3A_462 : f32 to vector<16xf32>
          %parallel_loop3A_478 = arith.mulf %parallel_loop3A_471, %parallel_loop3A_477 : vector<16xf32>
          %parallel_loop3A_479 = arith.index_cast %parallel_loop3A_458 : i32 to index
          %parallel_loop3A_480 = arith.constant 16 : index
          %parallel_loop3A_481 = tpu.vector_load %arg32[%parallel_loop3A_479, %parallel_loop3A_480] {strides = array<i32>} : memref<80x128xf32, #tpu.memory_space<vmem>>, vector<16xf32>,
          tpu.vector_store %arg32[%parallel_loop3A_479, %parallel_loop3A_480], %parallel_loop3A_478 {strides = array<i32>} : memref<80x128xf32, #tpu.memory_space<vmem>>, vector<16xf32>,
          %parallel_loop3A_482 = arith.index_cast %parallel_loop3A_458 : i32 to index
          %parallel_loop3A_483 = arith.constant 16 : index
          %parallel_loop3A_484 = tpu.vector_load %arg30[%parallel_loop3A_482, %parallel_loop3A_483] {strides = array<i32>} : memref<80x64xi32, #tpu.memory_space<vmem>>, vector<16xi32>,
          %parallel_loop3A_485 = arith.constant 16 : i32
          %parallel_loop3A_486 = vector.broadcast %parallel_loop3A_485 : i32 to vector<16xi32>
          %parallel_loop3A_487 = arith.shli %parallel_loop3A_484, %parallel_loop3A_486 : vector<16xi32>
          %parallel_loop3A_488 = vector.bitcast %parallel_loop3A_487 : vector<16xi32> to vector<16xf32>
          %parallel_loop3A_489 = arith.andi %parallel_loop3A_484, %broadcast_in_dim3A_16 : vector<16xi32>
          %parallel_loop3A_490 = vector.bitcast %parallel_loop3A_489 : vector<16xi32> to vector<16xf32>
          %parallel_loop3A_491 = vector.broadcast %parallel_loop3A_462 : f32 to vector<16xf32>
          %parallel_loop3A_492 = arith.mulf %parallel_loop3A_488, %parallel_loop3A_491 : vector<16xf32>
          %parallel_loop3A_493 = arith.index_cast %parallel_loop3A_458 : i32 to index
          %parallel_loop3A_494 = arith.constant 32 : index
          %parallel_loop3A_495 = tpu.vector_load %arg32[%parallel_loop3A_493, %parallel_loop3A_494] {strides = array<i32>} : memref<80x128xf32, #tpu.memory_space<vmem>>, vector<16xf32>,
          tpu.vector_store %arg32[%parallel_loop3A_493, %parallel_loop3A_494], %parallel_loop3A_492 {strides = array<i32>} : memref<80x128xf32, #tpu.memory_space<vmem>>, vector<16xf32>,
          %parallel_loop3A_496 = vector.broadcast %parallel_loop3A_462 : f32 to vector<16xf32>
          %parallel_loop3A_497 = arith.mulf %parallel_loop3A_490, %parallel_loop3A_496 : vector<16xf32>
          %parallel_loop3A_498 = arith.index_cast %parallel_loop3A_458 : i32 to index
          %parallel_loop3A_499 = arith.constant 48 : index
          %parallel_loop3A_500 = tpu.vector_load %arg32[%parallel_loop3A_498, %parallel_loop3A_499] {strides = array<i32>} : memref<80x128xf32, #tpu.memory_space<vmem>>, vector<16xf32>,
          tpu.vector_store %arg32[%parallel_loop3A_498, %parallel_loop3A_499], %parallel_loop3A_497 {strides = array<i32>} : memref<80x128xf32, #tpu.memory_space<vmem>>, vector<16xf32>,
          %parallel_loop3A_501 = arith.index_cast %parallel_loop3A_458 : i32 to index
          %parallel_loop3A_502 = arith.constant 32 : index
          %parallel_loop3A_503 = tpu.vector_load %arg30[%parallel_loop3A_501, %parallel_loop3A_502] {strides = array<i32>} : memref<80x64xi32, #tpu.memory_space<vmem>>, vector<16xi32>,
          %parallel_loop3A_504 = arith.constant 16 : i32
          %parallel_loop3A_505 = vector.broadcast %parallel_loop3A_504 : i32 to vector<16xi32>
          %parallel_loop3A_506 = arith.shli %parallel_loop3A_503, %parallel_loop3A_505 : vector<16xi32>
          %parallel_loop3A_507 = vector.bitcast %parallel_loop3A_506 : vector<16xi32> to vector<16xf32>
          %parallel_loop3A_508 = arith.andi %parallel_loop3A_503, %broadcast_in_dim3A_16 : vector<16xi32>
          %parallel_loop3A_509 = vector.bitcast %parallel_loop3A_508 : vector<16xi32> to vector<16xf32>
          %parallel_loop3A_510 = vector.broadcast %parallel_loop3A_462 : f32 to vector<16xf32>
          %parallel_loop3A_511 = arith.mulf %parallel_loop3A_507, %parallel_loop3A_510 : vector<16xf32>
          %parallel_loop3A_512 = arith.index_cast %parallel_loop3A_458 : i32 to index
          %parallel_loop3A_513 = arith.constant 64 : index
          %parallel_loop3A_514 = tpu.vector_load %arg32[%parallel_loop3A_512, %parallel_loop3A_513] {strides = array<i32>} : memref<80x128xf32, #tpu.memory_space<vmem>>, vector<16xf32>,
          tpu.vector_store %arg32[%parallel_loop3A_512, %parallel_loop3A_513], %parallel_loop3A_511 {strides = array<i32>} : memref<80x128xf32, #tpu.memory_space<vmem>>, vector<16xf32>,
          %parallel_loop3A_515 = vector.broadcast %parallel_loop3A_462 : f32 to vector<16xf32>
          %parallel_loop3A_516 = arith.mulf %parallel_loop3A_509, %parallel_loop3A_515 : vector<16xf32>
          %parallel_loop3A_517 = arith.index_cast %parallel_loop3A_458 : i32 to index
          %parallel_loop3A_518 = arith.constant 80 : index
          %parallel_loop3A_519 = tpu.vector_load %arg32[%parallel_loop3A_517, %parallel_loop3A_518] {strides = array<i32>} : memref<80x128xf32, #tpu.memory_space<vmem>>, vector<16xf32>,
          tpu.vector_store %arg32[%parallel_loop3A_517, %parallel_loop3A_518], %parallel_loop3A_516 {strides = array<i32>} : memref<80x128xf32, #tpu.memory_space<vmem>>, vector<16xf32>,
          %parallel_loop3A_520 = arith.index_cast %parallel_loop3A_458 : i32 to index
          %parallel_loop3A_521 = arith.constant 48 : index
          %parallel_loop3A_522 = tpu.vector_load %arg30[%parallel_loop3A_520, %parallel_loop3A_521] {strides = array<i32>} : memref<80x64xi32, #tpu.memory_space<vmem>>, vector<16xi32>,
          %parallel_loop3A_523 = arith.constant 16 : i32
          %parallel_loop3A_524 = vector.broadcast %parallel_loop3A_523 : i32 to vector<16xi32>
          %parallel_loop3A_525 = arith.shli %parallel_loop3A_522, %parallel_loop3A_524 : vector<16xi32>
          %parallel_loop3A_526 = vector.bitcast %parallel_loop3A_525 : vector<16xi32> to vector<16xf32>
          %parallel_loop3A_527 = arith.andi %parallel_loop3A_522, %broadcast_in_dim3A_16 : vector<16xi32>
          %parallel_loop3A_528 = vector.bitcast %parallel_loop3A_527 : vector<16xi32> to vector<16xf32>
          %parallel_loop3A_529 = vector.broadcast %parallel_loop3A_462 : f32 to vector<16xf32>
          %parallel_loop3A_530 = arith.mulf %parallel_loop3A_526, %parallel_loop3A_529 : vector<16xf32>
          %parallel_loop3A_531 = arith.index_cast %parallel_loop3A_458 : i32 to index
          %parallel_loop3A_532 = arith.constant 96 : index
          %parallel_loop3A_533 = tpu.vector_load %arg32[%parallel_loop3A_531, %parallel_loop3A_532] {strides = array<i32>} : memref<80x128xf32, #tpu.memory_space<vmem>>, vector<16xf32>,
          tpu.vector_store %arg32[%parallel_loop3A_531, %parallel_loop3A_532], %parallel_loop3A_530 {strides = array<i32>} : memref<80x128xf32, #tpu.memory_space<vmem>>, vector<16xf32>,
          %parallel_loop3A_534 = vector.broadcast %parallel_loop3A_462 : f32 to vector<16xf32>
          %parallel_loop3A_535 = arith.mulf %parallel_loop3A_528, %parallel_loop3A_534 : vector<16xf32>
          %parallel_loop3A_536 = arith.index_cast %parallel_loop3A_458 : i32 to index
          %parallel_loop3A_537 = arith.constant 112 : index
          %parallel_loop3A_538 = tpu.vector_load %arg32[%parallel_loop3A_536, %parallel_loop3A_537] {strides = array<i32>} : memref<80x128xf32, #tpu.memory_space<vmem>>, vector<16xf32>,
          tpu.vector_store %arg32[%parallel_loop3A_536, %parallel_loop3A_537], %parallel_loop3A_535 {strides = array<i32>} : memref<80x128xf32, #tpu.memory_space<vmem>>, vector<16xf32>,
        } {sc.loop_unroll_factor = 4 : i64, sc.parallel_access}
        %dma_start3A_444 = arith.constant 0 : i32
        %dma_start3A_445 = arith.constant 0 : i32
        %dma_start3A_446 = tpu.memref_slice %arg33[%dma_start3A_444, %dma_start3A_445] : memref<10000x128xf32, #tpu.memory_space<vmem_shared>> -> memref<10000x128xf32, #tpu.memory_space<vmem_shared>>
        tpu.enqueue_indirect_dma source(%arg32 : memref<80x128xf32, #tpu.memory_space<vmem>>) target(%dma_start3A_446 : memref<10000x128xf32, #tpu.memory_space<vmem_shared>>) offsets(%arg16 : memref<80xi32, #tpu.memory_space<vmem>>) semaphore(%arg38 : memref<!tpu.dma_semaphore, #tpu.memory_space<semaphore_mem>>) {add = true}
        %dma_start3A_447 = arith.constant 0 : i32
        %dma_start3A_448 = tpu.memref_slice %arg20[%dma_start3A_447] : memref<96xf32, #tpu.memory_space<vmem>> -> memref<80xf32, #tpu.memory_space<vmem>>
        %dma_start3A_449 = arith.constant 0 : i32
        %dma_start3A_450 = tpu.memref_slice %arg34[%dma_start3A_449] : memref<10000xf32, #tpu.memory_space<vmem_shared>> -> memref<10000xf32, #tpu.memory_space<vmem_shared>>
        tpu.enqueue_indirect_dma source(%dma_start3A_448 : memref<80xf32, #tpu.memory_space<vmem>>) target(%dma_start3A_450 : memref<10000xf32, #tpu.memory_space<vmem_shared>>) offsets(%arg16 : memref<80xi32, #tpu.memory_space<vmem>>) semaphore(%arg38 : memref<!tpu.dma_semaphore, #tpu.memory_space<semaphore_mem>>) {add = true}
        %add3A_451 = arith.constant 2 : i32
        %add3A_452 = arith.addi %add3A_366, %add3A_451 : i32
        %lt3A_453 = arith.constant 64 : i32
        %lt3A_454 = arith.cmpi slt, %add3A_452, %lt3A_453 : i32
        %convert_element_type3A_455 = arith.extui %lt3A_454 : i1 to i32
        %cond3A_456 = arith.constant 0 : i32
        %cond3A_457 = arith.cmpi ne, %convert_element_type3A_455, %cond3A_456 : i32
        scf.if %cond3A_457 {
          %add3A_458 = arith.constant 2 : i32
          %add3A_459 = arith.addi %add3A_366, %add3A_458 : i32
          %broadcast_in_dim3A_460 = arith.constant 65535 : i32
          %broadcast_in_dim3A_461 = vector.broadcast %broadcast_in_dim3A_460 : i32 to vector<16xi32>
          %get3A_462 = arith.index_cast %add3A_459 : i32 to index
          %get3A_463 = arith.constant 0 : index
          %get3A_464 = tpu.vector_load %arg8[%get3A_462, %get3A_463] {strides = array<i32>} : memref<64x80xi32, #tpu.memory_space<vmem>>, vector<16xi32>,
          %and3A_465 = arith.andi %get3A_464, %broadcast_in_dim3A_461 : vector<16xi32>
          %swap3A_466 = arith.constant 0 : index
          %swap3A_467 = tpu.vector_load %arg10[%swap3A_466] {strides = array<i32>} : memref<80xi32, #tpu.memory_space<vmem>>, vector<16xi32>,
          tpu.vector_store %arg10[%swap3A_466], %and3A_465 {strides = array<i32>} : memref<80xi32, #tpu.memory_space<vmem>>, vector<16xi32>,
          %shift_right_logical3A_468 = arith.constant 16 : i32
          %shift_right_logical3A_469 = vector.broadcast %shift_right_logical3A_468 : i32 to vector<16xi32>
          %shift_right_logical3A_470 = arith.shrui %get3A_464, %shift_right_logical3A_469 : vector<16xi32>
          %swap3A_471 = arith.constant 0 : index
          %swap3A_472 = tpu.vector_load %arg14[%swap3A_471] {strides = array<i32>} : memref<80xi32, #tpu.memory_space<vmem>>, vector<16xi32>,
          tpu.vector_store %arg14[%swap3A_471], %shift_right_logical3A_470 {strides = array<i32>} : memref<80xi32, #tpu.memory_space<vmem>>, vector<16xi32>,
          %get3A_473 = arith.index_cast %add3A_459 : i32 to index
          %get3A_474 = arith.constant 16 : index
          %get3A_475 = tpu.vector_load %arg8[%get3A_473, %get3A_474] {strides = array<i32>} : memref<64x80xi32, #tpu.memory_space<vmem>>, vector<16xi32>,
          %and3A_476 = arith.andi %get3A_475, %broadcast_in_dim3A_461 : vector<16xi32>
          %swap3A_477 = arith.constant 16 : index
          %swap3A_478 = tpu.vector_load %arg10[%swap3A_477] {strides = array<i32>} : memref<80xi32, #tpu.memory_space<vmem>>, vector<16xi32>,
          tpu.vector_store %arg10[%swap3A_477], %and3A_476 {strides = array<i32>} : memref<80xi32, #tpu.memory_space<vmem>>, vector<16xi32>,
          %shift_right_logical3A_479 = arith.constant 16 : i32
          %shift_right_logical3A_480 = vector.broadcast %shift_right_logical3A_479 : i32 to vector<16xi32>
          %shift_right_logical3A_481 = arith.shrui %get3A_475, %shift_right_logical3A_480 : vector<16xi32>
          %swap3A_482 = arith.constant 16 : index
          %swap3A_483 = tpu.vector_load %arg14[%swap3A_482] {strides = array<i32>} : memref<80xi32, #tpu.memory_space<vmem>>, vector<16xi32>,
          tpu.vector_store %arg14[%swap3A_482], %shift_right_logical3A_481 {strides = array<i32>} : memref<80xi32, #tpu.memory_space<vmem>>, vector<16xi32>,
          %get3A_484 = arith.index_cast %add3A_459 : i32 to index
          %get3A_485 = arith.constant 32 : index
          %get3A_486 = tpu.vector_load %arg8[%get3A_484, %get3A_485] {strides = array<i32>} : memref<64x80xi32, #tpu.memory_space<vmem>>, vector<16xi32>,
          %and3A_487 = arith.andi %get3A_486, %broadcast_in_dim3A_461 : vector<16xi32>
          %swap3A_488 = arith.constant 32 : index
          %swap3A_489 = tpu.vector_load %arg10[%swap3A_488] {strides = array<i32>} : memref<80xi32, #tpu.memory_space<vmem>>, vector<16xi32>,
          tpu.vector_store %arg10[%swap3A_488], %and3A_487 {strides = array<i32>} : memref<80xi32, #tpu.memory_space<vmem>>, vector<16xi32>,
          %shift_right_logical3A_490 = arith.constant 16 : i32
          %shift_right_logical3A_491 = vector.broadcast %shift_right_logical3A_490 : i32 to vector<16xi32>
          %shift_right_logical3A_492 = arith.shrui %get3A_486, %shift_right_logical3A_491 : vector<16xi32>
          %swap3A_493 = arith.constant 32 : index
          %swap3A_494 = tpu.vector_load %arg14[%swap3A_493] {strides = array<i32>} : memref<80xi32, #tpu.memory_space<vmem>>, vector<16xi32>,
          tpu.vector_store %arg14[%swap3A_493], %shift_right_logical3A_492 {strides = array<i32>} : memref<80xi32, #tpu.memory_space<vmem>>, vector<16xi32>,
          %get3A_495 = arith.index_cast %add3A_459 : i32 to index
          %get3A_496 = arith.constant 48 : index
          %get3A_497 = tpu.vector_load %arg8[%get3A_495, %get3A_496] {strides = array<i32>} : memref<64x80xi32, #tpu.memory_space<vmem>>, vector<16xi32>,
          %and3A_498 = arith.andi %get3A_497, %broadcast_in_dim3A_461 : vector<16xi32>
          %swap3A_499 = arith.constant 48 : index
          %swap3A_500 = tpu.vector_load %arg10[%swap3A_499] {strides = array<i32>} : memref<80xi32, #tpu.memory_space<vmem>>, vector<16xi32>,
          tpu.vector_store %arg10[%swap3A_499], %and3A_498 {strides = array<i32>} : memref<80xi32, #tpu.memory_space<vmem>>, vector<16xi32>,
          %shift_right_logical3A_501 = arith.constant 16 : i32
          %shift_right_logical3A_502 = vector.broadcast %shift_right_logical3A_501 : i32 to vector<16xi32>
          %shift_right_logical3A_503 = arith.shrui %get3A_497, %shift_right_logical3A_502 : vector<16xi32>
          %swap3A_504 = arith.constant 48 : index
          %swap3A_505 = tpu.vector_load %arg14[%swap3A_504] {strides = array<i32>} : memref<80xi32, #tpu.memory_space<vmem>>, vector<16xi32>,
          tpu.vector_store %arg14[%swap3A_504], %shift_right_logical3A_503 {strides = array<i32>} : memref<80xi32, #tpu.memory_space<vmem>>, vector<16xi32>,
          %get3A_506 = arith.index_cast %add3A_459 : i32 to index
          %get3A_507 = arith.constant 64 : index
          %get3A_508 = tpu.vector_load %arg8[%get3A_506, %get3A_507] {strides = array<i32>} : memref<64x80xi32, #tpu.memory_space<vmem>>, vector<16xi32>,
          %and3A_509 = arith.andi %get3A_508, %broadcast_in_dim3A_461 : vector<16xi32>
          %swap3A_510 = arith.constant 64 : index
          %swap3A_511 = tpu.vector_load %arg10[%swap3A_510] {strides = array<i32>} : memref<80xi32, #tpu.memory_space<vmem>>, vector<16xi32>,
          tpu.vector_store %arg10[%swap3A_510], %and3A_509 {strides = array<i32>} : memref<80xi32, #tpu.memory_space<vmem>>, vector<16xi32>,
          %shift_right_logical3A_512 = arith.constant 16 : i32
          %shift_right_logical3A_513 = vector.broadcast %shift_right_logical3A_512 : i32 to vector<16xi32>
          %shift_right_logical3A_514 = arith.shrui %get3A_508, %shift_right_logical3A_513 : vector<16xi32>
          %swap3A_515 = arith.constant 64 : index
          %swap3A_516 = tpu.vector_load %arg14[%swap3A_515] {strides = array<i32>} : memref<80xi32, #tpu.memory_space<vmem>>, vector<16xi32>,
          tpu.vector_store %arg14[%swap3A_515], %shift_right_logical3A_514 {strides = array<i32>} : memref<80xi32, #tpu.memory_space<vmem>>, vector<16xi32>,
          %dma_start3A_517 = arith.constant 0 : i32
          %dma_start3A_518 = arith.constant 0 : i32
          %dma_start3A_519 = tpu.memref_slice %arg2[%dma_start3A_517, %dma_start3A_518] : memref<10000x64xi32, #tpu.memory_space<hbm>> -> memref<10000x64xi32, #tpu.memory_space<hbm>>
          tpu.enqueue_indirect_dma source(%dma_start3A_519 : memref<10000x64xi32, #tpu.memory_space<hbm>>) target(%arg30 : memref<80x64xi32, #tpu.memory_space<vmem>>) offsets(%arg10 : memref<80xi32, #tpu.memory_space<vmem>>) semaphore(%arg36 : memref<!tpu.dma_semaphore, #tpu.memory_space<semaphore_mem>>)
          %dma_start3A_520 = arith.constant 0 : i32
          %dma_start3A_521 = tpu.memref_slice %arg3[%dma_start3A_520] : memref<10000xf32, #tpu.memory_space<hbm>> -> memref<10000xf32, #tpu.memory_space<hbm>>
          tpu.enqueue_indirect_dma source(%dma_start3A_521 : memref<10000xf32, #tpu.memory_space<hbm>>) target(%arg22 : memref<80xf32, #tpu.memory_space<vmem>>) offsets(%arg10 : memref<80xi32, #tpu.memory_space<vmem>>) semaphore(%arg36 : memref<!tpu.dma_semaphore, #tpu.memory_space<semaphore_mem>>)
          %dma_start3A_522 = arith.constant 0 : i32
          %dma_start3A_523 = tpu.memref_slice %arg4[%dma_start3A_522] : memref<10000xf32, #tpu.memory_space<hbm>> -> memref<10000xf32, #tpu.memory_space<hbm>>
          tpu.enqueue_indirect_dma source(%dma_start3A_523 : memref<10000xf32, #tpu.memory_space<hbm>>) target(%arg26 : memref<80xf32, #tpu.memory_space<vmem>>) offsets(%arg14 : memref<80xi32, #tpu.memory_space<vmem>>) semaphore(%arg36 : memref<!tpu.dma_semaphore, #tpu.memory_space<semaphore_mem>>)
        } else {
        }
      } else {
      }
      %scan3A_372 = arith.constant 0 : i32
      scf.yield %scan3A_372 : i32
    }
    %scan3A_156 = arith.constant 16 : i32
    %dma_wait3A = arith.constant 0 : i32
    %dma_wait3A_157 = arith.constant 0 : i32
    %dma_wait3A_158 = tpu.memref_slice %arg33[%dma_wait3A, %dma_wait3A_157] : memref<10000x128xf32, #tpu.memory_space<vmem_shared>> -> memref<10000x128xf32, #tpu.memory_space<vmem_shared>>
    tpu.wait_indirect_dma semaphore(%arg37 : memref<!tpu.dma_semaphore, #tpu.memory_space<semaphore_mem>>) src(%arg31 : memref<80x128xf32, #tpu.memory_space<vmem>>) dst(%dma_wait3A_158 : memref<10000x128xf32, #tpu.memory_space<vmem_shared>>)
    %dma_wait3A_159 = arith.constant 0 : i32
    %dma_wait3A_160 = tpu.memref_slice %arg19[%dma_wait3A_159] : memref<96xf32, #tpu.memory_space<vmem>> -> memref<80xf32, #tpu.memory_space<vmem>>
    %dma_wait3A_161 = arith.constant 0 : i32
    %dma_wait3A_162 = tpu.memref_slice %arg34[%dma_wait3A_161] : memref<10000xf32, #tpu.memory_space<vmem_shared>> -> memref<10000xf32, #tpu.memory_space<vmem_shared>>
    tpu.wait_indirect_dma semaphore(%arg37 : memref<!tpu.dma_semaphore, #tpu.memory_space<semaphore_mem>>) src(%dma_wait3A_160 : memref<80xf32, #tpu.memory_space<vmem>>) dst(%dma_wait3A_162 : memref<10000xf32, #tpu.memory_space<vmem_shared>>)
    %dma_wait3A_163 = arith.constant 0 : i32
    %dma_wait3A_164 = arith.constant 0 : i32
    %dma_wait3A_165 = tpu.memref_slice %arg33[%dma_wait3A_163, %dma_wait3A_164] : memref<10000x128xf32, #tpu.memory_space<vmem_shared>> -> memref<10000x128xf32, #tpu.memory_space<vmem_shared>>
    tpu.wait_indirect_dma semaphore(%arg38 : memref<!tpu.dma_semaphore, #tpu.memory_space<semaphore_mem>>) src(%arg32 : memref<80x128xf32, #tpu.memory_space<vmem>>) dst(%dma_wait3A_165 : memref<10000x128xf32, #tpu.memory_space<vmem_shared>>)
    %dma_wait3A_166 = arith.constant 0 : i32
    %dma_wait3A_167 = tpu.memref_slice %arg20[%dma_wait3A_166] : memref<96xf32, #tpu.memory_space<vmem>> -> memref<80xf32, #tpu.memory_space<vmem>>
    %dma_wait3A_168 = arith.constant 0 : i32
    %dma_wait3A_169 = tpu.memref_slice %arg34[%dma_wait3A_168] : memref<10000xf32, #tpu.memory_space<vmem_shared>> -> memref<10000xf32, #tpu.memory_space<vmem_shared>>
    tpu.wait_indirect_dma semaphore(%arg38 : memref<!tpu.dma_semaphore, #tpu.memory_space<semaphore_mem>>) src(%dma_wait3A_167 : memref<80xf32, #tpu.memory_space<vmem>>) dst(%dma_wait3A_169 : memref<10000xf32, #tpu.memory_space<vmem_shared>>)
    "tpu.region"() ({
      %run_scoped3A = tpu.sem_alloc : memref<!tpu.dma_semaphore, #tpu.memory_space<semaphore_mem>>
      %dma_start3A_337 = arith.constant 0 : i32
      %dma_start3A_338 = arith.constant 0 : i32
      %dma_start3A_339 = tpu.memref_slice %arg8[%dma_start3A_337, %dma_start3A_338] : memref<64x80xi32, #tpu.memory_space<vmem>> -> memref<61x80xi32, #tpu.memory_space<vmem>>
      %dma_start3A_340 = arith.constant 64 : i32
      %dma_start3A_341 = arith.constant 0 : i32
      %dma_start3A_342 = tpu.memref_slice %arg5[%add3A, %dma_start3A_340, %dma_start3A_341] : memref<32x125x80xi32, #tpu.memory_space<hbm>> -> memref<1x61x80xi32, #tpu.memory_space<hbm>>
      %dma_start3A_343 = tpu.memref_squeeze %dma_start3A_342 : memref<1x61x80xi32, #tpu.memory_space<hbm>> -> memref<61x80xi32, #tpu.memory_space<hbm>>
      %dma_start3A_344 = arith.constant 0 : i32
      %dma_start3A_345 = arith.constant 0 : i32
      %dma_start3A_346 = tpu.memref_slice %arg8[%dma_start3A_344, %dma_start3A_345] : memref<64x80xi32, #tpu.memory_space<vmem>> -> memref<61x80xi32, #tpu.memory_space<vmem>>
      %dma_start3A_347 = arith.constant 64 : i32
      %dma_start3A_348 = arith.constant 0 : i32
      %dma_start3A_349 = tpu.memref_slice %arg5[%add3A, %dma_start3A_347, %dma_start3A_348] : memref<32x125x80xi32, #tpu.memory_space<hbm>> -> memref<1x61x80xi32, #tpu.memory_space<hbm>>
      %dma_start3A_350 = tpu.memref_squeeze %dma_start3A_349 : memref<1x61x80xi32, #tpu.memory_space<hbm>> -> memref<61x80xi32, #tpu.memory_space<hbm>>
      tpu.enqueue_dma source(%dma_start3A_350 : memref<61x80xi32, #tpu.memory_space<hbm>>) target(%dma_start3A_346 : memref<61x80xi32, #tpu.memory_space<vmem>>) target_semaphore(%run_scoped3A : memref<!tpu.dma_semaphore, #tpu.memory_space<semaphore_mem>>)
      %dma_wait3A_351 = arith.constant 0 : i32
      %dma_wait3A_352 = arith.constant 0 : i32
      %dma_wait3A_353 = tpu.memref_slice %arg8[%dma_wait3A_351, %dma_wait3A_352] : memref<64x80xi32, #tpu.memory_space<vmem>> -> memref<61x80xi32, #tpu.memory_space<vmem>>
      %dma_wait3A_354 = arith.constant 64 : i32
      %dma_wait3A_355 = arith.constant 0 : i32
      %dma_wait3A_356 = tpu.memref_slice %arg5[%add3A, %dma_wait3A_354, %dma_wait3A_355] : memref<32x125x80xi32, #tpu.memory_space<hbm>> -> memref<1x61x80xi32, #tpu.memory_space<hbm>>
      %dma_wait3A_357 = tpu.memref_squeeze %dma_wait3A_356 : memref<1x61x80xi32, #tpu.memory_space<hbm>> -> memref<61x80xi32, #tpu.memory_space<hbm>>
      %dma_wait3A_358 = arith.constant 0 : i32
      %dma_wait3A_359 = arith.constant 0 : i32
      %dma_wait3A_360 = tpu.memref_slice %arg8[%dma_wait3A_358, %dma_wait3A_359] : memref<64x80xi32, #tpu.memory_space<vmem>> -> memref<61x80xi32, #tpu.memory_space<vmem>>
      %dma_wait3A_361 = arith.constant 64 : i32
      %dma_wait3A_362 = arith.constant 0 : i32
      %dma_wait3A_363 = tpu.memref_slice %arg5[%add3A, %dma_wait3A_361, %dma_wait3A_362] : memref<32x125x80xi32, #tpu.memory_space<hbm>> -> memref<1x61x80xi32, #tpu.memory_space<hbm>>
      %dma_wait3A_364 = tpu.memref_squeeze %dma_wait3A_363 : memref<1x61x80xi32, #tpu.memory_space<hbm>> -> memref<61x80xi32, #tpu.memory_space<hbm>>
      tpu.wait_dma2 semaphore(%run_scoped3A : memref<!tpu.dma_semaphore, #tpu.memory_space<semaphore_mem>>) src(%dma_wait3A_364 : memref<61x80xi32, #tpu.memory_space<hbm>>) dst(%dma_wait3A_360 : memref<61x80xi32, #tpu.memory_space<vmem>>)
      tpu.yield
    }) : () -> ()
    %broadcast_in_dim3A_170 = arith.constant 65535 : i32
    %broadcast_in_dim3A_171 = vector.broadcast %broadcast_in_dim3A_170 : i32 to vector<16xi32>
    %get3A_172 = arith.constant 0 : i32
    %get3A_173 = arith.index_cast %get3A_172 : i32 to index
    %get3A_174 = arith.constant 0 : index
    %get3A_175 = tpu.vector_load %arg8[%get3A_173, %get3A_174] {strides = array<i32>} : memref<64x80xi32, #tpu.memory_space<vmem>>, vector<16xi32>,
    %and3A_176 = arith.andi %get3A_175, %broadcast_in_dim3A_171 : vector<16xi32>
    %swap3A_177 = arith.constant 0 : index
    %swap3A_178 = tpu.vector_load %arg9[%swap3A_177] {strides = array<i32>} : memref<80xi32, #tpu.memory_space<vmem>>, vector<16xi32>,
    tpu.vector_store %arg9[%swap3A_177], %and3A_176 {strides = array<i32>} : memref<80xi32, #tpu.memory_space<vmem>>, vector<16xi32>,
    %shift_right_logical3A_179 = arith.constant 16 : i32
    %shift_right_logical3A_180 = vector.broadcast %shift_right_logical3A_179 : i32 to vector<16xi32>
    %shift_right_logical3A_181 = arith.shrui %get3A_175, %shift_right_logical3A_180 : vector<16xi32>
    %swap3A_182 = arith.constant 0 : index
    %swap3A_183 = tpu.vector_load %arg13[%swap3A_182] {strides = array<i32>} : memref<80xi32, #tpu.memory_space<vmem>>, vector<16xi32>,
    tpu.vector_store %arg13[%swap3A_182], %shift_right_logical3A_181 {strides = array<i32>} : memref<80xi32, #tpu.memory_space<vmem>>, vector<16xi32>,
    %get3A_184 = arith.constant 0 : i32
    %get3A_185 = arith.index_cast %get3A_184 : i32 to index
    %get3A_186 = arith.constant 16 : index
    %get3A_187 = tpu.vector_load %arg8[%get3A_185, %get3A_186] {strides = array<i32>} : memref<64x80xi32, #tpu.memory_space<vmem>>, vector<16xi32>,
    %and3A_188 = arith.andi %get3A_187, %broadcast_in_dim3A_171 : vector<16xi32>
    %swap3A_189 = arith.constant 16 : index
    %swap3A_190 = tpu.vector_load %arg9[%swap3A_189] {strides = array<i32>} : memref<80xi32, #tpu.memory_space<vmem>>, vector<16xi32>,
    tpu.vector_store %arg9[%swap3A_189], %and3A_188 {strides = array<i32>} : memref<80xi32, #tpu.memory_space<vmem>>, vector<16xi32>,
    %shift_right_logical3A_191 = arith.constant 16 : i32
    %shift_right_logical3A_192 = vector.broadcast %shift_right_logical3A_191 : i32 to vector<16xi32>
    %shift_right_logical3A_193 = arith.shrui %get3A_187, %shift_right_logical3A_192 : vector<16xi32>
    %swap3A_194 = arith.constant 16 : index
    %swap3A_195 = tpu.vector_load %arg13[%swap3A_194] {strides = array<i32>} : memref<80xi32, #tpu.memory_space<vmem>>, vector<16xi32>,
    tpu.vector_store %arg13[%swap3A_194], %shift_right_logical3A_193 {strides = array<i32>} : memref<80xi32, #tpu.memory_space<vmem>>, vector<16xi32>,
    %get3A_196 = arith.constant 0 : i32
    %get3A_197 = arith.index_cast %get3A_196 : i32 to index
    %get3A_198 = arith.constant 32 : index
    %get3A_199 = tpu.vector_load %arg8[%get3A_197, %get3A_198] {strides = array<i32>} : memref<64x80xi32, #tpu.memory_space<vmem>>, vector<16xi32>,
    %and3A_200 = arith.andi %get3A_199, %broadcast_in_dim3A_171 : vector<16xi32>
    %swap3A_201 = arith.constant 32 : index
    %swap3A_202 = tpu.vector_load %arg9[%swap3A_201] {strides = array<i32>} : memref<80xi32, #tpu.memory_space<vmem>>, vector<16xi32>,
    tpu.vector_store %arg9[%swap3A_201], %and3A_200 {strides = array<i32>} : memref<80xi32, #tpu.memory_space<vmem>>, vector<16xi32>,
    %shift_right_logical3A_203 = arith.constant 16 : i32
    %shift_right_logical3A_204 = vector.broadcast %shift_right_logical3A_203 : i32 to vector<16xi32>
    %shift_right_logical3A_205 = arith.shrui %get3A_199, %shift_right_logical3A_204 : vector<16xi32>
    %swap3A_206 = arith.constant 32 : index
    %swap3A_207 = tpu.vector_load %arg13[%swap3A_206] {strides = array<i32>} : memref<80xi32, #tpu.memory_space<vmem>>, vector<16xi32>,
    tpu.vector_store %arg13[%swap3A_206], %shift_right_logical3A_205 {strides = array<i32>} : memref<80xi32, #tpu.memory_space<vmem>>, vector<16xi32>,
    %get3A_208 = arith.constant 0 : i32
    %get3A_209 = arith.index_cast %get3A_208 : i32 to index
    %get3A_210 = arith.constant 48 : index
    %get3A_211 = tpu.vector_load %arg8[%get3A_209, %get3A_210] {strides = array<i32>} : memref<64x80xi32, #tpu.memory_space<vmem>>, vector<16xi32>,
    %and3A_212 = arith.andi %get3A_211, %broadcast_in_dim3A_171 : vector<16xi32>
    %swap3A_213 = arith.constant 48 : index
    %swap3A_214 = tpu.vector_load %arg9[%swap3A_213] {strides = array<i32>} : memref<80xi32, #tpu.memory_space<vmem>>, vector<16xi32>,
    tpu.vector_store %arg9[%swap3A_213], %and3A_212 {strides = array<i32>} : memref<80xi32, #tpu.memory_space<vmem>>, vector<16xi32>,
    %shift_right_logical3A_215 = arith.constant 16 : i32
    %shift_right_logical3A_216 = vector.broadcast %shift_right_logical3A_215 : i32 to vector<16xi32>
    %shift_right_logical3A_217 = arith.shrui %get3A_211, %shift_right_logical3A_216 : vector<16xi32>
    %swap3A_218 = arith.constant 48 : index
    %swap3A_219 = tpu.vector_load %arg13[%swap3A_218] {strides = array<i32>} : memref<80xi32, #tpu.memory_space<vmem>>, vector<16xi32>,
    tpu.vector_store %arg13[%swap3A_218], %shift_right_logical3A_217 {strides = array<i32>} : memref<80xi32, #tpu.memory_space<vmem>>, vector<16xi32>,
    %get3A_220 = arith.constant 0 : i32
    %get3A_221 = arith.index_cast %get3A_220 : i32 to index
    %get3A_222 = arith.constant 64 : index
    %get3A_223 = tpu.vector_load %arg8[%get3A_221, %get3A_222] {strides = array<i32>} : memref<64x80xi32, #tpu.memory_space<vmem>>, vector<16xi32>,
    %and3A_224 = arith.andi %get3A_223, %broadcast_in_dim3A_171 : vector<16xi32>
    %swap3A_225 = arith.constant 64 : index
    %swap3A_226 = tpu.vector_load %arg9[%swap3A_225] {strides = array<i32>} : memref<80xi32, #tpu.memory_space<vmem>>, vector<16xi32>,
    tpu.vector_store %arg9[%swap3A_225], %and3A_224 {strides = array<i32>} : memref<80xi32, #tpu.memory_space<vmem>>, vector<16xi32>,
    %shift_right_logical3A_227 = arith.constant 16 : i32
    %shift_right_logical3A_228 = vector.broadcast %shift_right_logical3A_227 : i32 to vector<16xi32>
    %shift_right_logical3A_229 = arith.shrui %get3A_223, %shift_right_logical3A_228 : vector<16xi32>
    %swap3A_230 = arith.constant 64 : index
    %swap3A_231 = tpu.vector_load %arg13[%swap3A_230] {strides = array<i32>} : memref<80xi32, #tpu.memory_space<vmem>>, vector<16xi32>,
    tpu.vector_store %arg13[%swap3A_230], %shift_right_logical3A_229 {strides = array<i32>} : memref<80xi32, #tpu.memory_space<vmem>>, vector<16xi32>,
    %dma_start3A_232 = arith.constant 0 : i32
    %dma_start3A_233 = arith.constant 0 : i32
    %dma_start3A_234 = tpu.memref_slice %arg2[%dma_start3A_232, %dma_start3A_233] : memref<10000x64xi32, #tpu.memory_space<hbm>> -> memref<10000x64xi32, #tpu.memory_space<hbm>>
    tpu.enqueue_indirect_dma source(%dma_start3A_234 : memref<10000x64xi32, #tpu.memory_space<hbm>>) target(%arg29 : memref<80x64xi32, #tpu.memory_space<vmem>>) offsets(%arg9 : memref<80xi32, #tpu.memory_space<vmem>>) semaphore(%arg35 : memref<!tpu.dma_semaphore, #tpu.memory_space<semaphore_mem>>)
    %dma_start3A_235 = arith.constant 0 : i32
    %dma_start3A_236 = tpu.memref_slice %arg3[%dma_start3A_235] : memref<10000xf32, #tpu.memory_space<hbm>> -> memref<10000xf32, #tpu.memory_space<hbm>>
    tpu.enqueue_indirect_dma source(%dma_start3A_236 : memref<10000xf32, #tpu.memory_space<hbm>>) target(%arg21 : memref<80xf32, #tpu.memory_space<vmem>>) offsets(%arg9 : memref<80xi32, #tpu.memory_space<vmem>>) semaphore(%arg35 : memref<!tpu.dma_semaphore, #tpu.memory_space<semaphore_mem>>)
    %dma_start3A_237 = arith.constant 0 : i32
    %dma_start3A_238 = tpu.memref_slice %arg4[%dma_start3A_237] : memref<10000xf32, #tpu.memory_space<hbm>> -> memref<10000xf32, #tpu.memory_space<hbm>>
    tpu.enqueue_indirect_dma source(%dma_start3A_238 : memref<10000xf32, #tpu.memory_space<hbm>>) target(%arg25 : memref<80xf32, #tpu.memory_space<vmem>>) offsets(%arg13 : memref<80xi32, #tpu.memory_space<vmem>>) semaphore(%arg35 : memref<!tpu.dma_semaphore, #tpu.memory_space<semaphore_mem>>)
    %broadcast_in_dim3A_239 = arith.constant 65535 : i32
    %broadcast_in_dim3A_240 = vector.broadcast %broadcast_in_dim3A_239 : i32 to vector<16xi32>
    %get3A_241 = arith.constant 1 : i32
    %get3A_242 = arith.index_cast %get3A_241 : i32 to index
    %get3A_243 = arith.constant 0 : index
    %get3A_244 = tpu.vector_load %arg8[%get3A_242, %get3A_243] {strides = array<i32>} : memref<64x80xi32, #tpu.memory_space<vmem>>, vector<16xi32>,
    %and3A_245 = arith.andi %get3A_244, %broadcast_in_dim3A_240 : vector<16xi32>
    %swap3A_246 = arith.constant 0 : index
    %swap3A_247 = tpu.vector_load %arg10[%swap3A_246] {strides = array<i32>} : memref<80xi32, #tpu.memory_space<vmem>>, vector<16xi32>,
    tpu.vector_store %arg10[%swap3A_246], %and3A_245 {strides = array<i32>} : memref<80xi32, #tpu.memory_space<vmem>>, vector<16xi32>,
    %shift_right_logical3A_248 = arith.constant 16 : i32
    %shift_right_logical3A_249 = vector.broadcast %shift_right_logical3A_248 : i32 to vector<16xi32>
    %shift_right_logical3A_250 = arith.shrui %get3A_244, %shift_right_logical3A_249 : vector<16xi32>
    %swap3A_251 = arith.constant 0 : index
    %swap3A_252 = tpu.vector_load %arg14[%swap3A_251] {strides = array<i32>} : memref<80xi32, #tpu.memory_space<vmem>>, vector<16xi32>,
    tpu.vector_store %arg14[%swap3A_251], %shift_right_logical3A_250 {strides = array<i32>} : memref<80xi32, #tpu.memory_space<vmem>>, vector<16xi32>,
    %get3A_253 = arith.constant 1 : i32
    %get3A_254 = arith.index_cast %get3A_253 : i32 to index
    %get3A_255 = arith.constant 16 : index
    %get3A_256 = tpu.vector_load %arg8[%get3A_254, %get3A_255] {strides = array<i32>} : memref<64x80xi32, #tpu.memory_space<vmem>>, vector<16xi32>,
    %and3A_257 = arith.andi %get3A_256, %broadcast_in_dim3A_240 : vector<16xi32>
    %swap3A_258 = arith.constant 16 : index
    %swap3A_259 = tpu.vector_load %arg10[%swap3A_258] {strides = array<i32>} : memref<80xi32, #tpu.memory_space<vmem>>, vector<16xi32>,
    tpu.vector_store %arg10[%swap3A_258], %and3A_257 {strides = array<i32>} : memref<80xi32, #tpu.memory_space<vmem>>, vector<16xi32>,
    %shift_right_logical3A_260 = arith.constant 16 : i32
    %shift_right_logical3A_261 = vector.broadcast %shift_right_logical3A_260 : i32 to vector<16xi32>
    %shift_right_logical3A_262 = arith.shrui %get3A_256, %shift_right_logical3A_261 : vector<16xi32>
    %swap3A_263 = arith.constant 16 : index
    %swap3A_264 = tpu.vector_load %arg14[%swap3A_263] {strides = array<i32>} : memref<80xi32, #tpu.memory_space<vmem>>, vector<16xi32>,
    tpu.vector_store %arg14[%swap3A_263], %shift_right_logical3A_262 {strides = array<i32>} : memref<80xi32, #tpu.memory_space<vmem>>, vector<16xi32>,
    %get3A_265 = arith.constant 1 : i32
    %get3A_266 = arith.index_cast %get3A_265 : i32 to index
    %get3A_267 = arith.constant 32 : index
    %get3A_268 = tpu.vector_load %arg8[%get3A_266, %get3A_267] {strides = array<i32>} : memref<64x80xi32, #tpu.memory_space<vmem>>, vector<16xi32>,
    %and3A_269 = arith.andi %get3A_268, %broadcast_in_dim3A_240 : vector<16xi32>
    %swap3A_270 = arith.constant 32 : index
    %swap3A_271 = tpu.vector_load %arg10[%swap3A_270] {strides = array<i32>} : memref<80xi32, #tpu.memory_space<vmem>>, vector<16xi32>,
    tpu.vector_store %arg10[%swap3A_270], %and3A_269 {strides = array<i32>} : memref<80xi32, #tpu.memory_space<vmem>>, vector<16xi32>,
    %shift_right_logical3A_272 = arith.constant 16 : i32
    %shift_right_logical3A_273 = vector.broadcast %shift_right_logical3A_272 : i32 to vector<16xi32>
    %shift_right_logical3A_274 = arith.shrui %get3A_268, %shift_right_logical3A_273 : vector<16xi32>
    %swap3A_275 = arith.constant 32 : index
    %swap3A_276 = tpu.vector_load %arg14[%swap3A_275] {strides = array<i32>} : memref<80xi32, #tpu.memory_space<vmem>>, vector<16xi32>,
    tpu.vector_store %arg14[%swap3A_275], %shift_right_logical3A_274 {strides = array<i32>} : memref<80xi32, #tpu.memory_space<vmem>>, vector<16xi32>,
    %get3A_277 = arith.constant 1 : i32
    %get3A_278 = arith.index_cast %get3A_277 : i32 to index
    %get3A_279 = arith.constant 48 : index
    %get3A_280 = tpu.vector_load %arg8[%get3A_278, %get3A_279] {strides = array<i32>} : memref<64x80xi32, #tpu.memory_space<vmem>>, vector<16xi32>,
    %and3A_281 = arith.andi %get3A_280, %broadcast_in_dim3A_240 : vector<16xi32>
    %swap3A_282 = arith.constant 48 : index
    %swap3A_283 = tpu.vector_load %arg10[%swap3A_282] {strides = array<i32>} : memref<80xi32, #tpu.memory_space<vmem>>, vector<16xi32>,
    tpu.vector_store %arg10[%swap3A_282], %and3A_281 {strides = array<i32>} : memref<80xi32, #tpu.memory_space<vmem>>, vector<16xi32>,
    %shift_right_logical3A_284 = arith.constant 16 : i32
    %shift_right_logical3A_285 = vector.broadcast %shift_right_logical3A_284 : i32 to vector<16xi32>
    %shift_right_logical3A_286 = arith.shrui %get3A_280, %shift_right_logical3A_285 : vector<16xi32>
    %swap3A_287 = arith.constant 48 : index
    %swap3A_288 = tpu.vector_load %arg14[%swap3A_287] {strides = array<i32>} : memref<80xi32, #tpu.memory_space<vmem>>, vector<16xi32>,
    tpu.vector_store %arg14[%swap3A_287], %shift_right_logical3A_286 {strides = array<i32>} : memref<80xi32, #tpu.memory_space<vmem>>, vector<16xi32>,
    %get3A_289 = arith.constant 1 : i32
    %get3A_290 = arith.index_cast %get3A_289 : i32 to index
    %get3A_291 = arith.constant 64 : index
    %get3A_292 = tpu.vector_load %arg8[%get3A_290, %get3A_291] {strides = array<i32>} : memref<64x80xi32, #tpu.memory_space<vmem>>, vector<16xi32>,
    %and3A_293 = arith.andi %get3A_292, %broadcast_in_dim3A_240 : vector<16xi32>
    %swap3A_294 = arith.constant 64 : index
    %swap3A_295 = tpu.vector_load %arg10[%swap3A_294] {strides = array<i32>} : memref<80xi32, #tpu.memory_space<vmem>>, vector<16xi32>,
    tpu.vector_store %arg10[%swap3A_294], %and3A_293 {strides = array<i32>} : memref<80xi32, #tpu.memory_space<vmem>>, vector<16xi32>,
    %shift_right_logical3A_296 = arith.constant 16 : i32
    %shift_right_logical3A_297 = vector.broadcast %shift_right_logical3A_296 : i32 to vector<16xi32>
    %shift_right_logical3A_298 = arith.shrui %get3A_292, %shift_right_logical3A_297 : vector<16xi32>
    %swap3A_299 = arith.constant 64 : index
    %swap3A_300 = tpu.vector_load %arg14[%swap3A_299] {strides = array<i32>} : memref<80xi32, #tpu.memory_space<vmem>>, vector<16xi32>,
    tpu.vector_store %arg14[%swap3A_299], %shift_right_logical3A_298 {strides = array<i32>} : memref<80xi32, #tpu.memory_space<vmem>>, vector<16xi32>,
    %dma_start3A_301 = arith.constant 0 : i32
    %dma_start3A_302 = arith.constant 0 : i32
    %dma_start3A_303 = tpu.memref_slice %arg2[%dma_start3A_301, %dma_start3A_302] : memref<10000x64xi32, #tpu.memory_space<hbm>> -> memref<10000x64xi32, #tpu.memory_space<hbm>>
    tpu.enqueue_indirect_dma source(%dma_start3A_303 : memref<10000x64xi32, #tpu.memory_space<hbm>>) target(%arg30 : memref<80x64xi32, #tpu.memory_space<vmem>>) offsets(%arg10 : memref<80xi32, #tpu.memory_space<vmem>>) semaphore(%arg36 : memref<!tpu.dma_semaphore, #tpu.memory_space<semaphore_mem>>)
    %dma_start3A_304 = arith.constant 0 : i32
    %dma_start3A_305 = tpu.memref_slice %arg3[%dma_start3A_304] : memref<10000xf32, #tpu.memory_space<hbm>> -> memref<10000xf32, #tpu.memory_space<hbm>>
    tpu.enqueue_indirect_dma source(%dma_start3A_305 : memref<10000xf32, #tpu.memory_space<hbm>>) target(%arg22 : memref<80xf32, #tpu.memory_space<vmem>>) offsets(%arg10 : memref<80xi32, #tpu.memory_space<vmem>>) semaphore(%arg36 : memref<!tpu.dma_semaphore, #tpu.memory_space<semaphore_mem>>)
    %dma_start3A_306 = arith.constant 0 : i32
    %dma_start3A_307 = tpu.memref_slice %arg4[%dma_start3A_306] : memref<10000xf32, #tpu.memory_space<hbm>> -> memref<10000xf32, #tpu.memory_space<hbm>>
    tpu.enqueue_indirect_dma source(%dma_start3A_307 : memref<10000xf32, #tpu.memory_space<hbm>>) target(%arg26 : memref<80xf32, #tpu.memory_space<vmem>>) offsets(%arg14 : memref<80xi32, #tpu.memory_space<vmem>>) semaphore(%arg36 : memref<!tpu.dma_semaphore, #tpu.memory_space<semaphore_mem>>)
    %scan3A_308 = arith.constant 0 : i32
    %scan3A_309 = arith.constant 0 : i32
    %scan3A_310 = arith.constant 16 : i32
    %scan3A_311 = arith.addi %scan3A_309, %scan3A_310 : i32
    %scan3A_312 = arith.constant 1 : i32
    %scan3A_313 = scf.for %scan3A_337 = %scan3A_309 to %scan3A_311 step %scan3A_312 iter_args(%scan3A_338 = %scan3A_308) -> (i32)  : i32 {
      %mul3A_339 = arith.constant 4 : i32
      %mul3A_340 = arith.muli %mul3A_339, %scan3A_337 : i32
      %add3A_341 = arith.constant 0 : i32
      %add3A_342 = arith.addi %mul3A_340, %add3A_341 : i32
      %lt3A = arith.constant 61 : i32
      %lt3A_343 = arith.cmpi slt, %add3A_342, %lt3A : i32
      %convert_element_type3A = arith.extui %lt3A_343 : i1 to i32
      %cond3A = arith.constant 0 : i32
      %cond3A_344 = arith.cmpi ne, %convert_element_type3A, %cond3A : i32
      scf.if %cond3A_344 {
        %dma_wait3A_373 = arith.constant 0 : i32
        %dma_wait3A_374 = arith.constant 0 : i32
        %dma_wait3A_375 = tpu.memref_slice %arg2[%dma_wait3A_373, %dma_wait3A_374] : memref<10000x64xi32, #tpu.memory_space<hbm>> -> memref<10000x64xi32, #tpu.memory_space<hbm>>
        tpu.wait_indirect_dma semaphore(%arg35 : memref<!tpu.dma_semaphore, #tpu.memory_space<semaphore_mem>>) src(%dma_wait3A_375 : memref<10000x64xi32, #tpu.memory_space<hbm>>) dst(%arg29 : memref<80x64xi32, #tpu.memory_space<vmem>>)
        %dma_wait3A_376 = arith.constant 0 : i32
        %dma_wait3A_377 = tpu.memref_slice %arg3[%dma_wait3A_376] : memref<10000xf32, #tpu.memory_space<hbm>> -> memref<10000xf32, #tpu.memory_space<hbm>>
        tpu.wait_indirect_dma semaphore(%arg35 : memref<!tpu.dma_semaphore, #tpu.memory_space<semaphore_mem>>) src(%dma_wait3A_377 : memref<10000xf32, #tpu.memory_space<hbm>>) dst(%arg21 : memref<80xf32, #tpu.memory_space<vmem>>)
        %dma_wait3A_378 = arith.constant 0 : i32
        %dma_wait3A_379 = tpu.memref_slice %arg4[%dma_wait3A_378] : memref<10000xf32, #tpu.memory_space<hbm>> -> memref<10000xf32, #tpu.memory_space<hbm>>
        tpu.wait_indirect_dma semaphore(%arg35 : memref<!tpu.dma_semaphore, #tpu.memory_space<semaphore_mem>>) src(%dma_wait3A_379 : memref<10000xf32, #tpu.memory_space<hbm>>) dst(%arg25 : memref<80xf32, #tpu.memory_space<vmem>>)
        %ge3A = arith.constant 2 : i32
        %ge3A_380 = arith.cmpi sge, %add3A_342, %ge3A : i32
        %convert_element_type3A_381 = arith.extui %ge3A_380 : i1 to i32
        %cond3A_382 = arith.constant 0 : i32
        %cond3A_383 = arith.cmpi ne, %convert_element_type3A_381, %cond3A_382 : i32
        scf.if %cond3A_383 {
          %dma_wait3A_458 = arith.constant 0 : i32
          %dma_wait3A_459 = arith.constant 0 : i32
          %dma_wait3A_460 = tpu.memref_slice %arg33[%dma_wait3A_458, %dma_wait3A_459] : memref<10000x128xf32, #tpu.memory_space<vmem_shared>> -> memref<10000x128xf32, #tpu.memory_space<vmem_shared>>
          tpu.wait_indirect_dma semaphore(%arg37 : memref<!tpu.dma_semaphore, #tpu.memory_space<semaphore_mem>>) src(%arg31 : memref<80x128xf32, #tpu.memory_space<vmem>>) dst(%dma_wait3A_460 : memref<10000x128xf32, #tpu.memory_space<vmem_shared>>)
          %dma_wait3A_461 = arith.constant 0 : i32
          %dma_wait3A_462 = tpu.memref_slice %arg19[%dma_wait3A_461] : memref<96xf32, #tpu.memory_space<vmem>> -> memref<80xf32, #tpu.memory_space<vmem>>
          %dma_wait3A_463 = arith.constant 0 : i32
          %dma_wait3A_464 = tpu.memref_slice %arg34[%dma_wait3A_463] : memref<10000xf32, #tpu.memory_space<vmem_shared>> -> memref<10000xf32, #tpu.memory_space<vmem_shared>>
          tpu.wait_indirect_dma semaphore(%arg37 : memref<!tpu.dma_semaphore, #tpu.memory_space<semaphore_mem>>) src(%dma_wait3A_462 : memref<80xf32, #tpu.memory_space<vmem>>) dst(%dma_wait3A_464 : memref<10000xf32, #tpu.memory_space<vmem_shared>>)
        } else {
        }
        %get3A_384 = arith.constant 0 : index
        %get3A_385 = tpu.vector_load %arg21[%get3A_384] {strides = array<i32>} : memref<80xf32, #tpu.memory_space<vmem>>, vector<16xf32>,
        %get3A_386 = arith.constant 0 : index
        %get3A_387 = tpu.vector_load %arg25[%get3A_386] {strides = array<i32>} : memref<80xf32, #tpu.memory_space<vmem>>, vector<16xf32>,
        %add3A_388 = arith.addf %get3A_385, %get3A_387 : vector<16xf32>
        %mul3A_389 = arith.constant 0.00999999977 : f32
        %mul3A_390 = vector.broadcast %mul3A_389 : f32 to vector<16xf32>
        %mul3A_391 = arith.mulf %add3A_388, %mul3A_390 : vector<16xf32>
        %max3A = arith.maximumf %add3A_388, %mul3A_391 : vector<16xf32>
        %exp3A = math.exp %max3A : vector<16xf32>
        %swap3A_392 = arith.constant 0 : index
        %swap3A_393 = tpu.vector_load %arg17[%swap3A_392] {strides = array<i32>} : memref<96xf32, #tpu.memory_space<vmem>>, vector<16xf32>,
        tpu.vector_store %arg17[%swap3A_392], %exp3A {strides = array<i32>} : memref<96xf32, #tpu.memory_space<vmem>>, vector<16xf32>,
        %get3A_394 = arith.constant 16 : index
        %get3A_395 = tpu.vector_load %arg21[%get3A_394] {strides = array<i32>} : memref<80xf32, #tpu.memory_space<vmem>>, vector<16xf32>,
        %get3A_396 = arith.constant 16 : index
        %get3A_397 = tpu.vector_load %arg25[%get3A_396] {strides = array<i32>} : memref<80xf32, #tpu.memory_space<vmem>>, vector<16xf32>,
        %add3A_398 = arith.addf %get3A_395, %get3A_397 : vector<16xf32>
        %mul3A_399 = arith.constant 0.00999999977 : f32
        %mul3A_400 = vector.broadcast %mul3A_399 : f32 to vector<16xf32>
        %mul3A_401 = arith.mulf %add3A_398, %mul3A_400 : vector<16xf32>
        %max3A_402 = arith.maximumf %add3A_398, %mul3A_401 : vector<16xf32>
        %exp3A_403 = math.exp %max3A_402 : vector<16xf32>
        %swap3A_404 = arith.constant 16 : index
        %swap3A_405 = tpu.vector_load %arg17[%swap3A_404] {strides = array<i32>} : memref<96xf32, #tpu.memory_space<vmem>>, vector<16xf32>,
        tpu.vector_store %arg17[%swap3A_404], %exp3A_403 {strides = array<i32>} : memref<96xf32, #tpu.memory_space<vmem>>, vector<16xf32>,
        %get3A_406 = arith.constant 32 : index
        %get3A_407 = tpu.vector_load %arg21[%get3A_406] {strides = array<i32>} : memref<80xf32, #tpu.memory_space<vmem>>, vector<16xf32>,
        %get3A_408 = arith.constant 32 : index
        %get3A_409 = tpu.vector_load %arg25[%get3A_408] {strides = array<i32>} : memref<80xf32, #tpu.memory_space<vmem>>, vector<16xf32>,
        %add3A_410 = arith.addf %get3A_407, %get3A_409 : vector<16xf32>
        %mul3A_411 = arith.constant 0.00999999977 : f32
        %mul3A_412 = vector.broadcast %mul3A_411 : f32 to vector<16xf32>
        %mul3A_413 = arith.mulf %add3A_410, %mul3A_412 : vector<16xf32>
        %max3A_414 = arith.maximumf %add3A_410, %mul3A_413 : vector<16xf32>
        %exp3A_415 = math.exp %max3A_414 : vector<16xf32>
        %swap3A_416 = arith.constant 32 : index
        %swap3A_417 = tpu.vector_load %arg17[%swap3A_416] {strides = array<i32>} : memref<96xf32, #tpu.memory_space<vmem>>, vector<16xf32>,
        tpu.vector_store %arg17[%swap3A_416], %exp3A_415 {strides = array<i32>} : memref<96xf32, #tpu.memory_space<vmem>>, vector<16xf32>,
        %get3A_418 = arith.constant 48 : index
        %get3A_419 = tpu.vector_load %arg21[%get3A_418] {strides = array<i32>} : memref<80xf32, #tpu.memory_space<vmem>>, vector<16xf32>,
        %get3A_420 = arith.constant 48 : index
        %get3A_421 = tpu.vector_load %arg25[%get3A_420] {strides = array<i32>} : memref<80xf32, #tpu.memory_space<vmem>>, vector<16xf32>,
        %add3A_422 = arith.addf %get3A_419, %get3A_421 : vector<16xf32>
        %mul3A_423 = arith.constant 0.00999999977 : f32
        %mul3A_424 = vector.broadcast %mul3A_423 : f32 to vector<16xf32>
        %mul3A_425 = arith.mulf %add3A_422, %mul3A_424 : vector<16xf32>
        %max3A_426 = arith.maximumf %add3A_422, %mul3A_425 : vector<16xf32>
        %exp3A_427 = math.exp %max3A_426 : vector<16xf32>
        %swap3A_428 = arith.constant 48 : index
        %swap3A_429 = tpu.vector_load %arg17[%swap3A_428] {strides = array<i32>} : memref<96xf32, #tpu.memory_space<vmem>>, vector<16xf32>,
        tpu.vector_store %arg17[%swap3A_428], %exp3A_427 {strides = array<i32>} : memref<96xf32, #tpu.memory_space<vmem>>, vector<16xf32>,
        %get3A_430 = arith.constant 64 : index
        %get3A_431 = tpu.vector_load %arg21[%get3A_430] {strides = array<i32>} : memref<80xf32, #tpu.memory_space<vmem>>, vector<16xf32>,
        %get3A_432 = arith.constant 64 : index
        %get3A_433 = tpu.vector_load %arg25[%get3A_432] {strides = array<i32>} : memref<80xf32, #tpu.memory_space<vmem>>, vector<16xf32>,
        %add3A_434 = arith.addf %get3A_431, %get3A_433 : vector<16xf32>
        %mul3A_435 = arith.constant 0.00999999977 : f32
        %mul3A_436 = vector.broadcast %mul3A_435 : f32 to vector<16xf32>
        %mul3A_437 = arith.mulf %add3A_434, %mul3A_436 : vector<16xf32>
        %max3A_438 = arith.maximumf %add3A_434, %mul3A_437 : vector<16xf32>
        %exp3A_439 = math.exp %max3A_438 : vector<16xf32>
        %swap3A_440 = arith.constant 64 : index
        %swap3A_441 = tpu.vector_load %arg17[%swap3A_440] {strides = array<i32>} : memref<96xf32, #tpu.memory_space<vmem>>, vector<16xf32>,
        tpu.vector_store %arg17[%swap3A_440], %exp3A_439 {strides = array<i32>} : memref<96xf32, #tpu.memory_space<vmem>>, vector<16xf32>,
        %parallel_loop3A = arith.constant 0 : i32
        %parallel_loop3A_442 = arith.constant 80 : i32
        %parallel_loop3A_443 = arith.constant 1 : i32
        scf.for %parallel_loop3A_458 = %parallel_loop3A to %parallel_loop3A_442 step %parallel_loop3A_443  : i32 {
          %parallel_loop3A_459 = arith.index_cast %parallel_loop3A_458 : i32 to index
          %parallel_loop3A_460 = tpu.vector_load %arg17[%parallel_loop3A_459] {strides = array<i32>} : memref<96xf32, #tpu.memory_space<vmem>>, vector<16xf32>,
          %parallel_loop3A_461 = vector.extract_strided_slice %parallel_loop3A_460 {offsets = [0], sizes = [1], strides = [1]} : vector<16xf32> to vector<1xf32>
          %parallel_loop3A_462 = vector.extract %parallel_loop3A_461[0] : f32 from vector<1xf32>
          %parallel_loop3A_463 = arith.index_cast %parallel_loop3A_458 : i32 to index
          %parallel_loop3A_464 = arith.constant 0 : index
          %parallel_loop3A_465 = tpu.vector_load %arg29[%parallel_loop3A_463, %parallel_loop3A_464] {strides = array<i32>} : memref<80x64xi32, #tpu.memory_space<vmem>>, vector<16xi32>,
          %parallel_loop3A_466 = arith.constant 16 : i32
          %parallel_loop3A_467 = vector.broadcast %parallel_loop3A_466 : i32 to vector<16xi32>
          %parallel_loop3A_468 = arith.shli %parallel_loop3A_465, %parallel_loop3A_467 : vector<16xi32>
          %parallel_loop3A_469 = vector.bitcast %parallel_loop3A_468 : vector<16xi32> to vector<16xf32>
          %parallel_loop3A_470 = arith.andi %parallel_loop3A_465, %broadcast_in_dim3A_16 : vector<16xi32>
          %parallel_loop3A_471 = vector.bitcast %parallel_loop3A_470 : vector<16xi32> to vector<16xf32>
          %parallel_loop3A_472 = vector.broadcast %parallel_loop3A_462 : f32 to vector<16xf32>
          %parallel_loop3A_473 = arith.mulf %parallel_loop3A_469, %parallel_loop3A_472 : vector<16xf32>
          %parallel_loop3A_474 = arith.index_cast %parallel_loop3A_458 : i32 to index
          %parallel_loop3A_475 = arith.constant 0 : index
          %parallel_loop3A_476 = tpu.vector_load %arg31[%parallel_loop3A_474, %parallel_loop3A_475] {strides = array<i32>} : memref<80x128xf32, #tpu.memory_space<vmem>>, vector<16xf32>,
          tpu.vector_store %arg31[%parallel_loop3A_474, %parallel_loop3A_475], %parallel_loop3A_473 {strides = array<i32>} : memref<80x128xf32, #tpu.memory_space<vmem>>, vector<16xf32>,
          %parallel_loop3A_477 = vector.broadcast %parallel_loop3A_462 : f32 to vector<16xf32>
          %parallel_loop3A_478 = arith.mulf %parallel_loop3A_471, %parallel_loop3A_477 : vector<16xf32>
          %parallel_loop3A_479 = arith.index_cast %parallel_loop3A_458 : i32 to index
          %parallel_loop3A_480 = arith.constant 16 : index
          %parallel_loop3A_481 = tpu.vector_load %arg31[%parallel_loop3A_479, %parallel_loop3A_480] {strides = array<i32>} : memref<80x128xf32, #tpu.memory_space<vmem>>, vector<16xf32>,
          tpu.vector_store %arg31[%parallel_loop3A_479, %parallel_loop3A_480], %parallel_loop3A_478 {strides = array<i32>} : memref<80x128xf32, #tpu.memory_space<vmem>>, vector<16xf32>,
          %parallel_loop3A_482 = arith.index_cast %parallel_loop3A_458 : i32 to index
          %parallel_loop3A_483 = arith.constant 16 : index
          %parallel_loop3A_484 = tpu.vector_load %arg29[%parallel_loop3A_482, %parallel_loop3A_483] {strides = array<i32>} : memref<80x64xi32, #tpu.memory_space<vmem>>, vector<16xi32>,
          %parallel_loop3A_485 = arith.constant 16 : i32
          %parallel_loop3A_486 = vector.broadcast %parallel_loop3A_485 : i32 to vector<16xi32>
          %parallel_loop3A_487 = arith.shli %parallel_loop3A_484, %parallel_loop3A_486 : vector<16xi32>
          %parallel_loop3A_488 = vector.bitcast %parallel_loop3A_487 : vector<16xi32> to vector<16xf32>
          %parallel_loop3A_489 = arith.andi %parallel_loop3A_484, %broadcast_in_dim3A_16 : vector<16xi32>
          %parallel_loop3A_490 = vector.bitcast %parallel_loop3A_489 : vector<16xi32> to vector<16xf32>
          %parallel_loop3A_491 = vector.broadcast %parallel_loop3A_462 : f32 to vector<16xf32>
          %parallel_loop3A_492 = arith.mulf %parallel_loop3A_488, %parallel_loop3A_491 : vector<16xf32>
          %parallel_loop3A_493 = arith.index_cast %parallel_loop3A_458 : i32 to index
          %parallel_loop3A_494 = arith.constant 32 : index
          %parallel_loop3A_495 = tpu.vector_load %arg31[%parallel_loop3A_493, %parallel_loop3A_494] {strides = array<i32>} : memref<80x128xf32, #tpu.memory_space<vmem>>, vector<16xf32>,
          tpu.vector_store %arg31[%parallel_loop3A_493, %parallel_loop3A_494], %parallel_loop3A_492 {strides = array<i32>} : memref<80x128xf32, #tpu.memory_space<vmem>>, vector<16xf32>,
          %parallel_loop3A_496 = vector.broadcast %parallel_loop3A_462 : f32 to vector<16xf32>
          %parallel_loop3A_497 = arith.mulf %parallel_loop3A_490, %parallel_loop3A_496 : vector<16xf32>
          %parallel_loop3A_498 = arith.index_cast %parallel_loop3A_458 : i32 to index
          %parallel_loop3A_499 = arith.constant 48 : index
          %parallel_loop3A_500 = tpu.vector_load %arg31[%parallel_loop3A_498, %parallel_loop3A_499] {strides = array<i32>} : memref<80x128xf32, #tpu.memory_space<vmem>>, vector<16xf32>,
          tpu.vector_store %arg31[%parallel_loop3A_498, %parallel_loop3A_499], %parallel_loop3A_497 {strides = array<i32>} : memref<80x128xf32, #tpu.memory_space<vmem>>, vector<16xf32>,
          %parallel_loop3A_501 = arith.index_cast %parallel_loop3A_458 : i32 to index
          %parallel_loop3A_502 = arith.constant 32 : index
          %parallel_loop3A_503 = tpu.vector_load %arg29[%parallel_loop3A_501, %parallel_loop3A_502] {strides = array<i32>} : memref<80x64xi32, #tpu.memory_space<vmem>>, vector<16xi32>,
          %parallel_loop3A_504 = arith.constant 16 : i32
          %parallel_loop3A_505 = vector.broadcast %parallel_loop3A_504 : i32 to vector<16xi32>
          %parallel_loop3A_506 = arith.shli %parallel_loop3A_503, %parallel_loop3A_505 : vector<16xi32>
          %parallel_loop3A_507 = vector.bitcast %parallel_loop3A_506 : vector<16xi32> to vector<16xf32>
          %parallel_loop3A_508 = arith.andi %parallel_loop3A_503, %broadcast_in_dim3A_16 : vector<16xi32>
          %parallel_loop3A_509 = vector.bitcast %parallel_loop3A_508 : vector<16xi32> to vector<16xf32>
          %parallel_loop3A_510 = vector.broadcast %parallel_loop3A_462 : f32 to vector<16xf32>
          %parallel_loop3A_511 = arith.mulf %parallel_loop3A_507, %parallel_loop3A_510 : vector<16xf32>
          %parallel_loop3A_512 = arith.index_cast %parallel_loop3A_458 : i32 to index
          %parallel_loop3A_513 = arith.constant 64 : index
          %parallel_loop3A_514 = tpu.vector_load %arg31[%parallel_loop3A_512, %parallel_loop3A_513] {strides = array<i32>} : memref<80x128xf32, #tpu.memory_space<vmem>>, vector<16xf32>,
          tpu.vector_store %arg31[%parallel_loop3A_512, %parallel_loop3A_513], %parallel_loop3A_511 {strides = array<i32>} : memref<80x128xf32, #tpu.memory_space<vmem>>, vector<16xf32>,
          %parallel_loop3A_515 = vector.broadcast %parallel_loop3A_462 : f32 to vector<16xf32>
          %parallel_loop3A_516 = arith.mulf %parallel_loop3A_509, %parallel_loop3A_515 : vector<16xf32>
          %parallel_loop3A_517 = arith.index_cast %parallel_loop3A_458 : i32 to index
          %parallel_loop3A_518 = arith.constant 80 : index
          %parallel_loop3A_519 = tpu.vector_load %arg31[%parallel_loop3A_517, %parallel_loop3A_518] {strides = array<i32>} : memref<80x128xf32, #tpu.memory_space<vmem>>, vector<16xf32>,
          tpu.vector_store %arg31[%parallel_loop3A_517, %parallel_loop3A_518], %parallel_loop3A_516 {strides = array<i32>} : memref<80x128xf32, #tpu.memory_space<vmem>>, vector<16xf32>,
          %parallel_loop3A_520 = arith.index_cast %parallel_loop3A_458 : i32 to index
          %parallel_loop3A_521 = arith.constant 48 : index
          %parallel_loop3A_522 = tpu.vector_load %arg29[%parallel_loop3A_520, %parallel_loop3A_521] {strides = array<i32>} : memref<80x64xi32, #tpu.memory_space<vmem>>, vector<16xi32>,
          %parallel_loop3A_523 = arith.constant 16 : i32
          %parallel_loop3A_524 = vector.broadcast %parallel_loop3A_523 : i32 to vector<16xi32>
          %parallel_loop3A_525 = arith.shli %parallel_loop3A_522, %parallel_loop3A_524 : vector<16xi32>
          %parallel_loop3A_526 = vector.bitcast %parallel_loop3A_525 : vector<16xi32> to vector<16xf32>
          %parallel_loop3A_527 = arith.andi %parallel_loop3A_522, %broadcast_in_dim3A_16 : vector<16xi32>
          %parallel_loop3A_528 = vector.bitcast %parallel_loop3A_527 : vector<16xi32> to vector<16xf32>
          %parallel_loop3A_529 = vector.broadcast %parallel_loop3A_462 : f32 to vector<16xf32>
          %parallel_loop3A_530 = arith.mulf %parallel_loop3A_526, %parallel_loop3A_529 : vector<16xf32>
          %parallel_loop3A_531 = arith.index_cast %parallel_loop3A_458 : i32 to index
          %parallel_loop3A_532 = arith.constant 96 : index
          %parallel_loop3A_533 = tpu.vector_load %arg31[%parallel_loop3A_531, %parallel_loop3A_532] {strides = array<i32>} : memref<80x128xf32, #tpu.memory_space<vmem>>, vector<16xf32>,
          tpu.vector_store %arg31[%parallel_loop3A_531, %parallel_loop3A_532], %parallel_loop3A_530 {strides = array<i32>} : memref<80x128xf32, #tpu.memory_space<vmem>>, vector<16xf32>,
          %parallel_loop3A_534 = vector.broadcast %parallel_loop3A_462 : f32 to vector<16xf32>
          %parallel_loop3A_535 = arith.mulf %parallel_loop3A_528, %parallel_loop3A_534 : vector<16xf32>
          %parallel_loop3A_536 = arith.index_cast %parallel_loop3A_458 : i32 to index
          %parallel_loop3A_537 = arith.constant 112 : index
          %parallel_loop3A_538 = tpu.vector_load %arg31[%parallel_loop3A_536, %parallel_loop3A_537] {strides = array<i32>} : memref<80x128xf32, #tpu.memory_space<vmem>>, vector<16xf32>,
          tpu.vector_store %arg31[%parallel_loop3A_536, %parallel_loop3A_537], %parallel_loop3A_535 {strides = array<i32>} : memref<80x128xf32, #tpu.memory_space<vmem>>, vector<16xf32>,
        } {sc.loop_unroll_factor = 4 : i64, sc.parallel_access}
        %dma_start3A_444 = arith.constant 0 : i32
        %dma_start3A_445 = arith.constant 0 : i32
        %dma_start3A_446 = tpu.memref_slice %arg33[%dma_start3A_444, %dma_start3A_445] : memref<10000x128xf32, #tpu.memory_space<vmem_shared>> -> memref<10000x128xf32, #tpu.memory_space<vmem_shared>>
        tpu.enqueue_indirect_dma source(%arg31 : memref<80x128xf32, #tpu.memory_space<vmem>>) target(%dma_start3A_446 : memref<10000x128xf32, #tpu.memory_space<vmem_shared>>) offsets(%arg13 : memref<80xi32, #tpu.memory_space<vmem>>) semaphore(%arg37 : memref<!tpu.dma_semaphore, #tpu.memory_space<semaphore_mem>>) {add = true}
        %dma_start3A_447 = arith.constant 0 : i32
        %dma_start3A_448 = tpu.memref_slice %arg17[%dma_start3A_447] : memref<96xf32, #tpu.memory_space<vmem>> -> memref<80xf32, #tpu.memory_space<vmem>>
        %dma_start3A_449 = arith.constant 0 : i32
        %dma_start3A_450 = tpu.memref_slice %arg34[%dma_start3A_449] : memref<10000xf32, #tpu.memory_space<vmem_shared>> -> memref<10000xf32, #tpu.memory_space<vmem_shared>>
        tpu.enqueue_indirect_dma source(%dma_start3A_448 : memref<80xf32, #tpu.memory_space<vmem>>) target(%dma_start3A_450 : memref<10000xf32, #tpu.memory_space<vmem_shared>>) offsets(%arg13 : memref<80xi32, #tpu.memory_space<vmem>>) semaphore(%arg37 : memref<!tpu.dma_semaphore, #tpu.memory_space<semaphore_mem>>) {add = true}
        %add3A_451 = arith.constant 2 : i32
        %add3A_452 = arith.addi %add3A_342, %add3A_451 : i32
        %lt3A_453 = arith.constant 61 : i32
        %lt3A_454 = arith.cmpi slt, %add3A_452, %lt3A_453 : i32
        %convert_element_type3A_455 = arith.extui %lt3A_454 : i1 to i32
        %cond3A_456 = arith.constant 0 : i32
        %cond3A_457 = arith.cmpi ne, %convert_element_type3A_455, %cond3A_456 : i32
        scf.if %cond3A_457 {
          %add3A_458 = arith.constant 2 : i32
          %add3A_459 = arith.addi %add3A_342, %add3A_458 : i32
          %broadcast_in_dim3A_460 = arith.constant 65535 : i32
          %broadcast_in_dim3A_461 = vector.broadcast %broadcast_in_dim3A_460 : i32 to vector<16xi32>
          %get3A_462 = arith.index_cast %add3A_459 : i32 to index
          %get3A_463 = arith.constant 0 : index
          %get3A_464 = tpu.vector_load %arg8[%get3A_462, %get3A_463] {strides = array<i32>} : memref<64x80xi32, #tpu.memory_space<vmem>>, vector<16xi32>,
          %and3A_465 = arith.andi %get3A_464, %broadcast_in_dim3A_461 : vector<16xi32>
          %swap3A_466 = arith.constant 0 : index
          %swap3A_467 = tpu.vector_load %arg11[%swap3A_466] {strides = array<i32>} : memref<80xi32, #tpu.memory_space<vmem>>, vector<16xi32>,
          tpu.vector_store %arg11[%swap3A_466], %and3A_465 {strides = array<i32>} : memref<80xi32, #tpu.memory_space<vmem>>, vector<16xi32>,
          %shift_right_logical3A_468 = arith.constant 16 : i32
          %shift_right_logical3A_469 = vector.broadcast %shift_right_logical3A_468 : i32 to vector<16xi32>
          %shift_right_logical3A_470 = arith.shrui %get3A_464, %shift_right_logical3A_469 : vector<16xi32>
          %swap3A_471 = arith.constant 0 : index
          %swap3A_472 = tpu.vector_load %arg15[%swap3A_471] {strides = array<i32>} : memref<80xi32, #tpu.memory_space<vmem>>, vector<16xi32>,
          tpu.vector_store %arg15[%swap3A_471], %shift_right_logical3A_470 {strides = array<i32>} : memref<80xi32, #tpu.memory_space<vmem>>, vector<16xi32>,
          %get3A_473 = arith.index_cast %add3A_459 : i32 to index
          %get3A_474 = arith.constant 16 : index
          %get3A_475 = tpu.vector_load %arg8[%get3A_473, %get3A_474] {strides = array<i32>} : memref<64x80xi32, #tpu.memory_space<vmem>>, vector<16xi32>,
          %and3A_476 = arith.andi %get3A_475, %broadcast_in_dim3A_461 : vector<16xi32>
          %swap3A_477 = arith.constant 16 : index
          %swap3A_478 = tpu.vector_load %arg11[%swap3A_477] {strides = array<i32>} : memref<80xi32, #tpu.memory_space<vmem>>, vector<16xi32>,
          tpu.vector_store %arg11[%swap3A_477], %and3A_476 {strides = array<i32>} : memref<80xi32, #tpu.memory_space<vmem>>, vector<16xi32>,
          %shift_right_logical3A_479 = arith.constant 16 : i32
          %shift_right_logical3A_480 = vector.broadcast %shift_right_logical3A_479 : i32 to vector<16xi32>
          %shift_right_logical3A_481 = arith.shrui %get3A_475, %shift_right_logical3A_480 : vector<16xi32>
          %swap3A_482 = arith.constant 16 : index
          %swap3A_483 = tpu.vector_load %arg15[%swap3A_482] {strides = array<i32>} : memref<80xi32, #tpu.memory_space<vmem>>, vector<16xi32>,
          tpu.vector_store %arg15[%swap3A_482], %shift_right_logical3A_481 {strides = array<i32>} : memref<80xi32, #tpu.memory_space<vmem>>, vector<16xi32>,
          %get3A_484 = arith.index_cast %add3A_459 : i32 to index
          %get3A_485 = arith.constant 32 : index
          %get3A_486 = tpu.vector_load %arg8[%get3A_484, %get3A_485] {strides = array<i32>} : memref<64x80xi32, #tpu.memory_space<vmem>>, vector<16xi32>,
          %and3A_487 = arith.andi %get3A_486, %broadcast_in_dim3A_461 : vector<16xi32>
          %swap3A_488 = arith.constant 32 : index
          %swap3A_489 = tpu.vector_load %arg11[%swap3A_488] {strides = array<i32>} : memref<80xi32, #tpu.memory_space<vmem>>, vector<16xi32>,
          tpu.vector_store %arg11[%swap3A_488], %and3A_487 {strides = array<i32>} : memref<80xi32, #tpu.memory_space<vmem>>, vector<16xi32>,
          %shift_right_logical3A_490 = arith.constant 16 : i32
          %shift_right_logical3A_491 = vector.broadcast %shift_right_logical3A_490 : i32 to vector<16xi32>
          %shift_right_logical3A_492 = arith.shrui %get3A_486, %shift_right_logical3A_491 : vector<16xi32>
          %swap3A_493 = arith.constant 32 : index
          %swap3A_494 = tpu.vector_load %arg15[%swap3A_493] {strides = array<i32>} : memref<80xi32, #tpu.memory_space<vmem>>, vector<16xi32>,
          tpu.vector_store %arg15[%swap3A_493], %shift_right_logical3A_492 {strides = array<i32>} : memref<80xi32, #tpu.memory_space<vmem>>, vector<16xi32>,
          %get3A_495 = arith.index_cast %add3A_459 : i32 to index
          %get3A_496 = arith.constant 48 : index
          %get3A_497 = tpu.vector_load %arg8[%get3A_495, %get3A_496] {strides = array<i32>} : memref<64x80xi32, #tpu.memory_space<vmem>>, vector<16xi32>,
          %and3A_498 = arith.andi %get3A_497, %broadcast_in_dim3A_461 : vector<16xi32>
          %swap3A_499 = arith.constant 48 : index
          %swap3A_500 = tpu.vector_load %arg11[%swap3A_499] {strides = array<i32>} : memref<80xi32, #tpu.memory_space<vmem>>, vector<16xi32>,
          tpu.vector_store %arg11[%swap3A_499], %and3A_498 {strides = array<i32>} : memref<80xi32, #tpu.memory_space<vmem>>, vector<16xi32>,
          %shift_right_logical3A_501 = arith.constant 16 : i32
          %shift_right_logical3A_502 = vector.broadcast %shift_right_logical3A_501 : i32 to vector<16xi32>
          %shift_right_logical3A_503 = arith.shrui %get3A_497, %shift_right_logical3A_502 : vector<16xi32>
          %swap3A_504 = arith.constant 48 : index
          %swap3A_505 = tpu.vector_load %arg15[%swap3A_504] {strides = array<i32>} : memref<80xi32, #tpu.memory_space<vmem>>, vector<16xi32>,
          tpu.vector_store %arg15[%swap3A_504], %shift_right_logical3A_503 {strides = array<i32>} : memref<80xi32, #tpu.memory_space<vmem>>, vector<16xi32>,
          %get3A_506 = arith.index_cast %add3A_459 : i32 to index
          %get3A_507 = arith.constant 64 : index
          %get3A_508 = tpu.vector_load %arg8[%get3A_506, %get3A_507] {strides = array<i32>} : memref<64x80xi32, #tpu.memory_space<vmem>>, vector<16xi32>,
          %and3A_509 = arith.andi %get3A_508, %broadcast_in_dim3A_461 : vector<16xi32>
          %swap3A_510 = arith.constant 64 : index
          %swap3A_511 = tpu.vector_load %arg11[%swap3A_510] {strides = array<i32>} : memref<80xi32, #tpu.memory_space<vmem>>, vector<16xi32>,
          tpu.vector_store %arg11[%swap3A_510], %and3A_509 {strides = array<i32>} : memref<80xi32, #tpu.memory_space<vmem>>, vector<16xi32>,
          %shift_right_logical3A_512 = arith.constant 16 : i32
          %shift_right_logical3A_513 = vector.broadcast %shift_right_logical3A_512 : i32 to vector<16xi32>
          %shift_right_logical3A_514 = arith.shrui %get3A_508, %shift_right_logical3A_513 : vector<16xi32>
          %swap3A_515 = arith.constant 64 : index
          %swap3A_516 = tpu.vector_load %arg15[%swap3A_515] {strides = array<i32>} : memref<80xi32, #tpu.memory_space<vmem>>, vector<16xi32>,
          tpu.vector_store %arg15[%swap3A_515], %shift_right_logical3A_514 {strides = array<i32>} : memref<80xi32, #tpu.memory_space<vmem>>, vector<16xi32>,
          %dma_start3A_517 = arith.constant 0 : i32
          %dma_start3A_518 = arith.constant 0 : i32
          %dma_start3A_519 = tpu.memref_slice %arg2[%dma_start3A_517, %dma_start3A_518] : memref<10000x64xi32, #tpu.memory_space<hbm>> -> memref<10000x64xi32, #tpu.memory_space<hbm>>
          tpu.enqueue_indirect_dma source(%dma_start3A_519 : memref<10000x64xi32, #tpu.memory_space<hbm>>) target(%arg29 : memref<80x64xi32, #tpu.memory_space<vmem>>) offsets(%arg11 : memref<80xi32, #tpu.memory_space<vmem>>) semaphore(%arg35 : memref<!tpu.dma_semaphore, #tpu.memory_space<semaphore_mem>>)
          %dma_start3A_520 = arith.constant 0 : i32
          %dma_start3A_521 = tpu.memref_slice %arg3[%dma_start3A_520] : memref<10000xf32, #tpu.memory_space<hbm>> -> memref<10000xf32, #tpu.memory_space<hbm>>
          tpu.enqueue_indirect_dma source(%dma_start3A_521 : memref<10000xf32, #tpu.memory_space<hbm>>) target(%arg23 : memref<80xf32, #tpu.memory_space<vmem>>) offsets(%arg11 : memref<80xi32, #tpu.memory_space<vmem>>) semaphore(%arg35 : memref<!tpu.dma_semaphore, #tpu.memory_space<semaphore_mem>>)
          %dma_start3A_522 = arith.constant 0 : i32
          %dma_start3A_523 = tpu.memref_slice %arg4[%dma_start3A_522] : memref<10000xf32, #tpu.memory_space<hbm>> -> memref<10000xf32, #tpu.memory_space<hbm>>
          tpu.enqueue_indirect_dma source(%dma_start3A_523 : memref<10000xf32, #tpu.memory_space<hbm>>) target(%arg27 : memref<80xf32, #tpu.memory_space<vmem>>) offsets(%arg15 : memref<80xi32, #tpu.memory_space<vmem>>) semaphore(%arg35 : memref<!tpu.dma_semaphore, #tpu.memory_space<semaphore_mem>>)
        } else {
        }
      } else {
      }
      %mul3A_345 = arith.constant 4 : i32
      %mul3A_346 = arith.muli %mul3A_345, %scan3A_337 : i32
      %add3A_347 = arith.constant 1 : i32
      %add3A_348 = arith.addi %mul3A_346, %add3A_347 : i32
      %lt3A_349 = arith.constant 61 : i32
      %lt3A_350 = arith.cmpi slt, %add3A_348, %lt3A_349 : i32
      %convert_element_type3A_351 = arith.extui %lt3A_350 : i1 to i32
      %cond3A_352 = arith.constant 0 : i32
      %cond3A_353 = arith.cmpi ne, %convert_element_type3A_351, %cond3A_352 : i32
      scf.if %cond3A_353 {
        %dma_wait3A_373 = arith.constant 0 : i32
        %dma_wait3A_374 = arith.constant 0 : i32
        %dma_wait3A_375 = tpu.memref_slice %arg2[%dma_wait3A_373, %dma_wait3A_374] : memref<10000x64xi32, #tpu.memory_space<hbm>> -> memref<10000x64xi32, #tpu.memory_space<hbm>>
        tpu.wait_indirect_dma semaphore(%arg36 : memref<!tpu.dma_semaphore, #tpu.memory_space<semaphore_mem>>) src(%dma_wait3A_375 : memref<10000x64xi32, #tpu.memory_space<hbm>>) dst(%arg30 : memref<80x64xi32, #tpu.memory_space<vmem>>)
        %dma_wait3A_376 = arith.constant 0 : i32
        %dma_wait3A_377 = tpu.memref_slice %arg3[%dma_wait3A_376] : memref<10000xf32, #tpu.memory_space<hbm>> -> memref<10000xf32, #tpu.memory_space<hbm>>
        tpu.wait_indirect_dma semaphore(%arg36 : memref<!tpu.dma_semaphore, #tpu.memory_space<semaphore_mem>>) src(%dma_wait3A_377 : memref<10000xf32, #tpu.memory_space<hbm>>) dst(%arg22 : memref<80xf32, #tpu.memory_space<vmem>>)
        %dma_wait3A_378 = arith.constant 0 : i32
        %dma_wait3A_379 = tpu.memref_slice %arg4[%dma_wait3A_378] : memref<10000xf32, #tpu.memory_space<hbm>> -> memref<10000xf32, #tpu.memory_space<hbm>>
        tpu.wait_indirect_dma semaphore(%arg36 : memref<!tpu.dma_semaphore, #tpu.memory_space<semaphore_mem>>) src(%dma_wait3A_379 : memref<10000xf32, #tpu.memory_space<hbm>>) dst(%arg26 : memref<80xf32, #tpu.memory_space<vmem>>)
        %ge3A = arith.constant 2 : i32
        %ge3A_380 = arith.cmpi sge, %add3A_348, %ge3A : i32
        %convert_element_type3A_381 = arith.extui %ge3A_380 : i1 to i32
        %cond3A_382 = arith.constant 0 : i32
        %cond3A_383 = arith.cmpi ne, %convert_element_type3A_381, %cond3A_382 : i32
        scf.if %cond3A_383 {
          %dma_wait3A_458 = arith.constant 0 : i32
          %dma_wait3A_459 = arith.constant 0 : i32
          %dma_wait3A_460 = tpu.memref_slice %arg33[%dma_wait3A_458, %dma_wait3A_459] : memref<10000x128xf32, #tpu.memory_space<vmem_shared>> -> memref<10000x128xf32, #tpu.memory_space<vmem_shared>>
          tpu.wait_indirect_dma semaphore(%arg38 : memref<!tpu.dma_semaphore, #tpu.memory_space<semaphore_mem>>) src(%arg32 : memref<80x128xf32, #tpu.memory_space<vmem>>) dst(%dma_wait3A_460 : memref<10000x128xf32, #tpu.memory_space<vmem_shared>>)
          %dma_wait3A_461 = arith.constant 0 : i32
          %dma_wait3A_462 = tpu.memref_slice %arg20[%dma_wait3A_461] : memref<96xf32, #tpu.memory_space<vmem>> -> memref<80xf32, #tpu.memory_space<vmem>>
          %dma_wait3A_463 = arith.constant 0 : i32
          %dma_wait3A_464 = tpu.memref_slice %arg34[%dma_wait3A_463] : memref<10000xf32, #tpu.memory_space<vmem_shared>> -> memref<10000xf32, #tpu.memory_space<vmem_shared>>
          tpu.wait_indirect_dma semaphore(%arg38 : memref<!tpu.dma_semaphore, #tpu.memory_space<semaphore_mem>>) src(%dma_wait3A_462 : memref<80xf32, #tpu.memory_space<vmem>>) dst(%dma_wait3A_464 : memref<10000xf32, #tpu.memory_space<vmem_shared>>)
        } else {
        }
        %get3A_384 = arith.constant 0 : index
        %get3A_385 = tpu.vector_load %arg22[%get3A_384] {strides = array<i32>} : memref<80xf32, #tpu.memory_space<vmem>>, vector<16xf32>,
        %get3A_386 = arith.constant 0 : index
        %get3A_387 = tpu.vector_load %arg26[%get3A_386] {strides = array<i32>} : memref<80xf32, #tpu.memory_space<vmem>>, vector<16xf32>,
        %add3A_388 = arith.addf %get3A_385, %get3A_387 : vector<16xf32>
        %mul3A_389 = arith.constant 0.00999999977 : f32
        %mul3A_390 = vector.broadcast %mul3A_389 : f32 to vector<16xf32>
        %mul3A_391 = arith.mulf %add3A_388, %mul3A_390 : vector<16xf32>
        %max3A = arith.maximumf %add3A_388, %mul3A_391 : vector<16xf32>
        %exp3A = math.exp %max3A : vector<16xf32>
        %swap3A_392 = arith.constant 0 : index
        %swap3A_393 = tpu.vector_load %arg18[%swap3A_392] {strides = array<i32>} : memref<96xf32, #tpu.memory_space<vmem>>, vector<16xf32>,
        tpu.vector_store %arg18[%swap3A_392], %exp3A {strides = array<i32>} : memref<96xf32, #tpu.memory_space<vmem>>, vector<16xf32>,
        %get3A_394 = arith.constant 16 : index
        %get3A_395 = tpu.vector_load %arg22[%get3A_394] {strides = array<i32>} : memref<80xf32, #tpu.memory_space<vmem>>, vector<16xf32>,
        %get3A_396 = arith.constant 16 : index
        %get3A_397 = tpu.vector_load %arg26[%get3A_396] {strides = array<i32>} : memref<80xf32, #tpu.memory_space<vmem>>, vector<16xf32>,
        %add3A_398 = arith.addf %get3A_395, %get3A_397 : vector<16xf32>
        %mul3A_399 = arith.constant 0.00999999977 : f32
        %mul3A_400 = vector.broadcast %mul3A_399 : f32 to vector<16xf32>
        %mul3A_401 = arith.mulf %add3A_398, %mul3A_400 : vector<16xf32>
        %max3A_402 = arith.maximumf %add3A_398, %mul3A_401 : vector<16xf32>
        %exp3A_403 = math.exp %max3A_402 : vector<16xf32>
        %swap3A_404 = arith.constant 16 : index
        %swap3A_405 = tpu.vector_load %arg18[%swap3A_404] {strides = array<i32>} : memref<96xf32, #tpu.memory_space<vmem>>, vector<16xf32>,
        tpu.vector_store %arg18[%swap3A_404], %exp3A_403 {strides = array<i32>} : memref<96xf32, #tpu.memory_space<vmem>>, vector<16xf32>,
        %get3A_406 = arith.constant 32 : index
        %get3A_407 = tpu.vector_load %arg22[%get3A_406] {strides = array<i32>} : memref<80xf32, #tpu.memory_space<vmem>>, vector<16xf32>,
        %get3A_408 = arith.constant 32 : index
        %get3A_409 = tpu.vector_load %arg26[%get3A_408] {strides = array<i32>} : memref<80xf32, #tpu.memory_space<vmem>>, vector<16xf32>,
        %add3A_410 = arith.addf %get3A_407, %get3A_409 : vector<16xf32>
        %mul3A_411 = arith.constant 0.00999999977 : f32
        %mul3A_412 = vector.broadcast %mul3A_411 : f32 to vector<16xf32>
        %mul3A_413 = arith.mulf %add3A_410, %mul3A_412 : vector<16xf32>
        %max3A_414 = arith.maximumf %add3A_410, %mul3A_413 : vector<16xf32>
        %exp3A_415 = math.exp %max3A_414 : vector<16xf32>
        %swap3A_416 = arith.constant 32 : index
        %swap3A_417 = tpu.vector_load %arg18[%swap3A_416] {strides = array<i32>} : memref<96xf32, #tpu.memory_space<vmem>>, vector<16xf32>,
        tpu.vector_store %arg18[%swap3A_416], %exp3A_415 {strides = array<i32>} : memref<96xf32, #tpu.memory_space<vmem>>, vector<16xf32>,
        %get3A_418 = arith.constant 48 : index
        %get3A_419 = tpu.vector_load %arg22[%get3A_418] {strides = array<i32>} : memref<80xf32, #tpu.memory_space<vmem>>, vector<16xf32>,
        %get3A_420 = arith.constant 48 : index
        %get3A_421 = tpu.vector_load %arg26[%get3A_420] {strides = array<i32>} : memref<80xf32, #tpu.memory_space<vmem>>, vector<16xf32>,
        %add3A_422 = arith.addf %get3A_419, %get3A_421 : vector<16xf32>
        %mul3A_423 = arith.constant 0.00999999977 : f32
        %mul3A_424 = vector.broadcast %mul3A_423 : f32 to vector<16xf32>
        %mul3A_425 = arith.mulf %add3A_422, %mul3A_424 : vector<16xf32>
        %max3A_426 = arith.maximumf %add3A_422, %mul3A_425 : vector<16xf32>
        %exp3A_427 = math.exp %max3A_426 : vector<16xf32>
        %swap3A_428 = arith.constant 48 : index
        %swap3A_429 = tpu.vector_load %arg18[%swap3A_428] {strides = array<i32>} : memref<96xf32, #tpu.memory_space<vmem>>, vector<16xf32>,
        tpu.vector_store %arg18[%swap3A_428], %exp3A_427 {strides = array<i32>} : memref<96xf32, #tpu.memory_space<vmem>>, vector<16xf32>,
        %get3A_430 = arith.constant 64 : index
        %get3A_431 = tpu.vector_load %arg22[%get3A_430] {strides = array<i32>} : memref<80xf32, #tpu.memory_space<vmem>>, vector<16xf32>,
        %get3A_432 = arith.constant 64 : index
        %get3A_433 = tpu.vector_load %arg26[%get3A_432] {strides = array<i32>} : memref<80xf32, #tpu.memory_space<vmem>>, vector<16xf32>,
        %add3A_434 = arith.addf %get3A_431, %get3A_433 : vector<16xf32>
        %mul3A_435 = arith.constant 0.00999999977 : f32
        %mul3A_436 = vector.broadcast %mul3A_435 : f32 to vector<16xf32>
        %mul3A_437 = arith.mulf %add3A_434, %mul3A_436 : vector<16xf32>
        %max3A_438 = arith.maximumf %add3A_434, %mul3A_437 : vector<16xf32>
        %exp3A_439 = math.exp %max3A_438 : vector<16xf32>
        %swap3A_440 = arith.constant 64 : index
        %swap3A_441 = tpu.vector_load %arg18[%swap3A_440] {strides = array<i32>} : memref<96xf32, #tpu.memory_space<vmem>>, vector<16xf32>,
        tpu.vector_store %arg18[%swap3A_440], %exp3A_439 {strides = array<i32>} : memref<96xf32, #tpu.memory_space<vmem>>, vector<16xf32>,
        %parallel_loop3A = arith.constant 0 : i32
        %parallel_loop3A_442 = arith.constant 80 : i32
        %parallel_loop3A_443 = arith.constant 1 : i32
        scf.for %parallel_loop3A_458 = %parallel_loop3A to %parallel_loop3A_442 step %parallel_loop3A_443  : i32 {
          %parallel_loop3A_459 = arith.index_cast %parallel_loop3A_458 : i32 to index
          %parallel_loop3A_460 = tpu.vector_load %arg18[%parallel_loop3A_459] {strides = array<i32>} : memref<96xf32, #tpu.memory_space<vmem>>, vector<16xf32>,
          %parallel_loop3A_461 = vector.extract_strided_slice %parallel_loop3A_460 {offsets = [0], sizes = [1], strides = [1]} : vector<16xf32> to vector<1xf32>
          %parallel_loop3A_462 = vector.extract %parallel_loop3A_461[0] : f32 from vector<1xf32>
          %parallel_loop3A_463 = arith.index_cast %parallel_loop3A_458 : i32 to index
          %parallel_loop3A_464 = arith.constant 0 : index
          %parallel_loop3A_465 = tpu.vector_load %arg30[%parallel_loop3A_463, %parallel_loop3A_464] {strides = array<i32>} : memref<80x64xi32, #tpu.memory_space<vmem>>, vector<16xi32>,
          %parallel_loop3A_466 = arith.constant 16 : i32
          %parallel_loop3A_467 = vector.broadcast %parallel_loop3A_466 : i32 to vector<16xi32>
          %parallel_loop3A_468 = arith.shli %parallel_loop3A_465, %parallel_loop3A_467 : vector<16xi32>
          %parallel_loop3A_469 = vector.bitcast %parallel_loop3A_468 : vector<16xi32> to vector<16xf32>
          %parallel_loop3A_470 = arith.andi %parallel_loop3A_465, %broadcast_in_dim3A_16 : vector<16xi32>
          %parallel_loop3A_471 = vector.bitcast %parallel_loop3A_470 : vector<16xi32> to vector<16xf32>
          %parallel_loop3A_472 = vector.broadcast %parallel_loop3A_462 : f32 to vector<16xf32>
          %parallel_loop3A_473 = arith.mulf %parallel_loop3A_469, %parallel_loop3A_472 : vector<16xf32>
          %parallel_loop3A_474 = arith.index_cast %parallel_loop3A_458 : i32 to index
          %parallel_loop3A_475 = arith.constant 0 : index
          %parallel_loop3A_476 = tpu.vector_load %arg32[%parallel_loop3A_474, %parallel_loop3A_475] {strides = array<i32>} : memref<80x128xf32, #tpu.memory_space<vmem>>, vector<16xf32>,
          tpu.vector_store %arg32[%parallel_loop3A_474, %parallel_loop3A_475], %parallel_loop3A_473 {strides = array<i32>} : memref<80x128xf32, #tpu.memory_space<vmem>>, vector<16xf32>,
          %parallel_loop3A_477 = vector.broadcast %parallel_loop3A_462 : f32 to vector<16xf32>
          %parallel_loop3A_478 = arith.mulf %parallel_loop3A_471, %parallel_loop3A_477 : vector<16xf32>
          %parallel_loop3A_479 = arith.index_cast %parallel_loop3A_458 : i32 to index
          %parallel_loop3A_480 = arith.constant 16 : index
          %parallel_loop3A_481 = tpu.vector_load %arg32[%parallel_loop3A_479, %parallel_loop3A_480] {strides = array<i32>} : memref<80x128xf32, #tpu.memory_space<vmem>>, vector<16xf32>,
          tpu.vector_store %arg32[%parallel_loop3A_479, %parallel_loop3A_480], %parallel_loop3A_478 {strides = array<i32>} : memref<80x128xf32, #tpu.memory_space<vmem>>, vector<16xf32>,
          %parallel_loop3A_482 = arith.index_cast %parallel_loop3A_458 : i32 to index
          %parallel_loop3A_483 = arith.constant 16 : index
          %parallel_loop3A_484 = tpu.vector_load %arg30[%parallel_loop3A_482, %parallel_loop3A_483] {strides = array<i32>} : memref<80x64xi32, #tpu.memory_space<vmem>>, vector<16xi32>,
          %parallel_loop3A_485 = arith.constant 16 : i32
          %parallel_loop3A_486 = vector.broadcast %parallel_loop3A_485 : i32 to vector<16xi32>
          %parallel_loop3A_487 = arith.shli %parallel_loop3A_484, %parallel_loop3A_486 : vector<16xi32>
          %parallel_loop3A_488 = vector.bitcast %parallel_loop3A_487 : vector<16xi32> to vector<16xf32>
          %parallel_loop3A_489 = arith.andi %parallel_loop3A_484, %broadcast_in_dim3A_16 : vector<16xi32>
          %parallel_loop3A_490 = vector.bitcast %parallel_loop3A_489 : vector<16xi32> to vector<16xf32>
          %parallel_loop3A_491 = vector.broadcast %parallel_loop3A_462 : f32 to vector<16xf32>
          %parallel_loop3A_492 = arith.mulf %parallel_loop3A_488, %parallel_loop3A_491 : vector<16xf32>
          %parallel_loop3A_493 = arith.index_cast %parallel_loop3A_458 : i32 to index
          %parallel_loop3A_494 = arith.constant 32 : index
          %parallel_loop3A_495 = tpu.vector_load %arg32[%parallel_loop3A_493, %parallel_loop3A_494] {strides = array<i32>} : memref<80x128xf32, #tpu.memory_space<vmem>>, vector<16xf32>,
          tpu.vector_store %arg32[%parallel_loop3A_493, %parallel_loop3A_494], %parallel_loop3A_492 {strides = array<i32>} : memref<80x128xf32, #tpu.memory_space<vmem>>, vector<16xf32>,
          %parallel_loop3A_496 = vector.broadcast %parallel_loop3A_462 : f32 to vector<16xf32>
          %parallel_loop3A_497 = arith.mulf %parallel_loop3A_490, %parallel_loop3A_496 : vector<16xf32>
          %parallel_loop3A_498 = arith.index_cast %parallel_loop3A_458 : i32 to index
          %parallel_loop3A_499 = arith.constant 48 : index
          %parallel_loop3A_500 = tpu.vector_load %arg32[%parallel_loop3A_498, %parallel_loop3A_499] {strides = array<i32>} : memref<80x128xf32, #tpu.memory_space<vmem>>, vector<16xf32>,
          tpu.vector_store %arg32[%parallel_loop3A_498, %parallel_loop3A_499], %parallel_loop3A_497 {strides = array<i32>} : memref<80x128xf32, #tpu.memory_space<vmem>>, vector<16xf32>,
          %parallel_loop3A_501 = arith.index_cast %parallel_loop3A_458 : i32 to index
          %parallel_loop3A_502 = arith.constant 32 : index
          %parallel_loop3A_503 = tpu.vector_load %arg30[%parallel_loop3A_501, %parallel_loop3A_502] {strides = array<i32>} : memref<80x64xi32, #tpu.memory_space<vmem>>, vector<16xi32>,
          %parallel_loop3A_504 = arith.constant 16 : i32
          %parallel_loop3A_505 = vector.broadcast %parallel_loop3A_504 : i32 to vector<16xi32>
          %parallel_loop3A_506 = arith.shli %parallel_loop3A_503, %parallel_loop3A_505 : vector<16xi32>
          %parallel_loop3A_507 = vector.bitcast %parallel_loop3A_506 : vector<16xi32> to vector<16xf32>
          %parallel_loop3A_508 = arith.andi %parallel_loop3A_503, %broadcast_in_dim3A_16 : vector<16xi32>
          %parallel_loop3A_509 = vector.bitcast %parallel_loop3A_508 : vector<16xi32> to vector<16xf32>
          %parallel_loop3A_510 = vector.broadcast %parallel_loop3A_462 : f32 to vector<16xf32>
          %parallel_loop3A_511 = arith.mulf %parallel_loop3A_507, %parallel_loop3A_510 : vector<16xf32>
          %parallel_loop3A_512 = arith.index_cast %parallel_loop3A_458 : i32 to index
          %parallel_loop3A_513 = arith.constant 64 : index
          %parallel_loop3A_514 = tpu.vector_load %arg32[%parallel_loop3A_512, %parallel_loop3A_513] {strides = array<i32>} : memref<80x128xf32, #tpu.memory_space<vmem>>, vector<16xf32>,
          tpu.vector_store %arg32[%parallel_loop3A_512, %parallel_loop3A_513], %parallel_loop3A_511 {strides = array<i32>} : memref<80x128xf32, #tpu.memory_space<vmem>>, vector<16xf32>,
          %parallel_loop3A_515 = vector.broadcast %parallel_loop3A_462 : f32 to vector<16xf32>
          %parallel_loop3A_516 = arith.mulf %parallel_loop3A_509, %parallel_loop3A_515 : vector<16xf32>
          %parallel_loop3A_517 = arith.index_cast %parallel_loop3A_458 : i32 to index
          %parallel_loop3A_518 = arith.constant 80 : index
          %parallel_loop3A_519 = tpu.vector_load %arg32[%parallel_loop3A_517, %parallel_loop3A_518] {strides = array<i32>} : memref<80x128xf32, #tpu.memory_space<vmem>>, vector<16xf32>,
          tpu.vector_store %arg32[%parallel_loop3A_517, %parallel_loop3A_518], %parallel_loop3A_516 {strides = array<i32>} : memref<80x128xf32, #tpu.memory_space<vmem>>, vector<16xf32>,
          %parallel_loop3A_520 = arith.index_cast %parallel_loop3A_458 : i32 to index
          %parallel_loop3A_521 = arith.constant 48 : index
          %parallel_loop3A_522 = tpu.vector_load %arg30[%parallel_loop3A_520, %parallel_loop3A_521] {strides = array<i32>} : memref<80x64xi32, #tpu.memory_space<vmem>>, vector<16xi32>,
          %parallel_loop3A_523 = arith.constant 16 : i32
          %parallel_loop3A_524 = vector.broadcast %parallel_loop3A_523 : i32 to vector<16xi32>
          %parallel_loop3A_525 = arith.shli %parallel_loop3A_522, %parallel_loop3A_524 : vector<16xi32>
          %parallel_loop3A_526 = vector.bitcast %parallel_loop3A_525 : vector<16xi32> to vector<16xf32>
          %parallel_loop3A_527 = arith.andi %parallel_loop3A_522, %broadcast_in_dim3A_16 : vector<16xi32>
          %parallel_loop3A_528 = vector.bitcast %parallel_loop3A_527 : vector<16xi32> to vector<16xf32>
          %parallel_loop3A_529 = vector.broadcast %parallel_loop3A_462 : f32 to vector<16xf32>
          %parallel_loop3A_530 = arith.mulf %parallel_loop3A_526, %parallel_loop3A_529 : vector<16xf32>
          %parallel_loop3A_531 = arith.index_cast %parallel_loop3A_458 : i32 to index
          %parallel_loop3A_532 = arith.constant 96 : index
          %parallel_loop3A_533 = tpu.vector_load %arg32[%parallel_loop3A_531, %parallel_loop3A_532] {strides = array<i32>} : memref<80x128xf32, #tpu.memory_space<vmem>>, vector<16xf32>,
          tpu.vector_store %arg32[%parallel_loop3A_531, %parallel_loop3A_532], %parallel_loop3A_530 {strides = array<i32>} : memref<80x128xf32, #tpu.memory_space<vmem>>, vector<16xf32>,
          %parallel_loop3A_534 = vector.broadcast %parallel_loop3A_462 : f32 to vector<16xf32>
          %parallel_loop3A_535 = arith.mulf %parallel_loop3A_528, %parallel_loop3A_534 : vector<16xf32>
          %parallel_loop3A_536 = arith.index_cast %parallel_loop3A_458 : i32 to index
          %parallel_loop3A_537 = arith.constant 112 : index
          %parallel_loop3A_538 = tpu.vector_load %arg32[%parallel_loop3A_536, %parallel_loop3A_537] {strides = array<i32>} : memref<80x128xf32, #tpu.memory_space<vmem>>, vector<16xf32>,
          tpu.vector_store %arg32[%parallel_loop3A_536, %parallel_loop3A_537], %parallel_loop3A_535 {strides = array<i32>} : memref<80x128xf32, #tpu.memory_space<vmem>>, vector<16xf32>,
        } {sc.loop_unroll_factor = 4 : i64, sc.parallel_access}
        %dma_start3A_444 = arith.constant 0 : i32
        %dma_start3A_445 = arith.constant 0 : i32
        %dma_start3A_446 = tpu.memref_slice %arg33[%dma_start3A_444, %dma_start3A_445] : memref<10000x128xf32, #tpu.memory_space<vmem_shared>> -> memref<10000x128xf32, #tpu.memory_space<vmem_shared>>
        tpu.enqueue_indirect_dma source(%arg32 : memref<80x128xf32, #tpu.memory_space<vmem>>) target(%dma_start3A_446 : memref<10000x128xf32, #tpu.memory_space<vmem_shared>>) offsets(%arg14 : memref<80xi32, #tpu.memory_space<vmem>>) semaphore(%arg38 : memref<!tpu.dma_semaphore, #tpu.memory_space<semaphore_mem>>) {add = true}
        %dma_start3A_447 = arith.constant 0 : i32
        %dma_start3A_448 = tpu.memref_slice %arg18[%dma_start3A_447] : memref<96xf32, #tpu.memory_space<vmem>> -> memref<80xf32, #tpu.memory_space<vmem>>
        %dma_start3A_449 = arith.constant 0 : i32
        %dma_start3A_450 = tpu.memref_slice %arg34[%dma_start3A_449] : memref<10000xf32, #tpu.memory_space<vmem_shared>> -> memref<10000xf32, #tpu.memory_space<vmem_shared>>
        tpu.enqueue_indirect_dma source(%dma_start3A_448 : memref<80xf32, #tpu.memory_space<vmem>>) target(%dma_start3A_450 : memref<10000xf32, #tpu.memory_space<vmem_shared>>) offsets(%arg14 : memref<80xi32, #tpu.memory_space<vmem>>) semaphore(%arg38 : memref<!tpu.dma_semaphore, #tpu.memory_space<semaphore_mem>>) {add = true}
        %add3A_451 = arith.constant 2 : i32
        %add3A_452 = arith.addi %add3A_348, %add3A_451 : i32
        %lt3A_453 = arith.constant 61 : i32
        %lt3A_454 = arith.cmpi slt, %add3A_452, %lt3A_453 : i32
        %convert_element_type3A_455 = arith.extui %lt3A_454 : i1 to i32
        %cond3A_456 = arith.constant 0 : i32
        %cond3A_457 = arith.cmpi ne, %convert_element_type3A_455, %cond3A_456 : i32
        scf.if %cond3A_457 {
          %add3A_458 = arith.constant 2 : i32
          %add3A_459 = arith.addi %add3A_348, %add3A_458 : i32
          %broadcast_in_dim3A_460 = arith.constant 65535 : i32
          %broadcast_in_dim3A_461 = vector.broadcast %broadcast_in_dim3A_460 : i32 to vector<16xi32>
          %get3A_462 = arith.index_cast %add3A_459 : i32 to index
          %get3A_463 = arith.constant 0 : index
          %get3A_464 = tpu.vector_load %arg8[%get3A_462, %get3A_463] {strides = array<i32>} : memref<64x80xi32, #tpu.memory_space<vmem>>, vector<16xi32>,
          %and3A_465 = arith.andi %get3A_464, %broadcast_in_dim3A_461 : vector<16xi32>
          %swap3A_466 = arith.constant 0 : index
          %swap3A_467 = tpu.vector_load %arg12[%swap3A_466] {strides = array<i32>} : memref<80xi32, #tpu.memory_space<vmem>>, vector<16xi32>,
          tpu.vector_store %arg12[%swap3A_466], %and3A_465 {strides = array<i32>} : memref<80xi32, #tpu.memory_space<vmem>>, vector<16xi32>,
          %shift_right_logical3A_468 = arith.constant 16 : i32
          %shift_right_logical3A_469 = vector.broadcast %shift_right_logical3A_468 : i32 to vector<16xi32>
          %shift_right_logical3A_470 = arith.shrui %get3A_464, %shift_right_logical3A_469 : vector<16xi32>
          %swap3A_471 = arith.constant 0 : index
          %swap3A_472 = tpu.vector_load %arg16[%swap3A_471] {strides = array<i32>} : memref<80xi32, #tpu.memory_space<vmem>>, vector<16xi32>,
          tpu.vector_store %arg16[%swap3A_471], %shift_right_logical3A_470 {strides = array<i32>} : memref<80xi32, #tpu.memory_space<vmem>>, vector<16xi32>,
          %get3A_473 = arith.index_cast %add3A_459 : i32 to index
          %get3A_474 = arith.constant 16 : index
          %get3A_475 = tpu.vector_load %arg8[%get3A_473, %get3A_474] {strides = array<i32>} : memref<64x80xi32, #tpu.memory_space<vmem>>, vector<16xi32>,
          %and3A_476 = arith.andi %get3A_475, %broadcast_in_dim3A_461 : vector<16xi32>
          %swap3A_477 = arith.constant 16 : index
          %swap3A_478 = tpu.vector_load %arg12[%swap3A_477] {strides = array<i32>} : memref<80xi32, #tpu.memory_space<vmem>>, vector<16xi32>,
          tpu.vector_store %arg12[%swap3A_477], %and3A_476 {strides = array<i32>} : memref<80xi32, #tpu.memory_space<vmem>>, vector<16xi32>,
          %shift_right_logical3A_479 = arith.constant 16 : i32
          %shift_right_logical3A_480 = vector.broadcast %shift_right_logical3A_479 : i32 to vector<16xi32>
          %shift_right_logical3A_481 = arith.shrui %get3A_475, %shift_right_logical3A_480 : vector<16xi32>
          %swap3A_482 = arith.constant 16 : index
          %swap3A_483 = tpu.vector_load %arg16[%swap3A_482] {strides = array<i32>} : memref<80xi32, #tpu.memory_space<vmem>>, vector<16xi32>,
          tpu.vector_store %arg16[%swap3A_482], %shift_right_logical3A_481 {strides = array<i32>} : memref<80xi32, #tpu.memory_space<vmem>>, vector<16xi32>,
          %get3A_484 = arith.index_cast %add3A_459 : i32 to index
          %get3A_485 = arith.constant 32 : index
          %get3A_486 = tpu.vector_load %arg8[%get3A_484, %get3A_485] {strides = array<i32>} : memref<64x80xi32, #tpu.memory_space<vmem>>, vector<16xi32>,
          %and3A_487 = arith.andi %get3A_486, %broadcast_in_dim3A_461 : vector<16xi32>
          %swap3A_488 = arith.constant 32 : index
          %swap3A_489 = tpu.vector_load %arg12[%swap3A_488] {strides = array<i32>} : memref<80xi32, #tpu.memory_space<vmem>>, vector<16xi32>,
          tpu.vector_store %arg12[%swap3A_488], %and3A_487 {strides = array<i32>} : memref<80xi32, #tpu.memory_space<vmem>>, vector<16xi32>,
          %shift_right_logical3A_490 = arith.constant 16 : i32
          %shift_right_logical3A_491 = vector.broadcast %shift_right_logical3A_490 : i32 to vector<16xi32>
          %shift_right_logical3A_492 = arith.shrui %get3A_486, %shift_right_logical3A_491 : vector<16xi32>
          %swap3A_493 = arith.constant 32 : index
          %swap3A_494 = tpu.vector_load %arg16[%swap3A_493] {strides = array<i32>} : memref<80xi32, #tpu.memory_space<vmem>>, vector<16xi32>,
          tpu.vector_store %arg16[%swap3A_493], %shift_right_logical3A_492 {strides = array<i32>} : memref<80xi32, #tpu.memory_space<vmem>>, vector<16xi32>,
          %get3A_495 = arith.index_cast %add3A_459 : i32 to index
          %get3A_496 = arith.constant 48 : index
          %get3A_497 = tpu.vector_load %arg8[%get3A_495, %get3A_496] {strides = array<i32>} : memref<64x80xi32, #tpu.memory_space<vmem>>, vector<16xi32>,
          %and3A_498 = arith.andi %get3A_497, %broadcast_in_dim3A_461 : vector<16xi32>
          %swap3A_499 = arith.constant 48 : index
          %swap3A_500 = tpu.vector_load %arg12[%swap3A_499] {strides = array<i32>} : memref<80xi32, #tpu.memory_space<vmem>>, vector<16xi32>,
          tpu.vector_store %arg12[%swap3A_499], %and3A_498 {strides = array<i32>} : memref<80xi32, #tpu.memory_space<vmem>>, vector<16xi32>,
          %shift_right_logical3A_501 = arith.constant 16 : i32
          %shift_right_logical3A_502 = vector.broadcast %shift_right_logical3A_501 : i32 to vector<16xi32>
          %shift_right_logical3A_503 = arith.shrui %get3A_497, %shift_right_logical3A_502 : vector<16xi32>
          %swap3A_504 = arith.constant 48 : index
          %swap3A_505 = tpu.vector_load %arg16[%swap3A_504] {strides = array<i32>} : memref<80xi32, #tpu.memory_space<vmem>>, vector<16xi32>,
          tpu.vector_store %arg16[%swap3A_504], %shift_right_logical3A_503 {strides = array<i32>} : memref<80xi32, #tpu.memory_space<vmem>>, vector<16xi32>,
          %get3A_506 = arith.index_cast %add3A_459 : i32 to index
          %get3A_507 = arith.constant 64 : index
          %get3A_508 = tpu.vector_load %arg8[%get3A_506, %get3A_507] {strides = array<i32>} : memref<64x80xi32, #tpu.memory_space<vmem>>, vector<16xi32>,
          %and3A_509 = arith.andi %get3A_508, %broadcast_in_dim3A_461 : vector<16xi32>
          %swap3A_510 = arith.constant 64 : index
          %swap3A_511 = tpu.vector_load %arg12[%swap3A_510] {strides = array<i32>} : memref<80xi32, #tpu.memory_space<vmem>>, vector<16xi32>,
          tpu.vector_store %arg12[%swap3A_510], %and3A_509 {strides = array<i32>} : memref<80xi32, #tpu.memory_space<vmem>>, vector<16xi32>,
          %shift_right_logical3A_512 = arith.constant 16 : i32
          %shift_right_logical3A_513 = vector.broadcast %shift_right_logical3A_512 : i32 to vector<16xi32>
          %shift_right_logical3A_514 = arith.shrui %get3A_508, %shift_right_logical3A_513 : vector<16xi32>
          %swap3A_515 = arith.constant 64 : index
          %swap3A_516 = tpu.vector_load %arg16[%swap3A_515] {strides = array<i32>} : memref<80xi32, #tpu.memory_space<vmem>>, vector<16xi32>,
          tpu.vector_store %arg16[%swap3A_515], %shift_right_logical3A_514 {strides = array<i32>} : memref<80xi32, #tpu.memory_space<vmem>>, vector<16xi32>,
          %dma_start3A_517 = arith.constant 0 : i32
          %dma_start3A_518 = arith.constant 0 : i32
          %dma_start3A_519 = tpu.memref_slice %arg2[%dma_start3A_517, %dma_start3A_518] : memref<10000x64xi32, #tpu.memory_space<hbm>> -> memref<10000x64xi32, #tpu.memory_space<hbm>>
          tpu.enqueue_indirect_dma source(%dma_start3A_519 : memref<10000x64xi32, #tpu.memory_space<hbm>>) target(%arg30 : memref<80x64xi32, #tpu.memory_space<vmem>>) offsets(%arg12 : memref<80xi32, #tpu.memory_space<vmem>>) semaphore(%arg36 : memref<!tpu.dma_semaphore, #tpu.memory_space<semaphore_mem>>)
          %dma_start3A_520 = arith.constant 0 : i32
          %dma_start3A_521 = tpu.memref_slice %arg3[%dma_start3A_520] : memref<10000xf32, #tpu.memory_space<hbm>> -> memref<10000xf32, #tpu.memory_space<hbm>>
          tpu.enqueue_indirect_dma source(%dma_start3A_521 : memref<10000xf32, #tpu.memory_space<hbm>>) target(%arg24 : memref<80xf32, #tpu.memory_space<vmem>>) offsets(%arg12 : memref<80xi32, #tpu.memory_space<vmem>>) semaphore(%arg36 : memref<!tpu.dma_semaphore, #tpu.memory_space<semaphore_mem>>)
          %dma_start3A_522 = arith.constant 0 : i32
          %dma_start3A_523 = tpu.memref_slice %arg4[%dma_start3A_522] : memref<10000xf32, #tpu.memory_space<hbm>> -> memref<10000xf32, #tpu.memory_space<hbm>>
          tpu.enqueue_indirect_dma source(%dma_start3A_523 : memref<10000xf32, #tpu.memory_space<hbm>>) target(%arg28 : memref<80xf32, #tpu.memory_space<vmem>>) offsets(%arg16 : memref<80xi32, #tpu.memory_space<vmem>>) semaphore(%arg36 : memref<!tpu.dma_semaphore, #tpu.memory_space<semaphore_mem>>)
        } else {
        }
      } else {
      }
      %mul3A_354 = arith.constant 4 : i32
      %mul3A_355 = arith.muli %mul3A_354, %scan3A_337 : i32
      %add3A_356 = arith.constant 2 : i32
      %add3A_357 = arith.addi %mul3A_355, %add3A_356 : i32
      %lt3A_358 = arith.constant 61 : i32
      %lt3A_359 = arith.cmpi slt, %add3A_357, %lt3A_358 : i32
      %convert_element_type3A_360 = arith.extui %lt3A_359 : i1 to i32
      %cond3A_361 = arith.constant 0 : i32
      %cond3A_362 = arith.cmpi ne, %convert_element_type3A_360, %cond3A_361 : i32
      scf.if %cond3A_362 {
        %dma_wait3A_373 = arith.constant 0 : i32
        %dma_wait3A_374 = arith.constant 0 : i32
        %dma_wait3A_375 = tpu.memref_slice %arg2[%dma_wait3A_373, %dma_wait3A_374] : memref<10000x64xi32, #tpu.memory_space<hbm>> -> memref<10000x64xi32, #tpu.memory_space<hbm>>
        tpu.wait_indirect_dma semaphore(%arg35 : memref<!tpu.dma_semaphore, #tpu.memory_space<semaphore_mem>>) src(%dma_wait3A_375 : memref<10000x64xi32, #tpu.memory_space<hbm>>) dst(%arg29 : memref<80x64xi32, #tpu.memory_space<vmem>>)
        %dma_wait3A_376 = arith.constant 0 : i32
        %dma_wait3A_377 = tpu.memref_slice %arg3[%dma_wait3A_376] : memref<10000xf32, #tpu.memory_space<hbm>> -> memref<10000xf32, #tpu.memory_space<hbm>>
        tpu.wait_indirect_dma semaphore(%arg35 : memref<!tpu.dma_semaphore, #tpu.memory_space<semaphore_mem>>) src(%dma_wait3A_377 : memref<10000xf32, #tpu.memory_space<hbm>>) dst(%arg23 : memref<80xf32, #tpu.memory_space<vmem>>)
        %dma_wait3A_378 = arith.constant 0 : i32
        %dma_wait3A_379 = tpu.memref_slice %arg4[%dma_wait3A_378] : memref<10000xf32, #tpu.memory_space<hbm>> -> memref<10000xf32, #tpu.memory_space<hbm>>
        tpu.wait_indirect_dma semaphore(%arg35 : memref<!tpu.dma_semaphore, #tpu.memory_space<semaphore_mem>>) src(%dma_wait3A_379 : memref<10000xf32, #tpu.memory_space<hbm>>) dst(%arg27 : memref<80xf32, #tpu.memory_space<vmem>>)
        %ge3A = arith.constant 2 : i32
        %ge3A_380 = arith.cmpi sge, %add3A_357, %ge3A : i32
        %convert_element_type3A_381 = arith.extui %ge3A_380 : i1 to i32
        %cond3A_382 = arith.constant 0 : i32
        %cond3A_383 = arith.cmpi ne, %convert_element_type3A_381, %cond3A_382 : i32
        scf.if %cond3A_383 {
          %dma_wait3A_458 = arith.constant 0 : i32
          %dma_wait3A_459 = arith.constant 0 : i32
          %dma_wait3A_460 = tpu.memref_slice %arg33[%dma_wait3A_458, %dma_wait3A_459] : memref<10000x128xf32, #tpu.memory_space<vmem_shared>> -> memref<10000x128xf32, #tpu.memory_space<vmem_shared>>
          tpu.wait_indirect_dma semaphore(%arg37 : memref<!tpu.dma_semaphore, #tpu.memory_space<semaphore_mem>>) src(%arg31 : memref<80x128xf32, #tpu.memory_space<vmem>>) dst(%dma_wait3A_460 : memref<10000x128xf32, #tpu.memory_space<vmem_shared>>)
          %dma_wait3A_461 = arith.constant 0 : i32
          %dma_wait3A_462 = tpu.memref_slice %arg17[%dma_wait3A_461] : memref<96xf32, #tpu.memory_space<vmem>> -> memref<80xf32, #tpu.memory_space<vmem>>
          %dma_wait3A_463 = arith.constant 0 : i32
          %dma_wait3A_464 = tpu.memref_slice %arg34[%dma_wait3A_463] : memref<10000xf32, #tpu.memory_space<vmem_shared>> -> memref<10000xf32, #tpu.memory_space<vmem_shared>>
          tpu.wait_indirect_dma semaphore(%arg37 : memref<!tpu.dma_semaphore, #tpu.memory_space<semaphore_mem>>) src(%dma_wait3A_462 : memref<80xf32, #tpu.memory_space<vmem>>) dst(%dma_wait3A_464 : memref<10000xf32, #tpu.memory_space<vmem_shared>>)
        } else {
        }
        %get3A_384 = arith.constant 0 : index
        %get3A_385 = tpu.vector_load %arg23[%get3A_384] {strides = array<i32>} : memref<80xf32, #tpu.memory_space<vmem>>, vector<16xf32>,
        %get3A_386 = arith.constant 0 : index
        %get3A_387 = tpu.vector_load %arg27[%get3A_386] {strides = array<i32>} : memref<80xf32, #tpu.memory_space<vmem>>, vector<16xf32>,
        %add3A_388 = arith.addf %get3A_385, %get3A_387 : vector<16xf32>
        %mul3A_389 = arith.constant 0.00999999977 : f32
        %mul3A_390 = vector.broadcast %mul3A_389 : f32 to vector<16xf32>
        %mul3A_391 = arith.mulf %add3A_388, %mul3A_390 : vector<16xf32>
        %max3A = arith.maximumf %add3A_388, %mul3A_391 : vector<16xf32>
        %exp3A = math.exp %max3A : vector<16xf32>
        %swap3A_392 = arith.constant 0 : index
        %swap3A_393 = tpu.vector_load %arg19[%swap3A_392] {strides = array<i32>} : memref<96xf32, #tpu.memory_space<vmem>>, vector<16xf32>,
        tpu.vector_store %arg19[%swap3A_392], %exp3A {strides = array<i32>} : memref<96xf32, #tpu.memory_space<vmem>>, vector<16xf32>,
        %get3A_394 = arith.constant 16 : index
        %get3A_395 = tpu.vector_load %arg23[%get3A_394] {strides = array<i32>} : memref<80xf32, #tpu.memory_space<vmem>>, vector<16xf32>,
        %get3A_396 = arith.constant 16 : index
        %get3A_397 = tpu.vector_load %arg27[%get3A_396] {strides = array<i32>} : memref<80xf32, #tpu.memory_space<vmem>>, vector<16xf32>,
        %add3A_398 = arith.addf %get3A_395, %get3A_397 : vector<16xf32>
        %mul3A_399 = arith.constant 0.00999999977 : f32
        %mul3A_400 = vector.broadcast %mul3A_399 : f32 to vector<16xf32>
        %mul3A_401 = arith.mulf %add3A_398, %mul3A_400 : vector<16xf32>
        %max3A_402 = arith.maximumf %add3A_398, %mul3A_401 : vector<16xf32>
        %exp3A_403 = math.exp %max3A_402 : vector<16xf32>
        %swap3A_404 = arith.constant 16 : index
        %swap3A_405 = tpu.vector_load %arg19[%swap3A_404] {strides = array<i32>} : memref<96xf32, #tpu.memory_space<vmem>>, vector<16xf32>,
        tpu.vector_store %arg19[%swap3A_404], %exp3A_403 {strides = array<i32>} : memref<96xf32, #tpu.memory_space<vmem>>, vector<16xf32>,
        %get3A_406 = arith.constant 32 : index
        %get3A_407 = tpu.vector_load %arg23[%get3A_406] {strides = array<i32>} : memref<80xf32, #tpu.memory_space<vmem>>, vector<16xf32>,
        %get3A_408 = arith.constant 32 : index
        %get3A_409 = tpu.vector_load %arg27[%get3A_408] {strides = array<i32>} : memref<80xf32, #tpu.memory_space<vmem>>, vector<16xf32>,
        %add3A_410 = arith.addf %get3A_407, %get3A_409 : vector<16xf32>
        %mul3A_411 = arith.constant 0.00999999977 : f32
        %mul3A_412 = vector.broadcast %mul3A_411 : f32 to vector<16xf32>
        %mul3A_413 = arith.mulf %add3A_410, %mul3A_412 : vector<16xf32>
        %max3A_414 = arith.maximumf %add3A_410, %mul3A_413 : vector<16xf32>
        %exp3A_415 = math.exp %max3A_414 : vector<16xf32>
        %swap3A_416 = arith.constant 32 : index
        %swap3A_417 = tpu.vector_load %arg19[%swap3A_416] {strides = array<i32>} : memref<96xf32, #tpu.memory_space<vmem>>, vector<16xf32>,
        tpu.vector_store %arg19[%swap3A_416], %exp3A_415 {strides = array<i32>} : memref<96xf32, #tpu.memory_space<vmem>>, vector<16xf32>,
        %get3A_418 = arith.constant 48 : index
        %get3A_419 = tpu.vector_load %arg23[%get3A_418] {strides = array<i32>} : memref<80xf32, #tpu.memory_space<vmem>>, vector<16xf32>,
        %get3A_420 = arith.constant 48 : index
        %get3A_421 = tpu.vector_load %arg27[%get3A_420] {strides = array<i32>} : memref<80xf32, #tpu.memory_space<vmem>>, vector<16xf32>,
        %add3A_422 = arith.addf %get3A_419, %get3A_421 : vector<16xf32>
        %mul3A_423 = arith.constant 0.00999999977 : f32
        %mul3A_424 = vector.broadcast %mul3A_423 : f32 to vector<16xf32>
        %mul3A_425 = arith.mulf %add3A_422, %mul3A_424 : vector<16xf32>
        %max3A_426 = arith.maximumf %add3A_422, %mul3A_425 : vector<16xf32>
        %exp3A_427 = math.exp %max3A_426 : vector<16xf32>
        %swap3A_428 = arith.constant 48 : index
        %swap3A_429 = tpu.vector_load %arg19[%swap3A_428] {strides = array<i32>} : memref<96xf32, #tpu.memory_space<vmem>>, vector<16xf32>,
        tpu.vector_store %arg19[%swap3A_428], %exp3A_427 {strides = array<i32>} : memref<96xf32, #tpu.memory_space<vmem>>, vector<16xf32>,
        %get3A_430 = arith.constant 64 : index
        %get3A_431 = tpu.vector_load %arg23[%get3A_430] {strides = array<i32>} : memref<80xf32, #tpu.memory_space<vmem>>, vector<16xf32>,
        %get3A_432 = arith.constant 64 : index
        %get3A_433 = tpu.vector_load %arg27[%get3A_432] {strides = array<i32>} : memref<80xf32, #tpu.memory_space<vmem>>, vector<16xf32>,
        %add3A_434 = arith.addf %get3A_431, %get3A_433 : vector<16xf32>
        %mul3A_435 = arith.constant 0.00999999977 : f32
        %mul3A_436 = vector.broadcast %mul3A_435 : f32 to vector<16xf32>
        %mul3A_437 = arith.mulf %add3A_434, %mul3A_436 : vector<16xf32>
        %max3A_438 = arith.maximumf %add3A_434, %mul3A_437 : vector<16xf32>
        %exp3A_439 = math.exp %max3A_438 : vector<16xf32>
        %swap3A_440 = arith.constant 64 : index
        %swap3A_441 = tpu.vector_load %arg19[%swap3A_440] {strides = array<i32>} : memref<96xf32, #tpu.memory_space<vmem>>, vector<16xf32>,
        tpu.vector_store %arg19[%swap3A_440], %exp3A_439 {strides = array<i32>} : memref<96xf32, #tpu.memory_space<vmem>>, vector<16xf32>,
        %parallel_loop3A = arith.constant 0 : i32
        %parallel_loop3A_442 = arith.constant 80 : i32
        %parallel_loop3A_443 = arith.constant 1 : i32
        scf.for %parallel_loop3A_458 = %parallel_loop3A to %parallel_loop3A_442 step %parallel_loop3A_443  : i32 {
          %parallel_loop3A_459 = arith.index_cast %parallel_loop3A_458 : i32 to index
          %parallel_loop3A_460 = tpu.vector_load %arg19[%parallel_loop3A_459] {strides = array<i32>} : memref<96xf32, #tpu.memory_space<vmem>>, vector<16xf32>,
          %parallel_loop3A_461 = vector.extract_strided_slice %parallel_loop3A_460 {offsets = [0], sizes = [1], strides = [1]} : vector<16xf32> to vector<1xf32>
          %parallel_loop3A_462 = vector.extract %parallel_loop3A_461[0] : f32 from vector<1xf32>
          %parallel_loop3A_463 = arith.index_cast %parallel_loop3A_458 : i32 to index
          %parallel_loop3A_464 = arith.constant 0 : index
          %parallel_loop3A_465 = tpu.vector_load %arg29[%parallel_loop3A_463, %parallel_loop3A_464] {strides = array<i32>} : memref<80x64xi32, #tpu.memory_space<vmem>>, vector<16xi32>,
          %parallel_loop3A_466 = arith.constant 16 : i32
          %parallel_loop3A_467 = vector.broadcast %parallel_loop3A_466 : i32 to vector<16xi32>
          %parallel_loop3A_468 = arith.shli %parallel_loop3A_465, %parallel_loop3A_467 : vector<16xi32>
          %parallel_loop3A_469 = vector.bitcast %parallel_loop3A_468 : vector<16xi32> to vector<16xf32>
          %parallel_loop3A_470 = arith.andi %parallel_loop3A_465, %broadcast_in_dim3A_16 : vector<16xi32>
          %parallel_loop3A_471 = vector.bitcast %parallel_loop3A_470 : vector<16xi32> to vector<16xf32>
          %parallel_loop3A_472 = vector.broadcast %parallel_loop3A_462 : f32 to vector<16xf32>
          %parallel_loop3A_473 = arith.mulf %parallel_loop3A_469, %parallel_loop3A_472 : vector<16xf32>
          %parallel_loop3A_474 = arith.index_cast %parallel_loop3A_458 : i32 to index
          %parallel_loop3A_475 = arith.constant 0 : index
          %parallel_loop3A_476 = tpu.vector_load %arg31[%parallel_loop3A_474, %parallel_loop3A_475] {strides = array<i32>} : memref<80x128xf32, #tpu.memory_space<vmem>>, vector<16xf32>,
          tpu.vector_store %arg31[%parallel_loop3A_474, %parallel_loop3A_475], %parallel_loop3A_473 {strides = array<i32>} : memref<80x128xf32, #tpu.memory_space<vmem>>, vector<16xf32>,
          %parallel_loop3A_477 = vector.broadcast %parallel_loop3A_462 : f32 to vector<16xf32>
          %parallel_loop3A_478 = arith.mulf %parallel_loop3A_471, %parallel_loop3A_477 : vector<16xf32>
          %parallel_loop3A_479 = arith.index_cast %parallel_loop3A_458 : i32 to index
          %parallel_loop3A_480 = arith.constant 16 : index
          %parallel_loop3A_481 = tpu.vector_load %arg31[%parallel_loop3A_479, %parallel_loop3A_480] {strides = array<i32>} : memref<80x128xf32, #tpu.memory_space<vmem>>, vector<16xf32>,
          tpu.vector_store %arg31[%parallel_loop3A_479, %parallel_loop3A_480], %parallel_loop3A_478 {strides = array<i32>} : memref<80x128xf32, #tpu.memory_space<vmem>>, vector<16xf32>,
          %parallel_loop3A_482 = arith.index_cast %parallel_loop3A_458 : i32 to index
          %parallel_loop3A_483 = arith.constant 16 : index
          %parallel_loop3A_484 = tpu.vector_load %arg29[%parallel_loop3A_482, %parallel_loop3A_483] {strides = array<i32>} : memref<80x64xi32, #tpu.memory_space<vmem>>, vector<16xi32>,
          %parallel_loop3A_485 = arith.constant 16 : i32
          %parallel_loop3A_486 = vector.broadcast %parallel_loop3A_485 : i32 to vector<16xi32>
          %parallel_loop3A_487 = arith.shli %parallel_loop3A_484, %parallel_loop3A_486 : vector<16xi32>
          %parallel_loop3A_488 = vector.bitcast %parallel_loop3A_487 : vector<16xi32> to vector<16xf32>
          %parallel_loop3A_489 = arith.andi %parallel_loop3A_484, %broadcast_in_dim3A_16 : vector<16xi32>
          %parallel_loop3A_490 = vector.bitcast %parallel_loop3A_489 : vector<16xi32> to vector<16xf32>
          %parallel_loop3A_491 = vector.broadcast %parallel_loop3A_462 : f32 to vector<16xf32>
          %parallel_loop3A_492 = arith.mulf %parallel_loop3A_488, %parallel_loop3A_491 : vector<16xf32>
          %parallel_loop3A_493 = arith.index_cast %parallel_loop3A_458 : i32 to index
          %parallel_loop3A_494 = arith.constant 32 : index
          %parallel_loop3A_495 = tpu.vector_load %arg31[%parallel_loop3A_493, %parallel_loop3A_494] {strides = array<i32>} : memref<80x128xf32, #tpu.memory_space<vmem>>, vector<16xf32>,
          tpu.vector_store %arg31[%parallel_loop3A_493, %parallel_loop3A_494], %parallel_loop3A_492 {strides = array<i32>} : memref<80x128xf32, #tpu.memory_space<vmem>>, vector<16xf32>,
          %parallel_loop3A_496 = vector.broadcast %parallel_loop3A_462 : f32 to vector<16xf32>
          %parallel_loop3A_497 = arith.mulf %parallel_loop3A_490, %parallel_loop3A_496 : vector<16xf32>
          %parallel_loop3A_498 = arith.index_cast %parallel_loop3A_458 : i32 to index
          %parallel_loop3A_499 = arith.constant 48 : index
          %parallel_loop3A_500 = tpu.vector_load %arg31[%parallel_loop3A_498, %parallel_loop3A_499] {strides = array<i32>} : memref<80x128xf32, #tpu.memory_space<vmem>>, vector<16xf32>,
          tpu.vector_store %arg31[%parallel_loop3A_498, %parallel_loop3A_499], %parallel_loop3A_497 {strides = array<i32>} : memref<80x128xf32, #tpu.memory_space<vmem>>, vector<16xf32>,
          %parallel_loop3A_501 = arith.index_cast %parallel_loop3A_458 : i32 to index
          %parallel_loop3A_502 = arith.constant 32 : index
          %parallel_loop3A_503 = tpu.vector_load %arg29[%parallel_loop3A_501, %parallel_loop3A_502] {strides = array<i32>} : memref<80x64xi32, #tpu.memory_space<vmem>>, vector<16xi32>,
          %parallel_loop3A_504 = arith.constant 16 : i32
          %parallel_loop3A_505 = vector.broadcast %parallel_loop3A_504 : i32 to vector<16xi32>
          %parallel_loop3A_506 = arith.shli %parallel_loop3A_503, %parallel_loop3A_505 : vector<16xi32>
          %parallel_loop3A_507 = vector.bitcast %parallel_loop3A_506 : vector<16xi32> to vector<16xf32>
          %parallel_loop3A_508 = arith.andi %parallel_loop3A_503, %broadcast_in_dim3A_16 : vector<16xi32>
          %parallel_loop3A_509 = vector.bitcast %parallel_loop3A_508 : vector<16xi32> to vector<16xf32>
          %parallel_loop3A_510 = vector.broadcast %parallel_loop3A_462 : f32 to vector<16xf32>
          %parallel_loop3A_511 = arith.mulf %parallel_loop3A_507, %parallel_loop3A_510 : vector<16xf32>
          %parallel_loop3A_512 = arith.index_cast %parallel_loop3A_458 : i32 to index
          %parallel_loop3A_513 = arith.constant 64 : index
          %parallel_loop3A_514 = tpu.vector_load %arg31[%parallel_loop3A_512, %parallel_loop3A_513] {strides = array<i32>} : memref<80x128xf32, #tpu.memory_space<vmem>>, vector<16xf32>,
          tpu.vector_store %arg31[%parallel_loop3A_512, %parallel_loop3A_513], %parallel_loop3A_511 {strides = array<i32>} : memref<80x128xf32, #tpu.memory_space<vmem>>, vector<16xf32>,
          %parallel_loop3A_515 = vector.broadcast %parallel_loop3A_462 : f32 to vector<16xf32>
          %parallel_loop3A_516 = arith.mulf %parallel_loop3A_509, %parallel_loop3A_515 : vector<16xf32>
          %parallel_loop3A_517 = arith.index_cast %parallel_loop3A_458 : i32 to index
          %parallel_loop3A_518 = arith.constant 80 : index
          %parallel_loop3A_519 = tpu.vector_load %arg31[%parallel_loop3A_517, %parallel_loop3A_518] {strides = array<i32>} : memref<80x128xf32, #tpu.memory_space<vmem>>, vector<16xf32>,
          tpu.vector_store %arg31[%parallel_loop3A_517, %parallel_loop3A_518], %parallel_loop3A_516 {strides = array<i32>} : memref<80x128xf32, #tpu.memory_space<vmem>>, vector<16xf32>,
          %parallel_loop3A_520 = arith.index_cast %parallel_loop3A_458 : i32 to index
          %parallel_loop3A_521 = arith.constant 48 : index
          %parallel_loop3A_522 = tpu.vector_load %arg29[%parallel_loop3A_520, %parallel_loop3A_521] {strides = array<i32>} : memref<80x64xi32, #tpu.memory_space<vmem>>, vector<16xi32>,
          %parallel_loop3A_523 = arith.constant 16 : i32
          %parallel_loop3A_524 = vector.broadcast %parallel_loop3A_523 : i32 to vector<16xi32>
          %parallel_loop3A_525 = arith.shli %parallel_loop3A_522, %parallel_loop3A_524 : vector<16xi32>
          %parallel_loop3A_526 = vector.bitcast %parallel_loop3A_525 : vector<16xi32> to vector<16xf32>
          %parallel_loop3A_527 = arith.andi %parallel_loop3A_522, %broadcast_in_dim3A_16 : vector<16xi32>
          %parallel_loop3A_528 = vector.bitcast %parallel_loop3A_527 : vector<16xi32> to vector<16xf32>
          %parallel_loop3A_529 = vector.broadcast %parallel_loop3A_462 : f32 to vector<16xf32>
          %parallel_loop3A_530 = arith.mulf %parallel_loop3A_526, %parallel_loop3A_529 : vector<16xf32>
          %parallel_loop3A_531 = arith.index_cast %parallel_loop3A_458 : i32 to index
          %parallel_loop3A_532 = arith.constant 96 : index
          %parallel_loop3A_533 = tpu.vector_load %arg31[%parallel_loop3A_531, %parallel_loop3A_532] {strides = array<i32>} : memref<80x128xf32, #tpu.memory_space<vmem>>, vector<16xf32>,
          tpu.vector_store %arg31[%parallel_loop3A_531, %parallel_loop3A_532], %parallel_loop3A_530 {strides = array<i32>} : memref<80x128xf32, #tpu.memory_space<vmem>>, vector<16xf32>,
          %parallel_loop3A_534 = vector.broadcast %parallel_loop3A_462 : f32 to vector<16xf32>
          %parallel_loop3A_535 = arith.mulf %parallel_loop3A_528, %parallel_loop3A_534 : vector<16xf32>
          %parallel_loop3A_536 = arith.index_cast %parallel_loop3A_458 : i32 to index
          %parallel_loop3A_537 = arith.constant 112 : index
          %parallel_loop3A_538 = tpu.vector_load %arg31[%parallel_loop3A_536, %parallel_loop3A_537] {strides = array<i32>} : memref<80x128xf32, #tpu.memory_space<vmem>>, vector<16xf32>,
          tpu.vector_store %arg31[%parallel_loop3A_536, %parallel_loop3A_537], %parallel_loop3A_535 {strides = array<i32>} : memref<80x128xf32, #tpu.memory_space<vmem>>, vector<16xf32>,
        } {sc.loop_unroll_factor = 4 : i64, sc.parallel_access}
        %dma_start3A_444 = arith.constant 0 : i32
        %dma_start3A_445 = arith.constant 0 : i32
        %dma_start3A_446 = tpu.memref_slice %arg33[%dma_start3A_444, %dma_start3A_445] : memref<10000x128xf32, #tpu.memory_space<vmem_shared>> -> memref<10000x128xf32, #tpu.memory_space<vmem_shared>>
        tpu.enqueue_indirect_dma source(%arg31 : memref<80x128xf32, #tpu.memory_space<vmem>>) target(%dma_start3A_446 : memref<10000x128xf32, #tpu.memory_space<vmem_shared>>) offsets(%arg15 : memref<80xi32, #tpu.memory_space<vmem>>) semaphore(%arg37 : memref<!tpu.dma_semaphore, #tpu.memory_space<semaphore_mem>>) {add = true}
        %dma_start3A_447 = arith.constant 0 : i32
        %dma_start3A_448 = tpu.memref_slice %arg19[%dma_start3A_447] : memref<96xf32, #tpu.memory_space<vmem>> -> memref<80xf32, #tpu.memory_space<vmem>>
        %dma_start3A_449 = arith.constant 0 : i32
        %dma_start3A_450 = tpu.memref_slice %arg34[%dma_start3A_449] : memref<10000xf32, #tpu.memory_space<vmem_shared>> -> memref<10000xf32, #tpu.memory_space<vmem_shared>>
        tpu.enqueue_indirect_dma source(%dma_start3A_448 : memref<80xf32, #tpu.memory_space<vmem>>) target(%dma_start3A_450 : memref<10000xf32, #tpu.memory_space<vmem_shared>>) offsets(%arg15 : memref<80xi32, #tpu.memory_space<vmem>>) semaphore(%arg37 : memref<!tpu.dma_semaphore, #tpu.memory_space<semaphore_mem>>) {add = true}
        %add3A_451 = arith.constant 2 : i32
        %add3A_452 = arith.addi %add3A_357, %add3A_451 : i32
        %lt3A_453 = arith.constant 61 : i32
        %lt3A_454 = arith.cmpi slt, %add3A_452, %lt3A_453 : i32
        %convert_element_type3A_455 = arith.extui %lt3A_454 : i1 to i32
        %cond3A_456 = arith.constant 0 : i32
        %cond3A_457 = arith.cmpi ne, %convert_element_type3A_455, %cond3A_456 : i32
        scf.if %cond3A_457 {
          %add3A_458 = arith.constant 2 : i32
          %add3A_459 = arith.addi %add3A_357, %add3A_458 : i32
          %broadcast_in_dim3A_460 = arith.constant 65535 : i32
          %broadcast_in_dim3A_461 = vector.broadcast %broadcast_in_dim3A_460 : i32 to vector<16xi32>
          %get3A_462 = arith.index_cast %add3A_459 : i32 to index
          %get3A_463 = arith.constant 0 : index
          %get3A_464 = tpu.vector_load %arg8[%get3A_462, %get3A_463] {strides = array<i32>} : memref<64x80xi32, #tpu.memory_space<vmem>>, vector<16xi32>,
          %and3A_465 = arith.andi %get3A_464, %broadcast_in_dim3A_461 : vector<16xi32>
          %swap3A_466 = arith.constant 0 : index
          %swap3A_467 = tpu.vector_load %arg9[%swap3A_466] {strides = array<i32>} : memref<80xi32, #tpu.memory_space<vmem>>, vector<16xi32>,
          tpu.vector_store %arg9[%swap3A_466], %and3A_465 {strides = array<i32>} : memref<80xi32, #tpu.memory_space<vmem>>, vector<16xi32>,
          %shift_right_logical3A_468 = arith.constant 16 : i32
          %shift_right_logical3A_469 = vector.broadcast %shift_right_logical3A_468 : i32 to vector<16xi32>
          %shift_right_logical3A_470 = arith.shrui %get3A_464, %shift_right_logical3A_469 : vector<16xi32>
          %swap3A_471 = arith.constant 0 : index
          %swap3A_472 = tpu.vector_load %arg13[%swap3A_471] {strides = array<i32>} : memref<80xi32, #tpu.memory_space<vmem>>, vector<16xi32>,
          tpu.vector_store %arg13[%swap3A_471], %shift_right_logical3A_470 {strides = array<i32>} : memref<80xi32, #tpu.memory_space<vmem>>, vector<16xi32>,
          %get3A_473 = arith.index_cast %add3A_459 : i32 to index
          %get3A_474 = arith.constant 16 : index
          %get3A_475 = tpu.vector_load %arg8[%get3A_473, %get3A_474] {strides = array<i32>} : memref<64x80xi32, #tpu.memory_space<vmem>>, vector<16xi32>,
          %and3A_476 = arith.andi %get3A_475, %broadcast_in_dim3A_461 : vector<16xi32>
          %swap3A_477 = arith.constant 16 : index
          %swap3A_478 = tpu.vector_load %arg9[%swap3A_477] {strides = array<i32>} : memref<80xi32, #tpu.memory_space<vmem>>, vector<16xi32>,
          tpu.vector_store %arg9[%swap3A_477], %and3A_476 {strides = array<i32>} : memref<80xi32, #tpu.memory_space<vmem>>, vector<16xi32>,
          %shift_right_logical3A_479 = arith.constant 16 : i32
          %shift_right_logical3A_480 = vector.broadcast %shift_right_logical3A_479 : i32 to vector<16xi32>
          %shift_right_logical3A_481 = arith.shrui %get3A_475, %shift_right_logical3A_480 : vector<16xi32>
          %swap3A_482 = arith.constant 16 : index
          %swap3A_483 = tpu.vector_load %arg13[%swap3A_482] {strides = array<i32>} : memref<80xi32, #tpu.memory_space<vmem>>, vector<16xi32>,
          tpu.vector_store %arg13[%swap3A_482], %shift_right_logical3A_481 {strides = array<i32>} : memref<80xi32, #tpu.memory_space<vmem>>, vector<16xi32>,
          %get3A_484 = arith.index_cast %add3A_459 : i32 to index
          %get3A_485 = arith.constant 32 : index
          %get3A_486 = tpu.vector_load %arg8[%get3A_484, %get3A_485] {strides = array<i32>} : memref<64x80xi32, #tpu.memory_space<vmem>>, vector<16xi32>,
          %and3A_487 = arith.andi %get3A_486, %broadcast_in_dim3A_461 : vector<16xi32>
          %swap3A_488 = arith.constant 32 : index
          %swap3A_489 = tpu.vector_load %arg9[%swap3A_488] {strides = array<i32>} : memref<80xi32, #tpu.memory_space<vmem>>, vector<16xi32>,
          tpu.vector_store %arg9[%swap3A_488], %and3A_487 {strides = array<i32>} : memref<80xi32, #tpu.memory_space<vmem>>, vector<16xi32>,
          %shift_right_logical3A_490 = arith.constant 16 : i32
          %shift_right_logical3A_491 = vector.broadcast %shift_right_logical3A_490 : i32 to vector<16xi32>
          %shift_right_logical3A_492 = arith.shrui %get3A_486, %shift_right_logical3A_491 : vector<16xi32>
          %swap3A_493 = arith.constant 32 : index
          %swap3A_494 = tpu.vector_load %arg13[%swap3A_493] {strides = array<i32>} : memref<80xi32, #tpu.memory_space<vmem>>, vector<16xi32>,
          tpu.vector_store %arg13[%swap3A_493], %shift_right_logical3A_492 {strides = array<i32>} : memref<80xi32, #tpu.memory_space<vmem>>, vector<16xi32>,
          %get3A_495 = arith.index_cast %add3A_459 : i32 to index
          %get3A_496 = arith.constant 48 : index
          %get3A_497 = tpu.vector_load %arg8[%get3A_495, %get3A_496] {strides = array<i32>} : memref<64x80xi32, #tpu.memory_space<vmem>>, vector<16xi32>,
          %and3A_498 = arith.andi %get3A_497, %broadcast_in_dim3A_461 : vector<16xi32>
          %swap3A_499 = arith.constant 48 : index
          %swap3A_500 = tpu.vector_load %arg9[%swap3A_499] {strides = array<i32>} : memref<80xi32, #tpu.memory_space<vmem>>, vector<16xi32>,
          tpu.vector_store %arg9[%swap3A_499], %and3A_498 {strides = array<i32>} : memref<80xi32, #tpu.memory_space<vmem>>, vector<16xi32>,
          %shift_right_logical3A_501 = arith.constant 16 : i32
          %shift_right_logical3A_502 = vector.broadcast %shift_right_logical3A_501 : i32 to vector<16xi32>
          %shift_right_logical3A_503 = arith.shrui %get3A_497, %shift_right_logical3A_502 : vector<16xi32>
          %swap3A_504 = arith.constant 48 : index
          %swap3A_505 = tpu.vector_load %arg13[%swap3A_504] {strides = array<i32>} : memref<80xi32, #tpu.memory_space<vmem>>, vector<16xi32>,
          tpu.vector_store %arg13[%swap3A_504], %shift_right_logical3A_503 {strides = array<i32>} : memref<80xi32, #tpu.memory_space<vmem>>, vector<16xi32>,
          %get3A_506 = arith.index_cast %add3A_459 : i32 to index
          %get3A_507 = arith.constant 64 : index
          %get3A_508 = tpu.vector_load %arg8[%get3A_506, %get3A_507] {strides = array<i32>} : memref<64x80xi32, #tpu.memory_space<vmem>>, vector<16xi32>,
          %and3A_509 = arith.andi %get3A_508, %broadcast_in_dim3A_461 : vector<16xi32>
          %swap3A_510 = arith.constant 64 : index
          %swap3A_511 = tpu.vector_load %arg9[%swap3A_510] {strides = array<i32>} : memref<80xi32, #tpu.memory_space<vmem>>, vector<16xi32>,
          tpu.vector_store %arg9[%swap3A_510], %and3A_509 {strides = array<i32>} : memref<80xi32, #tpu.memory_space<vmem>>, vector<16xi32>,
          %shift_right_logical3A_512 = arith.constant 16 : i32
          %shift_right_logical3A_513 = vector.broadcast %shift_right_logical3A_512 : i32 to vector<16xi32>
          %shift_right_logical3A_514 = arith.shrui %get3A_508, %shift_right_logical3A_513 : vector<16xi32>
          %swap3A_515 = arith.constant 64 : index
          %swap3A_516 = tpu.vector_load %arg13[%swap3A_515] {strides = array<i32>} : memref<80xi32, #tpu.memory_space<vmem>>, vector<16xi32>,
          tpu.vector_store %arg13[%swap3A_515], %shift_right_logical3A_514 {strides = array<i32>} : memref<80xi32, #tpu.memory_space<vmem>>, vector<16xi32>,
          %dma_start3A_517 = arith.constant 0 : i32
          %dma_start3A_518 = arith.constant 0 : i32
          %dma_start3A_519 = tpu.memref_slice %arg2[%dma_start3A_517, %dma_start3A_518] : memref<10000x64xi32, #tpu.memory_space<hbm>> -> memref<10000x64xi32, #tpu.memory_space<hbm>>
          tpu.enqueue_indirect_dma source(%dma_start3A_519 : memref<10000x64xi32, #tpu.memory_space<hbm>>) target(%arg29 : memref<80x64xi32, #tpu.memory_space<vmem>>) offsets(%arg9 : memref<80xi32, #tpu.memory_space<vmem>>) semaphore(%arg35 : memref<!tpu.dma_semaphore, #tpu.memory_space<semaphore_mem>>)
          %dma_start3A_520 = arith.constant 0 : i32
          %dma_start3A_521 = tpu.memref_slice %arg3[%dma_start3A_520] : memref<10000xf32, #tpu.memory_space<hbm>> -> memref<10000xf32, #tpu.memory_space<hbm>>
          tpu.enqueue_indirect_dma source(%dma_start3A_521 : memref<10000xf32, #tpu.memory_space<hbm>>) target(%arg21 : memref<80xf32, #tpu.memory_space<vmem>>) offsets(%arg9 : memref<80xi32, #tpu.memory_space<vmem>>) semaphore(%arg35 : memref<!tpu.dma_semaphore, #tpu.memory_space<semaphore_mem>>)
          %dma_start3A_522 = arith.constant 0 : i32
          %dma_start3A_523 = tpu.memref_slice %arg4[%dma_start3A_522] : memref<10000xf32, #tpu.memory_space<hbm>> -> memref<10000xf32, #tpu.memory_space<hbm>>
          tpu.enqueue_indirect_dma source(%dma_start3A_523 : memref<10000xf32, #tpu.memory_space<hbm>>) target(%arg25 : memref<80xf32, #tpu.memory_space<vmem>>) offsets(%arg13 : memref<80xi32, #tpu.memory_space<vmem>>) semaphore(%arg35 : memref<!tpu.dma_semaphore, #tpu.memory_space<semaphore_mem>>)
        } else {
        }
      } else {
      }
      %mul3A_363 = arith.constant 4 : i32
      %mul3A_364 = arith.muli %mul3A_363, %scan3A_337 : i32
      %add3A_365 = arith.constant 3 : i32
      %add3A_366 = arith.addi %mul3A_364, %add3A_365 : i32
      %lt3A_367 = arith.constant 61 : i32
      %lt3A_368 = arith.cmpi slt, %add3A_366, %lt3A_367 : i32
      %convert_element_type3A_369 = arith.extui %lt3A_368 : i1 to i32
      %cond3A_370 = arith.constant 0 : i32
      %cond3A_371 = arith.cmpi ne, %convert_element_type3A_369, %cond3A_370 : i32
      scf.if %cond3A_371 {
        %dma_wait3A_373 = arith.constant 0 : i32
        %dma_wait3A_374 = arith.constant 0 : i32
        %dma_wait3A_375 = tpu.memref_slice %arg2[%dma_wait3A_373, %dma_wait3A_374] : memref<10000x64xi32, #tpu.memory_space<hbm>> -> memref<10000x64xi32, #tpu.memory_space<hbm>>
        tpu.wait_indirect_dma semaphore(%arg36 : memref<!tpu.dma_semaphore, #tpu.memory_space<semaphore_mem>>) src(%dma_wait3A_375 : memref<10000x64xi32, #tpu.memory_space<hbm>>) dst(%arg30 : memref<80x64xi32, #tpu.memory_space<vmem>>)
        %dma_wait3A_376 = arith.constant 0 : i32
        %dma_wait3A_377 = tpu.memref_slice %arg3[%dma_wait3A_376] : memref<10000xf32, #tpu.memory_space<hbm>> -> memref<10000xf32, #tpu.memory_space<hbm>>
        tpu.wait_indirect_dma semaphore(%arg36 : memref<!tpu.dma_semaphore, #tpu.memory_space<semaphore_mem>>) src(%dma_wait3A_377 : memref<10000xf32, #tpu.memory_space<hbm>>) dst(%arg24 : memref<80xf32, #tpu.memory_space<vmem>>)
        %dma_wait3A_378 = arith.constant 0 : i32
        %dma_wait3A_379 = tpu.memref_slice %arg4[%dma_wait3A_378] : memref<10000xf32, #tpu.memory_space<hbm>> -> memref<10000xf32, #tpu.memory_space<hbm>>
        tpu.wait_indirect_dma semaphore(%arg36 : memref<!tpu.dma_semaphore, #tpu.memory_space<semaphore_mem>>) src(%dma_wait3A_379 : memref<10000xf32, #tpu.memory_space<hbm>>) dst(%arg28 : memref<80xf32, #tpu.memory_space<vmem>>)
        %ge3A = arith.constant 2 : i32
        %ge3A_380 = arith.cmpi sge, %add3A_366, %ge3A : i32
        %convert_element_type3A_381 = arith.extui %ge3A_380 : i1 to i32
        %cond3A_382 = arith.constant 0 : i32
        %cond3A_383 = arith.cmpi ne, %convert_element_type3A_381, %cond3A_382 : i32
        scf.if %cond3A_383 {
          %dma_wait3A_458 = arith.constant 0 : i32
          %dma_wait3A_459 = arith.constant 0 : i32
          %dma_wait3A_460 = tpu.memref_slice %arg33[%dma_wait3A_458, %dma_wait3A_459] : memref<10000x128xf32, #tpu.memory_space<vmem_shared>> -> memref<10000x128xf32, #tpu.memory_space<vmem_shared>>
          tpu.wait_indirect_dma semaphore(%arg38 : memref<!tpu.dma_semaphore, #tpu.memory_space<semaphore_mem>>) src(%arg32 : memref<80x128xf32, #tpu.memory_space<vmem>>) dst(%dma_wait3A_460 : memref<10000x128xf32, #tpu.memory_space<vmem_shared>>)
          %dma_wait3A_461 = arith.constant 0 : i32
          %dma_wait3A_462 = tpu.memref_slice %arg18[%dma_wait3A_461] : memref<96xf32, #tpu.memory_space<vmem>> -> memref<80xf32, #tpu.memory_space<vmem>>
          %dma_wait3A_463 = arith.constant 0 : i32
          %dma_wait3A_464 = tpu.memref_slice %arg34[%dma_wait3A_463] : memref<10000xf32, #tpu.memory_space<vmem_shared>> -> memref<10000xf32, #tpu.memory_space<vmem_shared>>
          tpu.wait_indirect_dma semaphore(%arg38 : memref<!tpu.dma_semaphore, #tpu.memory_space<semaphore_mem>>) src(%dma_wait3A_462 : memref<80xf32, #tpu.memory_space<vmem>>) dst(%dma_wait3A_464 : memref<10000xf32, #tpu.memory_space<vmem_shared>>)
        } else {
        }
        %get3A_384 = arith.constant 0 : index
        %get3A_385 = tpu.vector_load %arg24[%get3A_384] {strides = array<i32>} : memref<80xf32, #tpu.memory_space<vmem>>, vector<16xf32>,
        %get3A_386 = arith.constant 0 : index
        %get3A_387 = tpu.vector_load %arg28[%get3A_386] {strides = array<i32>} : memref<80xf32, #tpu.memory_space<vmem>>, vector<16xf32>,
        %add3A_388 = arith.addf %get3A_385, %get3A_387 : vector<16xf32>
        %mul3A_389 = arith.constant 0.00999999977 : f32
        %mul3A_390 = vector.broadcast %mul3A_389 : f32 to vector<16xf32>
        %mul3A_391 = arith.mulf %add3A_388, %mul3A_390 : vector<16xf32>
        %max3A = arith.maximumf %add3A_388, %mul3A_391 : vector<16xf32>
        %exp3A = math.exp %max3A : vector<16xf32>
        %swap3A_392 = arith.constant 0 : index
        %swap3A_393 = tpu.vector_load %arg20[%swap3A_392] {strides = array<i32>} : memref<96xf32, #tpu.memory_space<vmem>>, vector<16xf32>,
        tpu.vector_store %arg20[%swap3A_392], %exp3A {strides = array<i32>} : memref<96xf32, #tpu.memory_space<vmem>>, vector<16xf32>,
        %get3A_394 = arith.constant 16 : index
        %get3A_395 = tpu.vector_load %arg24[%get3A_394] {strides = array<i32>} : memref<80xf32, #tpu.memory_space<vmem>>, vector<16xf32>,
        %get3A_396 = arith.constant 16 : index
        %get3A_397 = tpu.vector_load %arg28[%get3A_396] {strides = array<i32>} : memref<80xf32, #tpu.memory_space<vmem>>, vector<16xf32>,
        %add3A_398 = arith.addf %get3A_395, %get3A_397 : vector<16xf32>
        %mul3A_399 = arith.constant 0.00999999977 : f32
        %mul3A_400 = vector.broadcast %mul3A_399 : f32 to vector<16xf32>
        %mul3A_401 = arith.mulf %add3A_398, %mul3A_400 : vector<16xf32>
        %max3A_402 = arith.maximumf %add3A_398, %mul3A_401 : vector<16xf32>
        %exp3A_403 = math.exp %max3A_402 : vector<16xf32>
        %swap3A_404 = arith.constant 16 : index
        %swap3A_405 = tpu.vector_load %arg20[%swap3A_404] {strides = array<i32>} : memref<96xf32, #tpu.memory_space<vmem>>, vector<16xf32>,
        tpu.vector_store %arg20[%swap3A_404], %exp3A_403 {strides = array<i32>} : memref<96xf32, #tpu.memory_space<vmem>>, vector<16xf32>,
        %get3A_406 = arith.constant 32 : index
        %get3A_407 = tpu.vector_load %arg24[%get3A_406] {strides = array<i32>} : memref<80xf32, #tpu.memory_space<vmem>>, vector<16xf32>,
        %get3A_408 = arith.constant 32 : index
        %get3A_409 = tpu.vector_load %arg28[%get3A_408] {strides = array<i32>} : memref<80xf32, #tpu.memory_space<vmem>>, vector<16xf32>,
        %add3A_410 = arith.addf %get3A_407, %get3A_409 : vector<16xf32>
        %mul3A_411 = arith.constant 0.00999999977 : f32
        %mul3A_412 = vector.broadcast %mul3A_411 : f32 to vector<16xf32>
        %mul3A_413 = arith.mulf %add3A_410, %mul3A_412 : vector<16xf32>
        %max3A_414 = arith.maximumf %add3A_410, %mul3A_413 : vector<16xf32>
        %exp3A_415 = math.exp %max3A_414 : vector<16xf32>
        %swap3A_416 = arith.constant 32 : index
        %swap3A_417 = tpu.vector_load %arg20[%swap3A_416] {strides = array<i32>} : memref<96xf32, #tpu.memory_space<vmem>>, vector<16xf32>,
        tpu.vector_store %arg20[%swap3A_416], %exp3A_415 {strides = array<i32>} : memref<96xf32, #tpu.memory_space<vmem>>, vector<16xf32>,
        %get3A_418 = arith.constant 48 : index
        %get3A_419 = tpu.vector_load %arg24[%get3A_418] {strides = array<i32>} : memref<80xf32, #tpu.memory_space<vmem>>, vector<16xf32>,
        %get3A_420 = arith.constant 48 : index
        %get3A_421 = tpu.vector_load %arg28[%get3A_420] {strides = array<i32>} : memref<80xf32, #tpu.memory_space<vmem>>, vector<16xf32>,
        %add3A_422 = arith.addf %get3A_419, %get3A_421 : vector<16xf32>
        %mul3A_423 = arith.constant 0.00999999977 : f32
        %mul3A_424 = vector.broadcast %mul3A_423 : f32 to vector<16xf32>
        %mul3A_425 = arith.mulf %add3A_422, %mul3A_424 : vector<16xf32>
        %max3A_426 = arith.maximumf %add3A_422, %mul3A_425 : vector<16xf32>
        %exp3A_427 = math.exp %max3A_426 : vector<16xf32>
        %swap3A_428 = arith.constant 48 : index
        %swap3A_429 = tpu.vector_load %arg20[%swap3A_428] {strides = array<i32>} : memref<96xf32, #tpu.memory_space<vmem>>, vector<16xf32>,
        tpu.vector_store %arg20[%swap3A_428], %exp3A_427 {strides = array<i32>} : memref<96xf32, #tpu.memory_space<vmem>>, vector<16xf32>,
        %get3A_430 = arith.constant 64 : index
        %get3A_431 = tpu.vector_load %arg24[%get3A_430] {strides = array<i32>} : memref<80xf32, #tpu.memory_space<vmem>>, vector<16xf32>,
        %get3A_432 = arith.constant 64 : index
        %get3A_433 = tpu.vector_load %arg28[%get3A_432] {strides = array<i32>} : memref<80xf32, #tpu.memory_space<vmem>>, vector<16xf32>,
        %add3A_434 = arith.addf %get3A_431, %get3A_433 : vector<16xf32>
        %mul3A_435 = arith.constant 0.00999999977 : f32
        %mul3A_436 = vector.broadcast %mul3A_435 : f32 to vector<16xf32>
        %mul3A_437 = arith.mulf %add3A_434, %mul3A_436 : vector<16xf32>
        %max3A_438 = arith.maximumf %add3A_434, %mul3A_437 : vector<16xf32>
        %exp3A_439 = math.exp %max3A_438 : vector<16xf32>
        %swap3A_440 = arith.constant 64 : index
        %swap3A_441 = tpu.vector_load %arg20[%swap3A_440] {strides = array<i32>} : memref<96xf32, #tpu.memory_space<vmem>>, vector<16xf32>,
        tpu.vector_store %arg20[%swap3A_440], %exp3A_439 {strides = array<i32>} : memref<96xf32, #tpu.memory_space<vmem>>, vector<16xf32>,
        %parallel_loop3A = arith.constant 0 : i32
        %parallel_loop3A_442 = arith.constant 80 : i32
        %parallel_loop3A_443 = arith.constant 1 : i32
        scf.for %parallel_loop3A_458 = %parallel_loop3A to %parallel_loop3A_442 step %parallel_loop3A_443  : i32 {
          %parallel_loop3A_459 = arith.index_cast %parallel_loop3A_458 : i32 to index
          %parallel_loop3A_460 = tpu.vector_load %arg20[%parallel_loop3A_459] {strides = array<i32>} : memref<96xf32, #tpu.memory_space<vmem>>, vector<16xf32>,
          %parallel_loop3A_461 = vector.extract_strided_slice %parallel_loop3A_460 {offsets = [0], sizes = [1], strides = [1]} : vector<16xf32> to vector<1xf32>
          %parallel_loop3A_462 = vector.extract %parallel_loop3A_461[0] : f32 from vector<1xf32>
          %parallel_loop3A_463 = arith.index_cast %parallel_loop3A_458 : i32 to index
          %parallel_loop3A_464 = arith.constant 0 : index
          %parallel_loop3A_465 = tpu.vector_load %arg30[%parallel_loop3A_463, %parallel_loop3A_464] {strides = array<i32>} : memref<80x64xi32, #tpu.memory_space<vmem>>, vector<16xi32>,
          %parallel_loop3A_466 = arith.constant 16 : i32
          %parallel_loop3A_467 = vector.broadcast %parallel_loop3A_466 : i32 to vector<16xi32>
          %parallel_loop3A_468 = arith.shli %parallel_loop3A_465, %parallel_loop3A_467 : vector<16xi32>
          %parallel_loop3A_469 = vector.bitcast %parallel_loop3A_468 : vector<16xi32> to vector<16xf32>
          %parallel_loop3A_470 = arith.andi %parallel_loop3A_465, %broadcast_in_dim3A_16 : vector<16xi32>
          %parallel_loop3A_471 = vector.bitcast %parallel_loop3A_470 : vector<16xi32> to vector<16xf32>
          %parallel_loop3A_472 = vector.broadcast %parallel_loop3A_462 : f32 to vector<16xf32>
          %parallel_loop3A_473 = arith.mulf %parallel_loop3A_469, %parallel_loop3A_472 : vector<16xf32>
          %parallel_loop3A_474 = arith.index_cast %parallel_loop3A_458 : i32 to index
          %parallel_loop3A_475 = arith.constant 0 : index
          %parallel_loop3A_476 = tpu.vector_load %arg32[%parallel_loop3A_474, %parallel_loop3A_475] {strides = array<i32>} : memref<80x128xf32, #tpu.memory_space<vmem>>, vector<16xf32>,
          tpu.vector_store %arg32[%parallel_loop3A_474, %parallel_loop3A_475], %parallel_loop3A_473 {strides = array<i32>} : memref<80x128xf32, #tpu.memory_space<vmem>>, vector<16xf32>,
          %parallel_loop3A_477 = vector.broadcast %parallel_loop3A_462 : f32 to vector<16xf32>
          %parallel_loop3A_478 = arith.mulf %parallel_loop3A_471, %parallel_loop3A_477 : vector<16xf32>
          %parallel_loop3A_479 = arith.index_cast %parallel_loop3A_458 : i32 to index
          %parallel_loop3A_480 = arith.constant 16 : index
          %parallel_loop3A_481 = tpu.vector_load %arg32[%parallel_loop3A_479, %parallel_loop3A_480] {strides = array<i32>} : memref<80x128xf32, #tpu.memory_space<vmem>>, vector<16xf32>,
          tpu.vector_store %arg32[%parallel_loop3A_479, %parallel_loop3A_480], %parallel_loop3A_478 {strides = array<i32>} : memref<80x128xf32, #tpu.memory_space<vmem>>, vector<16xf32>,
          %parallel_loop3A_482 = arith.index_cast %parallel_loop3A_458 : i32 to index
          %parallel_loop3A_483 = arith.constant 16 : index
          %parallel_loop3A_484 = tpu.vector_load %arg30[%parallel_loop3A_482, %parallel_loop3A_483] {strides = array<i32>} : memref<80x64xi32, #tpu.memory_space<vmem>>, vector<16xi32>,
          %parallel_loop3A_485 = arith.constant 16 : i32
          %parallel_loop3A_486 = vector.broadcast %parallel_loop3A_485 : i32 to vector<16xi32>
          %parallel_loop3A_487 = arith.shli %parallel_loop3A_484, %parallel_loop3A_486 : vector<16xi32>
          %parallel_loop3A_488 = vector.bitcast %parallel_loop3A_487 : vector<16xi32> to vector<16xf32>
          %parallel_loop3A_489 = arith.andi %parallel_loop3A_484, %broadcast_in_dim3A_16 : vector<16xi32>
          %parallel_loop3A_490 = vector.bitcast %parallel_loop3A_489 : vector<16xi32> to vector<16xf32>
          %parallel_loop3A_491 = vector.broadcast %parallel_loop3A_462 : f32 to vector<16xf32>
          %parallel_loop3A_492 = arith.mulf %parallel_loop3A_488, %parallel_loop3A_491 : vector<16xf32>
          %parallel_loop3A_493 = arith.index_cast %parallel_loop3A_458 : i32 to index
          %parallel_loop3A_494 = arith.constant 32 : index
          %parallel_loop3A_495 = tpu.vector_load %arg32[%parallel_loop3A_493, %parallel_loop3A_494] {strides = array<i32>} : memref<80x128xf32, #tpu.memory_space<vmem>>, vector<16xf32>,
          tpu.vector_store %arg32[%parallel_loop3A_493, %parallel_loop3A_494], %parallel_loop3A_492 {strides = array<i32>} : memref<80x128xf32, #tpu.memory_space<vmem>>, vector<16xf32>,
          %parallel_loop3A_496 = vector.broadcast %parallel_loop3A_462 : f32 to vector<16xf32>
          %parallel_loop3A_497 = arith.mulf %parallel_loop3A_490, %parallel_loop3A_496 : vector<16xf32>
          %parallel_loop3A_498 = arith.index_cast %parallel_loop3A_458 : i32 to index
          %parallel_loop3A_499 = arith.constant 48 : index
          %parallel_loop3A_500 = tpu.vector_load %arg32[%parallel_loop3A_498, %parallel_loop3A_499] {strides = array<i32>} : memref<80x128xf32, #tpu.memory_space<vmem>>, vector<16xf32>,
          tpu.vector_store %arg32[%parallel_loop3A_498, %parallel_loop3A_499], %parallel_loop3A_497 {strides = array<i32>} : memref<80x128xf32, #tpu.memory_space<vmem>>, vector<16xf32>,
          %parallel_loop3A_501 = arith.index_cast %parallel_loop3A_458 : i32 to index
          %parallel_loop3A_502 = arith.constant 32 : index
          %parallel_loop3A_503 = tpu.vector_load %arg30[%parallel_loop3A_501, %parallel_loop3A_502] {strides = array<i32>} : memref<80x64xi32, #tpu.memory_space<vmem>>, vector<16xi32>,
          %parallel_loop3A_504 = arith.constant 16 : i32
          %parallel_loop3A_505 = vector.broadcast %parallel_loop3A_504 : i32 to vector<16xi32>
          %parallel_loop3A_506 = arith.shli %parallel_loop3A_503, %parallel_loop3A_505 : vector<16xi32>
          %parallel_loop3A_507 = vector.bitcast %parallel_loop3A_506 : vector<16xi32> to vector<16xf32>
          %parallel_loop3A_508 = arith.andi %parallel_loop3A_503, %broadcast_in_dim3A_16 : vector<16xi32>
          %parallel_loop3A_509 = vector.bitcast %parallel_loop3A_508 : vector<16xi32> to vector<16xf32>
          %parallel_loop3A_510 = vector.broadcast %parallel_loop3A_462 : f32 to vector<16xf32>
          %parallel_loop3A_511 = arith.mulf %parallel_loop3A_507, %parallel_loop3A_510 : vector<16xf32>
          %parallel_loop3A_512 = arith.index_cast %parallel_loop3A_458 : i32 to index
          %parallel_loop3A_513 = arith.constant 64 : index
          %parallel_loop3A_514 = tpu.vector_load %arg32[%parallel_loop3A_512, %parallel_loop3A_513] {strides = array<i32>} : memref<80x128xf32, #tpu.memory_space<vmem>>, vector<16xf32>,
          tpu.vector_store %arg32[%parallel_loop3A_512, %parallel_loop3A_513], %parallel_loop3A_511 {strides = array<i32>} : memref<80x128xf32, #tpu.memory_space<vmem>>, vector<16xf32>,
          %parallel_loop3A_515 = vector.broadcast %parallel_loop3A_462 : f32 to vector<16xf32>
          %parallel_loop3A_516 = arith.mulf %parallel_loop3A_509, %parallel_loop3A_515 : vector<16xf32>
          %parallel_loop3A_517 = arith.index_cast %parallel_loop3A_458 : i32 to index
          %parallel_loop3A_518 = arith.constant 80 : index
          %parallel_loop3A_519 = tpu.vector_load %arg32[%parallel_loop3A_517, %parallel_loop3A_518] {strides = array<i32>} : memref<80x128xf32, #tpu.memory_space<vmem>>, vector<16xf32>,
          tpu.vector_store %arg32[%parallel_loop3A_517, %parallel_loop3A_518], %parallel_loop3A_516 {strides = array<i32>} : memref<80x128xf32, #tpu.memory_space<vmem>>, vector<16xf32>,
          %parallel_loop3A_520 = arith.index_cast %parallel_loop3A_458 : i32 to index
          %parallel_loop3A_521 = arith.constant 48 : index
          %parallel_loop3A_522 = tpu.vector_load %arg30[%parallel_loop3A_520, %parallel_loop3A_521] {strides = array<i32>} : memref<80x64xi32, #tpu.memory_space<vmem>>, vector<16xi32>,
          %parallel_loop3A_523 = arith.constant 16 : i32
          %parallel_loop3A_524 = vector.broadcast %parallel_loop3A_523 : i32 to vector<16xi32>
          %parallel_loop3A_525 = arith.shli %parallel_loop3A_522, %parallel_loop3A_524 : vector<16xi32>
          %parallel_loop3A_526 = vector.bitcast %parallel_loop3A_525 : vector<16xi32> to vector<16xf32>
          %parallel_loop3A_527 = arith.andi %parallel_loop3A_522, %broadcast_in_dim3A_16 : vector<16xi32>
          %parallel_loop3A_528 = vector.bitcast %parallel_loop3A_527 : vector<16xi32> to vector<16xf32>
          %parallel_loop3A_529 = vector.broadcast %parallel_loop3A_462 : f32 to vector<16xf32>
          %parallel_loop3A_530 = arith.mulf %parallel_loop3A_526, %parallel_loop3A_529 : vector<16xf32>
          %parallel_loop3A_531 = arith.index_cast %parallel_loop3A_458 : i32 to index
          %parallel_loop3A_532 = arith.constant 96 : index
          %parallel_loop3A_533 = tpu.vector_load %arg32[%parallel_loop3A_531, %parallel_loop3A_532] {strides = array<i32>} : memref<80x128xf32, #tpu.memory_space<vmem>>, vector<16xf32>,
          tpu.vector_store %arg32[%parallel_loop3A_531, %parallel_loop3A_532], %parallel_loop3A_530 {strides = array<i32>} : memref<80x128xf32, #tpu.memory_space<vmem>>, vector<16xf32>,
          %parallel_loop3A_534 = vector.broadcast %parallel_loop3A_462 : f32 to vector<16xf32>
          %parallel_loop3A_535 = arith.mulf %parallel_loop3A_528, %parallel_loop3A_534 : vector<16xf32>
          %parallel_loop3A_536 = arith.index_cast %parallel_loop3A_458 : i32 to index
          %parallel_loop3A_537 = arith.constant 112 : index
          %parallel_loop3A_538 = tpu.vector_load %arg32[%parallel_loop3A_536, %parallel_loop3A_537] {strides = array<i32>} : memref<80x128xf32, #tpu.memory_space<vmem>>, vector<16xf32>,
          tpu.vector_store %arg32[%parallel_loop3A_536, %parallel_loop3A_537], %parallel_loop3A_535 {strides = array<i32>} : memref<80x128xf32, #tpu.memory_space<vmem>>, vector<16xf32>,
        } {sc.loop_unroll_factor = 4 : i64, sc.parallel_access}
        %dma_start3A_444 = arith.constant 0 : i32
        %dma_start3A_445 = arith.constant 0 : i32
        %dma_start3A_446 = tpu.memref_slice %arg33[%dma_start3A_444, %dma_start3A_445] : memref<10000x128xf32, #tpu.memory_space<vmem_shared>> -> memref<10000x128xf32, #tpu.memory_space<vmem_shared>>
        tpu.enqueue_indirect_dma source(%arg32 : memref<80x128xf32, #tpu.memory_space<vmem>>) target(%dma_start3A_446 : memref<10000x128xf32, #tpu.memory_space<vmem_shared>>) offsets(%arg16 : memref<80xi32, #tpu.memory_space<vmem>>) semaphore(%arg38 : memref<!tpu.dma_semaphore, #tpu.memory_space<semaphore_mem>>) {add = true}
        %dma_start3A_447 = arith.constant 0 : i32
        %dma_start3A_448 = tpu.memref_slice %arg20[%dma_start3A_447] : memref<96xf32, #tpu.memory_space<vmem>> -> memref<80xf32, #tpu.memory_space<vmem>>
        %dma_start3A_449 = arith.constant 0 : i32
        %dma_start3A_450 = tpu.memref_slice %arg34[%dma_start3A_449] : memref<10000xf32, #tpu.memory_space<vmem_shared>> -> memref<10000xf32, #tpu.memory_space<vmem_shared>>
        tpu.enqueue_indirect_dma source(%dma_start3A_448 : memref<80xf32, #tpu.memory_space<vmem>>) target(%dma_start3A_450 : memref<10000xf32, #tpu.memory_space<vmem_shared>>) offsets(%arg16 : memref<80xi32, #tpu.memory_space<vmem>>) semaphore(%arg38 : memref<!tpu.dma_semaphore, #tpu.memory_space<semaphore_mem>>) {add = true}
        %add3A_451 = arith.constant 2 : i32
        %add3A_452 = arith.addi %add3A_366, %add3A_451 : i32
        %lt3A_453 = arith.constant 61 : i32
        %lt3A_454 = arith.cmpi slt, %add3A_452, %lt3A_453 : i32
        %convert_element_type3A_455 = arith.extui %lt3A_454 : i1 to i32
        %cond3A_456 = arith.constant 0 : i32
        %cond3A_457 = arith.cmpi ne, %convert_element_type3A_455, %cond3A_456 : i32
        scf.if %cond3A_457 {
          %add3A_458 = arith.constant 2 : i32
          %add3A_459 = arith.addi %add3A_366, %add3A_458 : i32
          %broadcast_in_dim3A_460 = arith.constant 65535 : i32
          %broadcast_in_dim3A_461 = vector.broadcast %broadcast_in_dim3A_460 : i32 to vector<16xi32>
          %get3A_462 = arith.index_cast %add3A_459 : i32 to index
          %get3A_463 = arith.constant 0 : index
          %get3A_464 = tpu.vector_load %arg8[%get3A_462, %get3A_463] {strides = array<i32>} : memref<64x80xi32, #tpu.memory_space<vmem>>, vector<16xi32>,
          %and3A_465 = arith.andi %get3A_464, %broadcast_in_dim3A_461 : vector<16xi32>
          %swap3A_466 = arith.constant 0 : index
          %swap3A_467 = tpu.vector_load %arg10[%swap3A_466] {strides = array<i32>} : memref<80xi32, #tpu.memory_space<vmem>>, vector<16xi32>,
          tpu.vector_store %arg10[%swap3A_466], %and3A_465 {strides = array<i32>} : memref<80xi32, #tpu.memory_space<vmem>>, vector<16xi32>,
          %shift_right_logical3A_468 = arith.constant 16 : i32
          %shift_right_logical3A_469 = vector.broadcast %shift_right_logical3A_468 : i32 to vector<16xi32>
          %shift_right_logical3A_470 = arith.shrui %get3A_464, %shift_right_logical3A_469 : vector<16xi32>
          %swap3A_471 = arith.constant 0 : index
          %swap3A_472 = tpu.vector_load %arg14[%swap3A_471] {strides = array<i32>} : memref<80xi32, #tpu.memory_space<vmem>>, vector<16xi32>,
          tpu.vector_store %arg14[%swap3A_471], %shift_right_logical3A_470 {strides = array<i32>} : memref<80xi32, #tpu.memory_space<vmem>>, vector<16xi32>,
          %get3A_473 = arith.index_cast %add3A_459 : i32 to index
          %get3A_474 = arith.constant 16 : index
          %get3A_475 = tpu.vector_load %arg8[%get3A_473, %get3A_474] {strides = array<i32>} : memref<64x80xi32, #tpu.memory_space<vmem>>, vector<16xi32>,
          %and3A_476 = arith.andi %get3A_475, %broadcast_in_dim3A_461 : vector<16xi32>
          %swap3A_477 = arith.constant 16 : index
          %swap3A_478 = tpu.vector_load %arg10[%swap3A_477] {strides = array<i32>} : memref<80xi32, #tpu.memory_space<vmem>>, vector<16xi32>,
          tpu.vector_store %arg10[%swap3A_477], %and3A_476 {strides = array<i32>} : memref<80xi32, #tpu.memory_space<vmem>>, vector<16xi32>,
          %shift_right_logical3A_479 = arith.constant 16 : i32
          %shift_right_logical3A_480 = vector.broadcast %shift_right_logical3A_479 : i32 to vector<16xi32>
          %shift_right_logical3A_481 = arith.shrui %get3A_475, %shift_right_logical3A_480 : vector<16xi32>
          %swap3A_482 = arith.constant 16 : index
          %swap3A_483 = tpu.vector_load %arg14[%swap3A_482] {strides = array<i32>} : memref<80xi32, #tpu.memory_space<vmem>>, vector<16xi32>,
          tpu.vector_store %arg14[%swap3A_482], %shift_right_logical3A_481 {strides = array<i32>} : memref<80xi32, #tpu.memory_space<vmem>>, vector<16xi32>,
          %get3A_484 = arith.index_cast %add3A_459 : i32 to index
          %get3A_485 = arith.constant 32 : index
          %get3A_486 = tpu.vector_load %arg8[%get3A_484, %get3A_485] {strides = array<i32>} : memref<64x80xi32, #tpu.memory_space<vmem>>, vector<16xi32>,
          %and3A_487 = arith.andi %get3A_486, %broadcast_in_dim3A_461 : vector<16xi32>
          %swap3A_488 = arith.constant 32 : index
          %swap3A_489 = tpu.vector_load %arg10[%swap3A_488] {strides = array<i32>} : memref<80xi32, #tpu.memory_space<vmem>>, vector<16xi32>,
          tpu.vector_store %arg10[%swap3A_488], %and3A_487 {strides = array<i32>} : memref<80xi32, #tpu.memory_space<vmem>>, vector<16xi32>,
          %shift_right_logical3A_490 = arith.constant 16 : i32
          %shift_right_logical3A_491 = vector.broadcast %shift_right_logical3A_490 : i32 to vector<16xi32>
          %shift_right_logical3A_492 = arith.shrui %get3A_486, %shift_right_logical3A_491 : vector<16xi32>
          %swap3A_493 = arith.constant 32 : index
          %swap3A_494 = tpu.vector_load %arg14[%swap3A_493] {strides = array<i32>} : memref<80xi32, #tpu.memory_space<vmem>>, vector<16xi32>,
          tpu.vector_store %arg14[%swap3A_493], %shift_right_logical3A_492 {strides = array<i32>} : memref<80xi32, #tpu.memory_space<vmem>>, vector<16xi32>,
          %get3A_495 = arith.index_cast %add3A_459 : i32 to index
          %get3A_496 = arith.constant 48 : index
          %get3A_497 = tpu.vector_load %arg8[%get3A_495, %get3A_496] {strides = array<i32>} : memref<64x80xi32, #tpu.memory_space<vmem>>, vector<16xi32>,
          %and3A_498 = arith.andi %get3A_497, %broadcast_in_dim3A_461 : vector<16xi32>
          %swap3A_499 = arith.constant 48 : index
          %swap3A_500 = tpu.vector_load %arg10[%swap3A_499] {strides = array<i32>} : memref<80xi32, #tpu.memory_space<vmem>>, vector<16xi32>,
          tpu.vector_store %arg10[%swap3A_499], %and3A_498 {strides = array<i32>} : memref<80xi32, #tpu.memory_space<vmem>>, vector<16xi32>,
          %shift_right_logical3A_501 = arith.constant 16 : i32
          %shift_right_logical3A_502 = vector.broadcast %shift_right_logical3A_501 : i32 to vector<16xi32>
          %shift_right_logical3A_503 = arith.shrui %get3A_497, %shift_right_logical3A_502 : vector<16xi32>
          %swap3A_504 = arith.constant 48 : index
          %swap3A_505 = tpu.vector_load %arg14[%swap3A_504] {strides = array<i32>} : memref<80xi32, #tpu.memory_space<vmem>>, vector<16xi32>,
          tpu.vector_store %arg14[%swap3A_504], %shift_right_logical3A_503 {strides = array<i32>} : memref<80xi32, #tpu.memory_space<vmem>>, vector<16xi32>,
          %get3A_506 = arith.index_cast %add3A_459 : i32 to index
          %get3A_507 = arith.constant 64 : index
          %get3A_508 = tpu.vector_load %arg8[%get3A_506, %get3A_507] {strides = array<i32>} : memref<64x80xi32, #tpu.memory_space<vmem>>, vector<16xi32>,
          %and3A_509 = arith.andi %get3A_508, %broadcast_in_dim3A_461 : vector<16xi32>
          %swap3A_510 = arith.constant 64 : index
          %swap3A_511 = tpu.vector_load %arg10[%swap3A_510] {strides = array<i32>} : memref<80xi32, #tpu.memory_space<vmem>>, vector<16xi32>,
          tpu.vector_store %arg10[%swap3A_510], %and3A_509 {strides = array<i32>} : memref<80xi32, #tpu.memory_space<vmem>>, vector<16xi32>,
          %shift_right_logical3A_512 = arith.constant 16 : i32
          %shift_right_logical3A_513 = vector.broadcast %shift_right_logical3A_512 : i32 to vector<16xi32>
          %shift_right_logical3A_514 = arith.shrui %get3A_508, %shift_right_logical3A_513 : vector<16xi32>
          %swap3A_515 = arith.constant 64 : index
          %swap3A_516 = tpu.vector_load %arg14[%swap3A_515] {strides = array<i32>} : memref<80xi32, #tpu.memory_space<vmem>>, vector<16xi32>,
          tpu.vector_store %arg14[%swap3A_515], %shift_right_logical3A_514 {strides = array<i32>} : memref<80xi32, #tpu.memory_space<vmem>>, vector<16xi32>,
          %dma_start3A_517 = arith.constant 0 : i32
          %dma_start3A_518 = arith.constant 0 : i32
          %dma_start3A_519 = tpu.memref_slice %arg2[%dma_start3A_517, %dma_start3A_518] : memref<10000x64xi32, #tpu.memory_space<hbm>> -> memref<10000x64xi32, #tpu.memory_space<hbm>>
          tpu.enqueue_indirect_dma source(%dma_start3A_519 : memref<10000x64xi32, #tpu.memory_space<hbm>>) target(%arg30 : memref<80x64xi32, #tpu.memory_space<vmem>>) offsets(%arg10 : memref<80xi32, #tpu.memory_space<vmem>>) semaphore(%arg36 : memref<!tpu.dma_semaphore, #tpu.memory_space<semaphore_mem>>)
          %dma_start3A_520 = arith.constant 0 : i32
          %dma_start3A_521 = tpu.memref_slice %arg3[%dma_start3A_520] : memref<10000xf32, #tpu.memory_space<hbm>> -> memref<10000xf32, #tpu.memory_space<hbm>>
          tpu.enqueue_indirect_dma source(%dma_start3A_521 : memref<10000xf32, #tpu.memory_space<hbm>>) target(%arg22 : memref<80xf32, #tpu.memory_space<vmem>>) offsets(%arg10 : memref<80xi32, #tpu.memory_space<vmem>>) semaphore(%arg36 : memref<!tpu.dma_semaphore, #tpu.memory_space<semaphore_mem>>)
          %dma_start3A_522 = arith.constant 0 : i32
          %dma_start3A_523 = tpu.memref_slice %arg4[%dma_start3A_522] : memref<10000xf32, #tpu.memory_space<hbm>> -> memref<10000xf32, #tpu.memory_space<hbm>>
          tpu.enqueue_indirect_dma source(%dma_start3A_523 : memref<10000xf32, #tpu.memory_space<hbm>>) target(%arg26 : memref<80xf32, #tpu.memory_space<vmem>>) offsets(%arg14 : memref<80xi32, #tpu.memory_space<vmem>>) semaphore(%arg36 : memref<!tpu.dma_semaphore, #tpu.memory_space<semaphore_mem>>)
        } else {
        }
      } else {
      }
      %scan3A_372 = arith.constant 0 : i32
      scf.yield %scan3A_372 : i32
    }
    %scan3A_314 = arith.constant 16 : i32
    %dma_wait3A_315 = arith.constant 0 : i32
    %dma_wait3A_316 = arith.constant 0 : i32
    %dma_wait3A_317 = tpu.memref_slice %arg33[%dma_wait3A_315, %dma_wait3A_316] : memref<10000x128xf32, #tpu.memory_space<vmem_shared>> -> memref<10000x128xf32, #tpu.memory_space<vmem_shared>>
    tpu.wait_indirect_dma semaphore(%arg38 : memref<!tpu.dma_semaphore, #tpu.memory_space<semaphore_mem>>) src(%arg32 : memref<80x128xf32, #tpu.memory_space<vmem>>) dst(%dma_wait3A_317 : memref<10000x128xf32, #tpu.memory_space<vmem_shared>>)
    %dma_wait3A_318 = arith.constant 0 : i32
    %dma_wait3A_319 = tpu.memref_slice %arg20[%dma_wait3A_318] : memref<96xf32, #tpu.memory_space<vmem>> -> memref<80xf32, #tpu.memory_space<vmem>>
    %dma_wait3A_320 = arith.constant 0 : i32
    %dma_wait3A_321 = tpu.memref_slice %arg34[%dma_wait3A_320] : memref<10000xf32, #tpu.memory_space<vmem_shared>> -> memref<10000xf32, #tpu.memory_space<vmem_shared>>
    tpu.wait_indirect_dma semaphore(%arg38 : memref<!tpu.dma_semaphore, #tpu.memory_space<semaphore_mem>>) src(%dma_wait3A_319 : memref<80xf32, #tpu.memory_space<vmem>>) dst(%dma_wait3A_321 : memref<10000xf32, #tpu.memory_space<vmem_shared>>)
    %dma_wait3A_322 = arith.constant 0 : i32
    %dma_wait3A_323 = arith.constant 0 : i32
    %dma_wait3A_324 = tpu.memref_slice %arg33[%dma_wait3A_322, %dma_wait3A_323] : memref<10000x128xf32, #tpu.memory_space<vmem_shared>> -> memref<10000x128xf32, #tpu.memory_space<vmem_shared>>
    tpu.wait_indirect_dma semaphore(%arg37 : memref<!tpu.dma_semaphore, #tpu.memory_space<semaphore_mem>>) src(%arg31 : memref<80x128xf32, #tpu.memory_space<vmem>>) dst(%dma_wait3A_324 : memref<10000x128xf32, #tpu.memory_space<vmem_shared>>)
    %dma_wait3A_325 = arith.constant 0 : i32
    %dma_wait3A_326 = tpu.memref_slice %arg17[%dma_wait3A_325] : memref<96xf32, #tpu.memory_space<vmem>> -> memref<80xf32, #tpu.memory_space<vmem>>
    %dma_wait3A_327 = arith.constant 0 : i32
    %dma_wait3A_328 = tpu.memref_slice %arg34[%dma_wait3A_327] : memref<10000xf32, #tpu.memory_space<vmem_shared>> -> memref<10000xf32, #tpu.memory_space<vmem_shared>>
    tpu.wait_indirect_dma semaphore(%arg37 : memref<!tpu.dma_semaphore, #tpu.memory_space<semaphore_mem>>) src(%dma_wait3A_326 : memref<80xf32, #tpu.memory_space<vmem>>) dst(%dma_wait3A_328 : memref<10000xf32, #tpu.memory_space<vmem_shared>>)
    %barrier3A_329 = arith.constant 0 : index
    tpu.barrier barrier_id(%barrier3A_329)
    %scan3A_330 = arith.constant 0 : i32
    %scan3A_331 = arith.constant 0 : i32
    %scan3A_332 = arith.constant 8 : i32
    %scan3A_333 = arith.addi %scan3A_331, %scan3A_332 : i32
    %scan3A_334 = arith.constant 1 : i32
    %scan3A_335 = scf.for %scan3A_337 = %scan3A_331 to %scan3A_333 step %scan3A_334 iter_args(%scan3A_338 = %scan3A_330) -> (i32)  : i32 {
      %mul3A_339 = arith.constant 16 : i32
      %mul3A_340 = arith.muli %scan3A_337, %mul3A_339 : i32
      %add3A_341 = arith.addi %arg1, %mul3A_340 : i32
      %lt3A = arith.constant 125 : i32
      %lt3A_342 = arith.cmpi slt, %add3A_341, %lt3A : i32
      %convert_element_type3A = arith.extui %lt3A_342 : i1 to i32
      %cond3A = arith.constant 0 : i32
      %cond3A_343 = arith.cmpi ne, %convert_element_type3A, %cond3A : i32
      scf.if %cond3A_343 {
        %mul3A_345 = arith.constant 80 : i32
        %mul3A_346 = arith.muli %add3A_341, %mul3A_345 : i32
        %multiple_of3A = tpu.assume_multiple %mul3A_346, 8 : i32
        "tpu.region"() ({
          %run_scoped3A = tpu.sem_alloc : memref<!tpu.dma_semaphore, #tpu.memory_space<semaphore_mem>>
          %dma_start3A_353 = arith.constant 0 : i32
          %dma_start3A_354 = tpu.memref_slice %arg6[%arg0, %multiple_of3A, %dma_start3A_353] : memref<2x10000x128xf32, #tpu.memory_space<hbm>> -> memref<1x80x128xf32, #tpu.memory_space<hbm>>
          %dma_start3A_355 = tpu.memref_squeeze %dma_start3A_354 : memref<1x80x128xf32, #tpu.memory_space<hbm>> -> memref<80x128xf32, #tpu.memory_space<hbm>>
          %dma_start3A_356 = arith.constant 0 : i32
          %dma_start3A_357 = tpu.memref_slice %arg33[%multiple_of3A, %dma_start3A_356] : memref<10000x128xf32, #tpu.memory_space<vmem_shared>> -> memref<80x128xf32, #tpu.memory_space<vmem_shared>>
          tpu.enqueue_dma source(%dma_start3A_357 : memref<80x128xf32, #tpu.memory_space<vmem_shared>>) target(%dma_start3A_355 : memref<80x128xf32, #tpu.memory_space<hbm>>) target_semaphore(%run_scoped3A : memref<!tpu.dma_semaphore, #tpu.memory_space<semaphore_mem>>)
          %dma_wait3A_358 = arith.constant 0 : i32
          %dma_wait3A_359 = tpu.memref_slice %arg6[%arg0, %multiple_of3A, %dma_wait3A_358] : memref<2x10000x128xf32, #tpu.memory_space<hbm>> -> memref<1x80x128xf32, #tpu.memory_space<hbm>>
          %dma_wait3A_360 = tpu.memref_squeeze %dma_wait3A_359 : memref<1x80x128xf32, #tpu.memory_space<hbm>> -> memref<80x128xf32, #tpu.memory_space<hbm>>
          %dma_wait3A_361 = arith.constant 0 : i32
          %dma_wait3A_362 = tpu.memref_slice %arg33[%multiple_of3A, %dma_wait3A_361] : memref<10000x128xf32, #tpu.memory_space<vmem_shared>> -> memref<80x128xf32, #tpu.memory_space<vmem_shared>>
          tpu.wait_dma2 semaphore(%run_scoped3A : memref<!tpu.dma_semaphore, #tpu.memory_space<semaphore_mem>>) src(%dma_wait3A_362 : memref<80x128xf32, #tpu.memory_space<vmem_shared>>) dst(%dma_wait3A_360 : memref<80x128xf32, #tpu.memory_space<hbm>>)
          tpu.yield
        }) : () -> ()
        %mul3A_347 = arith.constant 10000 : i32
        %mul3A_348 = arith.muli %arg0, %mul3A_347 : i32
        %mul3A_349 = arith.constant 80 : i32
        %mul3A_350 = arith.muli %add3A_341, %mul3A_349 : i32
        %add3A_351 = arith.addi %mul3A_348, %mul3A_350 : i32
        %multiple_of3A_352 = tpu.assume_multiple %add3A_351, 8 : i32
        "tpu.region"() ({
          %run_scoped3A = tpu.sem_alloc : memref<!tpu.dma_semaphore, #tpu.memory_space<semaphore_mem>>
          %dma_start3A_353 = tpu.memref_slice %arg34[%multiple_of3A] : memref<10000xf32, #tpu.memory_space<vmem_shared>> -> memref<80xf32, #tpu.memory_space<vmem_shared>>
          %dma_start3A_354 = tpu.memref_slice %arg34[%multiple_of3A] : memref<10000xf32, #tpu.memory_space<vmem_shared>> -> memref<80xf32, #tpu.memory_space<vmem_shared>>
          tpu.enqueue_dma source(%dma_start3A_354 : memref<80xf32, #tpu.memory_space<vmem_shared>>) target(%arg21 : memref<80xf32, #tpu.memory_space<vmem>>) target_semaphore(%run_scoped3A : memref<!tpu.dma_semaphore, #tpu.memory_space<semaphore_mem>>)
          %dma_wait3A_355 = tpu.memref_slice %arg34[%multiple_of3A] : memref<10000xf32, #tpu.memory_space<vmem_shared>> -> memref<80xf32, #tpu.memory_space<vmem_shared>>
          %dma_wait3A_356 = tpu.memref_slice %arg34[%multiple_of3A] : memref<10000xf32, #tpu.memory_space<vmem_shared>> -> memref<80xf32, #tpu.memory_space<vmem_shared>>
          tpu.wait_dma2 semaphore(%run_scoped3A : memref<!tpu.dma_semaphore, #tpu.memory_space<semaphore_mem>>) src(%dma_wait3A_356 : memref<80xf32, #tpu.memory_space<vmem_shared>>) dst(%arg21 : memref<80xf32, #tpu.memory_space<vmem>>)
          tpu.yield
        }) : () -> ()
        "tpu.region"() ({
          %run_scoped3A = tpu.sem_alloc : memref<!tpu.dma_semaphore, #tpu.memory_space<semaphore_mem>>
          %dma_start3A_353 = tpu.memref_slice %arg7[%multiple_of3A_352] : memref<20000xf32, #tpu.memory_space<hbm>> -> memref<80xf32, #tpu.memory_space<hbm>>
          %dma_start3A_354 = tpu.memref_slice %arg7[%multiple_of3A_352] : memref<20000xf32, #tpu.memory_space<hbm>> -> memref<80xf32, #tpu.memory_space<hbm>>
          tpu.enqueue_dma source(%arg21 : memref<80xf32, #tpu.memory_space<vmem>>) target(%dma_start3A_354 : memref<80xf32, #tpu.memory_space<hbm>>) target_semaphore(%run_scoped3A : memref<!tpu.dma_semaphore, #tpu.memory_space<semaphore_mem>>)
          %dma_wait3A_355 = tpu.memref_slice %arg7[%multiple_of3A_352] : memref<20000xf32, #tpu.memory_space<hbm>> -> memref<80xf32, #tpu.memory_space<hbm>>
          %dma_wait3A_356 = tpu.memref_slice %arg7[%multiple_of3A_352] : memref<20000xf32, #tpu.memory_space<hbm>> -> memref<80xf32, #tpu.memory_space<hbm>>
          tpu.wait_dma2 semaphore(%run_scoped3A : memref<!tpu.dma_semaphore, #tpu.memory_space<semaphore_mem>>) src(%arg21 : memref<80xf32, #tpu.memory_space<vmem>>) dst(%dma_wait3A_356 : memref<80xf32, #tpu.memory_space<hbm>>)
          tpu.yield
        }) : () -> ()
      } else {
      }
      %scan3A_344 = arith.constant 0 : i32
      scf.yield %scan3A_344 : i32
    }
    %scan3A_336 = arith.constant 8 : i32
    return
  }
}

module attributes {stable_mosaic.version = 14 : i64} {
  func.func @_fc_body(%arg0: i32, %arg1: memref<1000x128xf32, #tpu.memory_space<vmem>>, %arg2: memref<128x128xf32, #tpu.memory_space<vmem>>, %arg3: memref<128x128xf32, #tpu.memory_space<vmem>>, %arg4: memref<1000x128xf32, #tpu.memory_space<vmem>>, %arg5: memref<1000x128xf32, #tpu.memory_space<vmem>>) attributes {dimension_semantics = [#tpu.dimension_semantics<arbitrary>], iteration_bounds = array<i64: 10>, scalar_prefetch = 0 : i64, scratch_operands = 0 : i64, tpu.core_type = #tpu.core_type<tc>, window_params = [{transform_indices = @transform_0, window_bounds = array<i64: 1000, 128>}, {pipeline_mode = #tpu.pipeline_mode<synchronous>, transform_indices = @transform_1, window_bounds = array<i64: 128, 128>}, {pipeline_mode = #tpu.pipeline_mode<synchronous>, transform_indices = @transform_2, window_bounds = array<i64: 128, 128>}, {transform_indices = @transform_3, window_bounds = array<i64: 1000, 128>}, {transform_indices = @transform_4, window_bounds = array<i64: 1000, 128>}]} {
    %get3A = arith.constant 0 : index
    %get3A_0 = arith.constant 0 : index
    %get3A_1 = vector.load %arg1[%get3A, %get3A_0] : memref<1000x128xf32, #tpu.memory_space<vmem>>, vector<1000x128xf32>
    %get3A_2 = arith.constant 0 : index
    %get3A_3 = arith.constant 0 : index
    %get3A_4 = vector.load %arg2[%get3A_2, %get3A_3] : memref<128x128xf32, #tpu.memory_space<vmem>>, vector<128x128xf32>
    %dot_general3A = arith.constant dense<0.000000e+00> : vector<1000x128xf32>
    %dot_general3A_5 = tpu.matmul %get3A_1, %get3A_4, %dot_general3A {dimension_numbers = #tpu.dot_dimension_numbers<[1], [0], [0], [1], [0, 0, 1, 1], [], []>, transpose_lhs_hint = false} : vector<1000x128xf32>, vector<128x128xf32>, vector<1000x128xf32> -> vector<1000x128xf32>
    %swap3A = arith.constant 0 : index
    %swap3A_6 = arith.constant 0 : index
    %swap3A_7 = vector.load %arg4[%swap3A, %swap3A_6] : memref<1000x128xf32, #tpu.memory_space<vmem>>, vector<1000x128xf32>
    tpu.vector_store %arg4[%swap3A, %swap3A_6], %dot_general3A_5 {strides = array<i32>} : memref<1000x128xf32, #tpu.memory_space<vmem>>, vector<1000x128xf32>,
    %get3A_8 = arith.constant 0 : index
    %get3A_9 = arith.constant 0 : index
    %get3A_10 = vector.load %arg3[%get3A_8, %get3A_9] : memref<128x128xf32, #tpu.memory_space<vmem>>, vector<128x128xf32>
    %dot_general3A_11 = arith.constant dense<0.000000e+00> : vector<1000x128xf32>
    %dot_general3A_12 = tpu.matmul %dot_general3A_5, %get3A_10, %dot_general3A_11 {dimension_numbers = #tpu.dot_dimension_numbers<[1], [0], [0], [1], [0, 0, 1, 1], [], []>, transpose_lhs_hint = false} : vector<1000x128xf32>, vector<128x128xf32>, vector<1000x128xf32> -> vector<1000x128xf32>
    %swap3A_13 = arith.constant 0 : index
    %swap3A_14 = arith.constant 0 : index
    %swap3A_15 = vector.load %arg5[%swap3A_13, %swap3A_14] : memref<1000x128xf32, #tpu.memory_space<vmem>>, vector<1000x128xf32>
    tpu.vector_store %arg5[%swap3A_13, %swap3A_14], %dot_general3A_12 {strides = array<i32>} : memref<1000x128xf32, #tpu.memory_space<vmem>>, vector<1000x128xf32>,
    return
  }
  func.func @transform_0(%arg0: i32) -> (i32, i32) {
    %c0_i32 = arith.constant 0 : i32
    %c0_i32_0 = arith.constant 0 : i32
    return %arg0, %c0_i32 : i32, i32
  }
  func.func @transform_1(%arg0: i32) -> (i32, i32) {
    %c0_i32 = arith.constant 0 : i32
    %c0_i32_0 = arith.constant 0 : i32
    %c0_i32_1 = arith.constant 0 : i32
    return %c0_i32, %c0_i32_0 : i32, i32
  }
  func.func @transform_2(%arg0: i32) -> (i32, i32) {
    %c0_i32 = arith.constant 0 : i32
    %c0_i32_0 = arith.constant 0 : i32
    %c0_i32_1 = arith.constant 0 : i32
    return %c0_i32, %c0_i32_0 : i32, i32
  }
  func.func @transform_3(%arg0: i32) -> (i32, i32) {
    %c0_i32 = arith.constant 0 : i32
    %c0_i32_0 = arith.constant 0 : i32
    return %arg0, %c0_i32 : i32, i32
  }
  func.func @transform_4(%arg0: i32) -> (i32, i32) {
    %c0_i32 = arith.constant 0 : i32
    %c0_i32_0 = arith.constant 0 : i32
    return %arg0, %c0_i32 : i32, i32
  }
}

module attributes {stable_mosaic.version = 14 : i64} {
  func.func @_fin_body(%arg0: i32, %arg1: memref<2x1000x128xf32, #tpu.memory_space<vmem>>, %arg2: memref<1000x2xf32, #tpu.memory_space<vmem>>, %arg3: memref<1000x128xf32, #tpu.memory_space<vmem>>) attributes {dimension_semantics = [#tpu.dimension_semantics<arbitrary>], iteration_bounds = array<i64: 10>, scalar_prefetch = 0 : i64, scratch_operands = 0 : i64, tpu.core_type = #tpu.core_type<tc>, window_params = [{transform_indices = @transform_0, window_bounds = array<i64: 2, 1000, 128>}, {transform_indices = @transform_1, window_bounds = array<i64: 1000, 2>}, {transform_indices = @transform_2, window_bounds = array<i64: 1000, 128>}]} {
    %get3A = arith.constant 0 : index
    %get3A_0 = arith.constant 0 : index
    %get3A_1 = arith.constant 0 : index
    %get3A_2 = vector.load %arg1[%get3A, %get3A_0, %get3A_1] : memref<2x1000x128xf32, #tpu.memory_space<vmem>>, vector<1x1000x128xf32>
    %get3A_3 = vector.shape_cast %get3A_2 : vector<1x1000x128xf32> to vector<1000x128xf32>
    %get3A_4 = arith.constant 1 : index
    %get3A_5 = arith.constant 0 : index
    %get3A_6 = arith.constant 0 : index
    %get3A_7 = vector.load %arg1[%get3A_4, %get3A_5, %get3A_6] : memref<2x1000x128xf32, #tpu.memory_space<vmem>>, vector<1x1000x128xf32>
    %get3A_8 = vector.shape_cast %get3A_7 : vector<1x1000x128xf32> to vector<1000x128xf32>
    %add3A = arith.addf %get3A_3, %get3A_8 : vector<1000x128xf32>
    %get3A_9 = arith.constant 0 : index
    %get3A_10 = arith.constant 0 : index
    %get3A_11 = vector.load %arg2[%get3A_9, %get3A_10] : memref<1000x2xf32, #tpu.memory_space<vmem>>, vector<1000x2xf32>
    %reduce_sum3A = arith.constant dense<0.000000e+00> : vector<1000xf32>
    %reduce_sum3A_12 = vector.multi_reduction <add>, %get3A_11, %reduce_sum3A [1] : vector<1000x2xf32> to vector<1000xf32>
    %gt3A = arith.constant 0.000000e+00 : f32
    %gt3A_13 = vector.broadcast %gt3A : f32 to vector<1000xf32>
    %gt3A_14 = arith.cmpf ogt, %reduce_sum3A_12, %gt3A_13 : vector<1000xf32>
    %jit3A = arith.constant 1.000000e+00 : f32
    %broadcast_in_dim3A = vector.broadcast %jit3A : f32 to vector<1000xf32>
    %select_n3A = arith.select %gt3A_14, %reduce_sum3A_12, %broadcast_in_dim3A : vector<1000xi1>, vector<1000xf32>
    %broadcast_in_dim3A_15 = vector.shape_cast %select_n3A : vector<1000xf32> to vector<1000x1xf32>
    %div3A = vector.broadcast %broadcast_in_dim3A_15 : vector<1000x1xf32> to vector<1000x128xf32>
    %div3A_16 = arith.divf %add3A, %div3A : vector<1000x128xf32>
    %swap3A = arith.constant 0 : index
    %swap3A_17 = arith.constant 0 : index
    %swap3A_18 = vector.load %arg3[%swap3A, %swap3A_17] : memref<1000x128xf32, #tpu.memory_space<vmem>>, vector<1000x128xf32>
    tpu.vector_store %arg3[%swap3A, %swap3A_17], %div3A_16 {strides = array<i32>} : memref<1000x128xf32, #tpu.memory_space<vmem>>, vector<1000x128xf32>,
    return
  }
  func.func @transform_0(%arg0: i32) -> (i32, i32, i32) {
    %c0_i32 = arith.constant 0 : i32
    %c0_i32_0 = arith.constant 0 : i32
    %c0_i32_1 = arith.constant 0 : i32
    return %c0_i32, %arg0, %c0_i32_0 : i32, i32, i32
  }
  func.func @transform_1(%arg0: i32) -> (i32, i32) {
    %c0_i32 = arith.constant 0 : i32
    %c0_i32_0 = arith.constant 0 : i32
    return %arg0, %c0_i32 : i32, i32
  }
  func.func @transform_2(%arg0: i32) -> (i32, i32) {
    %c0_i32 = arith.constant 0 : i32
    %c0_i32_0 = arith.constant 0 : i32
    return %arg0, %c0_i32 : i32, i32
  }
}

</mosaic_0001>

<sc_bundles>
// kernel: kernel.5.cloned.1.call-start
scs
__scs_entry_jumppad:
0x0: {  	(pc) =	sbr.rel $0x88, $3  }
0x1: {  	(tag) =	ssettag $0x0;
	lr =	simm.s32 $0x1  }
0x2: {  	[smem:$0x3F9D] =	sst lr;
	_ =	strace $0xD0000000  }
0x3: {  	_ = 	snop  }
0x4: {  	_ = 	snop  }
0x5: {  	_ = 	snop  }
0x6: {  	_ = 	snop  }
0x7: {  	_ = 	snop  }
__scs_overlays_trampoline_lowered:
0x8: {  	[smem:$0x3FAC] =	sst s0  }
0x9: {  	[smem:$0x3FAD] =	sst s1  }
0xa: {  	[smem:$0x3FAE] =	sst s2  }
0xb: {  	[smem:$0x3FAF] =	sst s3  }
0xc: {  	[smem:$0x3FB0] =	sst s4  }
0xd: {  	[smem:$0x3FB1] =	sst s5  }
0xe: {  	[smem:$0x3FB2] =	sst s6  }
0xf: {  	[smem:$0x3FB3] =	sst s7  }
0x10: {  	[smem:$0x3FB4] =	sst s8  }
0x11: {  	[smem:$0x3FB5] =	sst s9;
	s0 =	simm.s32 @!p0 $0x0  }
0x12: {  	s1 =	sld [smem:$0x3F9B];
	s0 =	simm.s32 @p0 $0x1  }
0x13: {  	[smem:$0x3FB6] =	sst s0;
	s0 =	simm.s32 @!p1 $0x0  }
0x14: {  	s2 =	sld [smem:$0x3F9A];
	s0 =	simm.s32 @p1 $0x1  }
0x15: {  	[smem:$0x3FB7] =	sst s0;
	s0 =	simm.s32 @!p2 $0x0  }
0x16: {  	s3 =	sld [smem:$0x3FDB];
	s0 =	simm.s32 @p2 $0x1  }
0x17: {  	s4 =	simm.s32 $0x1BF5;
	[smem:$0x3FB9] =	sst s0  }
0x18: {  	s0 =	sld [smem:$0x3F9C];
	_ =	swait.ge [sflag:s4], $0x0  }
0x19: {  	s7 =	sld [smem:$0x3F9D]  }
0x1a: {  	s8 =	sadd.s32 $0xFFFFE003, lr  }
0x1b: {  	s9 =	sadd.s32 $0xFFFFFEF7, lr;
	s5 =	simm.s32 $0xFFFFFFFF;
	p2 =	slt.u32 s8, $0xFFFFF086  }
0x1c: {  	p1 =	slt.u32 s9, $0xF7A;
	s5 =	simm.s32 @!p2 $0x0  }
0x1d: {  	s5 =	simm.s32 @p1 $0x1;
	p0 =	seq.s32 s7, s2  }
0x1e: {  	s7 =	smul.u32 @!p0 $0xF7A, s2;
	p2 =	seq.s32 @!p0 s5, $0x0  }
0x1f: {  	s9 =	smul.u32 $0xF7A, s1;
	s8 =	simm.s32 @!p0 $0x1BF5;
	p2 =	por !p2, p0  }
0x20: {  	[sflag:s8] =	ssyncset.s32 @!p0 $0xFFFFF086;
	s6 =	sadd.s32 @!p0 s3, s7;
	s7 =	simm.s32 @!p0 $0x108  }
0x21: {  	s3 =	sadd.s32 s3, s9;
	s6 =	sadd.s32 @!p0 $0x88, s6;
	s7 =	simm.s32 @p2 $0x1082  }
0x22: {  	[simem:s7], [sflag:s8] =	dma.local @!p0 [hbm:s6], $0xF7A  }
0x23: {  	s9 =	sor.u32 $0xD0000000, s2;
	s6 =	simm.s32 $0x108;
	_ =	swait.ge @!p0 [sflag:s8], $0x0  }
0x24: {  	s3 =	sadd.s32 $0x88, s3;
	s6 =	simm.s32 @!p1 $0x1082;
	[sflag:s4] =	ssyncset.s32 $0xFFFFF086  }
0x25: {  	[simem:s6], [sflag:s4] =	dma.local [hbm:s3], $0xF7A  }
0x26: {  	[smem:$0x3F9D] =	sst s1;
	(tag) =	ssettag s2;
	_ =	strace s9  }
0x27: {  	s1 =	sld [smem:$0x3FAD]  }
0x28: {  	s2 =	sld [smem:$0x3FAE]  }
0x29: {  	s4 =	sld [smem:$0x3FB0]  }
0x2a: {  	p0 =	seq.s32 s5, $0x0;
	s5 =	sld [smem:$0x3FB1]  }
0x2b: {  	s6 =	sld [smem:$0x3FB2]  }
0x2c: {  	s7 =	sld [smem:$0x3FB3]  }
0x2d: {  	s3 =	simm.s32 $0x108;
	s8 =	sld [smem:$0x3FB4]  }
0x2e: {  	s3 =	simm.s32 @!p0 $0x1082;
	s9 =	sld [smem:$0x3FB5]  }
0x2f: {  	lr =	sadd.s32 s0, s3;
	s0 =	sld [smem:$0x3FAC]  }
0x30: {  	s3 =	sld [smem:$0x3FAF]  }
0x31: {  	[smem:$0x3FB8] =	sst s10  }
0x32: {  	s10 =	sld [smem:$0x3FB6];
	_ =	sdelay $0x3  }
0x33: {  	p0 =	seq.s32 s10, $0x1;
	s10 =	sld [smem:$0x3FB8];
	_ =	sdelay $0x3  }
0x34: {  	[smem:$0x3FB8] =	sst s10  }
0x35: {  	s10 =	sld [smem:$0x3FB7];
	_ =	sdelay $0x3  }
0x36: {  	p1 =	seq.s32 s10, $0x1;
	s10 =	sld [smem:$0x3FB8];
	_ =	sdelay $0x3  }
0x37: {  	[smem:$0x3FB8] =	sst s10  }
0x38: {  	s10 =	sld [smem:$0x3FB9]  }
0x39: {  	_ = 	snop;
	(pc) =	sbr.ind lr, $3  }
0x3a: {  	_ = 	snop  }
0x3b: {  	_ = 	snop  }
0x3c: {  	p2 =	seq.s32 s10, $0x1;
	s10 =	sld [smem:$0x3FB8]  }
0x3d: {  	_ =	shalt  }
0x3e: {  	_ =	shalt  }
0x3f: {  	_ =	shalt  }
0x40: {  	_ =	shalt  }
0x41: {  	_ =	shalt  }
0x42: {  	_ =	shalt  }
0x43: {  	_ =	shalt  }
0x44: {  	_ =	shalt  }
0x45: {  	_ =	shalt  }
0x46: {  	_ =	shalt  }
0x47: {  	_ =	shalt  }
0x48: {  	_ =	shalt  }
0x49: {  	_ =	shalt  }
0x4a: {  	_ =	shalt  }
0x4b: {  	_ =	shalt  }
0x4c: {  	_ =	shalt  }
0x4d: {  	_ =	shalt  }
0x4e: {  	_ =	shalt  }
0x4f: {  	_ =	shalt  }
0x50: {  	_ =	shalt  }
0x51: {  	_ =	shalt  }
0x52: {  	_ =	shalt  }
0x53: {  	_ =	shalt  }
0x54: {  	_ =	shalt  }
0x55: {  	_ =	shalt  }
0x56: {  	_ =	shalt  }
0x57: {  	_ =	shalt  }
0x58: {  	_ =	shalt  }
0x59: {  	_ =	shalt  }
0x5a: {  	_ =	shalt  }
0x5b: {  	_ =	shalt  }
0x5c: {  	_ =	shalt  }
0x5d: {  	_ =	shalt  }
0x5e: {  	_ =	shalt  }
0x5f: {  	_ =	shalt  }
0x60: {  	_ =	shalt  }
0x61: {  	_ =	shalt  }
0x62: {  	_ =	shalt  }
0x63: {  	_ =	shalt  }
0x64: {  	_ =	shalt  }
0x65: {  	_ =	shalt  }
0x66: {  	_ =	shalt  }
0x67: {  	_ =	shalt  }
0x68: {  	_ =	shalt  }
0x69: {  	_ =	shalt  }
0x6a: {  	_ =	shalt  }
0x6b: {  	_ =	shalt  }
0x6c: {  	_ =	shalt  }
0x6d: {  	_ =	shalt  }
0x6e: {  	_ =	shalt  }
0x6f: {  	_ =	shalt  }
0x70: {  	_ =	shalt  }
0x71: {  	_ =	shalt  }
0x72: {  	_ =	shalt  }
0x73: {  	_ =	shalt  }
0x74: {  	_ =	shalt  }
0x75: {  	_ =	shalt  }
0x76: {  	_ =	shalt  }
0x77: {  	_ =	shalt  }
0x78: {  	_ =	shalt  }
0x79: {  	_ =	shalt  }
0x7a: {  	_ =	shalt  }
0x7b: {  	_ =	shalt  }
0x7c: {  	_ =	shalt  }
0x7d: {  	_ =	shalt  }
0x7e: {  	_ =	shalt  }
0x7f: {  	_ =	shalt  }
0x80: {  	_ =	shalt  }
0x81: {  	_ =	shalt  }
0x82: {  	_ =	shalt  }
0x83: {  	_ =	shalt  }
0x84: {  	_ =	shalt  }
0x85: {  	_ =	shalt  }
0x86: {  	_ =	shalt  }
0x87: {  	_ =	shalt  }
.Lfunc_end0:
.L_simem_size_0:
called_computation_lowered:
.L_overlay_start_0:
0x88: {  	s2 =	sld [smem:$0x3FD9]  }
0x89: {  	s3 =	sld [smem:$0x3FFE];
	_ =	sdelay $0x1  }
0x8a: {  	s1 =	srdreg.scid  }
0x8b: {  	s0 =	sand.u32 $0x1, s1  }
0x8c: {  	s17 =	sshll.u32 s0, $0xA;
	s2 =	sadd.s32 s3, s2  }
0x8d: {  	s2 =	sadd.s32 s2, s17  }
0x8e: {  	[smem:$0x3FC4] =	sst s2  }
0x8f: {  	_ = 	snop  }
0x90: {  	s2 =	sld [smem:$0x3FD0];
	(tm) =	ssettm $0x1  }
0x91: {  	s18 =	sld [smem:$0x3FFB];
	_ =	sdelay $0x3  }
0x92: {  	_ =	strace s18  }
0x93: {  	s3 =	sld [smem:$0x3FFC];
	_ =	sdelay $0x3  }
0x94: {  	_ =	strace s3  }
0x95: {  	s3 =	sld [smem:$0x3FFD];
	_ =	sdelay $0x3  }
0x96: {  	_ =	strace s3  }
0x97: {  	_ =	strace $0x8FFFFFFF  }
0x98: {  	s19 =	sld [smem:$0x3FDB];
	_ =	sdelay $0x1  }
0x99: {  	s4 =	simm.s32 $_scs_section_size  }
0x9a: {  	s5 =	simm.s32 $_size__tile_overlayer_lowered;
	s6 =	simm.s32 $_tile_overlayer_lowered  }
0x9b: {  	s22 =	simm.s32 $0x1BFF;
	s21 =	sshll.u32 s6, $0x1;
	s3 =	sadd.s32 s4, s19  }
0x9c: {  	s7 =	simm.s32 $0x0;
	s20 =	sshll.u32 s5, $0x1;
	s5 =	sadd.s32 s21, s3  }
0x9d: {  	[timem:s7], [sflag:s22] =	dma.local [hbm:s5], s20  }
0x9e: {  	_ =	swait.ge [sflag:s22], s20  }
0x9f: {  	s4 =	ssub.s32 $0x0, s20;
	[sflag:s22] =	ssyncset.done $0x0  }
0xa0: {  	[sflag:s22] =	ssyncadd.s32 s4;
	_ =	sdelay $0x1  }
0xa1: {  	s23 =	simm.s32 $0x1B8B  }
0xa2: {  	_ =	swait.ge [sflag:s23], $0x1  }
0xa3: {  	[sflag:s23] =	ssyncset.done $0x0  }
0xa4: {  	s25 =	simm.s32 $0x1B8E;
	s24 =	sld [smem:$0x3FFE];
	[sflag:s23] =	ssyncadd.s32 $0xFFFFFFFF  }
0xa5: {  	s26 =	simm.s32 $execute0_lowered;
	[smem:$0x3FD2] =	sst s25  }
0xa6: {  	s5 =	sshll.u32 s26, $0x1;
	_ =	strace $0x80000046;
	[dreg:$0x1] =	wrdreg $0xFFFFFFFF  }
0xa7: {  	s28 =	simm.s32 $_size_execute0_lowered;
	s3 =	sadd.s32 s3, s5;
	[dreg:$0x0] =	wrdreg $0x0  }
0xa8: {  	s5 =	sshll.u32 s28, $0x1;
	[dreg:$0x2] =	wrdreg s3  }
0xa9: {  	[dreg:$0x3] =	wrdreg s5  }
0xaa: {  	[dreg:$0x4] =	wrdreg $0xC0  }
0xab: {  	_ =	task [dreg:s7], $0x5FFFF  }
0xac: {  	[dreg:$0x1] =	wrdreg $0xFFFFFFFF  }
0xad: {  	[dreg:$0x0] =	wrdreg $0x60  }
0xae: {  	[dreg:$0x2] =	wrdreg s2  }
0xaf: {  	[dreg:$0x3] =	wrdreg s24  }
0xb0: {  	[dreg:$0x4] =	wrdreg $0x92800  }
0xb1: {  	[dreg:$0x5] =	wrdreg $0x1CB000  }
0xb2: {  	[dreg:$0x6] =	wrdreg $0x9  }
0xb3: {  	_ =	task.clear_ibuf [dreg:s7], $0x7FFFF;
	_ =	strace $0x90000046  }
0xb4: {  	s29 =	simm.s32 $0x9;
	_ =	strace $0x80000048  }
0xb5: {  	_ =	swait.ge [sflag:s29], $0x1  }
0xb6: {  	[sflag:s29] =	ssyncadd.s32 $0xFFFFFFFF  }
0xb7: {  	_ =	strace $0x90000048  }
0xb8: {  	_ =	sfence  }
0xb9: {  	s30 =	sld [smem:$0x0];
	_ =	sdelay $0x2  }
0xba: {  	s31 =	sshll.u32 s1, $0xD;
	s1 =	sshrl.u32 s1, $0x2  }
0xbb: {  	s3 =	sand.u32 $0x4000, s31;
	s1 =	sadd.s32 s1, s30  }
0xbc: {  	s0 =	sor.u32 s3, s0;
	s1 =	sshll.u32 s1, $0x11  }
0xbd: {  	s0 =	sor.u32 s1, s0  }
0xbe: {  	s0 =	sadd.s32 $0x8F2B, s0  }
0xbf: {  	[sflag:s0] =	ssyncadd.remote.s32 $0x1  }
0xc0: {  	_ =	sfence.sel $0xFFFF  }
0xc1: {  	[dreg:$0x0] =	wrdreg $0xFFFFFFFF;
	(pc) =	sbr.abs _section_cstart, $3  }
0xc2: {  	[dreg:$0x1] =	wrdreg $0xFFFFFFFF  }
0xc3: {  	_ =	task.clear_ibuf [dreg:s7], $0x2FFFF;
	_ =	strace $0x9FFFFFFF  }
0xc4: {  	(tm) =	ssettm $0x7FFFFFFF  }
0xc5: {  	_ =	shalt  }
tec
execute0_lowered:
.L_overlay_start_1:
0x0: {  	(tag) =	ssettag $0x1  }
0x1: {  	s1 =	rddreg [dreg:$0x0]  }
0x2: {  	s5 =	rddreg [dreg:$0x1]  }
0x3: {  	s2 =	rddreg [dreg:$0x2];
	s4 =	stileid.u32  }
0x4: {  	s3 =	rddreg [dreg:$0x3];
	s9 =	smul.u32 $0x2800, s4  }
0x5: {  	s0 =	srdreg.scid;
	s13 =	simm.s32 $0x0;
	s11 =	smul.u32 $0x50, s4  }
0x6: {  	s30 =	simm.s32 $0x4280;
	s29 =	simm.s32 $0x15E0;
	s26 =	smul.u32 $0xA000, s4  }
0x7: {  	s28 =	simm.s32 $0x6A80;
	s8 =	sand.u32 $0x1, s0;
	s15 =	smul.u32 $0x140, s4  }
0x8: {  	s31 =	simm.s32 $0x3;
	[smem:$0x7FF] =	sst s13;
	s0 =	smul.u32 $0x138800, s8  }
0x9: {  	s6 =	sadd.s32 $0xA400, s5;
	s16 =	sor.u32 $0x10, s4;
	s10 =	smul.u32 $0x2710, s8  }
0xa: {  	s12 =	sshll.u32 s4, $0x1;
	s7 =	sadd.s32 $0x9E00, s5;
	s17 =	smul.u32 $0xA000, s16  }
0xb: {  	s20 =	sor.u32 $0x20, s4;
	_ =	strace $0x80000047;
	s19 =	smul.u32 $0x140, s16  }
0xc: {  	s24 =	sor.u32 s8, s12;
	s8 =	ssub.s32 $0x2, s8;
	s21 =	smul.u32 $0xA000, s20  }
0xd: {  	s22 =	smul.u32 $0x140, s20;
	s16 =	sor.u32 $0x40, s4;
	s25 =	sshrl.u32 s8, $0x1  }
0xe: {  	s12 =	sshrl.u32 s26, $0x2;
	s18 =	sshrl.u32 s15, $0x2;
	s20 =	smul.u32 $0x140, s16  }
0xf: {  	s0 =	sadd.s32 s9, s0;
	s10 =	sadd.s32 s11, s10;
	s9 =	smul.u32 $0x2710, s24  }
0x10: {  	s8 =	ssub.s32 s8, s25;
	s23 =	sadd.s32 s12, s2;
	s24 =	sadd.s32 s18, s3  }
0x11: {  	s25 =	sor.u32 $0x30, s4;
	s18 =	smul.u32 $0xA000, s16;
	s16 =	sor.u32 $0x70, s4  }
0x12: {  	s0 =	sshrl.u32 s0, $0x3;
	s10 =	sshrl.u32 s10, $0x3;
	s26 =	smul.u32 $0xA000, s25  }
0x13: {  	s8 =	smax.u32 s8, $0x1;
	s15 =	smul.u32 $0x140, s25;
	s25 =	sor.u32 $0x60, s4  }
0x14: {  	p0 =	sgt.u32 s16, $0x7C;
	s0 =	sadd.s32 s0, s5;
	s9 =	sshrl.u32 s9, $0x3  }
0x15: {  	s10 =	sadd.s32 s10, s5;
	[dreg:$0x7] =	wrdreg s8;
	s8 =	sshrl.u32 s21, $0x2  }
0x16: {  	s21 =	sor.u32 $0x50, s4;
	s14 =	sadd.s32 s5, s9;
	s8 =	sadd.s32 s8, s2  }
0x17: {  	s5 =	sshrl.u32 s17, $0x2;
	s0 =	sadd.s32 $0xB400, s0;
	[dreg:$0xa] =	wrdreg s8  }
0x18: {  	s9 =	sshrl.u32 s19, $0x2;
	s12 =	sshrl.u32 s26, $0x2;
	[dreg:$0x16] =	wrdreg s0  }
0x19: {  	s19 =	sshrl.u32 s15, $0x2;
	s5 =	sadd.s32 s5, s2;
	[dreg:$0x6] =	wrdreg s14  }
0x1a: {  	s11 =	smul.u32 $0x140, s21;
	s9 =	sadd.s32 s9, s3;
	[dreg:$0x8] =	wrdreg s5  }
0x1b: {  	s15 =	smul.u32 $0x140, s25;
	s17 =	sadd.s32 s12, s2;
	[dreg:$0x9] =	wrdreg s9  }
0x1c: {  	s8 =	sadd.s32 s19, s3;
	s12 =	smul.u32 $0x140, s16;
	[dreg:$0xc] =	wrdreg s17  }
0x1d: {  	s5 =	sshrl.u32 s22, $0x2;
	[dreg:$0xd] =	wrdreg s8;
	s22 =	smul.u32 $0xA000, s21  }
0x1e: {  	s9 =	sshrl.u32 s20, $0x2;
	s17 =	sshrl.u32 s11, $0x2;
	s19 =	sshrl.u32 s15, $0x2  }
0x1f: {  	s11 =	simm.s32 $0x5;
	s15 =	simm.s32 $0x1540;
	s5 =	sadd.s32 s5, s3  }
0x20: {  	s26 =	sadd.s32 s9, s3;
	s9 =	smul.u32 $0xA000, s25;
	s21 =	sshrl.u32 s12, $0x2  }
0x21: {  	s25 =	sadd.s32 $0xAA00, s10;
	[dreg:$0xb] =	wrdreg s5;
	s5 =	sshrl.u32 s18, $0x2  }
0x22: {  	[dreg:$0xf] =	wrdreg s26;
	s8 =	sshrl.u32 s22, $0x2;
	s18 =	smul.u32 $0xA000, s16  }
0x23: {  	s22 =	sadd.s32 s21, s3;
	[dreg:$0x17] =	wrdreg s25;
	s26 =	sadd.s32 $0x280, s14  }
0x24: {  	s14 =	simm.s32 $0x1630;
	s25 =	simm.s32 $0x4;
	[dreg:$0x15] =	wrdreg s22  }
0x25: {  	s5 =	sadd.s32 s5, s2;
	s8 =	sadd.s32 s8, s2;
	[dreg:$0x18] =	wrdreg s26  }
0x26: {  	s22 =	simm.s32 $0x1;
	s26 =	simm.s32 $0x2;
	[dreg:$0xe] =	wrdreg s5  }
0x27: {  	[dreg:$0x10] =	wrdreg s8;
	s5 =	sshrl.u32 s9, $0x2;
	s8 =	sadd.s32 s17, s3  }
0x28: {  	s20 =	sshrl.u32 s18, $0x2;
	[dreg:$0x11] =	wrdreg s8;
	s5 =	sadd.s32 s5, s2  }
0x29: {  	s9 =	simm.s32 $0x50;
	[dreg:$0x12] =	wrdreg s5;
	s5 =	sadd.s32 s19, s3  }
0x2a: {  	s18 =	simm.s32 $0x1400;
	[dreg:$0x13] =	wrdreg s5;
	s5 =	sadd.s32 s20, s2  }
0x2b: {  	v0 =	vimm.f32 $0.0e+00;
	s17 =	simm.s32 $0x1450;
	s20 =	simm.s32 $0x1590;
	[dreg:$0x14] =	wrdreg s5  }
.LBB2_1:
0x2c: {  	[dreg:$0x5] =	wrdreg s13;
	s0 =	simm.s32 $0x0;
	s5 =	simm.s32 $0x200  }
.LBB2_2:
0x2d: {  	p1 =	sne.s32 s5, $0x9E00;
	[tilespmem:s0+$0x42F0] =	vst v0  }
0x2e: {  	[tilespmem:s0+$0x4280] =	vst v0  }
0x2f: {  	[tilespmem:s0+$0x4290] =	vst v0  }
.Ltmp0:
0x30: {  	[tilespmem:s0+$0x42A0] =	vst v0;
	(pc) =	sbr.rel @p1 .LBB2_2-.Ltmp0, $4  }
0x31: {  	[tilespmem:s0+$0x42B0] =	vst v0  }
0x32: {  	[tilespmem:s0+$0x42C0] =	vst v0  }
0x33: {  	[tilespmem:s0+$0x42D0] =	vst v0  }
0x34: {  	[tilespmem:s0+$0x42E0] =	vst v0;
	s0 =	sshra.s32 s5, $0x2;
	s5 =	sadd.s32 $0x200, s5  }
0x35: {  	[tilespmem:s0+$0x42F0] =	vst v0  }
0x36: {  	[tilespmem:s0+$0x4280] =	vst v0  }
0x37: {  	[tilespmem:s0+$0x4290] =	vst v0  }
0x38: {  	[tilespmem:s0+$0x42A0] =	vst v0  }
0x39: {  	[tilespmem:s0+$0x42B0] =	vst v0  }
0x3a: {  	[tilespmem:s0+$0x42C0] =	vst v0  }
0x3b: {  	[tilespmem:s0+$0x42D0] =	vst v0  }
0x3c: {  	[tilespmem:s0+$0x42E0] =	vst v0;
	s5 =	simm.s32 $0x6  }
0x3d: {  	[spmem:s23] =	stream.linear.scatter [tilespmem:s30], [sflag:$0x6], $0x2800, $0x38;
	[tilespmem:$0x1CD78] =	vst v63  }
0x3e: {  	_ =	swait.ge [sflag:s5], $0x2800  }
0x3f: {  	[sflag:s5] =	ssyncset.done $0x0  }
0x40: {  	[sflag:s5] =	ssyncadd.s32 $0xFFFFD800  }
0x41: {  	[spmem:s24] =	stream.linear.scatter [tilespmem:s30], [sflag:$0x5], $0x50, $0x38;
	[tilespmem:$0x1CD78] =	vst v63  }
0x42: {  	_ =	swait.ge [sflag:s11], $0x50  }
0x43: {  	[sflag:s11] =	ssyncset.done $0x0  }
0x44: {  	s13 =	rddreg [dreg:$0x8];
	[sflag:s11] =	ssyncadd.s32 $0xFFFFFFB0  }
0x45: {  	[spmem:s13] =	stream.linear.scatter [tilespmem:s30], [sflag:$0x6], $0x2800, $0x38;
	[tilespmem:$0x1CD78] =	vst v63  }
0x46: {  	_ =	swait.ge [sflag:s5], $0x2800  }
0x47: {  	[sflag:s5] =	ssyncset.done $0x0  }
0x48: {  	s16 =	rddreg [dreg:$0x9];
	[sflag:s5] =	ssyncadd.s32 $0xFFFFD800  }
0x49: {  	[spmem:s16] =	stream.linear.scatter [tilespmem:s30], [sflag:$0x5], $0x50, $0x38;
	[tilespmem:$0x1CD78] =	vst v63  }
0x4a: {  	_ =	swait.ge [sflag:s11], $0x50  }
0x4b: {  	[sflag:s11] =	ssyncset.done $0x0  }
0x4c: {  	s19 =	rddreg [dreg:$0xa];
	[sflag:s11] =	ssyncadd.s32 $0xFFFFFFB0  }
0x4d: {  	[spmem:s19] =	stream.linear.scatter [tilespmem:s30], [sflag:$0x6], $0x2800, $0x38;
	[tilespmem:$0x1CD78] =	vst v63  }
0x4e: {  	_ =	swait.ge [sflag:s5], $0x2800  }
0x4f: {  	[sflag:s5] =	ssyncset.done $0x0  }
0x50: {  	s21 =	rddreg [dreg:$0xb];
	[sflag:s5] =	ssyncadd.s32 $0xFFFFD800  }
0x51: {  	[spmem:s21] =	stream.linear.scatter [tilespmem:s30], [sflag:$0x5], $0x50, $0x38;
	[tilespmem:$0x1CD78] =	vst v63  }
0x52: {  	_ =	swait.ge [sflag:s11], $0x50  }
0x53: {  	[sflag:s11] =	ssyncset.done $0x0  }
0x54: {  	s8 =	rddreg [dreg:$0xc];
	[sflag:s11] =	ssyncadd.s32 $0xFFFFFFB0  }
0x55: {  	[spmem:s8] =	stream.linear.scatter [tilespmem:s30], [sflag:$0x6], $0x2800, $0x38;
	[tilespmem:$0x1CD78] =	vst v63  }
0x56: {  	_ =	swait.ge [sflag:s5], $0x2800  }
0x57: {  	[sflag:s5] =	ssyncset.done $0x0  }
0x58: {  	s10 =	rddreg [dreg:$0xd];
	[sflag:s5] =	ssyncadd.s32 $0xFFFFD800  }
0x59: {  	[spmem:s10] =	stream.linear.scatter [tilespmem:s30], [sflag:$0x5], $0x50, $0x38;
	[tilespmem:$0x1CD78] =	vst v63  }
0x5a: {  	_ =	swait.ge [sflag:s11], $0x50  }
0x5b: {  	[sflag:s11] =	ssyncset.done $0x0  }
0x5c: {  	s12 =	rddreg [dreg:$0xe];
	[sflag:s11] =	ssyncadd.s32 $0xFFFFFFB0  }
0x5d: {  	[spmem:s12] =	stream.linear.scatter [tilespmem:s30], [sflag:$0x6], $0x2800, $0x38;
	[tilespmem:$0x1CD78] =	vst v63  }
0x5e: {  	_ =	swait.ge [sflag:s5], $0x2800  }
0x5f: {  	[sflag:s5] =	ssyncset.done $0x0  }
0x60: {  	s13 =	rddreg [dreg:$0xf];
	[sflag:s5] =	ssyncadd.s32 $0xFFFFD800  }
0x61: {  	[spmem:s13] =	stream.linear.scatter [tilespmem:s30], [sflag:$0x5], $0x50, $0x38;
	[tilespmem:$0x1CD78] =	vst v63  }
0x62: {  	_ =	swait.ge [sflag:s11], $0x50  }
0x63: {  	[sflag:s11] =	ssyncset.done $0x0  }
0x64: {  	s16 =	rddreg [dreg:$0x10];
	[sflag:s11] =	ssyncadd.s32 $0xFFFFFFB0  }
0x65: {  	[spmem:s16] =	stream.linear.scatter [tilespmem:s30], [sflag:$0x6], $0x2800, $0x38;
	[tilespmem:$0x1CD78] =	vst v63  }
0x66: {  	_ =	swait.ge [sflag:s5], $0x2800  }
0x67: {  	[sflag:s5] =	ssyncset.done $0x0  }
0x68: {  	s19 =	rddreg [dreg:$0x11];
	[sflag:s5] =	ssyncadd.s32 $0xFFFFD800  }
0x69: {  	[spmem:s19] =	stream.linear.scatter [tilespmem:s30], [sflag:$0x5], $0x50, $0x38;
	[tilespmem:$0x1CD78] =	vst v63  }
0x6a: {  	_ =	swait.ge [sflag:s11], $0x50  }
0x6b: {  	[sflag:s11] =	ssyncset.done $0x0  }
0x6c: {  	s21 =	rddreg [dreg:$0x12];
	[sflag:s11] =	ssyncadd.s32 $0xFFFFFFB0  }
0x6d: {  	[spmem:s21] =	stream.linear.scatter [tilespmem:s30], [sflag:$0x6], $0x2800, $0x38;
	[tilespmem:$0x1CD78] =	vst v63  }
0x6e: {  	_ =	swait.ge [sflag:s5], $0x2800  }
0x6f: {  	[sflag:s5] =	ssyncset.done $0x0  }
0x70: {  	[sflag:s5] =	ssyncadd.s32 $0xFFFFD800;
	s5 =	rddreg [dreg:$0x13]  }
0x71: {  	[spmem:s5] =	stream.linear.scatter [tilespmem:s30], [sflag:$0x5], $0x50, $0x38;
	[tilespmem:$0x1CD78] =	vst v63  }
0x72: {  	_ =	swait.ge [sflag:s11], $0x50  }
0x73: {  	[sflag:s11] =	ssyncset.done $0x0  }
0x74: {  	s0 =	simm.s32 @!p0 $0x4280;
	s5 =	rddreg [dreg:$0x14];
	[sflag:s11] =	ssyncadd.s32 $0xFFFFFFB0  }
0x75: {  	[spmem:s5] =	stream.linear.scatter @!p0 [tilespmem:s0], [sflag:$0x6], $0x2800, $0x38;
	[tilespmem:$0x1CD78] =	vst v63  }
0x76: {  	s5 =	simm.s32 @!p0 $0x6  }
0x77: {  	_ =	swait.ge @!p0 [sflag:s5], $0x2800  }
0x78: {  	[sflag:s5] =	ssyncset.done @!p0 $0x0  }
0x79: {  	[sflag:s5] =	ssyncadd.s32 @!p0 $0xFFFFD800;
	s5 =	rddreg [dreg:$0x15]  }
0x7a: {  	[spmem:s5] =	stream.linear.scatter @!p0 [tilespmem:s0], [sflag:$0x5], $0x50, $0x38;
	[tilespmem:$0x1CD78] =	vst v63  }
0x7b: {  	s0 =	simm.s32 @!p0 $0x5  }
0x7c: {  	_ =	swait.ge @!p0 [sflag:s0], $0x50  }
0x7d: {  	[sflag:s0] =	ssyncset.done @!p0 $0x0  }
0x7e: {  	[sflag:s0] =	ssyncadd.s32 @!p0 $0xFFFFFFB0  }
0x7f: {  	[bflag:$0x0] =	sbarrier.arrive $0xFFFF  }
0x80: {  	s5 =	simm.s32 $0x0;
	s8 =	rddreg [dreg:$0x6]  }
0x81: {  	[tilespmem:s5], [sflag:$0x5] =	stream.linear.gather [hbm4b:s8+s5], $0x1400, $0x38;
	[tilespmem:$0x1CD78] =	vst v63  }
0x82: {  	_ =	swait.ge [sflag:s11], $0x1400  }
0x83: {  	[sflag:s11] =	ssyncset.done $0x0  }
0x84: {  	[sflag:s11] =	ssyncadd.s32 $0xFFFFEC00  }
0x85: {  	v1 =	vld [tilespmem:$0x0];
	_ =	sdelay $0x1  }
0x86: {  	v2 =	vld [tilespmem:$0x10];
	_ =	sdelay $0x1  }
0x87: {  	v3 =	vld [tilespmem:$0x20]  }
0x88: {  	v4 =	vand.u32 $0xFFFF, v1  }
0x89: {  	v61 =	vld [tilespmem:$0x30];
	v1 =	vshrl.u32 v1, $0x10;
	[tilespmem:$0x1400] =	vst v4  }
0x8a: {  	[tilespmem:$0x1540] =	vst v1;
	v1 =	vand.u32 $0xFFFF, v2  }
0x8b: {  	[tilespmem:$0x1410] =	vst v1;
	v1 =	vshrl.u32 v2, $0x10;
	v2 =	vld [tilespmem:$0x40]  }
0x8c: {  	[tilespmem:$0x1550] =	vst v1;
	v1 =	vand.u32 $0xFFFF, v3  }
0x8d: {  	[tilespmem:$0x1420] =	vst v1;
	v1 =	vshrl.u32 v3, $0x10  }
0x8e: {  	[tilespmem:$0x1560] =	vst v1;
	v1 =	vand.u32 $0xFFFF, v61  }
0x8f: {  	[tilespmem:$0x1430] =	vst v1;
	v1 =	vshrl.u32 v61, $0x10  }
0x90: {  	[tilespmem:$0x1570] =	vst v1;
	v1 =	vand.u32 $0xFFFF, v2  }
0x91: {  	[tilespmem:$0x1440] =	vst v1;
	v1 =	vshrl.u32 v2, $0x10  }
0x92: {  	s10 =	simm.s32 $0x1A80;
	[tilespmem:$0x1580] =	vst v1  }
0x93: {  	[tilespmem:s10], [sflag:$0x1] =	stream.indirect.gather [hbm4b:s1+s9], $0x40, s18, s9, $0xb8;
	[tilespmem:$0x1CD78] =	vst v63  }
0x94: {  	s12 =	simm.s32 $0x1800  }
0x95: {  	[tilespmem:s12], [sflag:$0x1] =	stream.indirect.gather [hbm4b:s6+s9], $0x1, s18, s9, $0xb8;
	[tilespmem:$0x1CD78] =	vst v63  }
0x96: {  	s13 =	simm.s32 $0x1940  }
0x97: {  	[tilespmem:s13], [sflag:$0x1] =	stream.indirect.gather [hbm4b:s7+s9], $0x1, s15, s9, $0xb8;
	[tilespmem:$0x1CD78] =	vst v63  }
0x98: {  	v1 =	vld [tilespmem:$0x50];
	_ =	sdelay $0x1  }
0x99: {  	v2 =	vld [tilespmem:$0x60];
	_ =	sdelay $0x1  }
0x9a: {  	v3 =	vld [tilespmem:$0x70]  }
0x9b: {  	v62 =	vand.u32 $0xFFFF, v1  }
0x9c: {  	v63 =	vld [tilespmem:$0x80];
	v1 =	vshrl.u32 v1, $0x10;
	[tilespmem:$0x1450] =	vst v62  }
0x9d: {  	[tilespmem:$0x1590] =	vst v1;
	v1 =	vand.u32 $0xFFFF, v2  }
0x9e: {  	[tilespmem:$0x1460] =	vst v1;
	v1 =	vshrl.u32 v2, $0x10;
	v2 =	vld [tilespmem:$0x90]  }
0x9f: {  	[tilespmem:$0x15A0] =	vst v1;
	v1 =	vand.u32 $0xFFFF, v3  }
0xa0: {  	[tilespmem:$0x1470] =	vst v1;
	v1 =	vshrl.u32 v3, $0x10  }
0xa1: {  	[tilespmem:$0x15B0] =	vst v1;
	v1 =	vand.u32 $0xFFFF, v63  }
0xa2: {  	[tilespmem:$0x1480] =	vst v1;
	v1 =	vshrl.u32 v63, $0x10  }
0xa3: {  	[tilespmem:$0x15C0] =	vst v1;
	v1 =	vand.u32 $0xFFFF, v2  }
0xa4: {  	[tilespmem:$0x1490] =	vst v1;
	v1 =	vshrl.u32 v2, $0x10  }
0xa5: {  	s16 =	simm.s32 $0x2E80;
	[tilespmem:$0x15D0] =	vst v1  }
0xa6: {  	[tilespmem:s16], [sflag:$0x2] =	stream.indirect.gather [hbm4b:s1+s9], $0x40, s17, s9, $0xb8;
	[tilespmem:$0x1CD78] =	vst v63  }
0xa7: {  	s19 =	simm.s32 $0x1850  }
0xa8: {  	[tilespmem:s19], [sflag:$0x2] =	stream.indirect.gather [hbm4b:s6+s9], $0x1, s17, s9, $0xb8;
	[tilespmem:$0x1CD78] =	vst v63  }
0xa9: {  	s21 =	simm.s32 $0x1990  }
0xaa: {  	[tilespmem:s21], [sflag:$0x2] =	stream.indirect.gather [hbm4b:s7+s9], $0x1, s20, s9, $0xb8;
	[tilespmem:$0x1CD78] =	vst v63  }
.LBB2_4:
0xab: {  	_ =	swait.ge [sflag:s22], $0x1400  }
0xac: {  	[sflag:s22] =	ssyncset.done $0x0  }
0xad: {  	[sflag:s22] =	ssyncadd.s32 $0xFFFFEC00  }
0xae: {  	_ =	swait.ge [sflag:s22], $0x50  }
0xaf: {  	[sflag:s22] =	ssyncset.done $0x0  }
0xb0: {  	[sflag:s22] =	ssyncadd.s32 $0xFFFFFFB0  }
0xb1: {  	_ =	swait.ge [sflag:s22], $0x50  }
0xb2: {  	p1 =	seq.s32 s5, $0x0;
	[sflag:s22] =	ssyncset.done $0x0  }
0xb3: {  	s0 =	simm.s32 @!p1 $0x3;
	[sflag:s22] =	ssyncadd.s32 $0xFFFFFFB0  }
0xb4: {  	_ =	swait.ge @!p1 [sflag:s0], $0x2800  }
0xb5: {  	[sflag:s0] =	ssyncset.done @!p1 $0x0  }
0xb6: {  	[sflag:s0] =	ssyncadd.s32 @!p1 $0xFFFFD800  }
0xb7: {  	_ =	swait.ge @!p1 [sflag:s0], $0x50  }
0xb8: {  	[sflag:s0] =	ssyncset.done @!p1 $0x0  }
0xb9: {  	[sflag:s0] =	ssyncadd.s32 @!p1 $0xFFFFFFB0  }
0xba: {  	v1 =	vld [tilespmem:$0x1800]  }
0xbb: {  	v2 =	vld [tilespmem:$0x1940]  }
0xbc: {  	v3 =	vld [tilespmem:$0x1810]  }
0xbd: {  	v4 =	vld [tilespmem:$0x1950]  }
0xbe: {  	v5 =	vld [tilespmem:$0x1820]  }
0xbf: {  	v6 =	vld [tilespmem:$0x1960]  }
0xc0: {  	v7 =	vld [tilespmem:$0x1830]  }
0xc1: {  	v8 =	vld [tilespmem:$0x1970]  }
0xc2: {  	v9 =	vld [tilespmem:$0x1840]  }
0xc3: {  	v10 =	vld [tilespmem:$0x1980]  }
0xc4: {  	v1 =	vadd.f32 v2, v1  }
0xc5: {  	v2 =	vadd.f32 v4, v3  }
0xc6: {  	v4 =	vadd.f32 v6, v5;
	v3 =	vmul.f32 $9.999999770e-03, v1  }
0xc7: {  	v6 =	vadd.f32 v8, v7;
	v5 =	vmul.f32 $9.999999770e-03, v2  }
0xc8: {  	v7 =	vadd.f32 v10, v9;
	v1 =	vmax.f32 v1, v3;
	v3 =	vmul.f32 $9.999999770e-03, v4  }
0xc9: {  	v2 =	vmax.f32 v2, v5;
	v5 =	vmul.f32 $9.999999770e-03, v6;
	v1 =	vmul.f32 $1.442695020e+00, v1  }
0xca: {  	v2 =	vmul.f32 $1.442695020e+00, v2;
	v3 =	vmax.f32 v4, v3;
	v4 =	vmul.f32 $9.999999770e-03, v7  }
0xcb: {  	(erf) = vpow2.f32 v1;
	v1 =	vmul.f32 $1.442695020e+00, v3;
	v3 =	vmax.f32 v6, v5  }
0xcc: {  	(erf) = vpow2.f32 v2;
	v2 =	vmul.f32 $1.442695020e+00, v3;
	v3 =	vmax.f32 v7, v4  }
0xcd: {  	(erf) = vpow2.f32 v1;
	v1 =	vmul.f32 $1.442695020e+00, v3  }
0xce: {  	(erf) = vpow2.f32 v2  }
0xcf: {  	(erf) = vpow2.f32 v1;
	_ =	sdelay $0x4  }
0xd0: {  	v1 =	vpop (erf)  }
0xd1: {  	v2 =	vpop (erf);
	[tilespmem:$0x1680] =	vst v1  }
0xd2: {  	v1 =	vpop (erf);
	[tilespmem:$0x1690] =	vst v2  }
0xd3: {  	v2 =	vpop (erf);
	[tilespmem:$0x16A0] =	vst v1  }
0xd4: {  	[tilespmem:$0x16B0] =	vst v2;
	v1 =	vpop (erf)  }
0xd5: {  	s21 =	simm.s32 $0x1B00;
	[tilespmem:$0x16C0] =	vst v1  }
0xd6: {  	s8 =	simm.s32 $0x1682;
	v1 =	vld [tilespmem:s21+$0x40]  }
0xd7: {  	v4 =	vld.msk [tilespmem:s8+$0x1 ss:$0x0], $0xffff  }
0xd8: {  	v2 =	vld [tilespmem:s21+$0xFFFFFF80]  }
0xd9: {  	v7 =	vld.msk [tilespmem:s8+$0xFFFFFFFE ss:$0x0], $0xffff  }
0xda: {  	v3 =	vld [tilespmem:s21+$0xFFFFFFC0]  }
0xdb: {  	v5 =	vld.msk [tilespmem:s8+$0xFFFFFFFF ss:$0x0], $0xffff;
	v6 =	vshll.u32 v1, $0x10  }
0xdc: {  	v8 =	vld [tilespmem:s21+$0x0];
	v1 =	vand.u32 $0xFFFF0000, v1;
	v9 =	vmul.f32 v6, v4  }
0xdd: {  	s16 =	simm.s32 $0x4380;
	v10 =	vshll.u32 v2, $0x10;
	v6 =	vld.msk [tilespmem:s8+$0x0 ss:$0x0], $0xffff;
	v1 =	vmul.f32 v1, v4  }
0xde: {  	v2 =	vand.u32 $0xFFFF0000, v2;
	[tilespmem:s16+$0x80] =	vst v9;
	v9 =	vmul.f32 v10, v7  }
0xdf: {  	v10 =	vshll.u32 v3, $0x10;
	[tilespmem:s16+$0x90] =	vst v1;
	v1 =	vmul.f32 v2, v7  }
0xe0: {  	v2 =	vand.u32 $0xFFFF0000, v3;
	v3 =	vld [tilespmem:s21+$0x50];
	v10 =	vmul.f32 v10, v5;
	[tilespmem:s16+$0xFFFFFF00] =	vst v9  }
0xe1: {  	v2 =	vmul.f32 v2, v5;
	v9 =	vshll.u32 v8, $0x10;
	[tilespmem:s16+$0xFFFFFF10] =	vst v1  }
0xe2: {  	v1 =	vand.u32 $0xFFFF0000, v8;
	v8 =	vmul.f32 v9, v6;
	v9 =	vld [tilespmem:s21+$0xFFFFFF90];
	[tilespmem:s16+$0xFFFFFF80] =	vst v10  }
0xe3: {  	v1 =	vmul.f32 v1, v6;
	[tilespmem:s16+$0xFFFFFF90] =	vst v2  }
0xe4: {  	v2 =	vld [tilespmem:s21+$0xFFFFFFD0];
	[tilespmem:s16+$0x0] =	vst v8  }
0xe5: {  	[tilespmem:s16+$0x10] =	vst v1;
	v8 =	vshll.u32 v3, $0x10  }
0xe6: {  	v1 =	vand.u32 $0xFFFF0000, v3;
	v3 =	vmul.f32 v8, v4;
	v8 =	vld [tilespmem:s21+$0x10]  }
0xe7: {  	v1 =	vmul.f32 v1, v4;
	v10 =	vshll.u32 v9, $0x10  }
0xe8: {  	[tilespmem:s16+$0xA0] =	vst v3;
	v3 =	vand.u32 $0xFFFF0000, v9;
	v9 =	vmul.f32 v10, v7  }
0xe9: {  	[tilespmem:s16+$0xB0] =	vst v1;
	v1 =	vmul.f32 v3, v7;
	v3 =	vshll.u32 v2, $0x10  }
0xea: {  	v10 =	vld [tilespmem:s21+$0x60];
	v2 =	vand.u32 $0xFFFF0000, v2;
	[tilespmem:s16+$0xFFFFFF20] =	vst v9;
	v3 =	vmul.f32 v3, v5  }
0xeb: {  	v2 =	vmul.f32 v2, v5;
	[tilespmem:s16+$0xFFFFFF30] =	vst v1;
	v1 =	vshll.u32 v8, $0x10  }
0xec: {  	v8 =	vand.u32 $0xFFFF0000, v8;
	v9 =	vld [tilespmem:s21+$0xFFFFFFA0];
	[tilespmem:s16+$0xFFFFFFA0] =	vst v3;
	v1 =	vmul.f32 v1, v6  }
0xed: {  	v3 =	vmul.f32 v8, v6;
	[tilespmem:s16+$0xFFFFFFB0] =	vst v2  }
0xee: {  	v2 =	vld [tilespmem:s21+$0xFFFFFFE0];
	[tilespmem:s16+$0x20] =	vst v1  }
0xef: {  	v1 =	vshll.u32 v10, $0x10;
	[tilespmem:s16+$0x30] =	vst v3  }
0xf0: {  	v3 =	vand.u32 $0xFFFF0000, v10;
	v1 =	vmul.f32 v1, v4;
	v8 =	vld [tilespmem:s21+$0x20]  }
0xf1: {  	s19 =	simm.s32 $0x1C00;
	v3 =	vmul.f32 v3, v4;
	v10 =	vshll.u32 v9, $0x10  }
0xf2: {  	s12 =	simm.s32 $0x1686;
	[tilespmem:s16+$0xC0] =	vst v1;
	v1 =	vand.u32 $0xFFFF0000, v9;
	v9 =	vmul.f32 v10, v7;
	v10 =	vld [tilespmem:s19+$0x40]  }
0xf3: {  	[tilespmem:s16+$0xD0] =	vst v3;
	v3 =	vld.msk [tilespmem:s12+$0x1 ss:$0x0], $0xffff;
	v1 =	vmul.f32 v1, v7;
	v11 =	vshll.u32 v2, $0x10  }
0xf4: {  	v12 =	vld [tilespmem:s21+$0x70];
	v2 =	vand.u32 $0xFFFF0000, v2;
	[tilespmem:s16+$0xFFFFFF40] =	vst v9;
	v9 =	vmul.f32 v11, v5  }
0xf5: {  	v2 =	vmul.f32 v2, v5;
	[tilespmem:s16+$0xFFFFFF50] =	vst v1;
	v1 =	vshll.u32 v8, $0x10  }
0xf6: {  	v8 =	vand.u32 $0xFFFF0000, v8;
	v11 =	vld [tilespmem:s19+$0xFFFFFF80];
	[tilespmem:s16+$0xFFFFFFC0] =	vst v9;
	v9 =	vmul.f32 v1, v6  }
0xf7: {  	v8 =	vmul.f32 v8, v6;
	[tilespmem:s16+$0xFFFFFFD0] =	vst v2;
	v1 =	vld.msk [tilespmem:s12+$0xFFFFFFFE ss:$0x0], $0xffff;
	v2 =	vshll.u32 v10, $0x10  }
0xf8: {  	v13 =	vld [tilespmem:s19+$0xFFFFFFC0];
	[tilespmem:s16+$0x40] =	vst v9;
	v9 =	vand.u32 $0xFFFF0000, v10;
	v10 =	vmul.f32 v2, v3  }
0xf9: {  	s10 =	simm.s32 $0x4580;
	v14 =	vand.u32 $0xFFFF0000, v12;
	[tilespmem:s16+$0x50] =	vst v8;
	v2 =	vld.msk [tilespmem:s12+$0xFFFFFFFF ss:$0x0], $0xffff;
	v8 =	vmul.f32 v9, v3  }
0xfa: {  	v12 =	vshll.u32 v12, $0x10;
	v14 =	vmul.f32 v14, v4;
	v9 =	vld [tilespmem:s19+$0x0];
	[tilespmem:s10+$0x80] =	vst v10  }
0xfb: {  	v10 =	vmul.f32 v12, v4;
	v4 =	vld.msk [tilespmem:s12+$0x0 ss:$0x0], $0xffff;
	v12 =	vshll.u32 v11, $0x10;
	[tilespmem:s10+$0x90] =	vst v8  }
0xfc: {  	[tilespmem:s16+$0xF0] =	vst v14;
	v8 =	vand.u32 $0xFFFF0000, v11;
	v11 =	vmul.f32 v12, v1;
	v12 =	vld [tilespmem:s19+$0x50]  }
0xfd: {  	v14 =	vshll.u32 v13, $0x10;
	v8 =	vmul.f32 v8, v1;
	[tilespmem:s16+$0xE0] =	vst v10  }
0xfe: {  	v10 =	vand.u32 $0xFFFF0000, v13;
	v13 =	vld [tilespmem:s21+$0xFFFFFFB0];
	v14 =	vmul.f32 v14, v2;
	[tilespmem:s10+$0xFFFFFF00] =	vst v11  }
0xff: {  	v10 =	vmul.f32 v10, v2;
	v11 =	vshll.u32 v9, $0x10;
	[tilespmem:s10+$0xFFFFFF10] =	vst v8  }
0x100: {  	v8 =	vand.u32 $0xFFFF0000, v9;
	v9 =	vmul.f32 v11, v4;
	v11 =	vld [tilespmem:s19+$0xFFFFFF90];
	[tilespmem:s10+$0xFFFFFF80] =	vst v14  }
0x101: {  	v8 =	vmul.f32 v8, v4;
	[tilespmem:s10+$0xFFFFFF90] =	vst v10;
	v10 =	vshll.u32 v12, $0x10  }
0x102: {  	v14 =	vld [tilespmem:s19+$0xFFFFFFD0];
	[tilespmem:s10+$0x0] =	vst v9;
	v9 =	vand.u32 $0xFFFF0000, v12;
	v10 =	vmul.f32 v10, v3  }
0x103: {  	v12 =	vshll.u32 v13, $0x10;
	[tilespmem:s10+$0x10] =	vst v8;
	v8 =	vmul.f32 v9, v3  }
0x104: {  	v9 =	vand.u32 $0xFFFF0000, v13;
	v12 =	vmul.f32 v12, v7;
	v13 =	vld [tilespmem:s19+$0x10];
	[tilespmem:s10+$0xA0] =	vst v10  }
0x105: {  	v7 =	vmul.f32 v9, v7;
	v10 =	vld [tilespmem:s21+$0xFFFFFFF0];
	v9 =	vshll.u32 v11, $0x10;
	[tilespmem:s10+$0xB0] =	vst v8  }
0x106: {  	v8 =	vand.u32 $0xFFFF0000, v11;
	[tilespmem:s16+$0xFFFFFF60] =	vst v12;
	v9 =	vmul.f32 v9, v1;
	v11 =	vld [tilespmem:s19+$0x60]  }
0x107: {  	v8 =	vmul.f32 v8, v1;
	v12 =	vshll.u32 v14, $0x10;
	[tilespmem:s16+$0xFFFFFF70] =	vst v7  }
0x108: {  	v14 =	vand.u32 $0xFFFF0000, v14;
	[tilespmem:s10+$0xFFFFFF20] =	vst v9;
	v9 =	vmul.f32 v12, v2  }
0x109: {  	v7 =	vld [tilespmem:s21+$0x30];
	v12 =	vmul.f32 v14, v2;
	[tilespmem:s10+$0xFFFFFF30] =	vst v8;
	v8 =	vshll.u32 v13, $0x10  }
0x10a: {  	v13 =	vand.u32 $0xFFFF0000, v13;
	v8 =	vmul.f32 v8, v4;
	[tilespmem:s10+$0xFFFFFFA0] =	vst v9  }
0x10b: {  	v14 =	vld [tilespmem:s19+$0xFFFFFFA0];
	v13 =	vmul.f32 v13, v4;
	v9 =	vshll.u32 v10, $0x10;
	[tilespmem:s10+$0xFFFFFFB0] =	vst v12;
	v12 =	vshll.u32 v11, $0x10  }
0x10c: {  	v10 =	vand.u32 $0xFFFF0000, v10;
	[tilespmem:s10+$0x20] =	vst v8;
	v8 =	vand.u32 $0xFFFF0000, v11;
	v11 =	vmul.f32 v12, v3  }
0x10d: {  	[tilespmem:s10+$0x30] =	vst v13;
	v13 =	vmul.f32 v8, v3;
	v8 =	vmul.f32 v10, v5;
	v10 =	vld [tilespmem:s19+$0xFFFFFFE0]  }
0x10e: {  	v15 =	vmul.f32 v9, v5;
	v9 =	vand.u32 $0xFFFF0000, v7  }
0x10f: {  	v12 =	vshll.u32 v7, $0x10;
	v5 =	vmul.f32 v9, v6;
	v9 =	vld [tilespmem:s19+$0x20];
	[tilespmem:s10+$0xC0] =	vst v11  }
0x110: {  	v7 =	vmul.f32 v12, v6;
	v6 =	vshll.u32 v14, $0x10;
	v11 =	vand.u32 $0xFFFF0000, v14;
	[tilespmem:s10+$0xD0] =	vst v13  }
0x111: {  	s0 =	simm.s32 $0x4;
	s8 =	simm.s32 $0x1D00;
	s21 =	simm.s32 $0x4580;
	[tilespmem:s16+$0xFFFFFFE0] =	vst v15;
	v12 =	vmul.f32 v6, v1;
	v11 =	vmul.f32 v11, v1;
	v6 =	vld [tilespmem:s19+$0x70]  }
.LBB2_5:
0x112: {  	v13 =	vld [tilespmem:s8+$0x40];
	v14 =	vshll.u32 v10, $0x10;
	v10 =	vand.u32 $0xFFFF0000, v10;
	s12 =	sadd.s32 $0x4, s12;
	[tilespmem:s16+$0xFFFFFFF0] =	vst v8  }
0x113: {  	v8 =	vld.msk [tilespmem:s12+$0x1 ss:$0x0], $0xffff;
	[tilespmem:s10+$0xFFFFFF40] =	vst v12;
	v12 =	vmul.f32 v14, v2;
	v10 =	vmul.f32 v10, v2  }
0x114: {  	v14 =	vld [tilespmem:s8+$0xFFFFFFC0];
	[tilespmem:s10+$0xFFFFFF50] =	vst v11;
	v11 =	vshll.u32 v9, $0x10;
	v9 =	vand.u32 $0xFFFF0000, v9  }
0x115: {  	v15 =	vld [tilespmem:s8+$0x0];
	[tilespmem:s10+$0xFFFFFFC0] =	vst v12;
	v11 =	vmul.f32 v11, v4;
	v9 =	vmul.f32 v9, v4  }
0x116: {  	s0 =	sadd.s32 $0x4, s0;
	v12 =	vld [tilespmem:s8+$0xFFFFFF80];
	[tilespmem:s10+$0xFFFFFFD0] =	vst v10;
	v10 =	vshll.u32 v6, $0x10;
	v6 =	vand.u32 $0xFFFF0000, v6  }
0x117: {  	p2 =	slt.u32 s0, $0x4C;
	v16 =	vld.msk [tilespmem:s12+$0xFFFFFFFE ss:$0x0], $0xffff;
	[tilespmem:s10+$0x40] =	vst v11;
	v10 =	vmul.f32 v10, v3;
	v18 =	vmul.f32 v6, v3  }
0x118: {  	v11 =	vshll.u32 v13, $0x10;
	v6 =	vld.msk [tilespmem:s12+$0xFFFFFFFF ss:$0x0], $0xffff;
	[tilespmem:s10+$0x50] =	vst v9  }
0x119: {  	v13 =	vand.u32 $0xFFFF0000, v13;
	v11 =	vmul.f32 v11, v8;
	v3 =	vmovc v8;
	v9 =	vshll.u32 v14, $0x10;
	v17 =	vld.msk [tilespmem:s12+$0x0 ss:$0x0], $0xffff;
	[tilespmem:s10+$0xF0] =	vst v18  }
0x11a: {  	v8 =	vand.u32 $0xFFFF0000, v14;
	v13 =	vmul.f32 v13, v3;
	s10 =	sadd.s32 $0x200, s10;
	v14 =	vshll.u32 v15, $0x10;
	v18 =	vld [tilespmem:s19+$0xFFFFFFB0];
	[tilespmem:s16+$0x60] =	vst v7  }
0x11b: {  	v15 =	vand.u32 $0xFFFF0000, v15;
	v7 =	vshll.u32 v12, $0x10;
	v12 =	vand.u32 $0xFFFF0000, v12;
	[tilespmem:s10+$0x80] =	vst v11;
	v11 =	vld [tilespmem:s19+$0xFFFFFFF0]  }
0x11c: {  	[tilespmem:s10+$0x90] =	vst v13;
	v13 =	vld [tilespmem:s19+$0x30];
	s19 =	smov.u32 s8  }
0x11d: {  	v7 =	vmul.f32 v7, v16;
	v12 =	vmul.f32 v12, v16;
	v19 =	vld [tilespmem:s8+$0x50];
	[tilespmem:s16+$0x70] =	vst v5;
	s16 =	smov.u32 s21;
	s21 =	smov.u32 s10  }
0x11e: {  	v5 =	vmul.f32 v9, v6;
	v8 =	vmul.f32 v8, v6;
	[tilespmem:s16+$0xE0] =	vst v10  }
0x11f: {  	v9 =	vmul.f32 v15, v17;
	[tilespmem:s10+$0xFFFFFF00] =	vst v7;
	v7 =	vmul.f32 v14, v17;
	v10 =	vshll.u32 v18, $0x10  }
0x120: {  	[tilespmem:s10+$0xFFFFFF10] =	vst v12;
	v12 =	vand.u32 $0xFFFF0000, v18;
	v14 =	vshll.u32 v11, $0x10;
	v11 =	vand.u32 $0xFFFF0000, v11  }
0x121: {  	v10 =	vmul.f32 v10, v1;
	v15 =	vld [tilespmem:s8+$0xFFFFFF90];
	[tilespmem:s10+$0xFFFFFF80] =	vst v5;
	v5 =	vshll.u32 v13, $0x10;
	v13 =	vand.u32 $0xFFFF0000, v13  }
0x122: {  	v12 =	vmul.f32 v12, v1;
	v14 =	vmul.f32 v14, v2;
	v1 =	vmovc v16;
	[tilespmem:s10+$0xFFFFFF90] =	vst v8;
	v8 =	vshll.u32 v19, $0x10  }
0x123: {  	v16 =	vld [tilespmem:s8+$0xFFFFFFD0];
	[tilespmem:s10+$0x0] =	vst v7;
	v7 =	vand.u32 $0xFFFF0000, v19;
	v18 =	vmul.f32 v8, v3;
	v8 =	vmul.f32 v11, v2;
	v2 =	vmovc v6  }
0x124: {  	[tilespmem:s10+$0x10] =	vst v9;
	v6 =	vmul.f32 v7, v3;
	v7 =	vmul.f32 v5, v4  }
0x125: {  	v5 =	vmul.f32 v13, v4;
	v4 =	vmov v17;
	v9 =	vld [tilespmem:s8+$0x10];
	[tilespmem:s10+$0xA0] =	vst v18  }
0x126: {  	v11 =	vshll.u32 v15, $0x10;
	v13 =	vand.u32 $0xFFFF0000, v15;
	[tilespmem:s10+$0xB0] =	vst v6  }
0x127: {  	v6 =	vmul.f32 v11, v1;
	v11 =	vmul.f32 v13, v1;
	v13 =	vld [tilespmem:s8+$0x60];
	[tilespmem:s16+$0xFFFFFF60] =	vst v10  }
0x128: {  	v10 =	vshll.u32 v16, $0x10;
	v15 =	vand.u32 $0xFFFF0000, v16;
	[tilespmem:s16+$0xFFFFFF70] =	vst v12  }
0x129: {  	[tilespmem:s10+$0xFFFFFF20] =	vst v6;
	v6 =	vmul.f32 v10, v2;
	v10 =	vmul.f32 v15, v2  }
0x12a: {  	[tilespmem:s10+$0xFFFFFF30] =	vst v11;
	v11 =	vshll.u32 v9, $0x10;
	v9 =	vand.u32 $0xFFFF0000, v9  }
0x12b: {  	v12 =	vld [tilespmem:s8+$0xFFFFFFA0];
	[tilespmem:s10+$0xFFFFFFA0] =	vst v6;
	v6 =	vmul.f32 v11, v4;
	v9 =	vmul.f32 v9, v4  }
0x12c: {  	[tilespmem:s10+$0xFFFFFFB0] =	vst v10;
	v11 =	vshll.u32 v13, $0x10  }
.Ltmp1:
0x12d: {  	v10 =	vld [tilespmem:s8+$0xFFFFFFE0];
	[tilespmem:s10+$0x20] =	vst v6;
	v6 =	vand.u32 $0xFFFF0000, v13;
	v11 =	vmul.f32 v11, v3;
	(pc) =	sbr.rel @p2 .LBB2_5-.Ltmp1, $4  }
0x12e: {  	[tilespmem:s10+$0x30] =	vst v9;
	v6 =	vmul.f32 v6, v3  }
0x12f: {  	v9 =	vld [tilespmem:s8+$0x20];
	[tilespmem:s10+$0xC0] =	vst v11  }
0x130: {  	v11 =	vshll.u32 v12, $0x10;
	v13 =	vand.u32 $0xFFFF0000, v12;
	[tilespmem:s10+$0xD0] =	vst v6  }
0x131: {  	s8 =	sadd.s32 $0x100, s8;
	v12 =	vmul.f32 v11, v1;
	v11 =	vmul.f32 v13, v1;
	v6 =	vld [tilespmem:s19+$0x70];
	[tilespmem:s16+$0xFFFFFFE0] =	vst v14  }
0x132: {  	v13 =	vshll.u32 v10, $0x10;
	[tilespmem:s16+$0xFFFFFFF0] =	vst v8  }
0x133: {  	v8 =	vand.u32 $0xFFFF0000, v10;
	[tilespmem:s10+$0xFFFFFF40] =	vst v12;
	v10 =	vmul.f32 v13, v2  }
0x134: {  	v8 =	vmul.f32 v8, v2;
	[tilespmem:s10+$0xFFFFFF50] =	vst v11;
	v11 =	vshll.u32 v9, $0x10  }
0x135: {  	v9 =	vand.u32 $0xFFFF0000, v9;
	[tilespmem:s10+$0xFFFFFFC0] =	vst v10;
	v10 =	vmul.f32 v11, v4;
	v11 =	vld [tilespmem:s19+$0xFFFFFFB0]  }
0x136: {  	v9 =	vmul.f32 v9, v4;
	[tilespmem:s10+$0xFFFFFFD0] =	vst v8;
	v8 =	vand.u32 $0xFFFF0000, v6  }
0x137: {  	[tilespmem:s10+$0x40] =	vst v10;
	v8 =	vmul.f32 v8, v3;
	v10 =	vld [tilespmem:s19+$0xFFFFFFF0]  }
0x138: {  	[tilespmem:s10+$0x50] =	vst v9  }
0x139: {  	v6 =	vshll.u32 v6, $0x10;
	[tilespmem:s10+$0xF0] =	vst v8;
	v8 =	vld [tilespmem:s19+$0x30]  }
0x13a: {  	[tilespmem:s16+$0x60] =	vst v7;
	v3 =	vmul.f32 v6, v3;
	v6 =	vshll.u32 v11, $0x10  }
0x13b: {  	[tilespmem:s16+$0x70] =	vst v5;
	v5 =	vand.u32 $0xFFFF0000, v11;
	v6 =	vmul.f32 v6, v1  }
0x13c: {  	[tilespmem:s21+$0xE0] =	vst v3;
	v1 =	vmul.f32 v5, v1;
	v3 =	vshll.u32 v10, $0x10  }
0x13d: {  	v5 =	vand.u32 $0xFFFF0000, v10;
	v3 =	vmul.f32 v3, v2;
	[tilespmem:s21+$0xFFFFFF60] =	vst v6  }
0x13e: {  	v2 =	vmul.f32 v5, v2;
	[tilespmem:s21+$0xFFFFFF70] =	vst v1;
	v6 =	vshll.u32 v8, $0x10  }
0x13f: {  	v1 =	vand.u32 $0xFFFF0000, v8;
	v5 =	vmul.f32 v6, v4;
	[tilespmem:s21+$0xFFFFFFE0] =	vst v3  }
0x140: {  	v1 =	vmul.f32 v1, v4;
	[tilespmem:s21+$0xFFFFFFF0] =	vst v2  }
0x141: {  	[tilespmem:s21+$0x60] =	vst v5  }
0x142: {  	s0 =	smul.u32 $0x500, s5;
	[tilespmem:s21+$0x70] =	vst v1  }
0x143: {  	[spmem:s2] =	stream.indirect.scatter.add.f32 [tilespmem:s30], [sflag:$0x3], $0x80, s15, s9, $0xb8;
	[tilespmem:$0x1CD78] =	vst v63  }
0x144: {  	s8 =	simm.s32 $0x1680;
	s16 =	sshra.s32 s0, $0x2  }
0x145: {  	[spmem:s3] =	stream.indirect.scatter.add.f32 [tilespmem:s8], [sflag:$0x3], $0x1, s15, s9, $0xb8;
	[tilespmem:$0x1CD78] =	vst v63  }
0x146: {  	v1 =	vld [tilespmem:s16+$0xA0];
	_ =	sdelay $0x4  }
0x147: {  	v2 =	vand.u32 $0xFFFF, v1  }
0x148: {  	v1 =	vshrl.u32 v1, $0x10;
	[tilespmem:$0x14A0] =	vst v2  }
0x149: {  	[tilespmem:$0x15E0] =	vst v1  }
0x14a: {  	v1 =	vld [tilespmem:s16+$0xB0];
	_ =	sdelay $0x4  }
0x14b: {  	v2 =	vand.u32 $0xFFFF, v1  }
0x14c: {  	v1 =	vshrl.u32 v1, $0x10;
	[tilespmem:$0x14B0] =	vst v2  }
0x14d: {  	[tilespmem:$0x15F0] =	vst v1  }
0x14e: {  	v1 =	vld [tilespmem:s16+$0xC0];
	_ =	sdelay $0x4  }
0x14f: {  	v2 =	vand.u32 $0xFFFF, v1  }
0x150: {  	v1 =	vshrl.u32 v1, $0x10;
	[tilespmem:$0x14C0] =	vst v2  }
0x151: {  	[tilespmem:$0x1600] =	vst v1  }
0x152: {  	v1 =	vld [tilespmem:s16+$0xD0];
	_ =	sdelay $0x4  }
0x153: {  	v2 =	vand.u32 $0xFFFF, v1  }
0x154: {  	v1 =	vshrl.u32 v1, $0x10;
	[tilespmem:$0x14D0] =	vst v2  }
0x155: {  	[tilespmem:$0x1610] =	vst v1  }
0x156: {  	v1 =	vld [tilespmem:s16+$0xE0];
	_ =	sdelay $0x4  }
0x157: {  	v2 =	vand.u32 $0xFFFF, v1  }
0x158: {  	v1 =	vshrl.u32 v1, $0x10;
	[tilespmem:$0x14E0] =	vst v2  }
0x159: {  	s19 =	simm.s32 $0x1A80;
	s21 =	simm.s32 $0x14A0;
	[tilespmem:$0x1620] =	vst v1  }
0x15a: {  	[tilespmem:s19], [sflag:$0x1] =	stream.indirect.gather [hbm4b:s1+s9], $0x40, s21, s9, $0xb8;
	[tilespmem:$0x1CD78] =	vst v63  }
0x15b: {  	s10 =	simm.s32 $0x18A0  }
0x15c: {  	[tilespmem:s10], [sflag:$0x1] =	stream.indirect.gather [hbm4b:s6+s9], $0x1, s21, s9, $0xb8;
	[tilespmem:$0x1CD78] =	vst v63  }
0x15d: {  	s12 =	simm.s32 $0x19E0  }
0x15e: {  	[tilespmem:s12], [sflag:$0x1] =	stream.indirect.gather [hbm4b:s7+s9], $0x1, s29, s9, $0xb8;
	[tilespmem:$0x1CD78] =	vst v63  }
0x15f: {  	_ =	swait.ge [sflag:s26], $0x1400  }
0x160: {  	[sflag:s26] =	ssyncset.done $0x0  }
0x161: {  	[sflag:s26] =	ssyncadd.s32 $0xFFFFEC00  }
0x162: {  	_ =	swait.ge [sflag:s26], $0x50  }
0x163: {  	[sflag:s26] =	ssyncset.done $0x0  }
0x164: {  	[sflag:s26] =	ssyncadd.s32 $0xFFFFFFB0  }
0x165: {  	_ =	swait.ge [sflag:s26], $0x50  }
0x166: {  	[sflag:s26] =	ssyncset.done $0x0  }
0x167: {  	s0 =	simm.s32 @!p1 $0x4;
	[sflag:s26] =	ssyncadd.s32 $0xFFFFFFB0  }
0x168: {  	_ =	swait.ge @!p1 [sflag:s0], $0x2800  }
0x169: {  	[sflag:s0] =	ssyncset.done @!p1 $0x0  }
0x16a: {  	[sflag:s0] =	ssyncadd.s32 @!p1 $0xFFFFD800  }
0x16b: {  	_ =	swait.ge @!p1 [sflag:s0], $0x50  }
0x16c: {  	[sflag:s0] =	ssyncset.done @!p1 $0x0  }
0x16d: {  	[sflag:s0] =	ssyncadd.s32 @!p1 $0xFFFFFFB0  }
0x16e: {  	v1 =	vld [tilespmem:$0x1850]  }
0x16f: {  	v2 =	vld [tilespmem:$0x1990]  }
0x170: {  	v3 =	vld [tilespmem:$0x1860]  }
0x171: {  	v4 =	vld [tilespmem:$0x19A0]  }
0x172: {  	v5 =	vld [tilespmem:$0x1870]  }
0x173: {  	v6 =	vld [tilespmem:$0x19B0]  }
0x174: {  	v7 =	vld [tilespmem:$0x1880]  }
0x175: {  	v8 =	vld [tilespmem:$0x19C0]  }
0x176: {  	v9 =	vld [tilespmem:$0x1890]  }
0x177: {  	v10 =	vld [tilespmem:$0x19D0]  }
0x178: {  	v1 =	vadd.f32 v2, v1  }
0x179: {  	v2 =	vadd.f32 v4, v3  }
0x17a: {  	v4 =	vadd.f32 v6, v5;
	v3 =	vmul.f32 $9.999999770e-03, v1  }
0x17b: {  	v6 =	vadd.f32 v8, v7;
	v5 =	vmul.f32 $9.999999770e-03, v2  }
0x17c: {  	v7 =	vadd.f32 v10, v9;
	v1 =	vmax.f32 v1, v3;
	v3 =	vmul.f32 $9.999999770e-03, v4  }
0x17d: {  	v2 =	vmax.f32 v2, v5;
	v5 =	vmul.f32 $9.999999770e-03, v6;
	v1 =	vmul.f32 $1.442695020e+00, v1  }
0x17e: {  	v2 =	vmul.f32 $1.442695020e+00, v2;
	v3 =	vmax.f32 v4, v3;
	v4 =	vmul.f32 $9.999999770e-03, v7  }
0x17f: {  	(erf) = vpow2.f32 v1;
	v1 =	vmul.f32 $1.442695020e+00, v3;
	v3 =	vmax.f32 v6, v5  }
0x180: {  	(erf) = vpow2.f32 v2;
	v2 =	vmul.f32 $1.442695020e+00, v3;
	v3 =	vmax.f32 v7, v4  }
0x181: {  	(erf) = vpow2.f32 v1;
	v1 =	vmul.f32 $1.442695020e+00, v3  }
0x182: {  	(erf) = vpow2.f32 v2  }
0x183: {  	(erf) = vpow2.f32 v1;
	_ =	sdelay $0x4  }
0x184: {  	v1 =	vpop (erf)  }
0x185: {  	v2 =	vpop (erf);
	[tilespmem:$0x16E0] =	vst v1  }
0x186: {  	v1 =	vpop (erf);
	[tilespmem:$0x16F0] =	vst v2  }
0x187: {  	v2 =	vpop (erf);
	[tilespmem:$0x1700] =	vst v1  }
0x188: {  	[tilespmem:$0x1710] =	vst v2;
	v1 =	vpop (erf)  }
0x189: {  	s13 =	simm.s32 $0x2F00;
	[tilespmem:$0x1720] =	vst v1  }
0x18a: {  	s21 =	simm.s32 $0x16E2;
	v1 =	vld [tilespmem:s13+$0x40]  }
0x18b: {  	v4 =	vld.msk [tilespmem:s21+$0x1 ss:$0x0], $0xffff  }
0x18c: {  	v2 =	vld [tilespmem:s13+$0xFFFFFF80]  }
0x18d: {  	v7 =	vld.msk [tilespmem:s21+$0xFFFFFFFE ss:$0x0], $0xffff  }
0x18e: {  	v3 =	vld [tilespmem:s13+$0xFFFFFFC0]  }
0x18f: {  	v5 =	vld.msk [tilespmem:s21+$0xFFFFFFFF ss:$0x0], $0xffff;
	v6 =	vshll.u32 v1, $0x10  }
0x190: {  	v8 =	vld [tilespmem:s13+$0x0];
	v1 =	vand.u32 $0xFFFF0000, v1;
	v9 =	vmul.f32 v6, v4  }
0x191: {  	s19 =	simm.s32 $0x6B80;
	v10 =	vshll.u32 v2, $0x10;
	v6 =	vld.msk [tilespmem:s21+$0x0 ss:$0x0], $0xffff;
	v1 =	vmul.f32 v1, v4  }
0x192: {  	v2 =	vand.u32 $0xFFFF0000, v2;
	[tilespmem:s19+$0x80] =	vst v9;
	v9 =	vmul.f32 v10, v7  }
0x193: {  	v10 =	vshll.u32 v3, $0x10;
	[tilespmem:s19+$0x90] =	vst v1;
	v1 =	vmul.f32 v2, v7  }
0x194: {  	v2 =	vand.u32 $0xFFFF0000, v3;
	v3 =	vld [tilespmem:s13+$0x50];
	v10 =	vmul.f32 v10, v5;
	[tilespmem:s19+$0xFFFFFF00] =	vst v9  }
0x195: {  	v2 =	vmul.f32 v2, v5;
	v9 =	vshll.u32 v8, $0x10;
	[tilespmem:s19+$0xFFFFFF10] =	vst v1  }
0x196: {  	v1 =	vand.u32 $0xFFFF0000, v8;
	v8 =	vmul.f32 v9, v6;
	v9 =	vld [tilespmem:s13+$0xFFFFFF90];
	[tilespmem:s19+$0xFFFFFF80] =	vst v10  }
0x197: {  	v1 =	vmul.f32 v1, v6;
	[tilespmem:s19+$0xFFFFFF90] =	vst v2  }
0x198: {  	v2 =	vld [tilespmem:s13+$0xFFFFFFD0];
	[tilespmem:s19+$0x0] =	vst v8  }
0x199: {  	[tilespmem:s19+$0x10] =	vst v1;
	v8 =	vshll.u32 v3, $0x10  }
0x19a: {  	v1 =	vand.u32 $0xFFFF0000, v3;
	v3 =	vmul.f32 v8, v4;
	v8 =	vld [tilespmem:s13+$0x10]  }
0x19b: {  	v1 =	vmul.f32 v1, v4;
	v10 =	vshll.u32 v9, $0x10  }
0x19c: {  	[tilespmem:s19+$0xA0] =	vst v3;
	v3 =	vand.u32 $0xFFFF0000, v9;
	v9 =	vmul.f32 v10, v7  }
0x19d: {  	[tilespmem:s19+$0xB0] =	vst v1;
	v1 =	vmul.f32 v3, v7;
	v3 =	vshll.u32 v2, $0x10  }
0x19e: {  	v10 =	vld [tilespmem:s13+$0x60];
	v2 =	vand.u32 $0xFFFF0000, v2;
	[tilespmem:s19+$0xFFFFFF20] =	vst v9;
	v3 =	vmul.f32 v3, v5  }
0x19f: {  	v2 =	vmul.f32 v2, v5;
	[tilespmem:s19+$0xFFFFFF30] =	vst v1;
	v1 =	vshll.u32 v8, $0x10  }
0x1a0: {  	v8 =	vand.u32 $0xFFFF0000, v8;
	v9 =	vld [tilespmem:s13+$0xFFFFFFA0];
	[tilespmem:s19+$0xFFFFFFA0] =	vst v3;
	v1 =	vmul.f32 v1, v6  }
0x1a1: {  	v3 =	vmul.f32 v8, v6;
	[tilespmem:s19+$0xFFFFFFB0] =	vst v2  }
0x1a2: {  	v2 =	vld [tilespmem:s13+$0xFFFFFFE0];
	[tilespmem:s19+$0x20] =	vst v1  }
0x1a3: {  	v1 =	vshll.u32 v10, $0x10;
	[tilespmem:s19+$0x30] =	vst v3  }
0x1a4: {  	v3 =	vand.u32 $0xFFFF0000, v10;
	v1 =	vmul.f32 v1, v4;
	v8 =	vld [tilespmem:s13+$0x20]  }
0x1a5: {  	s21 =	simm.s32 $0x3000;
	v3 =	vmul.f32 v3, v4;
	v10 =	vshll.u32 v9, $0x10  }
0x1a6: {  	s12 =	simm.s32 $0x16E6;
	[tilespmem:s19+$0xC0] =	vst v1;
	v1 =	vand.u32 $0xFFFF0000, v9;
	v9 =	vmul.f32 v10, v7;
	v10 =	vld [tilespmem:s21+$0x40]  }
0x1a7: {  	[tilespmem:s19+$0xD0] =	vst v3;
	v3 =	vld.msk [tilespmem:s12+$0x1 ss:$0x0], $0xffff;
	v1 =	vmul.f32 v1, v7;
	v11 =	vshll.u32 v2, $0x10  }
0x1a8: {  	v12 =	vld [tilespmem:s13+$0x70];
	v2 =	vand.u32 $0xFFFF0000, v2;
	[tilespmem:s19+$0xFFFFFF40] =	vst v9;
	v9 =	vmul.f32 v11, v5  }
0x1a9: {  	v2 =	vmul.f32 v2, v5;
	[tilespmem:s19+$0xFFFFFF50] =	vst v1;
	v1 =	vshll.u32 v8, $0x10  }
0x1aa: {  	v8 =	vand.u32 $0xFFFF0000, v8;
	v11 =	vld [tilespmem:s21+$0xFFFFFF80];
	[tilespmem:s19+$0xFFFFFFC0] =	vst v9;
	v9 =	vmul.f32 v1, v6  }
0x1ab: {  	v8 =	vmul.f32 v8, v6;
	[tilespmem:s19+$0xFFFFFFD0] =	vst v2;
	v1 =	vld.msk [tilespmem:s12+$0xFFFFFFFE ss:$0x0], $0xffff;
	v2 =	vshll.u32 v10, $0x10  }
0x1ac: {  	v13 =	vld [tilespmem:s21+$0xFFFFFFC0];
	[tilespmem:s19+$0x40] =	vst v9;
	v9 =	vand.u32 $0xFFFF0000, v10;
	v10 =	vmul.f32 v2, v3  }
0x1ad: {  	s10 =	simm.s32 $0x6D80;
	v14 =	vand.u32 $0xFFFF0000, v12;
	[tilespmem:s19+$0x50] =	vst v8;
	v2 =	vld.msk [tilespmem:s12+$0xFFFFFFFF ss:$0x0], $0xffff;
	v8 =	vmul.f32 v9, v3  }
0x1ae: {  	v12 =	vshll.u32 v12, $0x10;
	v14 =	vmul.f32 v14, v4;
	v9 =	vld [tilespmem:s21+$0x0];
	[tilespmem:s10+$0x80] =	vst v10  }
0x1af: {  	v10 =	vmul.f32 v12, v4;
	v4 =	vld.msk [tilespmem:s12+$0x0 ss:$0x0], $0xffff;
	v12 =	vshll.u32 v11, $0x10;
	[tilespmem:s10+$0x90] =	vst v8  }
0x1b0: {  	[tilespmem:s19+$0xF0] =	vst v14;
	v8 =	vand.u32 $0xFFFF0000, v11;
	v11 =	vmul.f32 v12, v1;
	v12 =	vld [tilespmem:s21+$0x50]  }
0x1b1: {  	v14 =	vshll.u32 v13, $0x10;
	v8 =	vmul.f32 v8, v1;
	[tilespmem:s19+$0xE0] =	vst v10  }
0x1b2: {  	v10 =	vand.u32 $0xFFFF0000, v13;
	v13 =	vld [tilespmem:s13+$0xFFFFFFB0];
	v14 =	vmul.f32 v14, v2;
	[tilespmem:s10+$0xFFFFFF00] =	vst v11  }
0x1b3: {  	v10 =	vmul.f32 v10, v2;
	v11 =	vshll.u32 v9, $0x10;
	[tilespmem:s10+$0xFFFFFF10] =	vst v8  }
0x1b4: {  	v8 =	vand.u32 $0xFFFF0000, v9;
	v9 =	vmul.f32 v11, v4;
	v11 =	vld [tilespmem:s21+$0xFFFFFF90];
	[tilespmem:s10+$0xFFFFFF80] =	vst v14  }
0x1b5: {  	v8 =	vmul.f32 v8, v4;
	[tilespmem:s10+$0xFFFFFF90] =	vst v10;
	v10 =	vshll.u32 v12, $0x10  }
0x1b6: {  	v14 =	vld [tilespmem:s21+$0xFFFFFFD0];
	[tilespmem:s10+$0x0] =	vst v9;
	v9 =	vand.u32 $0xFFFF0000, v12;
	v10 =	vmul.f32 v10, v3  }
0x1b7: {  	v12 =	vshll.u32 v13, $0x10;
	[tilespmem:s10+$0x10] =	vst v8;
	v8 =	vmul.f32 v9, v3  }
0x1b8: {  	v9 =	vand.u32 $0xFFFF0000, v13;
	v12 =	vmul.f32 v12, v7;
	v13 =	vld [tilespmem:s21+$0x10];
	[tilespmem:s10+$0xA0] =	vst v10  }
0x1b9: {  	v7 =	vmul.f32 v9, v7;
	v10 =	vld [tilespmem:s13+$0xFFFFFFF0];
	v9 =	vshll.u32 v11, $0x10;
	[tilespmem:s10+$0xB0] =	vst v8  }
0x1ba: {  	v8 =	vand.u32 $0xFFFF0000, v11;
	[tilespmem:s19+$0xFFFFFF60] =	vst v12;
	v9 =	vmul.f32 v9, v1;
	v11 =	vld [tilespmem:s21+$0x60]  }
0x1bb: {  	v8 =	vmul.f32 v8, v1;
	v12 =	vshll.u32 v14, $0x10;
	[tilespmem:s19+$0xFFFFFF70] =	vst v7  }
0x1bc: {  	v14 =	vand.u32 $0xFFFF0000, v14;
	[tilespmem:s10+$0xFFFFFF20] =	vst v9;
	v9 =	vmul.f32 v12, v2  }
0x1bd: {  	v7 =	vld [tilespmem:s13+$0x30];
	v12 =	vmul.f32 v14, v2;
	[tilespmem:s10+$0xFFFFFF30] =	vst v8;
	v8 =	vshll.u32 v13, $0x10  }
0x1be: {  	v13 =	vand.u32 $0xFFFF0000, v13;
	v8 =	vmul.f32 v8, v4;
	[tilespmem:s10+$0xFFFFFFA0] =	vst v9  }
0x1bf: {  	v14 =	vld [tilespmem:s21+$0xFFFFFFA0];
	v13 =	vmul.f32 v13, v4;
	v9 =	vshll.u32 v10, $0x10;
	[tilespmem:s10+$0xFFFFFFB0] =	vst v12;
	v12 =	vshll.u32 v11, $0x10  }
0x1c0: {  	v10 =	vand.u32 $0xFFFF0000, v10;
	[tilespmem:s10+$0x20] =	vst v8;
	v8 =	vand.u32 $0xFFFF0000, v11;
	v11 =	vmul.f32 v12, v3  }
0x1c1: {  	[tilespmem:s10+$0x30] =	vst v13;
	v13 =	vmul.f32 v8, v3;
	v8 =	vmul.f32 v10, v5;
	v10 =	vld [tilespmem:s21+$0xFFFFFFE0]  }
0x1c2: {  	v15 =	vmul.f32 v9, v5;
	v9 =	vand.u32 $0xFFFF0000, v7  }
0x1c3: {  	v12 =	vshll.u32 v7, $0x10;
	v5 =	vmul.f32 v9, v6;
	v9 =	vld [tilespmem:s21+$0x20];
	[tilespmem:s10+$0xC0] =	vst v11  }
0x1c4: {  	v7 =	vmul.f32 v12, v6;
	v6 =	vshll.u32 v14, $0x10;
	v11 =	vand.u32 $0xFFFF0000, v14;
	[tilespmem:s10+$0xD0] =	vst v13  }
0x1c5: {  	s8 =	simm.s32 $0x4;
	s0 =	simm.s32 $0x6D80;
	s13 =	simm.s32 $0x3100;
	[tilespmem:s19+$0xFFFFFFE0] =	vst v15;
	v12 =	vmul.f32 v6, v1;
	v11 =	vmul.f32 v11, v1;
	v6 =	vld [tilespmem:s21+$0x70]  }
.LBB2_7:
0x1c6: {  	v13 =	vld [tilespmem:s13+$0x40];
	v14 =	vshll.u32 v10, $0x10;
	v10 =	vand.u32 $0xFFFF0000, v10;
	s12 =	sadd.s32 $0x4, s12;
	[tilespmem:s19+$0xFFFFFFF0] =	vst v8  }
0x1c7: {  	v8 =	vld.msk [tilespmem:s12+$0x1 ss:$0x0], $0xffff;
	[tilespmem:s10+$0xFFFFFF40] =	vst v12;
	v12 =	vmul.f32 v14, v2;
	v10 =	vmul.f32 v10, v2  }
0x1c8: {  	v14 =	vld [tilespmem:s13+$0xFFFFFFC0];
	[tilespmem:s10+$0xFFFFFF50] =	vst v11;
	v11 =	vshll.u32 v9, $0x10;
	v9 =	vand.u32 $0xFFFF0000, v9  }
0x1c9: {  	v15 =	vld [tilespmem:s13+$0x0];
	[tilespmem:s10+$0xFFFFFFC0] =	vst v12;
	v11 =	vmul.f32 v11, v4;
	v9 =	vmul.f32 v9, v4  }
0x1ca: {  	s8 =	sadd.s32 $0x4, s8;
	v12 =	vld [tilespmem:s13+$0xFFFFFF80];
	[tilespmem:s10+$0xFFFFFFD0] =	vst v10;
	v10 =	vshll.u32 v6, $0x10;
	v6 =	vand.u32 $0xFFFF0000, v6  }
0x1cb: {  	p1 =	slt.u32 s8, $0x4C;
	v16 =	vld.msk [tilespmem:s12+$0xFFFFFFFE ss:$0x0], $0xffff;
	[tilespmem:s10+$0x40] =	vst v11;
	v10 =	vmul.f32 v10, v3;
	v18 =	vmul.f32 v6, v3  }
0x1cc: {  	v11 =	vshll.u32 v13, $0x10;
	v6 =	vld.msk [tilespmem:s12+$0xFFFFFFFF ss:$0x0], $0xffff;
	[tilespmem:s10+$0x50] =	vst v9  }
0x1cd: {  	v13 =	vand.u32 $0xFFFF0000, v13;
	v11 =	vmul.f32 v11, v8;
	v3 =	vmovc v8;
	v9 =	vshll.u32 v14, $0x10;
	v17 =	vld.msk [tilespmem:s12+$0x0 ss:$0x0], $0xffff;
	[tilespmem:s10+$0xF0] =	vst v18  }
0x1ce: {  	v8 =	vand.u32 $0xFFFF0000, v14;
	v13 =	vmul.f32 v13, v3;
	s10 =	sadd.s32 $0x200, s10;
	v14 =	vshll.u32 v15, $0x10;
	v18 =	vld [tilespmem:s21+$0xFFFFFFB0];
	[tilespmem:s19+$0x60] =	vst v7  }
0x1cf: {  	v15 =	vand.u32 $0xFFFF0000, v15;
	v7 =	vshll.u32 v12, $0x10;
	v12 =	vand.u32 $0xFFFF0000, v12;
	[tilespmem:s10+$0x80] =	vst v11;
	v11 =	vld [tilespmem:s21+$0xFFFFFFF0]  }
0x1d0: {  	[tilespmem:s10+$0x90] =	vst v13;
	v13 =	vld [tilespmem:s21+$0x30];
	s21 =	smov.u32 s13  }
0x1d1: {  	v7 =	vmul.f32 v7, v16;
	v12 =	vmul.f32 v12, v16;
	v19 =	vld [tilespmem:s13+$0x50];
	[tilespmem:s19+$0x70] =	vst v5;
	s19 =	smov.u32 s0;
	s0 =	smov.u32 s10  }
0x1d2: {  	v5 =	vmul.f32 v9, v6;
	v8 =	vmul.f32 v8, v6;
	[tilespmem:s19+$0xE0] =	vst v10  }
0x1d3: {  	v9 =	vmul.f32 v15, v17;
	[tilespmem:s10+$0xFFFFFF00] =	vst v7;
	v7 =	vmul.f32 v14, v17;
	v10 =	vshll.u32 v18, $0x10  }
0x1d4: {  	[tilespmem:s10+$0xFFFFFF10] =	vst v12;
	v12 =	vand.u32 $0xFFFF0000, v18;
	v14 =	vshll.u32 v11, $0x10;
	v11 =	vand.u32 $0xFFFF0000, v11  }
0x1d5: {  	v10 =	vmul.f32 v10, v1;
	v15 =	vld [tilespmem:s13+$0xFFFFFF90];
	[tilespmem:s10+$0xFFFFFF80] =	vst v5;
	v5 =	vshll.u32 v13, $0x10;
	v13 =	vand.u32 $0xFFFF0000, v13  }
0x1d6: {  	v12 =	vmul.f32 v12, v1;
	v14 =	vmul.f32 v14, v2;
	v1 =	vmovc v16;
	[tilespmem:s10+$0xFFFFFF90] =	vst v8;
	v8 =	vshll.u32 v19, $0x10  }
0x1d7: {  	v16 =	vld [tilespmem:s13+$0xFFFFFFD0];
	[tilespmem:s10+$0x0] =	vst v7;
	v7 =	vand.u32 $0xFFFF0000, v19;
	v18 =	vmul.f32 v8, v3;
	v8 =	vmul.f32 v11, v2;
	v2 =	vmovc v6  }
0x1d8: {  	[tilespmem:s10+$0x10] =	vst v9;
	v6 =	vmul.f32 v7, v3;
	v7 =	vmul.f32 v5, v4  }
0x1d9: {  	v5 =	vmul.f32 v13, v4;
	v4 =	vmov v17;
	v9 =	vld [tilespmem:s13+$0x10];
	[tilespmem:s10+$0xA0] =	vst v18  }
0x1da: {  	v11 =	vshll.u32 v15, $0x10;
	v13 =	vand.u32 $0xFFFF0000, v15;
	[tilespmem:s10+$0xB0] =	vst v6  }
0x1db: {  	v6 =	vmul.f32 v11, v1;
	v11 =	vmul.f32 v13, v1;
	v13 =	vld [tilespmem:s13+$0x60];
	[tilespmem:s19+$0xFFFFFF60] =	vst v10  }
0x1dc: {  	v10 =	vshll.u32 v16, $0x10;
	v15 =	vand.u32 $0xFFFF0000, v16;
	[tilespmem:s19+$0xFFFFFF70] =	vst v12  }
0x1dd: {  	[tilespmem:s10+$0xFFFFFF20] =	vst v6;
	v6 =	vmul.f32 v10, v2;
	v10 =	vmul.f32 v15, v2  }
0x1de: {  	[tilespmem:s10+$0xFFFFFF30] =	vst v11;
	v11 =	vshll.u32 v9, $0x10;
	v9 =	vand.u32 $0xFFFF0000, v9  }
0x1df: {  	v12 =	vld [tilespmem:s13+$0xFFFFFFA0];
	[tilespmem:s10+$0xFFFFFFA0] =	vst v6;
	v6 =	vmul.f32 v11, v4;
	v9 =	vmul.f32 v9, v4  }
0x1e0: {  	[tilespmem:s10+$0xFFFFFFB0] =	vst v10;
	v11 =	vshll.u32 v13, $0x10  }
.Ltmp2:
0x1e1: {  	v10 =	vld [tilespmem:s13+$0xFFFFFFE0];
	[tilespmem:s10+$0x20] =	vst v6;
	v6 =	vand.u32 $0xFFFF0000, v13;
	v11 =	vmul.f32 v11, v3;
	(pc) =	sbr.rel @p1 .LBB2_7-.Ltmp2, $4  }
0x1e2: {  	[tilespmem:s10+$0x30] =	vst v9;
	v6 =	vmul.f32 v6, v3  }
0x1e3: {  	v9 =	vld [tilespmem:s13+$0x20];
	[tilespmem:s10+$0xC0] =	vst v11  }
0x1e4: {  	v11 =	vshll.u32 v12, $0x10;
	v13 =	vand.u32 $0xFFFF0000, v12;
	[tilespmem:s10+$0xD0] =	vst v6  }
0x1e5: {  	s13 =	sadd.s32 $0x100, s13;
	v12 =	vmul.f32 v11, v1;
	v11 =	vmul.f32 v13, v1;
	v6 =	vld [tilespmem:s21+$0x70];
	[tilespmem:s19+$0xFFFFFFE0] =	vst v14  }
0x1e6: {  	v13 =	vshll.u32 v10, $0x10;
	[tilespmem:s19+$0xFFFFFFF0] =	vst v8  }
0x1e7: {  	v8 =	vand.u32 $0xFFFF0000, v10;
	[tilespmem:s10+$0xFFFFFF40] =	vst v12;
	v10 =	vmul.f32 v13, v2  }
0x1e8: {  	v8 =	vmul.f32 v8, v2;
	[tilespmem:s10+$0xFFFFFF50] =	vst v11;
	v11 =	vshll.u32 v9, $0x10  }
0x1e9: {  	v9 =	vand.u32 $0xFFFF0000, v9;
	[tilespmem:s10+$0xFFFFFFC0] =	vst v10;
	v10 =	vmul.f32 v11, v4;
	v11 =	vld [tilespmem:s21+$0xFFFFFFB0]  }
0x1ea: {  	v9 =	vmul.f32 v9, v4;
	[tilespmem:s10+$0xFFFFFFD0] =	vst v8;
	v8 =	vand.u32 $0xFFFF0000, v6  }
0x1eb: {  	[tilespmem:s10+$0x40] =	vst v10;
	v8 =	vmul.f32 v8, v3;
	v10 =	vld [tilespmem:s21+$0xFFFFFFF0]  }
0x1ec: {  	[tilespmem:s10+$0x50] =	vst v9  }
0x1ed: {  	v6 =	vshll.u32 v6, $0x10;
	[tilespmem:s10+$0xF0] =	vst v8;
	v8 =	vld [tilespmem:s21+$0x30]  }
0x1ee: {  	[tilespmem:s19+$0x60] =	vst v7;
	v3 =	vmul.f32 v6, v3;
	v6 =	vshll.u32 v11, $0x10  }
0x1ef: {  	[tilespmem:s19+$0x70] =	vst v5;
	v5 =	vand.u32 $0xFFFF0000, v11;
	v6 =	vmul.f32 v6, v1  }
0x1f0: {  	[tilespmem:s0+$0xE0] =	vst v3;
	v1 =	vmul.f32 v5, v1;
	v3 =	vshll.u32 v10, $0x10  }
0x1f1: {  	v5 =	vand.u32 $0xFFFF0000, v10;
	v3 =	vmul.f32 v3, v2;
	[tilespmem:s0+$0xFFFFFF60] =	vst v6  }
0x1f2: {  	v2 =	vmul.f32 v5, v2;
	[tilespmem:s0+$0xFFFFFF70] =	vst v1;
	v6 =	vshll.u32 v8, $0x10  }
0x1f3: {  	v1 =	vand.u32 $0xFFFF0000, v8;
	v5 =	vmul.f32 v6, v4;
	[tilespmem:s0+$0xFFFFFFE0] =	vst v3  }
0x1f4: {  	v1 =	vmul.f32 v1, v4;
	[tilespmem:s0+$0xFFFFFFF0] =	vst v2  }
0x1f5: {  	[tilespmem:s0+$0x60] =	vst v5  }
0x1f6: {  	[tilespmem:s0+$0x70] =	vst v1  }
0x1f7: {  	[spmem:s2] =	stream.indirect.scatter.add.f32 [tilespmem:s28], [sflag:$0x4], $0x80, s20, s9, $0xb8;
	[tilespmem:$0x1CD78] =	vst v63  }
0x1f8: {  	s19 =	simm.s32 $0x16E0  }
0x1f9: {  	[spmem:s3] =	stream.indirect.scatter.add.f32 [tilespmem:s19], [sflag:$0x4], $0x1, s20, s9, $0xb8;
	[tilespmem:$0x1CD78] =	vst v63  }
0x1fa: {  	v1 =	vld [tilespmem:s16+$0xF0];
	_ =	sdelay $0x4  }
0x1fb: {  	v2 =	vand.u32 $0xFFFF, v1  }
0x1fc: {  	v1 =	vshrl.u32 v1, $0x10;
	[tilespmem:$0x14F0] =	vst v2  }
0x1fd: {  	[tilespmem:$0x1630] =	vst v1  }
0x1fe: {  	v1 =	vld [tilespmem:s16+$0x100];
	_ =	sdelay $0x4  }
0x1ff: {  	v2 =	vand.u32 $0xFFFF, v1  }
0x200: {  	v1 =	vshrl.u32 v1, $0x10;
	[tilespmem:$0x1500] =	vst v2  }
0x201: {  	[tilespmem:$0x1640] =	vst v1  }
0x202: {  	v1 =	vld [tilespmem:s16+$0x110];
	_ =	sdelay $0x4  }
0x203: {  	v2 =	vand.u32 $0xFFFF, v1  }
0x204: {  	v1 =	vshrl.u32 v1, $0x10;
	[tilespmem:$0x1510] =	vst v2  }
0x205: {  	[tilespmem:$0x1650] =	vst v1  }
0x206: {  	v1 =	vld [tilespmem:s16+$0x120];
	_ =	sdelay $0x4  }
0x207: {  	v2 =	vand.u32 $0xFFFF, v1  }
0x208: {  	v1 =	vshrl.u32 v1, $0x10;
	[tilespmem:$0x1520] =	vst v2  }
0x209: {  	[tilespmem:$0x1660] =	vst v1  }
0x20a: {  	v1 =	vld [tilespmem:s16+$0x130];
	_ =	sdelay $0x4  }
0x20b: {  	v2 =	vand.u32 $0xFFFF, v1  }
0x20c: {  	v1 =	vshrl.u32 v1, $0x10;
	[tilespmem:$0x1530] =	vst v2  }
0x20d: {  	s8 =	simm.s32 $0x14F0;
	s21 =	simm.s32 $0x2E80;
	[tilespmem:$0x1670] =	vst v1  }
0x20e: {  	[tilespmem:s21], [sflag:$0x2] =	stream.indirect.gather [hbm4b:s1+s9], $0x40, s8, s9, $0xb8;
	[tilespmem:$0x1CD78] =	vst v63  }
0x20f: {  	s10 =	simm.s32 $0x18F0  }
0x210: {  	[tilespmem:s10], [sflag:$0x2] =	stream.indirect.gather [hbm4b:s6+s9], $0x1, s8, s9, $0xb8;
	[tilespmem:$0x1CD78] =	vst v63  }
0x211: {  	s12 =	simm.s32 $0x1A30  }
0x212: {  	[tilespmem:s12], [sflag:$0x2] =	stream.indirect.gather [hbm4b:s7+s9], $0x1, s14, s9, $0xb8;
	[tilespmem:$0x1CD78] =	vst v63  }
0x213: {  	_ =	swait.ge [sflag:s22], $0x1400  }
0x214: {  	[sflag:s22] =	ssyncset.done $0x0  }
0x215: {  	[sflag:s22] =	ssyncadd.s32 $0xFFFFEC00  }
0x216: {  	_ =	swait.ge [sflag:s22], $0x50  }
0x217: {  	[sflag:s22] =	ssyncset.done $0x0  }
0x218: {  	[sflag:s22] =	ssyncadd.s32 $0xFFFFFFB0  }
0x219: {  	_ =	swait.ge [sflag:s22], $0x50  }
0x21a: {  	[sflag:s22] =	ssyncset.done $0x0  }
0x21b: {  	[sflag:s22] =	ssyncadd.s32 $0xFFFFFFB0  }
0x21c: {  	_ =	swait.ge [sflag:s31], $0x2800  }
0x21d: {  	[sflag:s31] =	ssyncset.done $0x0  }
0x21e: {  	[sflag:s31] =	ssyncadd.s32 $0xFFFFD800  }
0x21f: {  	_ =	swait.ge [sflag:s31], $0x50  }
0x220: {  	[sflag:s31] =	ssyncset.done $0x0  }
0x221: {  	[sflag:s31] =	ssyncadd.s32 $0xFFFFFFB0  }
0x222: {  	v1 =	vld [tilespmem:$0x18A0]  }
0x223: {  	v2 =	vld [tilespmem:$0x19E0]  }
0x224: {  	v3 =	vld [tilespmem:$0x18B0]  }
0x225: {  	v4 =	vld [tilespmem:$0x19F0]  }
0x226: {  	v5 =	vld [tilespmem:$0x18C0]  }
0x227: {  	v6 =	vld [tilespmem:$0x1A00]  }
0x228: {  	v7 =	vld [tilespmem:$0x18D0]  }
0x229: {  	v8 =	vld [tilespmem:$0x1A10]  }
0x22a: {  	v9 =	vld [tilespmem:$0x18E0]  }
0x22b: {  	v10 =	vld [tilespmem:$0x1A20]  }
0x22c: {  	v1 =	vadd.f32 v2, v1  }
0x22d: {  	v2 =	vadd.f32 v4, v3  }
0x22e: {  	v4 =	vadd.f32 v6, v5;
	v3 =	vmul.f32 $9.999999770e-03, v1  }
0x22f: {  	v6 =	vadd.f32 v8, v7;
	v5 =	vmul.f32 $9.999999770e-03, v2  }
0x230: {  	v7 =	vadd.f32 v10, v9;
	v1 =	vmax.f32 v1, v3;
	v3 =	vmul.f32 $9.999999770e-03, v4  }
0x231: {  	v2 =	vmax.f32 v2, v5;
	v5 =	vmul.f32 $9.999999770e-03, v6;
	v1 =	vmul.f32 $1.442695020e+00, v1  }
0x232: {  	v2 =	vmul.f32 $1.442695020e+00, v2;
	v3 =	vmax.f32 v4, v3;
	v4 =	vmul.f32 $9.999999770e-03, v7  }
0x233: {  	(erf) = vpow2.f32 v1;
	v1 =	vmul.f32 $1.442695020e+00, v3;
	v3 =	vmax.f32 v6, v5  }
0x234: {  	(erf) = vpow2.f32 v2;
	v2 =	vmul.f32 $1.442695020e+00, v3;
	v3 =	vmax.f32 v7, v4  }
0x235: {  	(erf) = vpow2.f32 v1;
	v1 =	vmul.f32 $1.442695020e+00, v3  }
0x236: {  	(erf) = vpow2.f32 v2  }
0x237: {  	(erf) = vpow2.f32 v1;
	_ =	sdelay $0x4  }
0x238: {  	v1 =	vpop (erf)  }
0x239: {  	v2 =	vpop (erf);
	[tilespmem:$0x1740] =	vst v1  }
0x23a: {  	v1 =	vpop (erf);
	[tilespmem:$0x1750] =	vst v2  }
0x23b: {  	v2 =	vpop (erf);
	[tilespmem:$0x1760] =	vst v1  }
0x23c: {  	[tilespmem:$0x1770] =	vst v2;
	v1 =	vpop (erf)  }
0x23d: {  	s13 =	simm.s32 $0x1B00;
	[tilespmem:$0x1780] =	vst v1  }
0x23e: {  	s21 =	simm.s32 $0x1742;
	v1 =	vld [tilespmem:s13+$0x40]  }
0x23f: {  	v4 =	vld.msk [tilespmem:s21+$0x1 ss:$0x0], $0xffff  }
0x240: {  	v2 =	vld [tilespmem:s13+$0xFFFFFF80]  }
0x241: {  	v7 =	vld.msk [tilespmem:s21+$0xFFFFFFFE ss:$0x0], $0xffff  }
0x242: {  	v3 =	vld [tilespmem:s13+$0xFFFFFFC0]  }
0x243: {  	v5 =	vld.msk [tilespmem:s21+$0xFFFFFFFF ss:$0x0], $0xffff;
	v6 =	vshll.u32 v1, $0x10  }
0x244: {  	v8 =	vld [tilespmem:s13+$0x0];
	v1 =	vand.u32 $0xFFFF0000, v1;
	v9 =	vmul.f32 v6, v4  }
0x245: {  	s19 =	simm.s32 $0x4380;
	v10 =	vshll.u32 v2, $0x10;
	v6 =	vld.msk [tilespmem:s21+$0x0 ss:$0x0], $0xffff;
	v1 =	vmul.f32 v1, v4  }
0x246: {  	v2 =	vand.u32 $0xFFFF0000, v2;
	[tilespmem:s19+$0x80] =	vst v9;
	v9 =	vmul.f32 v10, v7  }
0x247: {  	v10 =	vshll.u32 v3, $0x10;
	[tilespmem:s19+$0x90] =	vst v1;
	v1 =	vmul.f32 v2, v7  }
0x248: {  	v2 =	vand.u32 $0xFFFF0000, v3;
	v3 =	vld [tilespmem:s13+$0x50];
	v10 =	vmul.f32 v10, v5;
	[tilespmem:s19+$0xFFFFFF00] =	vst v9  }
0x249: {  	v2 =	vmul.f32 v2, v5;
	v9 =	vshll.u32 v8, $0x10;
	[tilespmem:s19+$0xFFFFFF10] =	vst v1  }
0x24a: {  	v1 =	vand.u32 $0xFFFF0000, v8;
	v8 =	vmul.f32 v9, v6;
	v9 =	vld [tilespmem:s13+$0xFFFFFF90];
	[tilespmem:s19+$0xFFFFFF80] =	vst v10  }
0x24b: {  	v1 =	vmul.f32 v1, v6;
	[tilespmem:s19+$0xFFFFFF90] =	vst v2  }
0x24c: {  	v2 =	vld [tilespmem:s13+$0xFFFFFFD0];
	[tilespmem:s19+$0x0] =	vst v8  }
0x24d: {  	[tilespmem:s19+$0x10] =	vst v1;
	v8 =	vshll.u32 v3, $0x10  }
0x24e: {  	v1 =	vand.u32 $0xFFFF0000, v3;
	v3 =	vmul.f32 v8, v4;
	v8 =	vld [tilespmem:s13+$0x10]  }
0x24f: {  	v1 =	vmul.f32 v1, v4;
	v10 =	vshll.u32 v9, $0x10  }
0x250: {  	[tilespmem:s19+$0xA0] =	vst v3;
	v3 =	vand.u32 $0xFFFF0000, v9;
	v9 =	vmul.f32 v10, v7  }
0x251: {  	[tilespmem:s19+$0xB0] =	vst v1;
	v1 =	vmul.f32 v3, v7;
	v3 =	vshll.u32 v2, $0x10  }
0x252: {  	v10 =	vld [tilespmem:s13+$0x60];
	v2 =	vand.u32 $0xFFFF0000, v2;
	[tilespmem:s19+$0xFFFFFF20] =	vst v9;
	v3 =	vmul.f32 v3, v5  }
0x253: {  	v2 =	vmul.f32 v2, v5;
	[tilespmem:s19+$0xFFFFFF30] =	vst v1;
	v1 =	vshll.u32 v8, $0x10  }
0x254: {  	v8 =	vand.u32 $0xFFFF0000, v8;
	v9 =	vld [tilespmem:s13+$0xFFFFFFA0];
	[tilespmem:s19+$0xFFFFFFA0] =	vst v3;
	v1 =	vmul.f32 v1, v6  }
0x255: {  	v3 =	vmul.f32 v8, v6;
	[tilespmem:s19+$0xFFFFFFB0] =	vst v2  }
0x256: {  	v2 =	vld [tilespmem:s13+$0xFFFFFFE0];
	[tilespmem:s19+$0x20] =	vst v1  }
0x257: {  	v1 =	vshll.u32 v10, $0x10;
	[tilespmem:s19+$0x30] =	vst v3  }
0x258: {  	v3 =	vand.u32 $0xFFFF0000, v10;
	v1 =	vmul.f32 v1, v4;
	v8 =	vld [tilespmem:s13+$0x20]  }
0x259: {  	s21 =	simm.s32 $0x1C00;
	v3 =	vmul.f32 v3, v4;
	v10 =	vshll.u32 v9, $0x10  }
0x25a: {  	s12 =	simm.s32 $0x1746;
	[tilespmem:s19+$0xC0] =	vst v1;
	v1 =	vand.u32 $0xFFFF0000, v9;
	v9 =	vmul.f32 v10, v7;
	v10 =	vld [tilespmem:s21+$0x40]  }
0x25b: {  	[tilespmem:s19+$0xD0] =	vst v3;
	v3 =	vld.msk [tilespmem:s12+$0x1 ss:$0x0], $0xffff;
	v1 =	vmul.f32 v1, v7;
	v11 =	vshll.u32 v2, $0x10  }
0x25c: {  	v12 =	vld [tilespmem:s13+$0x70];
	v2 =	vand.u32 $0xFFFF0000, v2;
	[tilespmem:s19+$0xFFFFFF40] =	vst v9;
	v9 =	vmul.f32 v11, v5  }
0x25d: {  	v2 =	vmul.f32 v2, v5;
	[tilespmem:s19+$0xFFFFFF50] =	vst v1;
	v1 =	vshll.u32 v8, $0x10  }
0x25e: {  	v8 =	vand.u32 $0xFFFF0000, v8;
	v11 =	vld [tilespmem:s21+$0xFFFFFF80];
	[tilespmem:s19+$0xFFFFFFC0] =	vst v9;
	v9 =	vmul.f32 v1, v6  }
0x25f: {  	v8 =	vmul.f32 v8, v6;
	[tilespmem:s19+$0xFFFFFFD0] =	vst v2;
	v1 =	vld.msk [tilespmem:s12+$0xFFFFFFFE ss:$0x0], $0xffff;
	v2 =	vshll.u32 v10, $0x10  }
0x260: {  	v13 =	vld [tilespmem:s21+$0xFFFFFFC0];
	[tilespmem:s19+$0x40] =	vst v9;
	v9 =	vand.u32 $0xFFFF0000, v10;
	v10 =	vmul.f32 v2, v3  }
0x261: {  	s10 =	simm.s32 $0x4580;
	v14 =	vand.u32 $0xFFFF0000, v12;
	[tilespmem:s19+$0x50] =	vst v8;
	v2 =	vld.msk [tilespmem:s12+$0xFFFFFFFF ss:$0x0], $0xffff;
	v8 =	vmul.f32 v9, v3  }
0x262: {  	v12 =	vshll.u32 v12, $0x10;
	v14 =	vmul.f32 v14, v4;
	v9 =	vld [tilespmem:s21+$0x0];
	[tilespmem:s10+$0x80] =	vst v10  }
0x263: {  	v10 =	vmul.f32 v12, v4;
	v4 =	vld.msk [tilespmem:s12+$0x0 ss:$0x0], $0xffff;
	v12 =	vshll.u32 v11, $0x10;
	[tilespmem:s10+$0x90] =	vst v8  }
0x264: {  	[tilespmem:s19+$0xF0] =	vst v14;
	v8 =	vand.u32 $0xFFFF0000, v11;
	v11 =	vmul.f32 v12, v1;
	v12 =	vld [tilespmem:s21+$0x50]  }
0x265: {  	v14 =	vshll.u32 v13, $0x10;
	v8 =	vmul.f32 v8, v1;
	[tilespmem:s19+$0xE0] =	vst v10  }
0x266: {  	v10 =	vand.u32 $0xFFFF0000, v13;
	v13 =	vld [tilespmem:s13+$0xFFFFFFB0];
	v14 =	vmul.f32 v14, v2;
	[tilespmem:s10+$0xFFFFFF00] =	vst v11  }
0x267: {  	v10 =	vmul.f32 v10, v2;
	v11 =	vshll.u32 v9, $0x10;
	[tilespmem:s10+$0xFFFFFF10] =	vst v8  }
0x268: {  	v8 =	vand.u32 $0xFFFF0000, v9;
	v9 =	vmul.f32 v11, v4;
	v11 =	vld [tilespmem:s21+$0xFFFFFF90];
	[tilespmem:s10+$0xFFFFFF80] =	vst v14  }
0x269: {  	v8 =	vmul.f32 v8, v4;
	[tilespmem:s10+$0xFFFFFF90] =	vst v10;
	v10 =	vshll.u32 v12, $0x10  }
0x26a: {  	v14 =	vld [tilespmem:s21+$0xFFFFFFD0];
	[tilespmem:s10+$0x0] =	vst v9;
	v9 =	vand.u32 $0xFFFF0000, v12;
	v10 =	vmul.f32 v10, v3  }
0x26b: {  	v12 =	vshll.u32 v13, $0x10;
	[tilespmem:s10+$0x10] =	vst v8;
	v8 =	vmul.f32 v9, v3  }
0x26c: {  	v9 =	vand.u32 $0xFFFF0000, v13;
	v12 =	vmul.f32 v12, v7;
	v13 =	vld [tilespmem:s21+$0x10];
	[tilespmem:s10+$0xA0] =	vst v10  }
0x26d: {  	v7 =	vmul.f32 v9, v7;
	v10 =	vld [tilespmem:s13+$0xFFFFFFF0];
	v9 =	vshll.u32 v11, $0x10;
	[tilespmem:s10+$0xB0] =	vst v8  }
0x26e: {  	v8 =	vand.u32 $0xFFFF0000, v11;
	[tilespmem:s19+$0xFFFFFF60] =	vst v12;
	v9 =	vmul.f32 v9, v1;
	v11 =	vld [tilespmem:s21+$0x60]  }
0x26f: {  	v8 =	vmul.f32 v8, v1;
	v12 =	vshll.u32 v14, $0x10;
	[tilespmem:s19+$0xFFFFFF70] =	vst v7  }
0x270: {  	v14 =	vand.u32 $0xFFFF0000, v14;
	[tilespmem:s10+$0xFFFFFF20] =	vst v9;
	v9 =	vmul.f32 v12, v2  }
0x271: {  	v7 =	vld [tilespmem:s13+$0x30];
	v12 =	vmul.f32 v14, v2;
	[tilespmem:s10+$0xFFFFFF30] =	vst v8;
	v8 =	vshll.u32 v13, $0x10  }
0x272: {  	v13 =	vand.u32 $0xFFFF0000, v13;
	v8 =	vmul.f32 v8, v4;
	[tilespmem:s10+$0xFFFFFFA0] =	vst v9  }
0x273: {  	v14 =	vld [tilespmem:s21+$0xFFFFFFA0];
	v13 =	vmul.f32 v13, v4;
	v9 =	vshll.u32 v10, $0x10;
	[tilespmem:s10+$0xFFFFFFB0] =	vst v12;
	v12 =	vshll.u32 v11, $0x10  }
0x274: {  	v10 =	vand.u32 $0xFFFF0000, v10;
	[tilespmem:s10+$0x20] =	vst v8;
	v8 =	vand.u32 $0xFFFF0000, v11;
	v11 =	vmul.f32 v12, v3  }
0x275: {  	[tilespmem:s10+$0x30] =	vst v13;
	v13 =	vmul.f32 v8, v3;
	v8 =	vmul.f32 v10, v5;
	v10 =	vld [tilespmem:s21+$0xFFFFFFE0]  }
0x276: {  	v15 =	vmul.f32 v9, v5;
	v9 =	vand.u32 $0xFFFF0000, v7  }
0x277: {  	v12 =	vshll.u32 v7, $0x10;
	v5 =	vmul.f32 v9, v6;
	v9 =	vld [tilespmem:s21+$0x20];
	[tilespmem:s10+$0xC0] =	vst v11  }
0x278: {  	v7 =	vmul.f32 v12, v6;
	v6 =	vshll.u32 v14, $0x10;
	v11 =	vand.u32 $0xFFFF0000, v14;
	[tilespmem:s10+$0xD0] =	vst v13  }
0x279: {  	s0 =	simm.s32 $0x4580;
	s8 =	simm.s32 $0x4;
	s13 =	simm.s32 $0x1D00;
	[tilespmem:s19+$0xFFFFFFE0] =	vst v15;
	v12 =	vmul.f32 v6, v1;
	v11 =	vmul.f32 v11, v1;
	v6 =	vld [tilespmem:s21+$0x70]  }
.LBB2_9:
0x27a: {  	v13 =	vld [tilespmem:s13+$0x40];
	v14 =	vshll.u32 v10, $0x10;
	v10 =	vand.u32 $0xFFFF0000, v10;
	s12 =	sadd.s32 $0x4, s12;
	[tilespmem:s19+$0xFFFFFFF0] =	vst v8  }
0x27b: {  	v8 =	vld.msk [tilespmem:s12+$0x1 ss:$0x0], $0xffff;
	[tilespmem:s10+$0xFFFFFF40] =	vst v12;
	v12 =	vmul.f32 v14, v2;
	v10 =	vmul.f32 v10, v2  }
0x27c: {  	v14 =	vld [tilespmem:s13+$0xFFFFFFC0];
	[tilespmem:s10+$0xFFFFFF50] =	vst v11;
	v11 =	vshll.u32 v9, $0x10;
	v9 =	vand.u32 $0xFFFF0000, v9  }
0x27d: {  	v15 =	vld [tilespmem:s13+$0x0];
	[tilespmem:s10+$0xFFFFFFC0] =	vst v12;
	v11 =	vmul.f32 v11, v4;
	v9 =	vmul.f32 v9, v4  }
0x27e: {  	s8 =	sadd.s32 $0x4, s8;
	v12 =	vld [tilespmem:s13+$0xFFFFFF80];
	[tilespmem:s10+$0xFFFFFFD0] =	vst v10;
	v10 =	vshll.u32 v6, $0x10;
	v6 =	vand.u32 $0xFFFF0000, v6  }
0x27f: {  	p1 =	slt.u32 s8, $0x4C;
	v16 =	vld.msk [tilespmem:s12+$0xFFFFFFFE ss:$0x0], $0xffff;
	[tilespmem:s10+$0x40] =	vst v11;
	v10 =	vmul.f32 v10, v3;
	v18 =	vmul.f32 v6, v3  }
0x280: {  	v11 =	vshll.u32 v13, $0x10;
	v6 =	vld.msk [tilespmem:s12+$0xFFFFFFFF ss:$0x0], $0xffff;
	[tilespmem:s10+$0x50] =	vst v9  }
0x281: {  	v13 =	vand.u32 $0xFFFF0000, v13;
	v11 =	vmul.f32 v11, v8;
	v3 =	vmovc v8;
	v9 =	vshll.u32 v14, $0x10;
	v17 =	vld.msk [tilespmem:s12+$0x0 ss:$0x0], $0xffff;
	[tilespmem:s10+$0xF0] =	vst v18  }
0x282: {  	v8 =	vand.u32 $0xFFFF0000, v14;
	v13 =	vmul.f32 v13, v3;
	s10 =	sadd.s32 $0x200, s10;
	v14 =	vshll.u32 v15, $0x10;
	v18 =	vld [tilespmem:s21+$0xFFFFFFB0];
	[tilespmem:s19+$0x60] =	vst v7  }
0x283: {  	v15 =	vand.u32 $0xFFFF0000, v15;
	v7 =	vshll.u32 v12, $0x10;
	v12 =	vand.u32 $0xFFFF0000, v12;
	[tilespmem:s10+$0x80] =	vst v11;
	v11 =	vld [tilespmem:s21+$0xFFFFFFF0]  }
0x284: {  	[tilespmem:s10+$0x90] =	vst v13;
	v13 =	vld [tilespmem:s21+$0x30];
	s21 =	smov.u32 s13  }
0x285: {  	v7 =	vmul.f32 v7, v16;
	v12 =	vmul.f32 v12, v16;
	v19 =	vld [tilespmem:s13+$0x50];
	[tilespmem:s19+$0x70] =	vst v5;
	s19 =	smov.u32 s0;
	s0 =	smov.u32 s10  }
0x286: {  	v5 =	vmul.f32 v9, v6;
	v8 =	vmul.f32 v8, v6;
	[tilespmem:s19+$0xE0] =	vst v10  }
0x287: {  	v9 =	vmul.f32 v15, v17;
	[tilespmem:s10+$0xFFFFFF00] =	vst v7;
	v7 =	vmul.f32 v14, v17;
	v10 =	vshll.u32 v18, $0x10  }
0x288: {  	[tilespmem:s10+$0xFFFFFF10] =	vst v12;
	v12 =	vand.u32 $0xFFFF0000, v18;
	v14 =	vshll.u32 v11, $0x10;
	v11 =	vand.u32 $0xFFFF0000, v11  }
0x289: {  	v10 =	vmul.f32 v10, v1;
	v15 =	vld [tilespmem:s13+$0xFFFFFF90];
	[tilespmem:s10+$0xFFFFFF80] =	vst v5;
	v5 =	vshll.u32 v13, $0x10;
	v13 =	vand.u32 $0xFFFF0000, v13  }
0x28a: {  	v12 =	vmul.f32 v12, v1;
	v14 =	vmul.f32 v14, v2;
	v1 =	vmovc v16;
	[tilespmem:s10+$0xFFFFFF90] =	vst v8;
	v8 =	vshll.u32 v19, $0x10  }
0x28b: {  	v16 =	vld [tilespmem:s13+$0xFFFFFFD0];
	[tilespmem:s10+$0x0] =	vst v7;
	v7 =	vand.u32 $0xFFFF0000, v19;
	v18 =	vmul.f32 v8, v3;
	v8 =	vmul.f32 v11, v2;
	v2 =	vmovc v6  }
0x28c: {  	[tilespmem:s10+$0x10] =	vst v9;
	v6 =	vmul.f32 v7, v3;
	v7 =	vmul.f32 v5, v4  }
0x28d: {  	v5 =	vmul.f32 v13, v4;
	v4 =	vmov v17;
	v9 =	vld [tilespmem:s13+$0x10];
	[tilespmem:s10+$0xA0] =	vst v18  }
0x28e: {  	v11 =	vshll.u32 v15, $0x10;
	v13 =	vand.u32 $0xFFFF0000, v15;
	[tilespmem:s10+$0xB0] =	vst v6  }
0x28f: {  	v6 =	vmul.f32 v11, v1;
	v11 =	vmul.f32 v13, v1;
	v13 =	vld [tilespmem:s13+$0x60];
	[tilespmem:s19+$0xFFFFFF60] =	vst v10  }
0x290: {  	v10 =	vshll.u32 v16, $0x10;
	v15 =	vand.u32 $0xFFFF0000, v16;
	[tilespmem:s19+$0xFFFFFF70] =	vst v12  }
0x291: {  	[tilespmem:s10+$0xFFFFFF20] =	vst v6;
	v6 =	vmul.f32 v10, v2;
	v10 =	vmul.f32 v15, v2  }
0x292: {  	[tilespmem:s10+$0xFFFFFF30] =	vst v11;
	v11 =	vshll.u32 v9, $0x10;
	v9 =	vand.u32 $0xFFFF0000, v9  }
0x293: {  	v12 =	vld [tilespmem:s13+$0xFFFFFFA0];
	[tilespmem:s10+$0xFFFFFFA0] =	vst v6;
	v6 =	vmul.f32 v11, v4;
	v9 =	vmul.f32 v9, v4  }
0x294: {  	[tilespmem:s10+$0xFFFFFFB0] =	vst v10;
	v11 =	vshll.u32 v13, $0x10  }
.Ltmp3:
0x295: {  	v10 =	vld [tilespmem:s13+$0xFFFFFFE0];
	[tilespmem:s10+$0x20] =	vst v6;
	v6 =	vand.u32 $0xFFFF0000, v13;
	v11 =	vmul.f32 v11, v3;
	(pc) =	sbr.rel @p1 .LBB2_9-.Ltmp3, $4  }
0x296: {  	[tilespmem:s10+$0x30] =	vst v9;
	v6 =	vmul.f32 v6, v3  }
0x297: {  	v9 =	vld [tilespmem:s13+$0x20];
	[tilespmem:s10+$0xC0] =	vst v11  }
0x298: {  	v11 =	vshll.u32 v12, $0x10;
	v13 =	vand.u32 $0xFFFF0000, v12;
	[tilespmem:s10+$0xD0] =	vst v6  }
0x299: {  	s13 =	sadd.s32 $0x100, s13;
	v12 =	vmul.f32 v11, v1;
	v11 =	vmul.f32 v13, v1;
	v6 =	vld [tilespmem:s21+$0x70];
	[tilespmem:s19+$0xFFFFFFE0] =	vst v14  }
0x29a: {  	v13 =	vshll.u32 v10, $0x10;
	[tilespmem:s19+$0xFFFFFFF0] =	vst v8  }
0x29b: {  	v8 =	vand.u32 $0xFFFF0000, v10;
	[tilespmem:s10+$0xFFFFFF40] =	vst v12;
	v10 =	vmul.f32 v13, v2  }
0x29c: {  	v8 =	vmul.f32 v8, v2;
	[tilespmem:s10+$0xFFFFFF50] =	vst v11;
	v11 =	vshll.u32 v9, $0x10  }
0x29d: {  	v9 =	vand.u32 $0xFFFF0000, v9;
	[tilespmem:s10+$0xFFFFFFC0] =	vst v10;
	v10 =	vmul.f32 v11, v4;
	v11 =	vld [tilespmem:s21+$0xFFFFFFB0]  }
0x29e: {  	v9 =	vmul.f32 v9, v4;
	[tilespmem:s10+$0xFFFFFFD0] =	vst v8;
	v8 =	vand.u32 $0xFFFF0000, v6  }
0x29f: {  	[tilespmem:s10+$0x40] =	vst v10;
	v8 =	vmul.f32 v8, v3;
	v10 =	vld [tilespmem:s21+$0xFFFFFFF0]  }
0x2a0: {  	[tilespmem:s10+$0x50] =	vst v9  }
0x2a1: {  	v6 =	vshll.u32 v6, $0x10;
	[tilespmem:s10+$0xF0] =	vst v8;
	v8 =	vld [tilespmem:s21+$0x30]  }
0x2a2: {  	[tilespmem:s19+$0x60] =	vst v7;
	v3 =	vmul.f32 v6, v3;
	v6 =	vshll.u32 v11, $0x10  }
0x2a3: {  	[tilespmem:s19+$0x70] =	vst v5;
	v5 =	vand.u32 $0xFFFF0000, v11;
	v6 =	vmul.f32 v6, v1  }
0x2a4: {  	[tilespmem:s0+$0xE0] =	vst v3;
	v1 =	vmul.f32 v5, v1;
	v3 =	vshll.u32 v10, $0x10  }
0x2a5: {  	v5 =	vand.u32 $0xFFFF0000, v10;
	v3 =	vmul.f32 v3, v2;
	[tilespmem:s0+$0xFFFFFF60] =	vst v6  }
0x2a6: {  	v2 =	vmul.f32 v5, v2;
	[tilespmem:s0+$0xFFFFFF70] =	vst v1;
	v6 =	vshll.u32 v8, $0x10  }
0x2a7: {  	v1 =	vand.u32 $0xFFFF0000, v8;
	v5 =	vmul.f32 v6, v4;
	[tilespmem:s0+$0xFFFFFFE0] =	vst v3  }
0x2a8: {  	v1 =	vmul.f32 v1, v4;
	[tilespmem:s0+$0xFFFFFFF0] =	vst v2  }
0x2a9: {  	[tilespmem:s0+$0x60] =	vst v5  }
0x2aa: {  	[tilespmem:s0+$0x70] =	vst v1  }
0x2ab: {  	[spmem:s2] =	stream.indirect.scatter.add.f32 [tilespmem:s30], [sflag:$0x3], $0x80, s29, s9, $0xb8;
	[tilespmem:$0x1CD78] =	vst v63  }
0x2ac: {  	s12 =	simm.s32 $0x1740;
	p1 =	seq.s32 s5, $0xF  }
0x2ad: {  	[spmem:s3] =	stream.indirect.scatter.add.f32 [tilespmem:s12], [sflag:$0x3], $0x1, s29, s9, $0xb8;
	[tilespmem:$0x1CD78] =	vst v63  }
0x2ae: {  	v1 =	vld @!p1 [tilespmem:s16+$0x140];
	_ =	sdelay $0x4  }
0x2af: {  	v2 =	vand.u32 @!p1 $0xFFFF, v1  }
0x2b0: {  	v1 =	vshrl.u32 @!p1 v1, $0x10;
	[tilespmem:$0x1400] =	vst @!p1 v2  }
0x2b1: {  	[tilespmem:$0x1540] =	vst @!p1 v1  }
0x2b2: {  	v1 =	vld @!p1 [tilespmem:s16+$0x150];
	_ =	sdelay $0x4  }
0x2b3: {  	v2 =	vand.u32 @!p1 $0xFFFF, v1  }
0x2b4: {  	v1 =	vshrl.u32 @!p1 v1, $0x10;
	[tilespmem:$0x1410] =	vst @!p1 v2  }
0x2b5: {  	[tilespmem:$0x1550] =	vst @!p1 v1  }
0x2b6: {  	v1 =	vld @!p1 [tilespmem:s16+$0x160];
	_ =	sdelay $0x4  }
0x2b7: {  	v2 =	vand.u32 @!p1 $0xFFFF, v1  }
0x2b8: {  	v1 =	vshrl.u32 @!p1 v1, $0x10;
	[tilespmem:$0x1420] =	vst @!p1 v2  }
0x2b9: {  	[tilespmem:$0x1560] =	vst @!p1 v1  }
0x2ba: {  	v1 =	vld @!p1 [tilespmem:s16+$0x170];
	_ =	sdelay $0x4  }
0x2bb: {  	v2 =	vand.u32 @!p1 $0xFFFF, v1  }
0x2bc: {  	v1 =	vshrl.u32 @!p1 v1, $0x10;
	[tilespmem:$0x1430] =	vst @!p1 v2  }
0x2bd: {  	[tilespmem:$0x1570] =	vst @!p1 v1  }
0x2be: {  	v1 =	vld @!p1 [tilespmem:s16+$0x180];
	_ =	sdelay $0x4  }
0x2bf: {  	v2 =	vand.u32 @!p1 $0xFFFF, v1  }
0x2c0: {  	v1 =	vshrl.u32 @!p1 v1, $0x10;
	[tilespmem:$0x1440] =	vst @!p1 v2  }
0x2c1: {  	s8 =	simm.s32 @!p1 $0x1400;
	s10 =	simm.s32 @!p1 $0x1A80;
	s0 =	simm.s32 @!p1 $0x50;
	[tilespmem:$0x1580] =	vst @!p1 v1  }
0x2c2: {  	[tilespmem:s10], [sflag:$0x1] =	stream.indirect.gather @!p1 [hbm4b:s1+s0], $0x40, s8, s0, $0xb8;
	[tilespmem:$0x1CD78] =	vst v63  }
0x2c3: {  	s10 =	simm.s32 @!p1 $0x1800  }
0x2c4: {  	[tilespmem:s10], [sflag:$0x1] =	stream.indirect.gather @!p1 [hbm4b:s6+s0], $0x1, s8, s0, $0xb8;
	[tilespmem:$0x1CD78] =	vst v63  }
0x2c5: {  	s8 =	simm.s32 @!p1 $0x1540;
	s10 =	simm.s32 @!p1 $0x1940  }
0x2c6: {  	[tilespmem:s10], [sflag:$0x1] =	stream.indirect.gather @!p1 [hbm4b:s7+s0], $0x1, s8, s0, $0xb8;
	[tilespmem:$0x1CD78] =	vst v63  }
0x2c7: {  	_ =	swait.ge [sflag:s26], $0x1400  }
0x2c8: {  	[sflag:s26] =	ssyncset.done $0x0  }
0x2c9: {  	[sflag:s26] =	ssyncadd.s32 $0xFFFFEC00  }
0x2ca: {  	_ =	swait.ge [sflag:s26], $0x50  }
0x2cb: {  	[sflag:s26] =	ssyncset.done $0x0  }
0x2cc: {  	[sflag:s26] =	ssyncadd.s32 $0xFFFFFFB0  }
0x2cd: {  	_ =	swait.ge [sflag:s26], $0x50  }
0x2ce: {  	[sflag:s26] =	ssyncset.done $0x0  }
0x2cf: {  	[sflag:s26] =	ssyncadd.s32 $0xFFFFFFB0  }
0x2d0: {  	_ =	swait.ge [sflag:s25], $0x2800  }
0x2d1: {  	[sflag:s25] =	ssyncset.done $0x0  }
0x2d2: {  	[sflag:s25] =	ssyncadd.s32 $0xFFFFD800  }
0x2d3: {  	_ =	swait.ge [sflag:s25], $0x50  }
0x2d4: {  	[sflag:s25] =	ssyncset.done $0x0  }
0x2d5: {  	[sflag:s25] =	ssyncadd.s32 $0xFFFFFFB0  }
0x2d6: {  	v1 =	vld [tilespmem:$0x18F0]  }
0x2d7: {  	v2 =	vld [tilespmem:$0x1A30]  }
0x2d8: {  	v3 =	vld [tilespmem:$0x1900]  }
0x2d9: {  	v4 =	vld [tilespmem:$0x1A40]  }
0x2da: {  	v5 =	vld [tilespmem:$0x1910]  }
0x2db: {  	v6 =	vld [tilespmem:$0x1A50]  }
0x2dc: {  	v7 =	vld [tilespmem:$0x1920]  }
0x2dd: {  	v8 =	vld [tilespmem:$0x1A60]  }
0x2de: {  	v9 =	vld [tilespmem:$0x1930]  }
0x2df: {  	v10 =	vld [tilespmem:$0x1A70]  }
0x2e0: {  	v1 =	vadd.f32 v2, v1  }
0x2e1: {  	v2 =	vadd.f32 v4, v3  }
0x2e2: {  	v4 =	vadd.f32 v6, v5;
	v3 =	vmul.f32 $9.999999770e-03, v1  }
0x2e3: {  	v6 =	vadd.f32 v8, v7;
	v5 =	vmul.f32 $9.999999770e-03, v2  }
0x2e4: {  	v7 =	vadd.f32 v10, v9;
	v1 =	vmax.f32 v1, v3;
	v3 =	vmul.f32 $9.999999770e-03, v4  }
0x2e5: {  	v2 =	vmax.f32 v2, v5;
	v5 =	vmul.f32 $9.999999770e-03, v6;
	v1 =	vmul.f32 $1.442695020e+00, v1  }
0x2e6: {  	v2 =	vmul.f32 $1.442695020e+00, v2;
	v3 =	vmax.f32 v4, v3;
	v4 =	vmul.f32 $9.999999770e-03, v7  }
0x2e7: {  	(erf) = vpow2.f32 v1;
	v1 =	vmul.f32 $1.442695020e+00, v3;
	v3 =	vmax.f32 v6, v5  }
0x2e8: {  	(erf) = vpow2.f32 v2;
	v2 =	vmul.f32 $1.442695020e+00, v3;
	v3 =	vmax.f32 v7, v4  }
0x2e9: {  	(erf) = vpow2.f32 v1;
	v1 =	vmul.f32 $1.442695020e+00, v3  }
0x2ea: {  	(erf) = vpow2.f32 v2  }
0x2eb: {  	(erf) = vpow2.f32 v1;
	_ =	sdelay $0x4  }
0x2ec: {  	v1 =	vpop (erf)  }
0x2ed: {  	v2 =	vpop (erf);
	[tilespmem:$0x17A0] =	vst v1  }
0x2ee: {  	v1 =	vpop (erf);
	[tilespmem:$0x17B0] =	vst v2  }
0x2ef: {  	v2 =	vpop (erf);
	[tilespmem:$0x17C0] =	vst v1  }
0x2f0: {  	[tilespmem:$0x17D0] =	vst v2;
	v1 =	vpop (erf)  }
0x2f1: {  	s13 =	simm.s32 $0x2F00;
	[tilespmem:$0x17E0] =	vst v1  }
0x2f2: {  	s21 =	simm.s32 $0x17A2;
	v1 =	vld [tilespmem:s13+$0x40]  }
0x2f3: {  	v4 =	vld.msk [tilespmem:s21+$0x1 ss:$0x0], $0xffff  }
0x2f4: {  	v2 =	vld [tilespmem:s13+$0xFFFFFF80]  }
0x2f5: {  	v7 =	vld.msk [tilespmem:s21+$0xFFFFFFFE ss:$0x0], $0xffff  }
0x2f6: {  	v3 =	vld [tilespmem:s13+$0xFFFFFFC0]  }
0x2f7: {  	v5 =	vld.msk [tilespmem:s21+$0xFFFFFFFF ss:$0x0], $0xffff;
	v6 =	vshll.u32 v1, $0x10  }
0x2f8: {  	v8 =	vld [tilespmem:s13+$0x0];
	v1 =	vand.u32 $0xFFFF0000, v1;
	v9 =	vmul.f32 v6, v4  }
0x2f9: {  	s19 =	simm.s32 $0x6B80;
	v10 =	vshll.u32 v2, $0x10;
	v6 =	vld.msk [tilespmem:s21+$0x0 ss:$0x0], $0xffff;
	v1 =	vmul.f32 v1, v4  }
0x2fa: {  	v2 =	vand.u32 $0xFFFF0000, v2;
	[tilespmem:s19+$0x80] =	vst v9;
	v9 =	vmul.f32 v10, v7  }
0x2fb: {  	v10 =	vshll.u32 v3, $0x10;
	[tilespmem:s19+$0x90] =	vst v1;
	v1 =	vmul.f32 v2, v7  }
0x2fc: {  	v2 =	vand.u32 $0xFFFF0000, v3;
	v3 =	vld [tilespmem:s13+$0x50];
	v10 =	vmul.f32 v10, v5;
	[tilespmem:s19+$0xFFFFFF00] =	vst v9  }
0x2fd: {  	v2 =	vmul.f32 v2, v5;
	v9 =	vshll.u32 v8, $0x10;
	[tilespmem:s19+$0xFFFFFF10] =	vst v1  }
0x2fe: {  	v1 =	vand.u32 $0xFFFF0000, v8;
	v8 =	vmul.f32 v9, v6;
	v9 =	vld [tilespmem:s13+$0xFFFFFF90];
	[tilespmem:s19+$0xFFFFFF80] =	vst v10  }
0x2ff: {  	v1 =	vmul.f32 v1, v6;
	[tilespmem:s19+$0xFFFFFF90] =	vst v2  }
0x300: {  	v2 =	vld [tilespmem:s13+$0xFFFFFFD0];
	[tilespmem:s19+$0x0] =	vst v8  }
0x301: {  	[tilespmem:s19+$0x10] =	vst v1;
	v8 =	vshll.u32 v3, $0x10  }
0x302: {  	v1 =	vand.u32 $0xFFFF0000, v3;
	v3 =	vmul.f32 v8, v4;
	v8 =	vld [tilespmem:s13+$0x10]  }
0x303: {  	v1 =	vmul.f32 v1, v4;
	v10 =	vshll.u32 v9, $0x10  }
0x304: {  	[tilespmem:s19+$0xA0] =	vst v3;
	v3 =	vand.u32 $0xFFFF0000, v9;
	v9 =	vmul.f32 v10, v7  }
0x305: {  	[tilespmem:s19+$0xB0] =	vst v1;
	v1 =	vmul.f32 v3, v7;
	v3 =	vshll.u32 v2, $0x10  }
0x306: {  	v10 =	vld [tilespmem:s13+$0x60];
	v2 =	vand.u32 $0xFFFF0000, v2;
	[tilespmem:s19+$0xFFFFFF20] =	vst v9;
	v3 =	vmul.f32 v3, v5  }
0x307: {  	v2 =	vmul.f32 v2, v5;
	[tilespmem:s19+$0xFFFFFF30] =	vst v1;
	v1 =	vshll.u32 v8, $0x10  }
0x308: {  	v8 =	vand.u32 $0xFFFF0000, v8;
	v9 =	vld [tilespmem:s13+$0xFFFFFFA0];
	[tilespmem:s19+$0xFFFFFFA0] =	vst v3;
	v1 =	vmul.f32 v1, v6  }
0x309: {  	v3 =	vmul.f32 v8, v6;
	[tilespmem:s19+$0xFFFFFFB0] =	vst v2  }
0x30a: {  	v2 =	vld [tilespmem:s13+$0xFFFFFFE0];
	[tilespmem:s19+$0x20] =	vst v1  }
0x30b: {  	v1 =	vshll.u32 v10, $0x10;
	[tilespmem:s19+$0x30] =	vst v3  }
0x30c: {  	v3 =	vand.u32 $0xFFFF0000, v10;
	v1 =	vmul.f32 v1, v4;
	v8 =	vld [tilespmem:s13+$0x20]  }
0x30d: {  	s21 =	simm.s32 $0x3000;
	v3 =	vmul.f32 v3, v4;
	v10 =	vshll.u32 v9, $0x10  }
0x30e: {  	s12 =	simm.s32 $0x17A6;
	[tilespmem:s19+$0xC0] =	vst v1;
	v1 =	vand.u32 $0xFFFF0000, v9;
	v9 =	vmul.f32 v10, v7;
	v10 =	vld [tilespmem:s21+$0x40]  }
0x30f: {  	[tilespmem:s19+$0xD0] =	vst v3;
	v3 =	vld.msk [tilespmem:s12+$0x1 ss:$0x0], $0xffff;
	v1 =	vmul.f32 v1, v7;
	v11 =	vshll.u32 v2, $0x10  }
0x310: {  	v12 =	vld [tilespmem:s13+$0x70];
	v2 =	vand.u32 $0xFFFF0000, v2;
	[tilespmem:s19+$0xFFFFFF40] =	vst v9;
	v9 =	vmul.f32 v11, v5  }
0x311: {  	v2 =	vmul.f32 v2, v5;
	[tilespmem:s19+$0xFFFFFF50] =	vst v1;
	v1 =	vshll.u32 v8, $0x10  }
0x312: {  	v8 =	vand.u32 $0xFFFF0000, v8;
	v11 =	vld [tilespmem:s21+$0xFFFFFF80];
	[tilespmem:s19+$0xFFFFFFC0] =	vst v9;
	v9 =	vmul.f32 v1, v6  }
0x313: {  	v8 =	vmul.f32 v8, v6;
	[tilespmem:s19+$0xFFFFFFD0] =	vst v2;
	v1 =	vld.msk [tilespmem:s12+$0xFFFFFFFE ss:$0x0], $0xffff;
	v2 =	vshll.u32 v10, $0x10  }
0x314: {  	v13 =	vld [tilespmem:s21+$0xFFFFFFC0];
	[tilespmem:s19+$0x40] =	vst v9;
	v9 =	vand.u32 $0xFFFF0000, v10;
	v10 =	vmul.f32 v2, v3  }
0x315: {  	s10 =	simm.s32 $0x6D80;
	v14 =	vand.u32 $0xFFFF0000, v12;
	[tilespmem:s19+$0x50] =	vst v8;
	v2 =	vld.msk [tilespmem:s12+$0xFFFFFFFF ss:$0x0], $0xffff;
	v8 =	vmul.f32 v9, v3  }
0x316: {  	v12 =	vshll.u32 v12, $0x10;
	v14 =	vmul.f32 v14, v4;
	v9 =	vld [tilespmem:s21+$0x0];
	[tilespmem:s10+$0x80] =	vst v10  }
0x317: {  	v10 =	vmul.f32 v12, v4;
	v4 =	vld.msk [tilespmem:s12+$0x0 ss:$0x0], $0xffff;
	v12 =	vshll.u32 v11, $0x10;
	[tilespmem:s10+$0x90] =	vst v8  }
0x318: {  	[tilespmem:s19+$0xF0] =	vst v14;
	v8 =	vand.u32 $0xFFFF0000, v11;
	v11 =	vmul.f32 v12, v1;
	v12 =	vld [tilespmem:s21+$0x50]  }
0x319: {  	v14 =	vshll.u32 v13, $0x10;
	v8 =	vmul.f32 v8, v1;
	[tilespmem:s19+$0xE0] =	vst v10  }
0x31a: {  	v10 =	vand.u32 $0xFFFF0000, v13;
	v13 =	vld [tilespmem:s13+$0xFFFFFFB0];
	v14 =	vmul.f32 v14, v2;
	[tilespmem:s10+$0xFFFFFF00] =	vst v11  }
0x31b: {  	v10 =	vmul.f32 v10, v2;
	v11 =	vshll.u32 v9, $0x10;
	[tilespmem:s10+$0xFFFFFF10] =	vst v8  }
0x31c: {  	v8 =	vand.u32 $0xFFFF0000, v9;
	v9 =	vmul.f32 v11, v4;
	v11 =	vld [tilespmem:s21+$0xFFFFFF90];
	[tilespmem:s10+$0xFFFFFF80] =	vst v14  }
0x31d: {  	v8 =	vmul.f32 v8, v4;
	[tilespmem:s10+$0xFFFFFF90] =	vst v10;
	v10 =	vshll.u32 v12, $0x10  }
0x31e: {  	v14 =	vld [tilespmem:s21+$0xFFFFFFD0];
	[tilespmem:s10+$0x0] =	vst v9;
	v9 =	vand.u32 $0xFFFF0000, v12;
	v10 =	vmul.f32 v10, v3  }
0x31f: {  	v12 =	vshll.u32 v13, $0x10;
	[tilespmem:s10+$0x10] =	vst v8;
	v8 =	vmul.f32 v9, v3  }
0x320: {  	v9 =	vand.u32 $0xFFFF0000, v13;
	v12 =	vmul.f32 v12, v7;
	v13 =	vld [tilespmem:s21+$0x10];
	[tilespmem:s10+$0xA0] =	vst v10  }
0x321: {  	v7 =	vmul.f32 v9, v7;
	v10 =	vld [tilespmem:s13+$0xFFFFFFF0];
	v9 =	vshll.u32 v11, $0x10;
	[tilespmem:s10+$0xB0] =	vst v8  }
0x322: {  	v8 =	vand.u32 $0xFFFF0000, v11;
	[tilespmem:s19+$0xFFFFFF60] =	vst v12;
	v9 =	vmul.f32 v9, v1;
	v11 =	vld [tilespmem:s21+$0x60]  }
0x323: {  	v8 =	vmul.f32 v8, v1;
	v12 =	vshll.u32 v14, $0x10;
	[tilespmem:s19+$0xFFFFFF70] =	vst v7  }
0x324: {  	v14 =	vand.u32 $0xFFFF0000, v14;
	[tilespmem:s10+$0xFFFFFF20] =	vst v9;
	v9 =	vmul.f32 v12, v2  }
0x325: {  	v7 =	vld [tilespmem:s13+$0x30];
	v12 =	vmul.f32 v14, v2;
	[tilespmem:s10+$0xFFFFFF30] =	vst v8;
	v8 =	vshll.u32 v13, $0x10  }
0x326: {  	v13 =	vand.u32 $0xFFFF0000, v13;
	v8 =	vmul.f32 v8, v4;
	[tilespmem:s10+$0xFFFFFFA0] =	vst v9  }
0x327: {  	v14 =	vld [tilespmem:s21+$0xFFFFFFA0];
	v13 =	vmul.f32 v13, v4;
	v9 =	vshll.u32 v10, $0x10;
	[tilespmem:s10+$0xFFFFFFB0] =	vst v12;
	v12 =	vshll.u32 v11, $0x10  }
0x328: {  	v10 =	vand.u32 $0xFFFF0000, v10;
	[tilespmem:s10+$0x20] =	vst v8;
	v8 =	vand.u32 $0xFFFF0000, v11;
	v11 =	vmul.f32 v12, v3  }
0x329: {  	[tilespmem:s10+$0x30] =	vst v13;
	v13 =	vmul.f32 v8, v3;
	v8 =	vmul.f32 v10, v5;
	v10 =	vld [tilespmem:s21+$0xFFFFFFE0]  }
0x32a: {  	v15 =	vmul.f32 v9, v5;
	v9 =	vand.u32 $0xFFFF0000, v7  }
0x32b: {  	v12 =	vshll.u32 v7, $0x10;
	v5 =	vmul.f32 v9, v6;
	v9 =	vld [tilespmem:s21+$0x20];
	[tilespmem:s10+$0xC0] =	vst v11  }
0x32c: {  	v7 =	vmul.f32 v12, v6;
	v6 =	vshll.u32 v14, $0x10;
	v11 =	vand.u32 $0xFFFF0000, v14;
	[tilespmem:s10+$0xD0] =	vst v13  }
0x32d: {  	s8 =	simm.s32 $0x4;
	s0 =	simm.s32 $0x6D80;
	s13 =	simm.s32 $0x3100;
	[tilespmem:s19+$0xFFFFFFE0] =	vst v15;
	v12 =	vmul.f32 v6, v1;
	v11 =	vmul.f32 v11, v1;
	v6 =	vld [tilespmem:s21+$0x70]  }
.LBB2_11:
0x32e: {  	v13 =	vld [tilespmem:s13+$0x40];
	v14 =	vshll.u32 v10, $0x10;
	v10 =	vand.u32 $0xFFFF0000, v10;
	s12 =	sadd.s32 $0x4, s12;
	[tilespmem:s19+$0xFFFFFFF0] =	vst v8  }
0x32f: {  	v8 =	vld.msk [tilespmem:s12+$0x1 ss:$0x0], $0xffff;
	[tilespmem:s10+$0xFFFFFF40] =	vst v12;
	v12 =	vmul.f32 v14, v2;
	v10 =	vmul.f32 v10, v2  }
0x330: {  	v14 =	vld [tilespmem:s13+$0xFFFFFFC0];
	[tilespmem:s10+$0xFFFFFF50] =	vst v11;
	v11 =	vshll.u32 v9, $0x10;
	v9 =	vand.u32 $0xFFFF0000, v9  }
0x331: {  	v15 =	vld [tilespmem:s13+$0x0];
	[tilespmem:s10+$0xFFFFFFC0] =	vst v12;
	v11 =	vmul.f32 v11, v4;
	v9 =	vmul.f32 v9, v4  }
0x332: {  	s8 =	sadd.s32 $0x4, s8;
	v12 =	vld [tilespmem:s13+$0xFFFFFF80];
	[tilespmem:s10+$0xFFFFFFD0] =	vst v10;
	v10 =	vshll.u32 v6, $0x10;
	v6 =	vand.u32 $0xFFFF0000, v6  }
0x333: {  	p2 =	slt.u32 s8, $0x4C;
	v16 =	vld.msk [tilespmem:s12+$0xFFFFFFFE ss:$0x0], $0xffff;
	[tilespmem:s10+$0x40] =	vst v11;
	v10 =	vmul.f32 v10, v3;
	v18 =	vmul.f32 v6, v3  }
0x334: {  	v11 =	vshll.u32 v13, $0x10;
	v6 =	vld.msk [tilespmem:s12+$0xFFFFFFFF ss:$0x0], $0xffff;
	[tilespmem:s10+$0x50] =	vst v9  }
0x335: {  	v13 =	vand.u32 $0xFFFF0000, v13;
	v11 =	vmul.f32 v11, v8;
	v3 =	vmovc v8;
	v9 =	vshll.u32 v14, $0x10;
	v17 =	vld.msk [tilespmem:s12+$0x0 ss:$0x0], $0xffff;
	[tilespmem:s10+$0xF0] =	vst v18  }
0x336: {  	v8 =	vand.u32 $0xFFFF0000, v14;
	v13 =	vmul.f32 v13, v3;
	s10 =	sadd.s32 $0x200, s10;
	v14 =	vshll.u32 v15, $0x10;
	v18 =	vld [tilespmem:s21+$0xFFFFFFB0];
	[tilespmem:s19+$0x60] =	vst v7  }
0x337: {  	v15 =	vand.u32 $0xFFFF0000, v15;
	v7 =	vshll.u32 v12, $0x10;
	v12 =	vand.u32 $0xFFFF0000, v12;
	[tilespmem:s10+$0x80] =	vst v11;
	v11 =	vld [tilespmem:s21+$0xFFFFFFF0]  }
0x338: {  	[tilespmem:s10+$0x90] =	vst v13;
	v13 =	vld [tilespmem:s21+$0x30];
	s21 =	smov.u32 s13  }
0x339: {  	v7 =	vmul.f32 v7, v16;
	v12 =	vmul.f32 v12, v16;
	v19 =	vld [tilespmem:s13+$0x50];
	[tilespmem:s19+$0x70] =	vst v5;
	s19 =	smov.u32 s0;
	s0 =	smov.u32 s10  }
0x33a: {  	v5 =	vmul.f32 v9, v6;
	v8 =	vmul.f32 v8, v6;
	[tilespmem:s19+$0xE0] =	vst v10  }
0x33b: {  	v9 =	vmul.f32 v15, v17;
	[tilespmem:s10+$0xFFFFFF00] =	vst v7;
	v7 =	vmul.f32 v14, v17;
	v10 =	vshll.u32 v18, $0x10  }
0x33c: {  	[tilespmem:s10+$0xFFFFFF10] =	vst v12;
	v12 =	vand.u32 $0xFFFF0000, v18;
	v14 =	vshll.u32 v11, $0x10;
	v11 =	vand.u32 $0xFFFF0000, v11  }
0x33d: {  	v10 =	vmul.f32 v10, v1;
	v15 =	vld [tilespmem:s13+$0xFFFFFF90];
	[tilespmem:s10+$0xFFFFFF80] =	vst v5;
	v5 =	vshll.u32 v13, $0x10;
	v13 =	vand.u32 $0xFFFF0000, v13  }
0x33e: {  	v12 =	vmul.f32 v12, v1;
	v14 =	vmul.f32 v14, v2;
	v1 =	vmovc v16;
	[tilespmem:s10+$0xFFFFFF90] =	vst v8;
	v8 =	vshll.u32 v19, $0x10  }
0x33f: {  	v16 =	vld [tilespmem:s13+$0xFFFFFFD0];
	[tilespmem:s10+$0x0] =	vst v7;
	v7 =	vand.u32 $0xFFFF0000, v19;
	v18 =	vmul.f32 v8, v3;
	v8 =	vmul.f32 v11, v2;
	v2 =	vmovc v6  }
0x340: {  	[tilespmem:s10+$0x10] =	vst v9;
	v6 =	vmul.f32 v7, v3;
	v7 =	vmul.f32 v5, v4  }
0x341: {  	v5 =	vmul.f32 v13, v4;
	v4 =	vmov v17;
	v9 =	vld [tilespmem:s13+$0x10];
	[tilespmem:s10+$0xA0] =	vst v18  }
0x342: {  	v11 =	vshll.u32 v15, $0x10;
	v13 =	vand.u32 $0xFFFF0000, v15;
	[tilespmem:s10+$0xB0] =	vst v6  }
0x343: {  	v6 =	vmul.f32 v11, v1;
	v11 =	vmul.f32 v13, v1;
	v13 =	vld [tilespmem:s13+$0x60];
	[tilespmem:s19+$0xFFFFFF60] =	vst v10  }
0x344: {  	v10 =	vshll.u32 v16, $0x10;
	v15 =	vand.u32 $0xFFFF0000, v16;
	[tilespmem:s19+$0xFFFFFF70] =	vst v12  }
0x345: {  	[tilespmem:s10+$0xFFFFFF20] =	vst v6;
	v6 =	vmul.f32 v10, v2;
	v10 =	vmul.f32 v15, v2  }
0x346: {  	[tilespmem:s10+$0xFFFFFF30] =	vst v11;
	v11 =	vshll.u32 v9, $0x10;
	v9 =	vand.u32 $0xFFFF0000, v9  }
0x347: {  	v12 =	vld [tilespmem:s13+$0xFFFFFFA0];
	[tilespmem:s10+$0xFFFFFFA0] =	vst v6;
	v6 =	vmul.f32 v11, v4;
	v9 =	vmul.f32 v9, v4  }
0x348: {  	[tilespmem:s10+$0xFFFFFFB0] =	vst v10;
	v11 =	vshll.u32 v13, $0x10  }
.Ltmp4:
0x349: {  	v10 =	vld [tilespmem:s13+$0xFFFFFFE0];
	[tilespmem:s10+$0x20] =	vst v6;
	v6 =	vand.u32 $0xFFFF0000, v13;
	v11 =	vmul.f32 v11, v3;
	(pc) =	sbr.rel @p2 .LBB2_11-.Ltmp4, $4  }
0x34a: {  	[tilespmem:s10+$0x30] =	vst v9;
	v6 =	vmul.f32 v6, v3  }
0x34b: {  	v9 =	vld [tilespmem:s13+$0x20];
	[tilespmem:s10+$0xC0] =	vst v11  }
0x34c: {  	v11 =	vshll.u32 v12, $0x10;
	v13 =	vand.u32 $0xFFFF0000, v12;
	[tilespmem:s10+$0xD0] =	vst v6  }
0x34d: {  	s13 =	sadd.s32 $0x100, s13;
	v12 =	vmul.f32 v11, v1;
	v11 =	vmul.f32 v13, v1;
	v6 =	vld [tilespmem:s21+$0x70];
	[tilespmem:s19+$0xFFFFFFE0] =	vst v14  }
0x34e: {  	v13 =	vshll.u32 v10, $0x10;
	[tilespmem:s19+$0xFFFFFFF0] =	vst v8  }
0x34f: {  	v49 =	vand.u32 $0xFFFF0000, v10;
	[tilespmem:s10+$0xFFFFFF40] =	vst v12;
	v50 =	vmul.f32 v13, v2  }
0x350: {  	v8 =	vmul.f32 v49, v2;
	[tilespmem:s10+$0xFFFFFF50] =	vst v11;
	v51 =	vshll.u32 v9, $0x10  }
0x351: {  	v52 =	vand.u32 $0xFFFF0000, v9;
	v54 =	vld [tilespmem:s21+$0xFFFFFFB0];
	[tilespmem:s10+$0xFFFFFFC0] =	vst v50;
	v53 =	vmul.f32 v51, v4  }
0x352: {  	v9 =	vmul.f32 v52, v4;
	[tilespmem:s10+$0xFFFFFFD0] =	vst v8  }
0x353: {  	v56 =	vld [tilespmem:s21+$0xFFFFFFF0];
	[tilespmem:s10+$0x40] =	vst v53  }
0x354: {  	v55 =	vand.u32 $0xFFFF0000, v6;
	[tilespmem:s10+$0x50] =	vst v9  }
0x355: {  	[tilespmem:s19+$0x60] =	vst v7;
	v57 =	vshll.u32 v6, $0x10;
	v8 =	vmul.f32 v55, v3;
	v58 =	vld [tilespmem:s21+$0x30]  }
0x356: {  	[tilespmem:s19+$0x70] =	vst v5;
	v3 =	vmul.f32 v57, v3;
	v59 =	vshll.u32 v54, $0x10  }
0x357: {  	[tilespmem:s10+$0xF0] =	vst v8;
	v60 =	vand.u32 $0xFFFF0000, v54;
	v6 =	vmul.f32 v59, v1  }
0x358: {  	[tilespmem:s0+$0xE0] =	vst v3;
	v1 =	vmul.f32 v60, v1;
	v3 =	vshll.u32 v56, $0x10  }
0x359: {  	v61 =	vand.u32 $0xFFFF0000, v56;
	v3 =	vmul.f32 v3, v2;
	[tilespmem:s0+$0xFFFFFF60] =	vst v6  }
0x35a: {  	v2 =	vmul.f32 v61, v2;
	[tilespmem:s0+$0xFFFFFF70] =	vst v1;
	v62 =	vshll.u32 v58, $0x10  }
0x35b: {  	v1 =	vand.u32 $0xFFFF0000, v58;
	v63 =	vmul.f32 v62, v4;
	[tilespmem:s0+$0xFFFFFFE0] =	vst v3  }
0x35c: {  	v1 =	vmul.f32 v1, v4;
	[tilespmem:s0+$0xFFFFFFF0] =	vst v2  }
.Ltmp5:
0x35d: {  	[tilespmem:s0+$0x60] =	vst v63;
	(pc) =	sbr.rel @p1 .LBB2_14-.Ltmp5, $4  }
0x35e: {  	[tilespmem:s0+$0x70] =	vst v1  }
0x35f: {  	[spmem:s2] =	stream.indirect.scatter.add.f32 [tilespmem:s28], [sflag:$0x4], $0x80, s14, s9, $0xb8;
	[tilespmem:$0x1CD78] =	vst v63  }
0x360: {  	s21 =	simm.s32 $0x17A0  }
0x361: {  	[spmem:s3] =	stream.indirect.scatter.add.f32 [tilespmem:s21], [sflag:$0x4], $0x1, s14, s9, $0xb8;
	[tilespmem:$0x1CD78] =	vst v63  }
0x362: {  	v1 =	vld [tilespmem:s16+$0x190];
	_ =	sdelay $0x4  }
0x363: {  	v2 =	vand.u32 $0xFFFF, v1  }
0x364: {  	v1 =	vshrl.u32 v1, $0x10;
	[tilespmem:$0x1450] =	vst v2  }
0x365: {  	[tilespmem:$0x1590] =	vst v1  }
0x366: {  	v1 =	vld [tilespmem:s16+$0x1A0];
	_ =	sdelay $0x4  }
0x367: {  	v2 =	vand.u32 $0xFFFF, v1  }
0x368: {  	v1 =	vshrl.u32 v1, $0x10;
	[tilespmem:$0x1460] =	vst v2  }
0x369: {  	[tilespmem:$0x15A0] =	vst v1  }
0x36a: {  	v1 =	vld [tilespmem:s16+$0x1B0];
	_ =	sdelay $0x4  }
0x36b: {  	v2 =	vand.u32 $0xFFFF, v1  }
0x36c: {  	v1 =	vshrl.u32 v1, $0x10;
	[tilespmem:$0x1470] =	vst v2  }
0x36d: {  	[tilespmem:$0x15B0] =	vst v1  }
0x36e: {  	v1 =	vld [tilespmem:s16+$0x1C0];
	_ =	sdelay $0x4  }
0x36f: {  	v2 =	vand.u32 $0xFFFF, v1  }
0x370: {  	v1 =	vshrl.u32 v1, $0x10;
	[tilespmem:$0x1480] =	vst v2  }
0x371: {  	[tilespmem:$0x15C0] =	vst v1  }
0x372: {  	v1 =	vld [tilespmem:s16+$0x1D0];
	_ =	sdelay $0x4  }
0x373: {  	v2 =	vand.u32 $0xFFFF, v1  }
0x374: {  	v1 =	vshrl.u32 v1, $0x10;
	[tilespmem:$0x1490] =	vst v2  }
0x375: {  	s0 =	simm.s32 $0x2E80;
	[tilespmem:$0x15D0] =	vst v1  }
0x376: {  	[tilespmem:s0], [sflag:$0x2] =	stream.indirect.gather [hbm4b:s1+s9], $0x40, s17, s9, $0xb8;
	[tilespmem:$0x1CD78] =	vst v63  }
.Ltmp6:
0x377: {  	_ = 	snop;
	(pc) =	sbr.rel .LBB2_4-.Ltmp6, $4  }
0x378: {  	s19 =	simm.s32 $0x1850  }
0x379: {  	[tilespmem:s19], [sflag:$0x2] =	stream.indirect.gather [hbm4b:s6+s9], $0x1, s17, s9, $0xb8;
	[tilespmem:$0x1CD78] =	vst v63  }
0x37a: {  	s21 =	simm.s32 $0x1990;
	s5 =	sadd.s32 $0x1, s5  }
0x37b: {  	[tilespmem:s21], [sflag:$0x2] =	stream.indirect.gather [hbm4b:s7+s9], $0x1, s20, s9, $0xb8;
	[tilespmem:$0x1CD78] =	vst v63  }
.LBB2_14:
0x37c: {  	_ =	swait.ge [sflag:s31], $0x2800  }
0x37d: {  	[sflag:s31] =	ssyncset.done $0x0  }
0x37e: {  	[sflag:s31] =	ssyncadd.s32 $0xFFFFD800  }
0x37f: {  	_ =	swait.ge [sflag:s31], $0x50  }
0x380: {  	[sflag:s31] =	ssyncset.done $0x0  }
0x381: {  	[sflag:s31] =	ssyncadd.s32 $0xFFFFFFB0  }
0x382: {  	_ =	swait.ge [sflag:s25], $0x2800  }
0x383: {  	[sflag:s25] =	ssyncset.done $0x0  }
0x384: {  	[sflag:s25] =	ssyncadd.s32 $0xFFFFD800  }
0x385: {  	_ =	swait.ge [sflag:s25], $0x50  }
0x386: {  	[sflag:s25] =	ssyncset.done $0x0  }
0x387: {  	s5 =	simm.s32 $0x0;
	s0 =	rddreg [dreg:$0x18];
	[sflag:s25] =	ssyncadd.s32 $0xFFFFFFB0  }
0x388: {  	[tilespmem:s5], [sflag:$0x5] =	stream.linear.gather [hbm4b:s0+s5], $0x1310, $0x38;
	[tilespmem:$0x1CD78] =	vst v63  }
0x389: {  	_ =	swait.ge [sflag:s11], $0x1310  }
0x38a: {  	[sflag:s11] =	ssyncset.done $0x0  }
0x38b: {  	[sflag:s11] =	ssyncadd.s32 $0xFFFFECF0  }
0x38c: {  	v1 =	vld [tilespmem:$0x0];
	_ =	sdelay $0x1  }
0x38d: {  	v2 =	vld [tilespmem:$0x10];
	_ =	sdelay $0x1  }
0x38e: {  	v3 =	vld [tilespmem:$0x20]  }
0x38f: {  	v4 =	vand.u32 $0xFFFF, v1  }
0x390: {  	v61 =	vld [tilespmem:$0x30];
	v1 =	vshrl.u32 v1, $0x10;
	[tilespmem:$0x1400] =	vst v4  }
0x391: {  	[tilespmem:$0x1540] =	vst v1;
	v1 =	vand.u32 $0xFFFF, v2  }
0x392: {  	[tilespmem:$0x1410] =	vst v1;
	v1 =	vshrl.u32 v2, $0x10;
	v2 =	vld [tilespmem:$0x40]  }
0x393: {  	[tilespmem:$0x1550] =	vst v1;
	v1 =	vand.u32 $0xFFFF, v3  }
0x394: {  	[tilespmem:$0x1420] =	vst v1;
	v1 =	vshrl.u32 v3, $0x10  }
0x395: {  	[tilespmem:$0x1560] =	vst v1;
	v1 =	vand.u32 $0xFFFF, v61  }
0x396: {  	[tilespmem:$0x1430] =	vst v1;
	v1 =	vshrl.u32 v61, $0x10  }
0x397: {  	[tilespmem:$0x1570] =	vst v1;
	v1 =	vand.u32 $0xFFFF, v2  }
0x398: {  	[tilespmem:$0x1440] =	vst v1;
	v1 =	vshrl.u32 v2, $0x10  }
0x399: {  	s12 =	simm.s32 $0x1A80;
	[tilespmem:$0x1580] =	vst v1  }
0x39a: {  	[tilespmem:s12], [sflag:$0x1] =	stream.indirect.gather [hbm4b:s1+s9], $0x40, s18, s9, $0xb8;
	[tilespmem:$0x1CD78] =	vst v63  }
0x39b: {  	s11 =	simm.s32 $0x1800  }
0x39c: {  	[tilespmem:s11], [sflag:$0x1] =	stream.indirect.gather [hbm4b:s6+s9], $0x1, s18, s9, $0xb8;
	[tilespmem:$0x1CD78] =	vst v63  }
0x39d: {  	s13 =	simm.s32 $0x1940  }
0x39e: {  	[tilespmem:s13], [sflag:$0x1] =	stream.indirect.gather [hbm4b:s7+s9], $0x1, s15, s9, $0xb8;
	[tilespmem:$0x1CD78] =	vst v63  }
0x39f: {  	v1 =	vld [tilespmem:$0x50];
	_ =	sdelay $0x1  }
0x3a0: {  	v2 =	vld [tilespmem:$0x60];
	_ =	sdelay $0x1  }
0x3a1: {  	v3 =	vld [tilespmem:$0x70]  }
0x3a2: {  	v62 =	vand.u32 $0xFFFF, v1  }
0x3a3: {  	v63 =	vld [tilespmem:$0x80];
	v1 =	vshrl.u32 v1, $0x10;
	[tilespmem:$0x1450] =	vst v62  }
0x3a4: {  	[tilespmem:$0x1590] =	vst v1;
	v1 =	vand.u32 $0xFFFF, v2  }
0x3a5: {  	[tilespmem:$0x1460] =	vst v1;
	v1 =	vshrl.u32 v2, $0x10;
	v2 =	vld [tilespmem:$0x90]  }
0x3a6: {  	[tilespmem:$0x15A0] =	vst v1;
	v1 =	vand.u32 $0xFFFF, v3  }
0x3a7: {  	[tilespmem:$0x1470] =	vst v1;
	v1 =	vshrl.u32 v3, $0x10  }
0x3a8: {  	[tilespmem:$0x15B0] =	vst v1;
	v1 =	vand.u32 $0xFFFF, v63  }
0x3a9: {  	[tilespmem:$0x1480] =	vst v1;
	v1 =	vshrl.u32 v63, $0x10  }
0x3aa: {  	[tilespmem:$0x15C0] =	vst v1;
	v1 =	vand.u32 $0xFFFF, v2  }
0x3ab: {  	[tilespmem:$0x1490] =	vst v1;
	v1 =	vshrl.u32 v2, $0x10  }
0x3ac: {  	s16 =	simm.s32 $0x2E80;
	[tilespmem:$0x15D0] =	vst v1  }
0x3ad: {  	[tilespmem:s16], [sflag:$0x2] =	stream.indirect.gather [hbm4b:s1+s9], $0x40, s17, s9, $0xb8;
	[tilespmem:$0x1CD78] =	vst v63  }
.Ltmp7:
0x3ae: {  	_ = 	snop;
	(pc) =	sbr.rel .LBB2_15-.Ltmp7, $4  }
0x3af: {  	s19 =	simm.s32 $0x1850  }
0x3b0: {  	[tilespmem:s19], [sflag:$0x2] =	stream.indirect.gather [hbm4b:s6+s9], $0x1, s17, s9, $0xb8;
	[tilespmem:$0x1CD78] =	vst v63  }
0x3b1: {  	s21 =	simm.s32 $0x1990  }
0x3b2: {  	[tilespmem:s21], [sflag:$0x2] =	stream.indirect.gather [hbm4b:s7+s9], $0x1, s20, s9, $0xb8;
	[tilespmem:$0x1CD78] =	vst v63  }
.LBB2_29:
0x3b3: {  	s5 =	sadd.s32 $0x1, s5  }
0x3b4: {  	p1 =	sne.s32 s5, $0x10  }
.Ltmp8:
0x3b5: {  	_ = 	snop;
	(pc) =	sbr.rel @!p1 .LBB2_30-.Ltmp8, $1  }
0x3b6: {  	_ =	sdelay $0x3  }
.LBB2_15:
0x3b7: {  	_ =	swait.ge [sflag:s22], $0x1400  }
0x3b8: {  	[sflag:s22] =	ssyncset.done $0x0  }
0x3b9: {  	[sflag:s22] =	ssyncadd.s32 $0xFFFFEC00  }
0x3ba: {  	_ =	swait.ge [sflag:s22], $0x50  }
0x3bb: {  	[sflag:s22] =	ssyncset.done $0x0  }
0x3bc: {  	[sflag:s22] =	ssyncadd.s32 $0xFFFFFFB0  }
0x3bd: {  	_ =	swait.ge [sflag:s22], $0x50  }
0x3be: {  	p3 =	seq.s32 s5, $0x0;
	[sflag:s22] =	ssyncset.done $0x0  }
0x3bf: {  	s0 =	simm.s32 @!p3 $0x3;
	[sflag:s22] =	ssyncadd.s32 $0xFFFFFFB0  }
0x3c0: {  	_ =	swait.ge @!p3 [sflag:s0], $0x2800  }
0x3c1: {  	[sflag:s0] =	ssyncset.done @!p3 $0x0  }
0x3c2: {  	[sflag:s0] =	ssyncadd.s32 @!p3 $0xFFFFD800  }
0x3c3: {  	_ =	swait.ge @!p3 [sflag:s0], $0x50  }
0x3c4: {  	[sflag:s0] =	ssyncset.done @!p3 $0x0  }
0x3c5: {  	[sflag:s0] =	ssyncadd.s32 @!p3 $0xFFFFFFB0  }
0x3c6: {  	v1 =	vld [tilespmem:$0x1800]  }
0x3c7: {  	v2 =	vld [tilespmem:$0x1940]  }
0x3c8: {  	v3 =	vld [tilespmem:$0x1810]  }
0x3c9: {  	v4 =	vld [tilespmem:$0x1950]  }
0x3ca: {  	v5 =	vld [tilespmem:$0x1820]  }
0x3cb: {  	v6 =	vld [tilespmem:$0x1960]  }
0x3cc: {  	v7 =	vld [tilespmem:$0x1830]  }
0x3cd: {  	v8 =	vld [tilespmem:$0x1970]  }
0x3ce: {  	v9 =	vld [tilespmem:$0x1840]  }
0x3cf: {  	v10 =	vld [tilespmem:$0x1980]  }
0x3d0: {  	v1 =	vadd.f32 v2, v1  }
0x3d1: {  	v2 =	vadd.f32 v4, v3  }
0x3d2: {  	v4 =	vadd.f32 v6, v5;
	v3 =	vmul.f32 $9.999999770e-03, v1  }
0x3d3: {  	v6 =	vadd.f32 v8, v7;
	v5 =	vmul.f32 $9.999999770e-03, v2  }
0x3d4: {  	v7 =	vadd.f32 v10, v9;
	v1 =	vmax.f32 v1, v3;
	v3 =	vmul.f32 $9.999999770e-03, v4  }
0x3d5: {  	v2 =	vmax.f32 v2, v5;
	v5 =	vmul.f32 $9.999999770e-03, v6;
	v1 =	vmul.f32 $1.442695020e+00, v1  }
0x3d6: {  	v2 =	vmul.f32 $1.442695020e+00, v2;
	v3 =	vmax.f32 v4, v3;
	v4 =	vmul.f32 $9.999999770e-03, v7  }
0x3d7: {  	(erf) = vpow2.f32 v1;
	v1 =	vmul.f32 $1.442695020e+00, v3;
	v3 =	vmax.f32 v6, v5  }
0x3d8: {  	(erf) = vpow2.f32 v2;
	v2 =	vmul.f32 $1.442695020e+00, v3;
	v3 =	vmax.f32 v7, v4  }
0x3d9: {  	(erf) = vpow2.f32 v1;
	v1 =	vmul.f32 $1.442695020e+00, v3  }
0x3da: {  	(erf) = vpow2.f32 v2  }
0x3db: {  	(erf) = vpow2.f32 v1;
	_ =	sdelay $0x4  }
0x3dc: {  	v1 =	vpop (erf)  }
0x3dd: {  	v2 =	vpop (erf);
	[tilespmem:$0x1680] =	vst v1  }
0x3de: {  	v1 =	vpop (erf);
	[tilespmem:$0x1690] =	vst v2  }
0x3df: {  	v2 =	vpop (erf);
	[tilespmem:$0x16A0] =	vst v1  }
0x3e0: {  	[tilespmem:$0x16B0] =	vst v2;
	v1 =	vpop (erf)  }
0x3e1: {  	s16 =	simm.s32 $0x1B00;
	[tilespmem:$0x16C0] =	vst v1  }
0x3e2: {  	s8 =	simm.s32 $0x1682;
	v1 =	vld [tilespmem:s16+$0x40]  }
0x3e3: {  	v4 =	vld.msk [tilespmem:s8+$0x1 ss:$0x0], $0xffff  }
0x3e4: {  	v2 =	vld [tilespmem:s16+$0xFFFFFF80]  }
0x3e5: {  	v7 =	vld.msk [tilespmem:s8+$0xFFFFFFFE ss:$0x0], $0xffff  }
0x3e6: {  	v3 =	vld [tilespmem:s16+$0xFFFFFFC0]  }
0x3e7: {  	v5 =	vld.msk [tilespmem:s8+$0xFFFFFFFF ss:$0x0], $0xffff;
	v6 =	vshll.u32 v1, $0x10  }
0x3e8: {  	v8 =	vld [tilespmem:s16+$0x0];
	v1 =	vand.u32 $0xFFFF0000, v1;
	v9 =	vmul.f32 v6, v4  }
0x3e9: {  	s19 =	simm.s32 $0x4380;
	v10 =	vshll.u32 v2, $0x10;
	v6 =	vld.msk [tilespmem:s8+$0x0 ss:$0x0], $0xffff;
	v1 =	vmul.f32 v1, v4  }
0x3ea: {  	v2 =	vand.u32 $0xFFFF0000, v2;
	[tilespmem:s19+$0x80] =	vst v9;
	v9 =	vmul.f32 v10, v7  }
0x3eb: {  	v10 =	vshll.u32 v3, $0x10;
	[tilespmem:s19+$0x90] =	vst v1;
	v1 =	vmul.f32 v2, v7  }
0x3ec: {  	v2 =	vand.u32 $0xFFFF0000, v3;
	v3 =	vld [tilespmem:s16+$0x50];
	v10 =	vmul.f32 v10, v5;
	[tilespmem:s19+$0xFFFFFF00] =	vst v9  }
0x3ed: {  	v2 =	vmul.f32 v2, v5;
	v9 =	vshll.u32 v8, $0x10;
	[tilespmem:s19+$0xFFFFFF10] =	vst v1  }
0x3ee: {  	v1 =	vand.u32 $0xFFFF0000, v8;
	v8 =	vmul.f32 v9, v6;
	v9 =	vld [tilespmem:s16+$0xFFFFFF90];
	[tilespmem:s19+$0xFFFFFF80] =	vst v10  }
0x3ef: {  	v1 =	vmul.f32 v1, v6;
	[tilespmem:s19+$0xFFFFFF90] =	vst v2  }
0x3f0: {  	v2 =	vld [tilespmem:s16+$0xFFFFFFD0];
	[tilespmem:s19+$0x0] =	vst v8  }
0x3f1: {  	[tilespmem:s19+$0x10] =	vst v1;
	v8 =	vshll.u32 v3, $0x10  }
0x3f2: {  	v1 =	vand.u32 $0xFFFF0000, v3;
	v3 =	vmul.f32 v8, v4;
	v8 =	vld [tilespmem:s16+$0x10]  }
0x3f3: {  	v1 =	vmul.f32 v1, v4;
	v10 =	vshll.u32 v9, $0x10  }
0x3f4: {  	[tilespmem:s19+$0xA0] =	vst v3;
	v3 =	vand.u32 $0xFFFF0000, v9;
	v9 =	vmul.f32 v10, v7  }
0x3f5: {  	[tilespmem:s19+$0xB0] =	vst v1;
	v1 =	vmul.f32 v3, v7;
	v3 =	vshll.u32 v2, $0x10  }
0x3f6: {  	v10 =	vld [tilespmem:s16+$0x60];
	v2 =	vand.u32 $0xFFFF0000, v2;
	[tilespmem:s19+$0xFFFFFF20] =	vst v9;
	v3 =	vmul.f32 v3, v5  }
0x3f7: {  	v2 =	vmul.f32 v2, v5;
	[tilespmem:s19+$0xFFFFFF30] =	vst v1;
	v1 =	vshll.u32 v8, $0x10  }
0x3f8: {  	v8 =	vand.u32 $0xFFFF0000, v8;
	v9 =	vld [tilespmem:s16+$0xFFFFFFA0];
	[tilespmem:s19+$0xFFFFFFA0] =	vst v3;
	v1 =	vmul.f32 v1, v6  }
0x3f9: {  	v3 =	vmul.f32 v8, v6;
	[tilespmem:s19+$0xFFFFFFB0] =	vst v2  }
0x3fa: {  	v2 =	vld [tilespmem:s16+$0xFFFFFFE0];
	[tilespmem:s19+$0x20] =	vst v1  }
0x3fb: {  	v1 =	vshll.u32 v10, $0x10;
	[tilespmem:s19+$0x30] =	vst v3  }
0x3fc: {  	v3 =	vand.u32 $0xFFFF0000, v10;
	v1 =	vmul.f32 v1, v4;
	v8 =	vld [tilespmem:s16+$0x20]  }
0x3fd: {  	s21 =	simm.s32 $0x1C00;
	v3 =	vmul.f32 v3, v4;
	v10 =	vshll.u32 v9, $0x10  }
0x3fe: {  	s12 =	simm.s32 $0x1686;
	[tilespmem:s19+$0xC0] =	vst v1;
	v1 =	vand.u32 $0xFFFF0000, v9;
	v9 =	vmul.f32 v10, v7;
	v10 =	vld [tilespmem:s21+$0x40]  }
0x3ff: {  	[tilespmem:s19+$0xD0] =	vst v3;
	v3 =	vld.msk [tilespmem:s12+$0x1 ss:$0x0], $0xffff;
	v1 =	vmul.f32 v1, v7;
	v11 =	vshll.u32 v2, $0x10  }
0x400: {  	v12 =	vld [tilespmem:s16+$0x70];
	v2 =	vand.u32 $0xFFFF0000, v2;
	[tilespmem:s19+$0xFFFFFF40] =	vst v9;
	v9 =	vmul.f32 v11, v5  }
0x401: {  	v2 =	vmul.f32 v2, v5;
	[tilespmem:s19+$0xFFFFFF50] =	vst v1;
	v1 =	vshll.u32 v8, $0x10  }
0x402: {  	v8 =	vand.u32 $0xFFFF0000, v8;
	v11 =	vld [tilespmem:s21+$0xFFFFFF80];
	[tilespmem:s19+$0xFFFFFFC0] =	vst v9;
	v9 =	vmul.f32 v1, v6  }
0x403: {  	v8 =	vmul.f32 v8, v6;
	[tilespmem:s19+$0xFFFFFFD0] =	vst v2;
	v1 =	vld.msk [tilespmem:s12+$0xFFFFFFFE ss:$0x0], $0xffff;
	v2 =	vshll.u32 v10, $0x10  }
0x404: {  	v13 =	vld [tilespmem:s21+$0xFFFFFFC0];
	[tilespmem:s19+$0x40] =	vst v9;
	v9 =	vand.u32 $0xFFFF0000, v10;
	v10 =	vmul.f32 v2, v3  }
0x405: {  	s10 =	simm.s32 $0x4580;
	v14 =	vand.u32 $0xFFFF0000, v12;
	[tilespmem:s19+$0x50] =	vst v8;
	v2 =	vld.msk [tilespmem:s12+$0xFFFFFFFF ss:$0x0], $0xffff;
	v8 =	vmul.f32 v9, v3  }
0x406: {  	v12 =	vshll.u32 v12, $0x10;
	v14 =	vmul.f32 v14, v4;
	v9 =	vld [tilespmem:s21+$0x0];
	[tilespmem:s10+$0x80] =	vst v10  }
0x407: {  	v10 =	vmul.f32 v12, v4;
	v4 =	vld.msk [tilespmem:s12+$0x0 ss:$0x0], $0xffff;
	v12 =	vshll.u32 v11, $0x10;
	[tilespmem:s10+$0x90] =	vst v8  }
0x408: {  	[tilespmem:s19+$0xF0] =	vst v14;
	v8 =	vand.u32 $0xFFFF0000, v11;
	v11 =	vmul.f32 v12, v1;
	v12 =	vld [tilespmem:s21+$0x50]  }
0x409: {  	v14 =	vshll.u32 v13, $0x10;
	v8 =	vmul.f32 v8, v1;
	[tilespmem:s19+$0xE0] =	vst v10  }
0x40a: {  	v10 =	vand.u32 $0xFFFF0000, v13;
	v13 =	vld [tilespmem:s16+$0xFFFFFFB0];
	v14 =	vmul.f32 v14, v2;
	[tilespmem:s10+$0xFFFFFF00] =	vst v11  }
0x40b: {  	v10 =	vmul.f32 v10, v2;
	v11 =	vshll.u32 v9, $0x10;
	[tilespmem:s10+$0xFFFFFF10] =	vst v8  }
0x40c: {  	v8 =	vand.u32 $0xFFFF0000, v9;
	v9 =	vmul.f32 v11, v4;
	v11 =	vld [tilespmem:s21+$0xFFFFFF90];
	[tilespmem:s10+$0xFFFFFF80] =	vst v14  }
0x40d: {  	v8 =	vmul.f32 v8, v4;
	[tilespmem:s10+$0xFFFFFF90] =	vst v10;
	v10 =	vshll.u32 v12, $0x10  }
0x40e: {  	v14 =	vld [tilespmem:s21+$0xFFFFFFD0];
	[tilespmem:s10+$0x0] =	vst v9;
	v9 =	vand.u32 $0xFFFF0000, v12;
	v10 =	vmul.f32 v10, v3  }
0x40f: {  	v12 =	vshll.u32 v13, $0x10;
	[tilespmem:s10+$0x10] =	vst v8;
	v8 =	vmul.f32 v9, v3  }
0x410: {  	v9 =	vand.u32 $0xFFFF0000, v13;
	v12 =	vmul.f32 v12, v7;
	v13 =	vld [tilespmem:s21+$0x10];
	[tilespmem:s10+$0xA0] =	vst v10  }
0x411: {  	v7 =	vmul.f32 v9, v7;
	v10 =	vld [tilespmem:s16+$0xFFFFFFF0];
	v9 =	vshll.u32 v11, $0x10;
	[tilespmem:s10+$0xB0] =	vst v8  }
0x412: {  	v8 =	vand.u32 $0xFFFF0000, v11;
	[tilespmem:s19+$0xFFFFFF60] =	vst v12;
	v9 =	vmul.f32 v9, v1;
	v11 =	vld [tilespmem:s21+$0x60]  }
0x413: {  	v8 =	vmul.f32 v8, v1;
	v12 =	vshll.u32 v14, $0x10;
	[tilespmem:s19+$0xFFFFFF70] =	vst v7  }
0x414: {  	v14 =	vand.u32 $0xFFFF0000, v14;
	[tilespmem:s10+$0xFFFFFF20] =	vst v9;
	v9 =	vmul.f32 v12, v2  }
0x415: {  	v7 =	vld [tilespmem:s16+$0x30];
	v12 =	vmul.f32 v14, v2;
	[tilespmem:s10+$0xFFFFFF30] =	vst v8;
	v8 =	vshll.u32 v13, $0x10  }
0x416: {  	v13 =	vand.u32 $0xFFFF0000, v13;
	v8 =	vmul.f32 v8, v4;
	[tilespmem:s10+$0xFFFFFFA0] =	vst v9  }
0x417: {  	v14 =	vld [tilespmem:s21+$0xFFFFFFA0];
	v13 =	vmul.f32 v13, v4;
	v9 =	vshll.u32 v10, $0x10;
	[tilespmem:s10+$0xFFFFFFB0] =	vst v12;
	v12 =	vshll.u32 v11, $0x10  }
0x418: {  	v10 =	vand.u32 $0xFFFF0000, v10;
	[tilespmem:s10+$0x20] =	vst v8;
	v8 =	vand.u32 $0xFFFF0000, v11;
	v11 =	vmul.f32 v12, v3  }
0x419: {  	[tilespmem:s10+$0x30] =	vst v13;
	v13 =	vmul.f32 v8, v3;
	v8 =	vmul.f32 v10, v5;
	v10 =	vld [tilespmem:s21+$0xFFFFFFE0]  }
0x41a: {  	v15 =	vmul.f32 v9, v5;
	v9 =	vand.u32 $0xFFFF0000, v7  }
0x41b: {  	v12 =	vshll.u32 v7, $0x10;
	v5 =	vmul.f32 v9, v6;
	v9 =	vld [tilespmem:s21+$0x20];
	[tilespmem:s10+$0xC0] =	vst v11  }
0x41c: {  	s13 =	simm.s32 $0x1D00;
	v7 =	vmul.f32 v12, v6;
	v6 =	vshll.u32 v14, $0x10;
	v11 =	vand.u32 $0xFFFF0000, v14;
	[tilespmem:s10+$0xD0] =	vst v13  }
0x41d: {  	s0 =	simm.s32 $0x4580;
	s8 =	simm.s32 $0x4;
	s16 =	sshll.u32 s5, $0x2;
	[tilespmem:s19+$0xFFFFFFE0] =	vst v15;
	v12 =	vmul.f32 v6, v1;
	v11 =	vmul.f32 v11, v1;
	v6 =	vld [tilespmem:s21+$0x70]  }
.LBB2_16:
0x41e: {  	v13 =	vld [tilespmem:s13+$0x40];
	v14 =	vshll.u32 v10, $0x10;
	v10 =	vand.u32 $0xFFFF0000, v10;
	s12 =	sadd.s32 $0x4, s12;
	[tilespmem:s19+$0xFFFFFFF0] =	vst v8  }
0x41f: {  	v8 =	vld.msk [tilespmem:s12+$0x1 ss:$0x0], $0xffff;
	[tilespmem:s10+$0xFFFFFF40] =	vst v12;
	v12 =	vmul.f32 v14, v2;
	v10 =	vmul.f32 v10, v2  }
0x420: {  	v14 =	vld [tilespmem:s13+$0xFFFFFFC0];
	[tilespmem:s10+$0xFFFFFF50] =	vst v11;
	v11 =	vshll.u32 v9, $0x10;
	v9 =	vand.u32 $0xFFFF0000, v9  }
0x421: {  	v15 =	vld [tilespmem:s13+$0x0];
	[tilespmem:s10+$0xFFFFFFC0] =	vst v12;
	v11 =	vmul.f32 v11, v4;
	v9 =	vmul.f32 v9, v4  }
0x422: {  	s8 =	sadd.s32 $0x4, s8;
	v12 =	vld [tilespmem:s13+$0xFFFFFF80];
	[tilespmem:s10+$0xFFFFFFD0] =	vst v10;
	v10 =	vshll.u32 v6, $0x10;
	v6 =	vand.u32 $0xFFFF0000, v6  }
0x423: {  	p1 =	slt.u32 s8, $0x4C;
	v16 =	vld.msk [tilespmem:s12+$0xFFFFFFFE ss:$0x0], $0xffff;
	[tilespmem:s10+$0x40] =	vst v11;
	v10 =	vmul.f32 v10, v3;
	v18 =	vmul.f32 v6, v3  }
0x424: {  	v11 =	vshll.u32 v13, $0x10;
	v6 =	vld.msk [tilespmem:s12+$0xFFFFFFFF ss:$0x0], $0xffff;
	[tilespmem:s10+$0x50] =	vst v9  }
0x425: {  	v13 =	vand.u32 $0xFFFF0000, v13;
	v11 =	vmul.f32 v11, v8;
	v3 =	vmovc v8;
	v9 =	vshll.u32 v14, $0x10;
	v17 =	vld.msk [tilespmem:s12+$0x0 ss:$0x0], $0xffff;
	[tilespmem:s10+$0xF0] =	vst v18  }
0x426: {  	v8 =	vand.u32 $0xFFFF0000, v14;
	v13 =	vmul.f32 v13, v3;
	s10 =	sadd.s32 $0x200, s10;
	v14 =	vshll.u32 v15, $0x10;
	v18 =	vld [tilespmem:s21+$0xFFFFFFB0];
	[tilespmem:s19+$0x60] =	vst v7  }
0x427: {  	v15 =	vand.u32 $0xFFFF0000, v15;
	v7 =	vshll.u32 v12, $0x10;
	v12 =	vand.u32 $0xFFFF0000, v12;
	[tilespmem:s10+$0x80] =	vst v11;
	v11 =	vld [tilespmem:s21+$0xFFFFFFF0]  }
0x428: {  	[tilespmem:s10+$0x90] =	vst v13;
	v13 =	vld [tilespmem:s21+$0x30];
	s21 =	smov.u32 s13  }
0x429: {  	v7 =	vmul.f32 v7, v16;
	v12 =	vmul.f32 v12, v16;
	v19 =	vld [tilespmem:s13+$0x50];
	[tilespmem:s19+$0x70] =	vst v5;
	s19 =	smov.u32 s0;
	s0 =	smov.u32 s10  }
0x42a: {  	v5 =	vmul.f32 v9, v6;
	v8 =	vmul.f32 v8, v6;
	[tilespmem:s19+$0xE0] =	vst v10  }
0x42b: {  	v9 =	vmul.f32 v15, v17;
	[tilespmem:s10+$0xFFFFFF00] =	vst v7;
	v7 =	vmul.f32 v14, v17;
	v10 =	vshll.u32 v18, $0x10  }
0x42c: {  	[tilespmem:s10+$0xFFFFFF10] =	vst v12;
	v12 =	vand.u32 $0xFFFF0000, v18;
	v14 =	vshll.u32 v11, $0x10;
	v11 =	vand.u32 $0xFFFF0000, v11  }
0x42d: {  	v10 =	vmul.f32 v10, v1;
	v15 =	vld [tilespmem:s13+$0xFFFFFF90];
	[tilespmem:s10+$0xFFFFFF80] =	vst v5;
	v5 =	vshll.u32 v13, $0x10;
	v13 =	vand.u32 $0xFFFF0000, v13  }
0x42e: {  	v12 =	vmul.f32 v12, v1;
	v14 =	vmul.f32 v14, v2;
	v1 =	vmovc v16;
	[tilespmem:s10+$0xFFFFFF90] =	vst v8;
	v8 =	vshll.u32 v19, $0x10  }
0x42f: {  	v16 =	vld [tilespmem:s13+$0xFFFFFFD0];
	[tilespmem:s10+$0x0] =	vst v7;
	v7 =	vand.u32 $0xFFFF0000, v19;
	v18 =	vmul.f32 v8, v3;
	v8 =	vmul.f32 v11, v2;
	v2 =	vmovc v6  }
0x430: {  	[tilespmem:s10+$0x10] =	vst v9;
	v6 =	vmul.f32 v7, v3;
	v7 =	vmul.f32 v5, v4  }
0x431: {  	v5 =	vmul.f32 v13, v4;
	v4 =	vmov v17;
	v9 =	vld [tilespmem:s13+$0x10];
	[tilespmem:s10+$0xA0] =	vst v18  }
0x432: {  	v11 =	vshll.u32 v15, $0x10;
	v13 =	vand.u32 $0xFFFF0000, v15;
	[tilespmem:s10+$0xB0] =	vst v6  }
0x433: {  	v6 =	vmul.f32 v11, v1;
	v11 =	vmul.f32 v13, v1;
	v13 =	vld [tilespmem:s13+$0x60];
	[tilespmem:s19+$0xFFFFFF60] =	vst v10  }
0x434: {  	v10 =	vshll.u32 v16, $0x10;
	v15 =	vand.u32 $0xFFFF0000, v16;
	[tilespmem:s19+$0xFFFFFF70] =	vst v12  }
0x435: {  	[tilespmem:s10+$0xFFFFFF20] =	vst v6;
	v6 =	vmul.f32 v10, v2;
	v10 =	vmul.f32 v15, v2  }
0x436: {  	[tilespmem:s10+$0xFFFFFF30] =	vst v11;
	v11 =	vshll.u32 v9, $0x10;
	v9 =	vand.u32 $0xFFFF0000, v9  }
0x437: {  	v12 =	vld [tilespmem:s13+$0xFFFFFFA0];
	[tilespmem:s10+$0xFFFFFFA0] =	vst v6;
	v6 =	vmul.f32 v11, v4;
	v9 =	vmul.f32 v9, v4  }
0x438: {  	[tilespmem:s10+$0xFFFFFFB0] =	vst v10;
	v11 =	vshll.u32 v13, $0x10  }
.Ltmp9:
0x439: {  	v10 =	vld [tilespmem:s13+$0xFFFFFFE0];
	[tilespmem:s10+$0x20] =	vst v6;
	v6 =	vand.u32 $0xFFFF0000, v13;
	v11 =	vmul.f32 v11, v3;
	(pc) =	sbr.rel @p1 .LBB2_16-.Ltmp9, $4  }
0x43a: {  	[tilespmem:s10+$0x30] =	vst v9;
	v6 =	vmul.f32 v6, v3  }
0x43b: {  	v9 =	vld [tilespmem:s13+$0x20];
	[tilespmem:s10+$0xC0] =	vst v11  }
0x43c: {  	v11 =	vshll.u32 v12, $0x10;
	v13 =	vand.u32 $0xFFFF0000, v12;
	[tilespmem:s10+$0xD0] =	vst v6  }
0x43d: {  	s13 =	sadd.s32 $0x100, s13;
	v12 =	vmul.f32 v11, v1;
	v11 =	vmul.f32 v13, v1;
	v6 =	vld [tilespmem:s21+$0x70];
	[tilespmem:s19+$0xFFFFFFE0] =	vst v14  }
0x43e: {  	v13 =	vshll.u32 v10, $0x10;
	[tilespmem:s19+$0xFFFFFFF0] =	vst v8  }
0x43f: {  	v49 =	vand.u32 $0xFFFF0000, v10;
	[tilespmem:s10+$0xFFFFFF40] =	vst v12;
	v50 =	vmul.f32 v13, v2  }
0x440: {  	v8 =	vmul.f32 v49, v2;
	[tilespmem:s10+$0xFFFFFF50] =	vst v11;
	v51 =	vshll.u32 v9, $0x10  }
0x441: {  	v52 =	vand.u32 $0xFFFF0000, v9;
	v54 =	vld [tilespmem:s21+$0xFFFFFFB0];
	[tilespmem:s10+$0xFFFFFFC0] =	vst v50;
	v53 =	vmul.f32 v51, v4  }
0x442: {  	v9 =	vmul.f32 v52, v4;
	[tilespmem:s10+$0xFFFFFFD0] =	vst v8  }
0x443: {  	v56 =	vld [tilespmem:s21+$0xFFFFFFF0];
	[tilespmem:s10+$0x40] =	vst v53  }
0x444: {  	v55 =	vand.u32 $0xFFFF0000, v6;
	[tilespmem:s10+$0x50] =	vst v9  }
0x445: {  	[tilespmem:s19+$0x60] =	vst v7;
	v57 =	vshll.u32 v6, $0x10;
	v8 =	vmul.f32 v55, v3;
	v58 =	vld [tilespmem:s21+$0x30]  }
0x446: {  	[tilespmem:s19+$0x70] =	vst v5;
	v3 =	vmul.f32 v57, v3;
	v59 =	vshll.u32 v54, $0x10  }
0x447: {  	[tilespmem:s10+$0xF0] =	vst v8;
	v60 =	vand.u32 $0xFFFF0000, v54;
	v6 =	vmul.f32 v59, v1  }
0x448: {  	[tilespmem:s0+$0xE0] =	vst v3;
	v1 =	vmul.f32 v60, v1;
	v3 =	vshll.u32 v56, $0x10  }
0x449: {  	v61 =	vand.u32 $0xFFFF0000, v56;
	v3 =	vmul.f32 v3, v2;
	[tilespmem:s0+$0xFFFFFF60] =	vst v6  }
0x44a: {  	v2 =	vmul.f32 v61, v2;
	[tilespmem:s0+$0xFFFFFF70] =	vst v1;
	v62 =	vshll.u32 v58, $0x10  }
0x44b: {  	v1 =	vand.u32 $0xFFFF0000, v58;
	v63 =	vmul.f32 v62, v4;
	[tilespmem:s0+$0xFFFFFFE0] =	vst v3  }
0x44c: {  	v1 =	vmul.f32 v1, v4;
	[tilespmem:s0+$0xFFFFFFF0] =	vst v2  }
0x44d: {  	[tilespmem:s0+$0x60] =	vst v63  }
0x44e: {  	[tilespmem:s0+$0x70] =	vst v1;
	s0 =	sor.u32 $0x2, s16  }
0x44f: {  	[spmem:s2] =	stream.indirect.scatter.add.f32 [tilespmem:s30], [sflag:$0x3], $0x80, s15, s9, $0xb8;
	[tilespmem:$0x1CD78] =	vst v63  }
0x450: {  	p2 =	sgt.u32 s0, $0x3C  }
0x451: {  	s8 =	simm.s32 $0x1680;
	s0 =	smul.u32 @!p2 $0x140, s0  }
0x452: {  	[spmem:s3] =	stream.indirect.scatter.add.f32 [tilespmem:s8], [sflag:$0x3], $0x1, s15, s9, $0xb8;
	[tilespmem:$0x1CD78] =	vst v63  }
0x453: {  	s0 =	sshra.s32 @!p2 s0, $0x2  }
0x454: {  	v1 =	vld @!p2 [tilespmem:s0+$0x0];
	_ =	sdelay $0x4  }
0x455: {  	v2 =	vand.u32 @!p2 $0xFFFF, v1  }
0x456: {  	v1 =	vshrl.u32 @!p2 v1, $0x10;
	[tilespmem:$0x14A0] =	vst @!p2 v2  }
0x457: {  	[tilespmem:$0x15E0] =	vst @!p2 v1  }
0x458: {  	v1 =	vld @!p2 [tilespmem:s0+$0x10];
	_ =	sdelay $0x4  }
0x459: {  	v2 =	vand.u32 @!p2 $0xFFFF, v1  }
0x45a: {  	v1 =	vshrl.u32 @!p2 v1, $0x10;
	[tilespmem:$0x14B0] =	vst @!p2 v2  }
0x45b: {  	[tilespmem:$0x15F0] =	vst @!p2 v1  }
0x45c: {  	v1 =	vld @!p2 [tilespmem:s0+$0x20];
	_ =	sdelay $0x4  }
0x45d: {  	v2 =	vand.u32 @!p2 $0xFFFF, v1  }
0x45e: {  	v1 =	vshrl.u32 @!p2 v1, $0x10;
	[tilespmem:$0x14C0] =	vst @!p2 v2  }
0x45f: {  	[tilespmem:$0x1600] =	vst @!p2 v1  }
0x460: {  	v1 =	vld @!p2 [tilespmem:s0+$0x30];
	_ =	sdelay $0x4  }
0x461: {  	v2 =	vand.u32 @!p2 $0xFFFF, v1  }
0x462: {  	v1 =	vshrl.u32 @!p2 v1, $0x10;
	[tilespmem:$0x14D0] =	vst @!p2 v2  }
0x463: {  	[tilespmem:$0x1610] =	vst @!p2 v1  }
0x464: {  	v1 =	vld @!p2 [tilespmem:s0+$0x40];
	_ =	sdelay $0x4  }
0x465: {  	v2 =	vand.u32 @!p2 $0xFFFF, v1  }
0x466: {  	p1 =	sgt.u32 s5, $0xE;
	v1 =	vshrl.u32 @!p2 v1, $0x10;
	[tilespmem:$0x14E0] =	vst @!p2 v2  }
0x467: {  	s10 =	simm.s32 @!p2 $0x1A80;
	s8 =	simm.s32 @!p2 $0x14A0;
	s0 =	simm.s32 @!p2 $0x50;
	[tilespmem:$0x1620] =	vst @!p2 v1  }
0x468: {  	[tilespmem:s10], [sflag:$0x1] =	stream.indirect.gather @!p2 [hbm4b:s1+s0], $0x40, s8, s0, $0xb8;
	[tilespmem:$0x1CD78] =	vst v63  }
.Ltmp10:
0x469: {  	_ = 	snop;
	(pc) =	sbr.rel @p1 .LBB2_21-.Ltmp10, $4  }
0x46a: {  	s10 =	simm.s32 @!p2 $0x18A0  }
0x46b: {  	[tilespmem:s10], [sflag:$0x1] =	stream.indirect.gather @!p2 [hbm4b:s6+s0], $0x1, s8, s0, $0xb8;
	[tilespmem:$0x1CD78] =	vst v63  }
0x46c: {  	s8 =	simm.s32 @!p2 $0x15E0;
	s10 =	simm.s32 @!p2 $0x19E0  }
0x46d: {  	[tilespmem:s10], [sflag:$0x1] =	stream.indirect.gather @!p2 [hbm4b:s7+s0], $0x1, s8, s0, $0xb8;
	[tilespmem:$0x1CD78] =	vst v63  }
0x46e: {  	_ =	swait.ge [sflag:s26], $0x1400  }
0x46f: {  	[sflag:s26] =	ssyncset.done $0x0  }
0x470: {  	[sflag:s26] =	ssyncadd.s32 $0xFFFFEC00  }
0x471: {  	_ =	swait.ge [sflag:s26], $0x50  }
0x472: {  	[sflag:s26] =	ssyncset.done $0x0  }
0x473: {  	[sflag:s26] =	ssyncadd.s32 $0xFFFFFFB0  }
0x474: {  	_ =	swait.ge [sflag:s26], $0x50  }
0x475: {  	[sflag:s26] =	ssyncset.done $0x0  }
0x476: {  	s0 =	simm.s32 @!p3 $0x4;
	[sflag:s26] =	ssyncadd.s32 $0xFFFFFFB0  }
0x477: {  	_ =	swait.ge @!p3 [sflag:s0], $0x2800  }
0x478: {  	[sflag:s0] =	ssyncset.done @!p3 $0x0  }
0x479: {  	[sflag:s0] =	ssyncadd.s32 @!p3 $0xFFFFD800  }
0x47a: {  	_ =	swait.ge @!p3 [sflag:s0], $0x50  }
0x47b: {  	[sflag:s0] =	ssyncset.done @!p3 $0x0  }
0x47c: {  	[sflag:s0] =	ssyncadd.s32 @!p3 $0xFFFFFFB0  }
0x47d: {  	v1 =	vld [tilespmem:$0x1850]  }
0x47e: {  	v2 =	vld [tilespmem:$0x1990]  }
0x47f: {  	v3 =	vld [tilespmem:$0x1860]  }
0x480: {  	v4 =	vld [tilespmem:$0x19A0]  }
0x481: {  	v5 =	vld [tilespmem:$0x1870]  }
0x482: {  	v6 =	vld [tilespmem:$0x19B0]  }
0x483: {  	v7 =	vld [tilespmem:$0x1880]  }
0x484: {  	v8 =	vld [tilespmem:$0x19C0]  }
0x485: {  	v9 =	vld [tilespmem:$0x1890]  }
0x486: {  	v10 =	vld [tilespmem:$0x19D0]  }
0x487: {  	v1 =	vadd.f32 v2, v1  }
0x488: {  	v2 =	vadd.f32 v4, v3  }
0x489: {  	v4 =	vadd.f32 v6, v5;
	v3 =	vmul.f32 $9.999999770e-03, v1  }
0x48a: {  	v6 =	vadd.f32 v8, v7;
	v5 =	vmul.f32 $9.999999770e-03, v2  }
0x48b: {  	v7 =	vadd.f32 v10, v9;
	v1 =	vmax.f32 v1, v3;
	v3 =	vmul.f32 $9.999999770e-03, v4  }
0x48c: {  	v2 =	vmax.f32 v2, v5;
	v5 =	vmul.f32 $9.999999770e-03, v6;
	v1 =	vmul.f32 $1.442695020e+00, v1  }
0x48d: {  	v2 =	vmul.f32 $1.442695020e+00, v2;
	v3 =	vmax.f32 v4, v3;
	v4 =	vmul.f32 $9.999999770e-03, v7  }
0x48e: {  	(erf) = vpow2.f32 v1;
	v1 =	vmul.f32 $1.442695020e+00, v3;
	v3 =	vmax.f32 v6, v5  }
0x48f: {  	(erf) = vpow2.f32 v2;
	v2 =	vmul.f32 $1.442695020e+00, v3;
	v3 =	vmax.f32 v7, v4  }
0x490: {  	(erf) = vpow2.f32 v1;
	v1 =	vmul.f32 $1.442695020e+00, v3  }
0x491: {  	(erf) = vpow2.f32 v2  }
0x492: {  	(erf) = vpow2.f32 v1;
	_ =	sdelay $0x4  }
0x493: {  	v1 =	vpop (erf)  }
0x494: {  	v2 =	vpop (erf);
	[tilespmem:$0x16E0] =	vst v1  }
0x495: {  	v1 =	vpop (erf);
	[tilespmem:$0x16F0] =	vst v2  }
0x496: {  	v2 =	vpop (erf);
	[tilespmem:$0x1700] =	vst v1  }
0x497: {  	[tilespmem:$0x1710] =	vst v2;
	v1 =	vpop (erf)  }
0x498: {  	s13 =	simm.s32 $0x2F00;
	[tilespmem:$0x1720] =	vst v1  }
0x499: {  	s8 =	simm.s32 $0x16E2;
	v1 =	vld [tilespmem:s13+$0x40]  }
0x49a: {  	v4 =	vld.msk [tilespmem:s8+$0x1 ss:$0x0], $0xffff  }
0x49b: {  	v2 =	vld [tilespmem:s13+$0xFFFFFF80]  }
0x49c: {  	v7 =	vld.msk [tilespmem:s8+$0xFFFFFFFE ss:$0x0], $0xffff  }
0x49d: {  	v3 =	vld [tilespmem:s13+$0xFFFFFFC0]  }
0x49e: {  	v5 =	vld.msk [tilespmem:s8+$0xFFFFFFFF ss:$0x0], $0xffff;
	v6 =	vshll.u32 v1, $0x10  }
0x49f: {  	v8 =	vld [tilespmem:s13+$0x0];
	v1 =	vand.u32 $0xFFFF0000, v1;
	v9 =	vmul.f32 v6, v4  }
0x4a0: {  	s19 =	simm.s32 $0x6B80;
	v10 =	vshll.u32 v2, $0x10;
	v6 =	vld.msk [tilespmem:s8+$0x0 ss:$0x0], $0xffff;
	v1 =	vmul.f32 v1, v4  }
0x4a1: {  	v2 =	vand.u32 $0xFFFF0000, v2;
	[tilespmem:s19+$0x80] =	vst v9;
	v9 =	vmul.f32 v10, v7  }
0x4a2: {  	v10 =	vshll.u32 v3, $0x10;
	[tilespmem:s19+$0x90] =	vst v1;
	v1 =	vmul.f32 v2, v7  }
0x4a3: {  	v2 =	vand.u32 $0xFFFF0000, v3;
	v3 =	vld [tilespmem:s13+$0x50];
	v10 =	vmul.f32 v10, v5;
	[tilespmem:s19+$0xFFFFFF00] =	vst v9  }
0x4a4: {  	v2 =	vmul.f32 v2, v5;
	v9 =	vshll.u32 v8, $0x10;
	[tilespmem:s19+$0xFFFFFF10] =	vst v1  }
0x4a5: {  	v1 =	vand.u32 $0xFFFF0000, v8;
	v8 =	vmul.f32 v9, v6;
	v9 =	vld [tilespmem:s13+$0xFFFFFF90];
	[tilespmem:s19+$0xFFFFFF80] =	vst v10  }
0x4a6: {  	v1 =	vmul.f32 v1, v6;
	[tilespmem:s19+$0xFFFFFF90] =	vst v2  }
0x4a7: {  	v2 =	vld [tilespmem:s13+$0xFFFFFFD0];
	[tilespmem:s19+$0x0] =	vst v8  }
0x4a8: {  	[tilespmem:s19+$0x10] =	vst v1;
	v8 =	vshll.u32 v3, $0x10  }
0x4a9: {  	v1 =	vand.u32 $0xFFFF0000, v3;
	v3 =	vmul.f32 v8, v4;
	v8 =	vld [tilespmem:s13+$0x10]  }
0x4aa: {  	v1 =	vmul.f32 v1, v4;
	v10 =	vshll.u32 v9, $0x10  }
0x4ab: {  	[tilespmem:s19+$0xA0] =	vst v3;
	v3 =	vand.u32 $0xFFFF0000, v9;
	v9 =	vmul.f32 v10, v7  }
0x4ac: {  	[tilespmem:s19+$0xB0] =	vst v1;
	v1 =	vmul.f32 v3, v7;
	v3 =	vshll.u32 v2, $0x10  }
0x4ad: {  	v10 =	vld [tilespmem:s13+$0x60];
	v2 =	vand.u32 $0xFFFF0000, v2;
	[tilespmem:s19+$0xFFFFFF20] =	vst v9;
	v3 =	vmul.f32 v3, v5  }
0x4ae: {  	v2 =	vmul.f32 v2, v5;
	[tilespmem:s19+$0xFFFFFF30] =	vst v1;
	v1 =	vshll.u32 v8, $0x10  }
0x4af: {  	v8 =	vand.u32 $0xFFFF0000, v8;
	v9 =	vld [tilespmem:s13+$0xFFFFFFA0];
	[tilespmem:s19+$0xFFFFFFA0] =	vst v3;
	v1 =	vmul.f32 v1, v6  }
0x4b0: {  	v3 =	vmul.f32 v8, v6;
	[tilespmem:s19+$0xFFFFFFB0] =	vst v2  }
0x4b1: {  	v2 =	vld [tilespmem:s13+$0xFFFFFFE0];
	[tilespmem:s19+$0x20] =	vst v1  }
0x4b2: {  	v1 =	vshll.u32 v10, $0x10;
	[tilespmem:s19+$0x30] =	vst v3  }
0x4b3: {  	v3 =	vand.u32 $0xFFFF0000, v10;
	v1 =	vmul.f32 v1, v4;
	v8 =	vld [tilespmem:s13+$0x20]  }
0x4b4: {  	s21 =	simm.s32 $0x3000;
	v3 =	vmul.f32 v3, v4;
	v10 =	vshll.u32 v9, $0x10  }
0x4b5: {  	s12 =	simm.s32 $0x16E6;
	[tilespmem:s19+$0xC0] =	vst v1;
	v1 =	vand.u32 $0xFFFF0000, v9;
	v9 =	vmul.f32 v10, v7;
	v10 =	vld [tilespmem:s21+$0x40]  }
0x4b6: {  	[tilespmem:s19+$0xD0] =	vst v3;
	v3 =	vld.msk [tilespmem:s12+$0x1 ss:$0x0], $0xffff;
	v1 =	vmul.f32 v1, v7;
	v11 =	vshll.u32 v2, $0x10  }
0x4b7: {  	v12 =	vld [tilespmem:s13+$0x70];
	v2 =	vand.u32 $0xFFFF0000, v2;
	[tilespmem:s19+$0xFFFFFF40] =	vst v9;
	v9 =	vmul.f32 v11, v5  }
0x4b8: {  	v2 =	vmul.f32 v2, v5;
	[tilespmem:s19+$0xFFFFFF50] =	vst v1;
	v1 =	vshll.u32 v8, $0x10  }
0x4b9: {  	v8 =	vand.u32 $0xFFFF0000, v8;
	v11 =	vld [tilespmem:s21+$0xFFFFFF80];
	[tilespmem:s19+$0xFFFFFFC0] =	vst v9;
	v9 =	vmul.f32 v1, v6  }
0x4ba: {  	v8 =	vmul.f32 v8, v6;
	[tilespmem:s19+$0xFFFFFFD0] =	vst v2;
	v1 =	vld.msk [tilespmem:s12+$0xFFFFFFFE ss:$0x0], $0xffff;
	v2 =	vshll.u32 v10, $0x10  }
0x4bb: {  	v13 =	vld [tilespmem:s21+$0xFFFFFFC0];
	[tilespmem:s19+$0x40] =	vst v9;
	v9 =	vand.u32 $0xFFFF0000, v10;
	v10 =	vmul.f32 v2, v3  }
0x4bc: {  	s10 =	simm.s32 $0x6D80;
	v14 =	vand.u32 $0xFFFF0000, v12;
	[tilespmem:s19+$0x50] =	vst v8;
	v2 =	vld.msk [tilespmem:s12+$0xFFFFFFFF ss:$0x0], $0xffff;
	v8 =	vmul.f32 v9, v3  }
0x4bd: {  	v12 =	vshll.u32 v12, $0x10;
	v14 =	vmul.f32 v14, v4;
	v9 =	vld [tilespmem:s21+$0x0];
	[tilespmem:s10+$0x80] =	vst v10  }
0x4be: {  	v10 =	vmul.f32 v12, v4;
	v4 =	vld.msk [tilespmem:s12+$0x0 ss:$0x0], $0xffff;
	v12 =	vshll.u32 v11, $0x10;
	[tilespmem:s10+$0x90] =	vst v8  }
0x4bf: {  	[tilespmem:s19+$0xF0] =	vst v14;
	v8 =	vand.u32 $0xFFFF0000, v11;
	v11 =	vmul.f32 v12, v1;
	v12 =	vld [tilespmem:s21+$0x50]  }
0x4c0: {  	v14 =	vshll.u32 v13, $0x10;
	v8 =	vmul.f32 v8, v1;
	[tilespmem:s19+$0xE0] =	vst v10  }
0x4c1: {  	v10 =	vand.u32 $0xFFFF0000, v13;
	v13 =	vld [tilespmem:s13+$0xFFFFFFB0];
	v14 =	vmul.f32 v14, v2;
	[tilespmem:s10+$0xFFFFFF00] =	vst v11  }
0x4c2: {  	v10 =	vmul.f32 v10, v2;
	v11 =	vshll.u32 v9, $0x10;
	[tilespmem:s10+$0xFFFFFF10] =	vst v8  }
0x4c3: {  	v8 =	vand.u32 $0xFFFF0000, v9;
	v9 =	vmul.f32 v11, v4;
	v11 =	vld [tilespmem:s21+$0xFFFFFF90];
	[tilespmem:s10+$0xFFFFFF80] =	vst v14  }
0x4c4: {  	v8 =	vmul.f32 v8, v4;
	[tilespmem:s10+$0xFFFFFF90] =	vst v10;
	v10 =	vshll.u32 v12, $0x10  }
0x4c5: {  	v14 =	vld [tilespmem:s21+$0xFFFFFFD0];
	[tilespmem:s10+$0x0] =	vst v9;
	v9 =	vand.u32 $0xFFFF0000, v12;
	v10 =	vmul.f32 v10, v3  }
0x4c6: {  	v12 =	vshll.u32 v13, $0x10;
	[tilespmem:s10+$0x10] =	vst v8;
	v8 =	vmul.f32 v9, v3  }
0x4c7: {  	v9 =	vand.u32 $0xFFFF0000, v13;
	v12 =	vmul.f32 v12, v7;
	v13 =	vld [tilespmem:s21+$0x10];
	[tilespmem:s10+$0xA0] =	vst v10  }
0x4c8: {  	v7 =	vmul.f32 v9, v7;
	v10 =	vld [tilespmem:s13+$0xFFFFFFF0];
	v9 =	vshll.u32 v11, $0x10;
	[tilespmem:s10+$0xB0] =	vst v8  }
0x4c9: {  	v8 =	vand.u32 $0xFFFF0000, v11;
	[tilespmem:s19+$0xFFFFFF60] =	vst v12;
	v9 =	vmul.f32 v9, v1;
	v11 =	vld [tilespmem:s21+$0x60]  }
0x4ca: {  	v8 =	vmul.f32 v8, v1;
	v12 =	vshll.u32 v14, $0x10;
	[tilespmem:s19+$0xFFFFFF70] =	vst v7  }
0x4cb: {  	v14 =	vand.u32 $0xFFFF0000, v14;
	[tilespmem:s10+$0xFFFFFF20] =	vst v9;
	v9 =	vmul.f32 v12, v2  }
0x4cc: {  	v7 =	vld [tilespmem:s13+$0x30];
	v12 =	vmul.f32 v14, v2;
	[tilespmem:s10+$0xFFFFFF30] =	vst v8;
	v8 =	vshll.u32 v13, $0x10  }
0x4cd: {  	v13 =	vand.u32 $0xFFFF0000, v13;
	v8 =	vmul.f32 v8, v4;
	[tilespmem:s10+$0xFFFFFFA0] =	vst v9  }
0x4ce: {  	v14 =	vld [tilespmem:s21+$0xFFFFFFA0];
	v13 =	vmul.f32 v13, v4;
	v9 =	vshll.u32 v10, $0x10;
	[tilespmem:s10+$0xFFFFFFB0] =	vst v12;
	v12 =	vshll.u32 v11, $0x10  }
0x4cf: {  	v10 =	vand.u32 $0xFFFF0000, v10;
	[tilespmem:s10+$0x20] =	vst v8;
	v8 =	vand.u32 $0xFFFF0000, v11;
	v11 =	vmul.f32 v12, v3  }
0x4d0: {  	[tilespmem:s10+$0x30] =	vst v13;
	v13 =	vmul.f32 v8, v3;
	v8 =	vmul.f32 v10, v5;
	v10 =	vld [tilespmem:s21+$0xFFFFFFE0]  }
0x4d1: {  	v15 =	vmul.f32 v9, v5;
	v9 =	vand.u32 $0xFFFF0000, v7  }
0x4d2: {  	v12 =	vshll.u32 v7, $0x10;
	v5 =	vmul.f32 v9, v6;
	v9 =	vld [tilespmem:s21+$0x20];
	[tilespmem:s10+$0xC0] =	vst v11  }
0x4d3: {  	v7 =	vmul.f32 v12, v6;
	v6 =	vshll.u32 v14, $0x10;
	v11 =	vand.u32 $0xFFFF0000, v14;
	[tilespmem:s10+$0xD0] =	vst v13  }
0x4d4: {  	s0 =	simm.s32 $0x6D80;
	s8 =	simm.s32 $0x4;
	s13 =	simm.s32 $0x3100;
	[tilespmem:s19+$0xFFFFFFE0] =	vst v15;
	v12 =	vmul.f32 v6, v1;
	v11 =	vmul.f32 v11, v1;
	v6 =	vld [tilespmem:s21+$0x70]  }
.LBB2_19:
0x4d5: {  	v13 =	vld [tilespmem:s13+$0x40];
	v14 =	vshll.u32 v10, $0x10;
	v10 =	vand.u32 $0xFFFF0000, v10;
	s12 =	sadd.s32 $0x4, s12;
	[tilespmem:s19+$0xFFFFFFF0] =	vst v8  }
0x4d6: {  	v8 =	vld.msk [tilespmem:s12+$0x1 ss:$0x0], $0xffff;
	[tilespmem:s10+$0xFFFFFF40] =	vst v12;
	v12 =	vmul.f32 v14, v2;
	v10 =	vmul.f32 v10, v2  }
0x4d7: {  	v14 =	vld [tilespmem:s13+$0xFFFFFFC0];
	[tilespmem:s10+$0xFFFFFF50] =	vst v11;
	v11 =	vshll.u32 v9, $0x10;
	v9 =	vand.u32 $0xFFFF0000, v9  }
0x4d8: {  	v15 =	vld [tilespmem:s13+$0x0];
	[tilespmem:s10+$0xFFFFFFC0] =	vst v12;
	v11 =	vmul.f32 v11, v4;
	v9 =	vmul.f32 v9, v4  }
0x4d9: {  	s8 =	sadd.s32 $0x4, s8;
	v12 =	vld [tilespmem:s13+$0xFFFFFF80];
	[tilespmem:s10+$0xFFFFFFD0] =	vst v10;
	v10 =	vshll.u32 v6, $0x10;
	v6 =	vand.u32 $0xFFFF0000, v6  }
0x4da: {  	p3 =	slt.u32 s8, $0x4C;
	v16 =	vld.msk [tilespmem:s12+$0xFFFFFFFE ss:$0x0], $0xffff;
	[tilespmem:s10+$0x40] =	vst v11;
	v10 =	vmul.f32 v10, v3;
	v18 =	vmul.f32 v6, v3  }
0x4db: {  	v11 =	vshll.u32 v13, $0x10;
	v6 =	vld.msk [tilespmem:s12+$0xFFFFFFFF ss:$0x0], $0xffff;
	[tilespmem:s10+$0x50] =	vst v9  }
0x4dc: {  	v13 =	vand.u32 $0xFFFF0000, v13;
	v11 =	vmul.f32 v11, v8;
	v3 =	vmovc v8;
	v9 =	vshll.u32 v14, $0x10;
	v17 =	vld.msk [tilespmem:s12+$0x0 ss:$0x0], $0xffff;
	[tilespmem:s10+$0xF0] =	vst v18  }
0x4dd: {  	v8 =	vand.u32 $0xFFFF0000, v14;
	v13 =	vmul.f32 v13, v3;
	s10 =	sadd.s32 $0x200, s10;
	v14 =	vshll.u32 v15, $0x10;
	v18 =	vld [tilespmem:s21+$0xFFFFFFB0];
	[tilespmem:s19+$0x60] =	vst v7  }
0x4de: {  	v15 =	vand.u32 $0xFFFF0000, v15;
	v7 =	vshll.u32 v12, $0x10;
	v12 =	vand.u32 $0xFFFF0000, v12;
	[tilespmem:s10+$0x80] =	vst v11;
	v11 =	vld [tilespmem:s21+$0xFFFFFFF0]  }
0x4df: {  	[tilespmem:s10+$0x90] =	vst v13;
	v13 =	vld [tilespmem:s21+$0x30];
	s21 =	smov.u32 s13  }
0x4e0: {  	v7 =	vmul.f32 v7, v16;
	v12 =	vmul.f32 v12, v16;
	v19 =	vld [tilespmem:s13+$0x50];
	[tilespmem:s19+$0x70] =	vst v5;
	s19 =	smov.u32 s0;
	s0 =	smov.u32 s10  }
0x4e1: {  	v5 =	vmul.f32 v9, v6;
	v8 =	vmul.f32 v8, v6;
	[tilespmem:s19+$0xE0] =	vst v10  }
0x4e2: {  	v9 =	vmul.f32 v15, v17;
	[tilespmem:s10+$0xFFFFFF00] =	vst v7;
	v7 =	vmul.f32 v14, v17;
	v10 =	vshll.u32 v18, $0x10  }
0x4e3: {  	[tilespmem:s10+$0xFFFFFF10] =	vst v12;
	v12 =	vand.u32 $0xFFFF0000, v18;
	v14 =	vshll.u32 v11, $0x10;
	v11 =	vand.u32 $0xFFFF0000, v11  }
0x4e4: {  	v10 =	vmul.f32 v10, v1;
	v15 =	vld [tilespmem:s13+$0xFFFFFF90];
	[tilespmem:s10+$0xFFFFFF80] =	vst v5;
	v5 =	vshll.u32 v13, $0x10;
	v13 =	vand.u32 $0xFFFF0000, v13  }
0x4e5: {  	v12 =	vmul.f32 v12, v1;
	v14 =	vmul.f32 v14, v2;
	v1 =	vmovc v16;
	[tilespmem:s10+$0xFFFFFF90] =	vst v8;
	v8 =	vshll.u32 v19, $0x10  }
0x4e6: {  	v16 =	vld [tilespmem:s13+$0xFFFFFFD0];
	[tilespmem:s10+$0x0] =	vst v7;
	v7 =	vand.u32 $0xFFFF0000, v19;
	v18 =	vmul.f32 v8, v3;
	v8 =	vmul.f32 v11, v2;
	v2 =	vmovc v6  }
0x4e7: {  	[tilespmem:s10+$0x10] =	vst v9;
	v6 =	vmul.f32 v7, v3;
	v7 =	vmul.f32 v5, v4  }
0x4e8: {  	v5 =	vmul.f32 v13, v4;
	v4 =	vmov v17;
	v9 =	vld [tilespmem:s13+$0x10];
	[tilespmem:s10+$0xA0] =	vst v18  }
0x4e9: {  	v11 =	vshll.u32 v15, $0x10;
	v13 =	vand.u32 $0xFFFF0000, v15;
	[tilespmem:s10+$0xB0] =	vst v6  }
0x4ea: {  	v6 =	vmul.f32 v11, v1;
	v11 =	vmul.f32 v13, v1;
	v13 =	vld [tilespmem:s13+$0x60];
	[tilespmem:s19+$0xFFFFFF60] =	vst v10  }
0x4eb: {  	v10 =	vshll.u32 v16, $0x10;
	v15 =	vand.u32 $0xFFFF0000, v16;
	[tilespmem:s19+$0xFFFFFF70] =	vst v12  }
0x4ec: {  	[tilespmem:s10+$0xFFFFFF20] =	vst v6;
	v6 =	vmul.f32 v10, v2;
	v10 =	vmul.f32 v15, v2  }
0x4ed: {  	[tilespmem:s10+$0xFFFFFF30] =	vst v11;
	v11 =	vshll.u32 v9, $0x10;
	v9 =	vand.u32 $0xFFFF0000, v9  }
0x4ee: {  	v12 =	vld [tilespmem:s13+$0xFFFFFFA0];
	[tilespmem:s10+$0xFFFFFFA0] =	vst v6;
	v6 =	vmul.f32 v11, v4;
	v9 =	vmul.f32 v9, v4  }
0x4ef: {  	[tilespmem:s10+$0xFFFFFFB0] =	vst v10;
	v11 =	vshll.u32 v13, $0x10  }
.Ltmp11:
0x4f0: {  	v10 =	vld [tilespmem:s13+$0xFFFFFFE0];
	[tilespmem:s10+$0x20] =	vst v6;
	v6 =	vand.u32 $0xFFFF0000, v13;
	v11 =	vmul.f32 v11, v3;
	(pc) =	sbr.rel @p3 .LBB2_19-.Ltmp11, $4  }
0x4f1: {  	[tilespmem:s10+$0x30] =	vst v9;
	v6 =	vmul.f32 v6, v3  }
0x4f2: {  	v9 =	vld [tilespmem:s13+$0x20];
	[tilespmem:s10+$0xC0] =	vst v11  }
0x4f3: {  	v11 =	vshll.u32 v12, $0x10;
	v13 =	vand.u32 $0xFFFF0000, v12;
	[tilespmem:s10+$0xD0] =	vst v6  }
0x4f4: {  	s13 =	sadd.s32 $0x100, s13;
	v12 =	vmul.f32 v11, v1;
	v11 =	vmul.f32 v13, v1;
	v6 =	vld [tilespmem:s21+$0x70];
	[tilespmem:s19+$0xFFFFFFE0] =	vst v14  }
0x4f5: {  	v13 =	vshll.u32 v10, $0x10;
	[tilespmem:s19+$0xFFFFFFF0] =	vst v8  }
0x4f6: {  	v49 =	vand.u32 $0xFFFF0000, v10;
	[tilespmem:s10+$0xFFFFFF40] =	vst v12;
	v50 =	vmul.f32 v13, v2  }
0x4f7: {  	v8 =	vmul.f32 v49, v2;
	[tilespmem:s10+$0xFFFFFF50] =	vst v11;
	v51 =	vshll.u32 v9, $0x10  }
0x4f8: {  	v52 =	vand.u32 $0xFFFF0000, v9;
	v54 =	vld [tilespmem:s21+$0xFFFFFFB0];
	[tilespmem:s10+$0xFFFFFFC0] =	vst v50;
	v53 =	vmul.f32 v51, v4  }
0x4f9: {  	v9 =	vmul.f32 v52, v4;
	[tilespmem:s10+$0xFFFFFFD0] =	vst v8  }
0x4fa: {  	v56 =	vld [tilespmem:s21+$0xFFFFFFF0];
	[tilespmem:s10+$0x40] =	vst v53  }
0x4fb: {  	v55 =	vand.u32 $0xFFFF0000, v6;
	[tilespmem:s10+$0x50] =	vst v9  }
0x4fc: {  	[tilespmem:s19+$0x60] =	vst v7;
	v57 =	vshll.u32 v6, $0x10;
	v8 =	vmul.f32 v55, v3;
	v58 =	vld [tilespmem:s21+$0x30]  }
0x4fd: {  	[tilespmem:s19+$0x70] =	vst v5;
	v3 =	vmul.f32 v57, v3;
	v59 =	vshll.u32 v54, $0x10  }
0x4fe: {  	[tilespmem:s10+$0xF0] =	vst v8;
	v60 =	vand.u32 $0xFFFF0000, v54;
	v6 =	vmul.f32 v59, v1  }
0x4ff: {  	[tilespmem:s0+$0xE0] =	vst v3;
	v1 =	vmul.f32 v60, v1;
	v3 =	vshll.u32 v56, $0x10  }
0x500: {  	v61 =	vand.u32 $0xFFFF0000, v56;
	v3 =	vmul.f32 v3, v2;
	[tilespmem:s0+$0xFFFFFF60] =	vst v6  }
0x501: {  	v2 =	vmul.f32 v61, v2;
	[tilespmem:s0+$0xFFFFFF70] =	vst v1;
	v62 =	vshll.u32 v58, $0x10  }
0x502: {  	v1 =	vand.u32 $0xFFFF0000, v58;
	v63 =	vmul.f32 v62, v4;
	[tilespmem:s0+$0xFFFFFFE0] =	vst v3  }
0x503: {  	v1 =	vmul.f32 v1, v4;
	[tilespmem:s0+$0xFFFFFFF0] =	vst v2  }
0x504: {  	[tilespmem:s0+$0x60] =	vst v63  }
0x505: {  	[tilespmem:s0+$0x70] =	vst v1;
	s0 =	sor.u32 $0x3, s16  }
0x506: {  	[spmem:s2] =	stream.indirect.scatter.add.f32 [tilespmem:s28], [sflag:$0x4], $0x80, s20, s9, $0xb8;
	[tilespmem:$0x1CD78] =	vst v63  }
0x507: {  	p3 =	sgt.u32 s0, $0x3C  }
0x508: {  	s8 =	simm.s32 $0x16E0;
	s0 =	smul.u32 @!p3 $0x140, s0  }
0x509: {  	[spmem:s3] =	stream.indirect.scatter.add.f32 [tilespmem:s8], [sflag:$0x4], $0x1, s20, s9, $0xb8;
	[tilespmem:$0x1CD78] =	vst v63  }
0x50a: {  	s0 =	sshra.s32 @!p3 s0, $0x2  }
0x50b: {  	v1 =	vld @!p3 [tilespmem:s0+$0x0];
	_ =	sdelay $0x4  }
0x50c: {  	v2 =	vand.u32 @!p3 $0xFFFF, v1  }
0x50d: {  	v1 =	vshrl.u32 @!p3 v1, $0x10;
	[tilespmem:$0x14F0] =	vst @!p3 v2  }
0x50e: {  	[tilespmem:$0x1630] =	vst @!p3 v1  }
0x50f: {  	v1 =	vld @!p3 [tilespmem:s0+$0x10];
	_ =	sdelay $0x4  }
0x510: {  	v2 =	vand.u32 @!p3 $0xFFFF, v1  }
0x511: {  	v1 =	vshrl.u32 @!p3 v1, $0x10;
	[tilespmem:$0x1500] =	vst @!p3 v2  }
0x512: {  	[tilespmem:$0x1640] =	vst @!p3 v1  }
0x513: {  	v1 =	vld @!p3 [tilespmem:s0+$0x20];
	_ =	sdelay $0x4  }
0x514: {  	v2 =	vand.u32 @!p3 $0xFFFF, v1  }
0x515: {  	v1 =	vshrl.u32 @!p3 v1, $0x10;
	[tilespmem:$0x1510] =	vst @!p3 v2  }
0x516: {  	[tilespmem:$0x1650] =	vst @!p3 v1  }
0x517: {  	v1 =	vld @!p3 [tilespmem:s0+$0x30];
	_ =	sdelay $0x4  }
0x518: {  	v2 =	vand.u32 @!p3 $0xFFFF, v1  }
0x519: {  	v1 =	vshrl.u32 @!p3 v1, $0x10;
	[tilespmem:$0x1520] =	vst @!p3 v2  }
0x51a: {  	[tilespmem:$0x1660] =	vst @!p3 v1  }
0x51b: {  	v1 =	vld @!p3 [tilespmem:s0+$0x40];
	_ =	sdelay $0x4  }
0x51c: {  	v2 =	vand.u32 @!p3 $0xFFFF, v1  }
0x51d: {  	v1 =	vshrl.u32 @!p3 v1, $0x10;
	[tilespmem:$0x1530] =	vst @!p3 v2  }
0x51e: {  	s10 =	simm.s32 @!p3 $0x2E80;
	s8 =	simm.s32 @!p3 $0x14F0;
	s0 =	simm.s32 @!p3 $0x50;
	[tilespmem:$0x1670] =	vst @!p3 v1  }
0x51f: {  	[tilespmem:s10], [sflag:$0x2] =	stream.indirect.gather @!p3 [hbm4b:s1+s0], $0x40, s8, s0, $0xb8;
	[tilespmem:$0x1CD78] =	vst v63  }
0x520: {  	s10 =	simm.s32 @!p3 $0x18F0  }
0x521: {  	[tilespmem:s10], [sflag:$0x2] =	stream.indirect.gather @!p3 [hbm4b:s6+s0], $0x1, s8, s0, $0xb8;
	[tilespmem:$0x1CD78] =	vst v63  }
0x522: {  	s8 =	simm.s32 @!p3 $0x1630;
	s10 =	simm.s32 @!p3 $0x1A30  }
0x523: {  	[tilespmem:s10], [sflag:$0x2] =	stream.indirect.gather @!p3 [hbm4b:s7+s0], $0x1, s8, s0, $0xb8;
	[tilespmem:$0x1CD78] =	vst v63  }
.LBB2_21:
.Ltmp12:
0x524: {  	(pc) =	sbr.rel @p2 .LBB2_25-.Ltmp12, $1  }
0x525: {  	_ =	sdelay $0x3  }
0x526: {  	_ =	swait.ge [sflag:s22], $0x1400  }
0x527: {  	[sflag:s22] =	ssyncset.done $0x0  }
0x528: {  	[sflag:s22] =	ssyncadd.s32 $0xFFFFEC00  }
0x529: {  	_ =	swait.ge [sflag:s22], $0x50  }
0x52a: {  	[sflag:s22] =	ssyncset.done $0x0  }
0x52b: {  	[sflag:s22] =	ssyncadd.s32 $0xFFFFFFB0  }
0x52c: {  	_ =	swait.ge [sflag:s22], $0x50  }
0x52d: {  	[sflag:s22] =	ssyncset.done $0x0  }
0x52e: {  	[sflag:s22] =	ssyncadd.s32 $0xFFFFFFB0  }
0x52f: {  	_ =	swait.ge [sflag:s31], $0x2800  }
0x530: {  	[sflag:s31] =	ssyncset.done $0x0  }
0x531: {  	[sflag:s31] =	ssyncadd.s32 $0xFFFFD800  }
0x532: {  	_ =	swait.ge [sflag:s31], $0x50  }
0x533: {  	[sflag:s31] =	ssyncset.done $0x0  }
0x534: {  	[sflag:s31] =	ssyncadd.s32 $0xFFFFFFB0  }
0x535: {  	v1 =	vld [tilespmem:$0x18A0]  }
0x536: {  	v2 =	vld [tilespmem:$0x19E0]  }
0x537: {  	v3 =	vld [tilespmem:$0x18B0]  }
0x538: {  	v4 =	vld [tilespmem:$0x19F0]  }
0x539: {  	v5 =	vld [tilespmem:$0x18C0]  }
0x53a: {  	v6 =	vld [tilespmem:$0x1A00]  }
0x53b: {  	v7 =	vld [tilespmem:$0x18D0]  }
0x53c: {  	v8 =	vld [tilespmem:$0x1A10]  }
0x53d: {  	v9 =	vld [tilespmem:$0x18E0]  }
0x53e: {  	v10 =	vld [tilespmem:$0x1A20]  }
0x53f: {  	v1 =	vadd.f32 v2, v1  }
0x540: {  	v2 =	vadd.f32 v4, v3  }
0x541: {  	v4 =	vadd.f32 v6, v5;
	v3 =	vmul.f32 $9.999999770e-03, v1  }
0x542: {  	v6 =	vadd.f32 v8, v7;
	v5 =	vmul.f32 $9.999999770e-03, v2  }
0x543: {  	v7 =	vadd.f32 v10, v9;
	v1 =	vmax.f32 v1, v3;
	v3 =	vmul.f32 $9.999999770e-03, v4  }
0x544: {  	v2 =	vmax.f32 v2, v5;
	v5 =	vmul.f32 $9.999999770e-03, v6;
	v1 =	vmul.f32 $1.442695020e+00, v1  }
0x545: {  	v2 =	vmul.f32 $1.442695020e+00, v2;
	v3 =	vmax.f32 v4, v3;
	v4 =	vmul.f32 $9.999999770e-03, v7  }
0x546: {  	(erf) = vpow2.f32 v1;
	v1 =	vmul.f32 $1.442695020e+00, v3;
	v3 =	vmax.f32 v6, v5  }
0x547: {  	(erf) = vpow2.f32 v2;
	v2 =	vmul.f32 $1.442695020e+00, v3;
	v3 =	vmax.f32 v7, v4  }
0x548: {  	(erf) = vpow2.f32 v1;
	v1 =	vmul.f32 $1.442695020e+00, v3  }
0x549: {  	(erf) = vpow2.f32 v2  }
0x54a: {  	(erf) = vpow2.f32 v1;
	_ =	sdelay $0x4  }
0x54b: {  	v1 =	vpop (erf)  }
0x54c: {  	v2 =	vpop (erf);
	[tilespmem:$0x1740] =	vst v1  }
0x54d: {  	v1 =	vpop (erf);
	[tilespmem:$0x1750] =	vst v2  }
0x54e: {  	v2 =	vpop (erf);
	[tilespmem:$0x1760] =	vst v1  }
0x54f: {  	[tilespmem:$0x1770] =	vst v2;
	v1 =	vpop (erf)  }
0x550: {  	s0 =	simm.s32 $0x1B00;
	[tilespmem:$0x1780] =	vst v1  }
0x551: {  	s8 =	simm.s32 $0x1742;
	v1 =	vld [tilespmem:s0+$0x40]  }
0x552: {  	v4 =	vld.msk [tilespmem:s8+$0x1 ss:$0x0], $0xffff  }
0x553: {  	v2 =	vld [tilespmem:s0+$0xFFFFFF80]  }
0x554: {  	v7 =	vld.msk [tilespmem:s8+$0xFFFFFFFE ss:$0x0], $0xffff  }
0x555: {  	v3 =	vld [tilespmem:s0+$0xFFFFFFC0]  }
0x556: {  	v5 =	vld.msk [tilespmem:s8+$0xFFFFFFFF ss:$0x0], $0xffff;
	v6 =	vshll.u32 v1, $0x10  }
0x557: {  	v8 =	vld [tilespmem:s0+$0x0];
	v1 =	vand.u32 $0xFFFF0000, v1;
	v9 =	vmul.f32 v6, v4  }
0x558: {  	s16 =	simm.s32 $0x4380;
	v10 =	vshll.u32 v2, $0x10;
	v6 =	vld.msk [tilespmem:s8+$0x0 ss:$0x0], $0xffff;
	v1 =	vmul.f32 v1, v4  }
0x559: {  	v2 =	vand.u32 $0xFFFF0000, v2;
	[tilespmem:s16+$0x80] =	vst v9;
	v9 =	vmul.f32 v10, v7  }
0x55a: {  	v10 =	vshll.u32 v3, $0x10;
	[tilespmem:s16+$0x90] =	vst v1;
	v1 =	vmul.f32 v2, v7  }
0x55b: {  	v2 =	vand.u32 $0xFFFF0000, v3;
	v3 =	vld [tilespmem:s0+$0x50];
	v10 =	vmul.f32 v10, v5;
	[tilespmem:s16+$0xFFFFFF00] =	vst v9  }
0x55c: {  	v2 =	vmul.f32 v2, v5;
	v9 =	vshll.u32 v8, $0x10;
	[tilespmem:s16+$0xFFFFFF10] =	vst v1  }
0x55d: {  	v1 =	vand.u32 $0xFFFF0000, v8;
	v8 =	vmul.f32 v9, v6;
	v9 =	vld [tilespmem:s0+$0xFFFFFF90];
	[tilespmem:s16+$0xFFFFFF80] =	vst v10  }
0x55e: {  	v1 =	vmul.f32 v1, v6;
	[tilespmem:s16+$0xFFFFFF90] =	vst v2  }
0x55f: {  	v2 =	vld [tilespmem:s0+$0xFFFFFFD0];
	[tilespmem:s16+$0x0] =	vst v8  }
0x560: {  	[tilespmem:s16+$0x10] =	vst v1;
	v8 =	vshll.u32 v3, $0x10  }
0x561: {  	v1 =	vand.u32 $0xFFFF0000, v3;
	v3 =	vmul.f32 v8, v4;
	v8 =	vld [tilespmem:s0+$0x10]  }
0x562: {  	v1 =	vmul.f32 v1, v4;
	v10 =	vshll.u32 v9, $0x10  }
0x563: {  	[tilespmem:s16+$0xA0] =	vst v3;
	v3 =	vand.u32 $0xFFFF0000, v9;
	v9 =	vmul.f32 v10, v7  }
0x564: {  	[tilespmem:s16+$0xB0] =	vst v1;
	v1 =	vmul.f32 v3, v7;
	v3 =	vshll.u32 v2, $0x10  }
0x565: {  	v10 =	vld [tilespmem:s0+$0x60];
	v2 =	vand.u32 $0xFFFF0000, v2;
	[tilespmem:s16+$0xFFFFFF20] =	vst v9;
	v3 =	vmul.f32 v3, v5  }
0x566: {  	v2 =	vmul.f32 v2, v5;
	[tilespmem:s16+$0xFFFFFF30] =	vst v1;
	v1 =	vshll.u32 v8, $0x10  }
0x567: {  	v8 =	vand.u32 $0xFFFF0000, v8;
	v9 =	vld [tilespmem:s0+$0xFFFFFFA0];
	[tilespmem:s16+$0xFFFFFFA0] =	vst v3;
	v1 =	vmul.f32 v1, v6  }
0x568: {  	v3 =	vmul.f32 v8, v6;
	[tilespmem:s16+$0xFFFFFFB0] =	vst v2  }
0x569: {  	v2 =	vld [tilespmem:s0+$0xFFFFFFE0];
	[tilespmem:s16+$0x20] =	vst v1  }
0x56a: {  	v1 =	vshll.u32 v10, $0x10;
	[tilespmem:s16+$0x30] =	vst v3  }
0x56b: {  	v3 =	vand.u32 $0xFFFF0000, v10;
	v1 =	vmul.f32 v1, v4;
	v8 =	vld [tilespmem:s0+$0x20]  }
0x56c: {  	s19 =	simm.s32 $0x1C00;
	v3 =	vmul.f32 v3, v4;
	v10 =	vshll.u32 v9, $0x10  }
0x56d: {  	s12 =	simm.s32 $0x1746;
	[tilespmem:s16+$0xC0] =	vst v1;
	v1 =	vand.u32 $0xFFFF0000, v9;
	v9 =	vmul.f32 v10, v7;
	v10 =	vld [tilespmem:s19+$0x40]  }
0x56e: {  	[tilespmem:s16+$0xD0] =	vst v3;
	v3 =	vld.msk [tilespmem:s12+$0x1 ss:$0x0], $0xffff;
	v1 =	vmul.f32 v1, v7;
	v11 =	vshll.u32 v2, $0x10  }
0x56f: {  	v12 =	vld [tilespmem:s0+$0x70];
	v2 =	vand.u32 $0xFFFF0000, v2;
	[tilespmem:s16+$0xFFFFFF40] =	vst v9;
	v9 =	vmul.f32 v11, v5  }
0x570: {  	v2 =	vmul.f32 v2, v5;
	[tilespmem:s16+$0xFFFFFF50] =	vst v1;
	v1 =	vshll.u32 v8, $0x10  }
0x571: {  	v8 =	vand.u32 $0xFFFF0000, v8;
	v11 =	vld [tilespmem:s19+$0xFFFFFF80];
	[tilespmem:s16+$0xFFFFFFC0] =	vst v9;
	v9 =	vmul.f32 v1, v6  }
0x572: {  	v8 =	vmul.f32 v8, v6;
	[tilespmem:s16+$0xFFFFFFD0] =	vst v2;
	v1 =	vld.msk [tilespmem:s12+$0xFFFFFFFE ss:$0x0], $0xffff;
	v2 =	vshll.u32 v10, $0x10  }
0x573: {  	v13 =	vld [tilespmem:s19+$0xFFFFFFC0];
	[tilespmem:s16+$0x40] =	vst v9;
	v9 =	vand.u32 $0xFFFF0000, v10;
	v10 =	vmul.f32 v2, v3  }
0x574: {  	s10 =	simm.s32 $0x4580;
	v14 =	vand.u32 $0xFFFF0000, v12;
	[tilespmem:s16+$0x50] =	vst v8;
	v2 =	vld.msk [tilespmem:s12+$0xFFFFFFFF ss:$0x0], $0xffff;
	v8 =	vmul.f32 v9, v3  }
0x575: {  	v12 =	vshll.u32 v12, $0x10;
	v14 =	vmul.f32 v14, v4;
	v9 =	vld [tilespmem:s19+$0x0];
	[tilespmem:s10+$0x80] =	vst v10  }
0x576: {  	v10 =	vmul.f32 v12, v4;
	v4 =	vld.msk [tilespmem:s12+$0x0 ss:$0x0], $0xffff;
	v12 =	vshll.u32 v11, $0x10;
	[tilespmem:s10+$0x90] =	vst v8  }
0x577: {  	[tilespmem:s16+$0xF0] =	vst v14;
	v8 =	vand.u32 $0xFFFF0000, v11;
	v11 =	vmul.f32 v12, v1;
	v12 =	vld [tilespmem:s19+$0x50]  }
0x578: {  	v14 =	vshll.u32 v13, $0x10;
	v8 =	vmul.f32 v8, v1;
	[tilespmem:s16+$0xE0] =	vst v10  }
0x579: {  	v10 =	vand.u32 $0xFFFF0000, v13;
	v13 =	vld [tilespmem:s0+$0xFFFFFFB0];
	v14 =	vmul.f32 v14, v2;
	[tilespmem:s10+$0xFFFFFF00] =	vst v11  }
0x57a: {  	v10 =	vmul.f32 v10, v2;
	v11 =	vshll.u32 v9, $0x10;
	[tilespmem:s10+$0xFFFFFF10] =	vst v8  }
0x57b: {  	v8 =	vand.u32 $0xFFFF0000, v9;
	v9 =	vmul.f32 v11, v4;
	v11 =	vld [tilespmem:s19+$0xFFFFFF90];
	[tilespmem:s10+$0xFFFFFF80] =	vst v14  }
0x57c: {  	v8 =	vmul.f32 v8, v4;
	[tilespmem:s10+$0xFFFFFF90] =	vst v10;
	v10 =	vshll.u32 v12, $0x10  }
0x57d: {  	v14 =	vld [tilespmem:s19+$0xFFFFFFD0];
	[tilespmem:s10+$0x0] =	vst v9;
	v9 =	vand.u32 $0xFFFF0000, v12;
	v10 =	vmul.f32 v10, v3  }
0x57e: {  	v12 =	vshll.u32 v13, $0x10;
	[tilespmem:s10+$0x10] =	vst v8;
	v8 =	vmul.f32 v9, v3  }
0x57f: {  	v9 =	vand.u32 $0xFFFF0000, v13;
	v12 =	vmul.f32 v12, v7;
	v13 =	vld [tilespmem:s19+$0x10];
	[tilespmem:s10+$0xA0] =	vst v10  }
0x580: {  	v7 =	vmul.f32 v9, v7;
	v10 =	vld [tilespmem:s0+$0xFFFFFFF0];
	v9 =	vshll.u32 v11, $0x10;
	[tilespmem:s10+$0xB0] =	vst v8  }
0x581: {  	v8 =	vand.u32 $0xFFFF0000, v11;
	[tilespmem:s16+$0xFFFFFF60] =	vst v12;
	v9 =	vmul.f32 v9, v1;
	v11 =	vld [tilespmem:s19+$0x60]  }
0x582: {  	v8 =	vmul.f32 v8, v1;
	v12 =	vshll.u32 v14, $0x10;
	[tilespmem:s16+$0xFFFFFF70] =	vst v7  }
0x583: {  	v14 =	vand.u32 $0xFFFF0000, v14;
	[tilespmem:s10+$0xFFFFFF20] =	vst v9;
	v9 =	vmul.f32 v12, v2  }
0x584: {  	v7 =	vld [tilespmem:s0+$0x30];
	v12 =	vmul.f32 v14, v2;
	[tilespmem:s10+$0xFFFFFF30] =	vst v8;
	v8 =	vshll.u32 v13, $0x10  }
0x585: {  	v13 =	vand.u32 $0xFFFF0000, v13;
	v8 =	vmul.f32 v8, v4;
	[tilespmem:s10+$0xFFFFFFA0] =	vst v9  }
0x586: {  	v14 =	vld [tilespmem:s19+$0xFFFFFFA0];
	v13 =	vmul.f32 v13, v4;
	v9 =	vshll.u32 v10, $0x10;
	[tilespmem:s10+$0xFFFFFFB0] =	vst v12;
	v12 =	vshll.u32 v11, $0x10  }
0x587: {  	v10 =	vand.u32 $0xFFFF0000, v10;
	[tilespmem:s10+$0x20] =	vst v8;
	v8 =	vand.u32 $0xFFFF0000, v11;
	v11 =	vmul.f32 v12, v3  }
0x588: {  	[tilespmem:s10+$0x30] =	vst v13;
	v13 =	vmul.f32 v8, v3;
	v8 =	vmul.f32 v10, v5;
	v10 =	vld [tilespmem:s19+$0xFFFFFFE0]  }
0x589: {  	v15 =	vmul.f32 v9, v5;
	v9 =	vand.u32 $0xFFFF0000, v7  }
0x58a: {  	v12 =	vshll.u32 v7, $0x10;
	v5 =	vmul.f32 v9, v6;
	v9 =	vld [tilespmem:s19+$0x20];
	[tilespmem:s10+$0xC0] =	vst v11  }
0x58b: {  	v7 =	vmul.f32 v12, v6;
	v6 =	vshll.u32 v14, $0x10;
	v11 =	vand.u32 $0xFFFF0000, v14;
	[tilespmem:s10+$0xD0] =	vst v13  }
0x58c: {  	s13 =	simm.s32 $0x1D00;
	s8 =	simm.s32 $0x4;
	s0 =	simm.s32 $0x4580;
	[tilespmem:s16+$0xFFFFFFE0] =	vst v15;
	v12 =	vmul.f32 v6, v1;
	v11 =	vmul.f32 v11, v1;
	v6 =	vld [tilespmem:s19+$0x70]  }
.LBB2_23:
0x58d: {  	v13 =	vld [tilespmem:s13+$0x40];
	v14 =	vshll.u32 v10, $0x10;
	v10 =	vand.u32 $0xFFFF0000, v10;
	s12 =	sadd.s32 $0x4, s12;
	[tilespmem:s16+$0xFFFFFFF0] =	vst v8  }
0x58e: {  	v8 =	vld.msk [tilespmem:s12+$0x1 ss:$0x0], $0xffff;
	[tilespmem:s10+$0xFFFFFF40] =	vst v12;
	v12 =	vmul.f32 v14, v2;
	v10 =	vmul.f32 v10, v2  }
0x58f: {  	v14 =	vld [tilespmem:s13+$0xFFFFFFC0];
	[tilespmem:s10+$0xFFFFFF50] =	vst v11;
	v11 =	vshll.u32 v9, $0x10;
	v9 =	vand.u32 $0xFFFF0000, v9  }
0x590: {  	v15 =	vld [tilespmem:s13+$0x0];
	[tilespmem:s10+$0xFFFFFFC0] =	vst v12;
	v11 =	vmul.f32 v11, v4;
	v9 =	vmul.f32 v9, v4  }
0x591: {  	s8 =	sadd.s32 $0x4, s8;
	v12 =	vld [tilespmem:s13+$0xFFFFFF80];
	[tilespmem:s10+$0xFFFFFFD0] =	vst v10;
	v10 =	vshll.u32 v6, $0x10;
	v6 =	vand.u32 $0xFFFF0000, v6  }
0x592: {  	p2 =	slt.u32 s8, $0x4C;
	v16 =	vld.msk [tilespmem:s12+$0xFFFFFFFE ss:$0x0], $0xffff;
	[tilespmem:s10+$0x40] =	vst v11;
	v10 =	vmul.f32 v10, v3;
	v18 =	vmul.f32 v6, v3  }
0x593: {  	v11 =	vshll.u32 v13, $0x10;
	v6 =	vld.msk [tilespmem:s12+$0xFFFFFFFF ss:$0x0], $0xffff;
	[tilespmem:s10+$0x50] =	vst v9  }
0x594: {  	v13 =	vand.u32 $0xFFFF0000, v13;
	v11 =	vmul.f32 v11, v8;
	v3 =	vmovc v8;
	v9 =	vshll.u32 v14, $0x10;
	v17 =	vld.msk [tilespmem:s12+$0x0 ss:$0x0], $0xffff;
	[tilespmem:s10+$0xF0] =	vst v18  }
0x595: {  	v8 =	vand.u32 $0xFFFF0000, v14;
	v13 =	vmul.f32 v13, v3;
	s10 =	sadd.s32 $0x200, s10;
	v14 =	vshll.u32 v15, $0x10;
	v18 =	vld [tilespmem:s19+$0xFFFFFFB0];
	[tilespmem:s16+$0x60] =	vst v7  }
0x596: {  	v15 =	vand.u32 $0xFFFF0000, v15;
	v7 =	vshll.u32 v12, $0x10;
	v12 =	vand.u32 $0xFFFF0000, v12;
	[tilespmem:s10+$0x80] =	vst v11;
	v11 =	vld [tilespmem:s19+$0xFFFFFFF0]  }
0x597: {  	[tilespmem:s10+$0x90] =	vst v13;
	v13 =	vld [tilespmem:s19+$0x30];
	s19 =	smov.u32 s13  }
0x598: {  	v7 =	vmul.f32 v7, v16;
	v12 =	vmul.f32 v12, v16;
	v19 =	vld [tilespmem:s13+$0x50];
	[tilespmem:s16+$0x70] =	vst v5;
	s16 =	smov.u32 s0;
	s0 =	smov.u32 s10  }
0x599: {  	v5 =	vmul.f32 v9, v6;
	v8 =	vmul.f32 v8, v6;
	[tilespmem:s16+$0xE0] =	vst v10  }
0x59a: {  	v9 =	vmul.f32 v15, v17;
	[tilespmem:s10+$0xFFFFFF00] =	vst v7;
	v7 =	vmul.f32 v14, v17;
	v10 =	vshll.u32 v18, $0x10  }
0x59b: {  	[tilespmem:s10+$0xFFFFFF10] =	vst v12;
	v12 =	vand.u32 $0xFFFF0000, v18;
	v14 =	vshll.u32 v11, $0x10;
	v11 =	vand.u32 $0xFFFF0000, v11  }
0x59c: {  	v10 =	vmul.f32 v10, v1;
	v15 =	vld [tilespmem:s13+$0xFFFFFF90];
	[tilespmem:s10+$0xFFFFFF80] =	vst v5;
	v5 =	vshll.u32 v13, $0x10;
	v13 =	vand.u32 $0xFFFF0000, v13  }
0x59d: {  	v12 =	vmul.f32 v12, v1;
	v14 =	vmul.f32 v14, v2;
	v1 =	vmovc v16;
	[tilespmem:s10+$0xFFFFFF90] =	vst v8;
	v8 =	vshll.u32 v19, $0x10  }
0x59e: {  	v16 =	vld [tilespmem:s13+$0xFFFFFFD0];
	[tilespmem:s10+$0x0] =	vst v7;
	v7 =	vand.u32 $0xFFFF0000, v19;
	v18 =	vmul.f32 v8, v3;
	v8 =	vmul.f32 v11, v2;
	v2 =	vmovc v6  }
0x59f: {  	[tilespmem:s10+$0x10] =	vst v9;
	v6 =	vmul.f32 v7, v3;
	v7 =	vmul.f32 v5, v4  }
0x5a0: {  	v5 =	vmul.f32 v13, v4;
	v4 =	vmov v17;
	v9 =	vld [tilespmem:s13+$0x10];
	[tilespmem:s10+$0xA0] =	vst v18  }
0x5a1: {  	v11 =	vshll.u32 v15, $0x10;
	v13 =	vand.u32 $0xFFFF0000, v15;
	[tilespmem:s10+$0xB0] =	vst v6  }
0x5a2: {  	v6 =	vmul.f32 v11, v1;
	v11 =	vmul.f32 v13, v1;
	v13 =	vld [tilespmem:s13+$0x60];
	[tilespmem:s16+$0xFFFFFF60] =	vst v10  }
0x5a3: {  	v10 =	vshll.u32 v16, $0x10;
	v15 =	vand.u32 $0xFFFF0000, v16;
	[tilespmem:s16+$0xFFFFFF70] =	vst v12  }
0x5a4: {  	[tilespmem:s10+$0xFFFFFF20] =	vst v6;
	v6 =	vmul.f32 v10, v2;
	v10 =	vmul.f32 v15, v2  }
0x5a5: {  	[tilespmem:s10+$0xFFFFFF30] =	vst v11;
	v11 =	vshll.u32 v9, $0x10;
	v9 =	vand.u32 $0xFFFF0000, v9  }
0x5a6: {  	v12 =	vld [tilespmem:s13+$0xFFFFFFA0];
	[tilespmem:s10+$0xFFFFFFA0] =	vst v6;
	v6 =	vmul.f32 v11, v4;
	v9 =	vmul.f32 v9, v4  }
0x5a7: {  	[tilespmem:s10+$0xFFFFFFB0] =	vst v10;
	v11 =	vshll.u32 v13, $0x10  }
.Ltmp13:
0x5a8: {  	v10 =	vld [tilespmem:s13+$0xFFFFFFE0];
	[tilespmem:s10+$0x20] =	vst v6;
	v6 =	vand.u32 $0xFFFF0000, v13;
	v11 =	vmul.f32 v11, v3;
	(pc) =	sbr.rel @p2 .LBB2_23-.Ltmp13, $4  }
0x5a9: {  	[tilespmem:s10+$0x30] =	vst v9;
	v6 =	vmul.f32 v6, v3  }
0x5aa: {  	v9 =	vld [tilespmem:s13+$0x20];
	[tilespmem:s10+$0xC0] =	vst v11  }
0x5ab: {  	v11 =	vshll.u32 v12, $0x10;
	v13 =	vand.u32 $0xFFFF0000, v12;
	[tilespmem:s10+$0xD0] =	vst v6  }
0x5ac: {  	s13 =	sadd.s32 $0x100, s13;
	v12 =	vmul.f32 v11, v1;
	v11 =	vmul.f32 v13, v1;
	v6 =	vld [tilespmem:s19+$0x70];
	[tilespmem:s16+$0xFFFFFFE0] =	vst v14  }
0x5ad: {  	v13 =	vshll.u32 v10, $0x10;
	[tilespmem:s16+$0xFFFFFFF0] =	vst v8  }
0x5ae: {  	v49 =	vand.u32 $0xFFFF0000, v10;
	[tilespmem:s10+$0xFFFFFF40] =	vst v12;
	v50 =	vmul.f32 v13, v2  }
0x5af: {  	v8 =	vmul.f32 v49, v2;
	[tilespmem:s10+$0xFFFFFF50] =	vst v11;
	v51 =	vshll.u32 v9, $0x10  }
0x5b0: {  	v52 =	vand.u32 $0xFFFF0000, v9;
	v54 =	vld [tilespmem:s19+$0xFFFFFFB0];
	[tilespmem:s10+$0xFFFFFFC0] =	vst v50;
	v53 =	vmul.f32 v51, v4  }
0x5b1: {  	v9 =	vmul.f32 v52, v4;
	[tilespmem:s10+$0xFFFFFFD0] =	vst v8  }
0x5b2: {  	v56 =	vld [tilespmem:s19+$0xFFFFFFF0];
	[tilespmem:s10+$0x40] =	vst v53  }
0x5b3: {  	v55 =	vand.u32 $0xFFFF0000, v6;
	[tilespmem:s10+$0x50] =	vst v9  }
0x5b4: {  	[tilespmem:s16+$0x60] =	vst v7;
	v57 =	vshll.u32 v6, $0x10;
	v8 =	vmul.f32 v55, v3;
	v58 =	vld [tilespmem:s19+$0x30]  }
0x5b5: {  	[tilespmem:s16+$0x70] =	vst v5;
	v3 =	vmul.f32 v57, v3;
	v59 =	vshll.u32 v54, $0x10  }
0x5b6: {  	[tilespmem:s10+$0xF0] =	vst v8;
	v60 =	vand.u32 $0xFFFF0000, v54;
	v6 =	vmul.f32 v59, v1  }
0x5b7: {  	[tilespmem:s0+$0xE0] =	vst v3;
	v1 =	vmul.f32 v60, v1;
	v3 =	vshll.u32 v56, $0x10  }
0x5b8: {  	v61 =	vand.u32 $0xFFFF0000, v56;
	v3 =	vmul.f32 v3, v2;
	[tilespmem:s0+$0xFFFFFF60] =	vst v6  }
0x5b9: {  	v2 =	vmul.f32 v61, v2;
	[tilespmem:s0+$0xFFFFFF70] =	vst v1;
	v62 =	vshll.u32 v58, $0x10  }
0x5ba: {  	v1 =	vand.u32 $0xFFFF0000, v58;
	v63 =	vmul.f32 v62, v4;
	[tilespmem:s0+$0xFFFFFFE0] =	vst v3  }
0x5bb: {  	v1 =	vmul.f32 v1, v4;
	[tilespmem:s0+$0xFFFFFFF0] =	vst v2  }
0x5bc: {  	[tilespmem:s0+$0x60] =	vst v63  }
0x5bd: {  	s16 =	smul.u32 $0x500, s5;
	[tilespmem:s0+$0x70] =	vst v1  }
0x5be: {  	[spmem:s2] =	stream.indirect.scatter.add.f32 [tilespmem:s30], [sflag:$0x3], $0x80, s29, s9, $0xb8;
	[tilespmem:$0x1CD78] =	vst v63  }
0x5bf: {  	s8 =	simm.s32 $0x1740;
	s0 =	sshra.s32 s16, $0x2  }
0x5c0: {  	[spmem:s3] =	stream.indirect.scatter.add.f32 [tilespmem:s8], [sflag:$0x3], $0x1, s29, s9, $0xb8;
	[tilespmem:$0x1CD78] =	vst v63  }
0x5c1: {  	v1 =	vld [tilespmem:s0+$0x140];
	_ =	sdelay $0x4  }
0x5c2: {  	v2 =	vand.u32 $0xFFFF, v1  }
0x5c3: {  	v1 =	vshrl.u32 v1, $0x10;
	[tilespmem:$0x1400] =	vst v2  }
0x5c4: {  	[tilespmem:$0x1540] =	vst v1  }
0x5c5: {  	v1 =	vld [tilespmem:s0+$0x150];
	_ =	sdelay $0x4  }
0x5c6: {  	v2 =	vand.u32 $0xFFFF, v1  }
0x5c7: {  	v1 =	vshrl.u32 v1, $0x10;
	[tilespmem:$0x1410] =	vst v2  }
0x5c8: {  	[tilespmem:$0x1550] =	vst v1  }
0x5c9: {  	v1 =	vld [tilespmem:s0+$0x160];
	_ =	sdelay $0x4  }
0x5ca: {  	v2 =	vand.u32 $0xFFFF, v1  }
0x5cb: {  	v1 =	vshrl.u32 v1, $0x10;
	[tilespmem:$0x1420] =	vst v2  }
0x5cc: {  	[tilespmem:$0x1560] =	vst v1  }
0x5cd: {  	v1 =	vld [tilespmem:s0+$0x170];
	_ =	sdelay $0x4  }
0x5ce: {  	v2 =	vand.u32 $0xFFFF, v1  }
0x5cf: {  	v1 =	vshrl.u32 v1, $0x10;
	[tilespmem:$0x1430] =	vst v2  }
0x5d0: {  	[tilespmem:$0x1570] =	vst v1  }
0x5d1: {  	v1 =	vld [tilespmem:s0+$0x180];
	_ =	sdelay $0x4  }
0x5d2: {  	v2 =	vand.u32 $0xFFFF, v1  }
0x5d3: {  	v1 =	vshrl.u32 v1, $0x10;
	[tilespmem:$0x1440] =	vst v2  }
0x5d4: {  	s19 =	simm.s32 $0x1A80;
	[tilespmem:$0x1580] =	vst v1  }
0x5d5: {  	[tilespmem:s19], [sflag:$0x1] =	stream.indirect.gather [hbm4b:s1+s9], $0x40, s18, s9, $0xb8;
	[tilespmem:$0x1CD78] =	vst v63  }
0x5d6: {  	_ = 	snop  }
0x5d7: {  	[tilespmem:s11], [sflag:$0x1] =	stream.indirect.gather [hbm4b:s6+s9], $0x1, s18, s9, $0xb8;
	[tilespmem:$0x1CD78] =	vst v63  }
0x5d8: {  	s21 =	simm.s32 $0x1940  }
0x5d9: {  	[tilespmem:s21], [sflag:$0x1] =	stream.indirect.gather [hbm4b:s7+s9], $0x1, s15, s9, $0xb8;
	[tilespmem:$0x1CD78] =	vst v63  }
.LBB2_25:
.Ltmp14:
0x5da: {  	(pc) =	sbr.rel @p1 .LBB2_29-.Ltmp14, $1  }
0x5db: {  	_ =	sdelay $0x3  }
0x5dc: {  	_ =	swait.ge [sflag:s26], $0x1400  }
0x5dd: {  	[sflag:s26] =	ssyncset.done $0x0  }
0x5de: {  	[sflag:s26] =	ssyncadd.s32 $0xFFFFEC00  }
0x5df: {  	_ =	swait.ge [sflag:s26], $0x50  }
0x5e0: {  	[sflag:s26] =	ssyncset.done $0x0  }
0x5e1: {  	[sflag:s26] =	ssyncadd.s32 $0xFFFFFFB0  }
0x5e2: {  	_ =	swait.ge [sflag:s26], $0x50  }
0x5e3: {  	[sflag:s26] =	ssyncset.done $0x0  }
0x5e4: {  	[sflag:s26] =	ssyncadd.s32 $0xFFFFFFB0  }
0x5e5: {  	_ =	swait.ge [sflag:s25], $0x2800  }
0x5e6: {  	[sflag:s25] =	ssyncset.done $0x0  }
0x5e7: {  	[sflag:s25] =	ssyncadd.s32 $0xFFFFD800  }
0x5e8: {  	_ =	swait.ge [sflag:s25], $0x50  }
0x5e9: {  	[sflag:s25] =	ssyncset.done $0x0  }
0x5ea: {  	[sflag:s25] =	ssyncadd.s32 $0xFFFFFFB0  }
0x5eb: {  	v1 =	vld [tilespmem:$0x18F0]  }
0x5ec: {  	v2 =	vld [tilespmem:$0x1A30]  }
0x5ed: {  	v3 =	vld [tilespmem:$0x1900]  }
0x5ee: {  	v4 =	vld [tilespmem:$0x1A40]  }
0x5ef: {  	v5 =	vld [tilespmem:$0x1910]  }
0x5f0: {  	v6 =	vld [tilespmem:$0x1A50]  }
0x5f1: {  	v7 =	vld [tilespmem:$0x1920]  }
0x5f2: {  	v8 =	vld [tilespmem:$0x1A60]  }
0x5f3: {  	v9 =	vld [tilespmem:$0x1930]  }
0x5f4: {  	v10 =	vld [tilespmem:$0x1A70]  }
0x5f5: {  	v1 =	vadd.f32 v2, v1  }
0x5f6: {  	v2 =	vadd.f32 v4, v3  }
0x5f7: {  	v4 =	vadd.f32 v6, v5;
	v3 =	vmul.f32 $9.999999770e-03, v1  }
0x5f8: {  	v6 =	vadd.f32 v8, v7;
	v5 =	vmul.f32 $9.999999770e-03, v2  }
0x5f9: {  	v7 =	vadd.f32 v10, v9;
	v1 =	vmax.f32 v1, v3;
	v3 =	vmul.f32 $9.999999770e-03, v4  }
0x5fa: {  	v2 =	vmax.f32 v2, v5;
	v5 =	vmul.f32 $9.999999770e-03, v6;
	v1 =	vmul.f32 $1.442695020e+00, v1  }
0x5fb: {  	v2 =	vmul.f32 $1.442695020e+00, v2;
	v3 =	vmax.f32 v4, v3;
	v4 =	vmul.f32 $9.999999770e-03, v7  }
0x5fc: {  	(erf) = vpow2.f32 v1;
	v1 =	vmul.f32 $1.442695020e+00, v3;
	v3 =	vmax.f32 v6, v5  }
0x5fd: {  	(erf) = vpow2.f32 v2;
	v2 =	vmul.f32 $1.442695020e+00, v3;
	v3 =	vmax.f32 v7, v4  }
0x5fe: {  	(erf) = vpow2.f32 v1;
	v1 =	vmul.f32 $1.442695020e+00, v3  }
0x5ff: {  	(erf) = vpow2.f32 v2  }
0x600: {  	(erf) = vpow2.f32 v1;
	_ =	sdelay $0x4  }
0x601: {  	v1 =	vpop (erf)  }
0x602: {  	v2 =	vpop (erf);
	[tilespmem:$0x17A0] =	vst v1  }
0x603: {  	v1 =	vpop (erf);
	[tilespmem:$0x17B0] =	vst v2  }
0x604: {  	v2 =	vpop (erf);
	[tilespmem:$0x17C0] =	vst v1  }
0x605: {  	[tilespmem:$0x17D0] =	vst v2;
	v1 =	vpop (erf)  }
0x606: {  	s0 =	simm.s32 $0x2F00;
	[tilespmem:$0x17E0] =	vst v1  }
0x607: {  	s8 =	simm.s32 $0x17A2;
	v1 =	vld [tilespmem:s0+$0x40]  }
0x608: {  	v4 =	vld.msk [tilespmem:s8+$0x1 ss:$0x0], $0xffff  }
0x609: {  	v2 =	vld [tilespmem:s0+$0xFFFFFF80]  }
0x60a: {  	v7 =	vld.msk [tilespmem:s8+$0xFFFFFFFE ss:$0x0], $0xffff  }
0x60b: {  	v3 =	vld [tilespmem:s0+$0xFFFFFFC0]  }
0x60c: {  	v5 =	vld.msk [tilespmem:s8+$0xFFFFFFFF ss:$0x0], $0xffff;
	v6 =	vshll.u32 v1, $0x10  }
0x60d: {  	v8 =	vld [tilespmem:s0+$0x0];
	v1 =	vand.u32 $0xFFFF0000, v1;
	v9 =	vmul.f32 v6, v4  }
0x60e: {  	s16 =	simm.s32 $0x6B80;
	v10 =	vshll.u32 v2, $0x10;
	v6 =	vld.msk [tilespmem:s8+$0x0 ss:$0x0], $0xffff;
	v1 =	vmul.f32 v1, v4  }
0x60f: {  	v2 =	vand.u32 $0xFFFF0000, v2;
	[tilespmem:s16+$0x80] =	vst v9;
	v9 =	vmul.f32 v10, v7  }
0x610: {  	v10 =	vshll.u32 v3, $0x10;
	[tilespmem:s16+$0x90] =	vst v1;
	v1 =	vmul.f32 v2, v7  }
0x611: {  	v2 =	vand.u32 $0xFFFF0000, v3;
	v3 =	vld [tilespmem:s0+$0x50];
	v10 =	vmul.f32 v10, v5;
	[tilespmem:s16+$0xFFFFFF00] =	vst v9  }
0x612: {  	v2 =	vmul.f32 v2, v5;
	v9 =	vshll.u32 v8, $0x10;
	[tilespmem:s16+$0xFFFFFF10] =	vst v1  }
0x613: {  	v1 =	vand.u32 $0xFFFF0000, v8;
	v8 =	vmul.f32 v9, v6;
	v9 =	vld [tilespmem:s0+$0xFFFFFF90];
	[tilespmem:s16+$0xFFFFFF80] =	vst v10  }
0x614: {  	v1 =	vmul.f32 v1, v6;
	[tilespmem:s16+$0xFFFFFF90] =	vst v2  }
0x615: {  	v2 =	vld [tilespmem:s0+$0xFFFFFFD0];
	[tilespmem:s16+$0x0] =	vst v8  }
0x616: {  	[tilespmem:s16+$0x10] =	vst v1;
	v8 =	vshll.u32 v3, $0x10  }
0x617: {  	v1 =	vand.u32 $0xFFFF0000, v3;
	v3 =	vmul.f32 v8, v4;
	v8 =	vld [tilespmem:s0+$0x10]  }
0x618: {  	v1 =	vmul.f32 v1, v4;
	v10 =	vshll.u32 v9, $0x10  }
0x619: {  	[tilespmem:s16+$0xA0] =	vst v3;
	v3 =	vand.u32 $0xFFFF0000, v9;
	v9 =	vmul.f32 v10, v7  }
0x61a: {  	[tilespmem:s16+$0xB0] =	vst v1;
	v1 =	vmul.f32 v3, v7;
	v3 =	vshll.u32 v2, $0x10  }
0x61b: {  	v10 =	vld [tilespmem:s0+$0x60];
	v2 =	vand.u32 $0xFFFF0000, v2;
	[tilespmem:s16+$0xFFFFFF20] =	vst v9;
	v3 =	vmul.f32 v3, v5  }
0x61c: {  	v2 =	vmul.f32 v2, v5;
	[tilespmem:s16+$0xFFFFFF30] =	vst v1;
	v1 =	vshll.u32 v8, $0x10  }
0x61d: {  	v8 =	vand.u32 $0xFFFF0000, v8;
	v9 =	vld [tilespmem:s0+$0xFFFFFFA0];
	[tilespmem:s16+$0xFFFFFFA0] =	vst v3;
	v1 =	vmul.f32 v1, v6  }
0x61e: {  	v3 =	vmul.f32 v8, v6;
	[tilespmem:s16+$0xFFFFFFB0] =	vst v2  }
0x61f: {  	v2 =	vld [tilespmem:s0+$0xFFFFFFE0];
	[tilespmem:s16+$0x20] =	vst v1  }
0x620: {  	v1 =	vshll.u32 v10, $0x10;
	[tilespmem:s16+$0x30] =	vst v3  }
0x621: {  	v3 =	vand.u32 $0xFFFF0000, v10;
	v1 =	vmul.f32 v1, v4;
	v8 =	vld [tilespmem:s0+$0x20]  }
0x622: {  	s19 =	simm.s32 $0x3000;
	v3 =	vmul.f32 v3, v4;
	v10 =	vshll.u32 v9, $0x10  }
0x623: {  	s12 =	simm.s32 $0x17A6;
	[tilespmem:s16+$0xC0] =	vst v1;
	v1 =	vand.u32 $0xFFFF0000, v9;
	v9 =	vmul.f32 v10, v7;
	v10 =	vld [tilespmem:s19+$0x40]  }
0x624: {  	[tilespmem:s16+$0xD0] =	vst v3;
	v3 =	vld.msk [tilespmem:s12+$0x1 ss:$0x0], $0xffff;
	v1 =	vmul.f32 v1, v7;
	v11 =	vshll.u32 v2, $0x10  }
0x625: {  	v12 =	vld [tilespmem:s0+$0x70];
	v2 =	vand.u32 $0xFFFF0000, v2;
	[tilespmem:s16+$0xFFFFFF40] =	vst v9;
	v9 =	vmul.f32 v11, v5  }
0x626: {  	v2 =	vmul.f32 v2, v5;
	[tilespmem:s16+$0xFFFFFF50] =	vst v1;
	v1 =	vshll.u32 v8, $0x10  }
0x627: {  	v8 =	vand.u32 $0xFFFF0000, v8;
	v11 =	vld [tilespmem:s19+$0xFFFFFF80];
	[tilespmem:s16+$0xFFFFFFC0] =	vst v9;
	v9 =	vmul.f32 v1, v6  }
0x628: {  	v8 =	vmul.f32 v8, v6;
	[tilespmem:s16+$0xFFFFFFD0] =	vst v2;
	v1 =	vld.msk [tilespmem:s12+$0xFFFFFFFE ss:$0x0], $0xffff;
	v2 =	vshll.u32 v10, $0x10  }
0x629: {  	v13 =	vld [tilespmem:s19+$0xFFFFFFC0];
	[tilespmem:s16+$0x40] =	vst v9;
	v9 =	vand.u32 $0xFFFF0000, v10;
	v10 =	vmul.f32 v2, v3  }
0x62a: {  	s10 =	simm.s32 $0x6D80;
	v14 =	vand.u32 $0xFFFF0000, v12;
	[tilespmem:s16+$0x50] =	vst v8;
	v2 =	vld.msk [tilespmem:s12+$0xFFFFFFFF ss:$0x0], $0xffff;
	v8 =	vmul.f32 v9, v3  }
0x62b: {  	v12 =	vshll.u32 v12, $0x10;
	v14 =	vmul.f32 v14, v4;
	v9 =	vld [tilespmem:s19+$0x0];
	[tilespmem:s10+$0x80] =	vst v10  }
0x62c: {  	v10 =	vmul.f32 v12, v4;
	v4 =	vld.msk [tilespmem:s12+$0x0 ss:$0x0], $0xffff;
	v12 =	vshll.u32 v11, $0x10;
	[tilespmem:s10+$0x90] =	vst v8  }
0x62d: {  	[tilespmem:s16+$0xF0] =	vst v14;
	v8 =	vand.u32 $0xFFFF0000, v11;
	v11 =	vmul.f32 v12, v1;
	v12 =	vld [tilespmem:s19+$0x50]  }
0x62e: {  	v14 =	vshll.u32 v13, $0x10;
	v8 =	vmul.f32 v8, v1;
	[tilespmem:s16+$0xE0] =	vst v10  }
0x62f: {  	v10 =	vand.u32 $0xFFFF0000, v13;
	v13 =	vld [tilespmem:s0+$0xFFFFFFB0];
	v14 =	vmul.f32 v14, v2;
	[tilespmem:s10+$0xFFFFFF00] =	vst v11  }
0x630: {  	v10 =	vmul.f32 v10, v2;
	v11 =	vshll.u32 v9, $0x10;
	[tilespmem:s10+$0xFFFFFF10] =	vst v8  }
0x631: {  	v8 =	vand.u32 $0xFFFF0000, v9;
	v9 =	vmul.f32 v11, v4;
	v11 =	vld [tilespmem:s19+$0xFFFFFF90];
	[tilespmem:s10+$0xFFFFFF80] =	vst v14  }
0x632: {  	v8 =	vmul.f32 v8, v4;
	[tilespmem:s10+$0xFFFFFF90] =	vst v10;
	v10 =	vshll.u32 v12, $0x10  }
0x633: {  	v14 =	vld [tilespmem:s19+$0xFFFFFFD0];
	[tilespmem:s10+$0x0] =	vst v9;
	v9 =	vand.u32 $0xFFFF0000, v12;
	v10 =	vmul.f32 v10, v3  }
0x634: {  	v12 =	vshll.u32 v13, $0x10;
	[tilespmem:s10+$0x10] =	vst v8;
	v8 =	vmul.f32 v9, v3  }
0x635: {  	v9 =	vand.u32 $0xFFFF0000, v13;
	v12 =	vmul.f32 v12, v7;
	v13 =	vld [tilespmem:s19+$0x10];
	[tilespmem:s10+$0xA0] =	vst v10  }
0x636: {  	v7 =	vmul.f32 v9, v7;
	v10 =	vld [tilespmem:s0+$0xFFFFFFF0];
	v9 =	vshll.u32 v11, $0x10;
	[tilespmem:s10+$0xB0] =	vst v8  }
0x637: {  	v8 =	vand.u32 $0xFFFF0000, v11;
	[tilespmem:s16+$0xFFFFFF60] =	vst v12;
	v9 =	vmul.f32 v9, v1;
	v11 =	vld [tilespmem:s19+$0x60]  }
0x638: {  	v8 =	vmul.f32 v8, v1;
	v12 =	vshll.u32 v14, $0x10;
	[tilespmem:s16+$0xFFFFFF70] =	vst v7  }
0x639: {  	v14 =	vand.u32 $0xFFFF0000, v14;
	[tilespmem:s10+$0xFFFFFF20] =	vst v9;
	v9 =	vmul.f32 v12, v2  }
0x63a: {  	v7 =	vld [tilespmem:s0+$0x30];
	v12 =	vmul.f32 v14, v2;
	[tilespmem:s10+$0xFFFFFF30] =	vst v8;
	v8 =	vshll.u32 v13, $0x10  }
0x63b: {  	v13 =	vand.u32 $0xFFFF0000, v13;
	v8 =	vmul.f32 v8, v4;
	[tilespmem:s10+$0xFFFFFFA0] =	vst v9  }
0x63c: {  	v14 =	vld [tilespmem:s19+$0xFFFFFFA0];
	v13 =	vmul.f32 v13, v4;
	v9 =	vshll.u32 v10, $0x10;
	[tilespmem:s10+$0xFFFFFFB0] =	vst v12;
	v12 =	vshll.u32 v11, $0x10  }
0x63d: {  	v10 =	vand.u32 $0xFFFF0000, v10;
	[tilespmem:s10+$0x20] =	vst v8;
	v8 =	vand.u32 $0xFFFF0000, v11;
	v11 =	vmul.f32 v12, v3  }
0x63e: {  	[tilespmem:s10+$0x30] =	vst v13;
	v13 =	vmul.f32 v8, v3;
	v8 =	vmul.f32 v10, v5;
	v10 =	vld [tilespmem:s19+$0xFFFFFFE0]  }
0x63f: {  	v15 =	vmul.f32 v9, v5;
	v9 =	vand.u32 $0xFFFF0000, v7  }
0x640: {  	v12 =	vshll.u32 v7, $0x10;
	v5 =	vmul.f32 v9, v6;
	v9 =	vld [tilespmem:s19+$0x20];
	[tilespmem:s10+$0xC0] =	vst v11  }
0x641: {  	v7 =	vmul.f32 v12, v6;
	v6 =	vshll.u32 v14, $0x10;
	v11 =	vand.u32 $0xFFFF0000, v14;
	[tilespmem:s10+$0xD0] =	vst v13  }
0x642: {  	s13 =	simm.s32 $0x3100;
	s8 =	simm.s32 $0x4;
	s0 =	simm.s32 $0x6D80;
	[tilespmem:s16+$0xFFFFFFE0] =	vst v15;
	v12 =	vmul.f32 v6, v1;
	v11 =	vmul.f32 v11, v1;
	v6 =	vld [tilespmem:s19+$0x70]  }
.LBB2_27:
0x643: {  	v13 =	vld [tilespmem:s13+$0x40];
	v14 =	vshll.u32 v10, $0x10;
	v10 =	vand.u32 $0xFFFF0000, v10;
	s12 =	sadd.s32 $0x4, s12;
	[tilespmem:s16+$0xFFFFFFF0] =	vst v8  }
0x644: {  	v8 =	vld.msk [tilespmem:s12+$0x1 ss:$0x0], $0xffff;
	[tilespmem:s10+$0xFFFFFF40] =	vst v12;
	v12 =	vmul.f32 v14, v2;
	v10 =	vmul.f32 v10, v2  }
0x645: {  	v14 =	vld [tilespmem:s13+$0xFFFFFFC0];
	[tilespmem:s10+$0xFFFFFF50] =	vst v11;
	v11 =	vshll.u32 v9, $0x10;
	v9 =	vand.u32 $0xFFFF0000, v9  }
0x646: {  	v15 =	vld [tilespmem:s13+$0x0];
	[tilespmem:s10+$0xFFFFFFC0] =	vst v12;
	v11 =	vmul.f32 v11, v4;
	v9 =	vmul.f32 v9, v4  }
0x647: {  	s8 =	sadd.s32 $0x4, s8;
	v12 =	vld [tilespmem:s13+$0xFFFFFF80];
	[tilespmem:s10+$0xFFFFFFD0] =	vst v10;
	v10 =	vshll.u32 v6, $0x10;
	v6 =	vand.u32 $0xFFFF0000, v6  }
0x648: {  	p1 =	slt.u32 s8, $0x4C;
	v16 =	vld.msk [tilespmem:s12+$0xFFFFFFFE ss:$0x0], $0xffff;
	[tilespmem:s10+$0x40] =	vst v11;
	v10 =	vmul.f32 v10, v3;
	v18 =	vmul.f32 v6, v3  }
0x649: {  	v11 =	vshll.u32 v13, $0x10;
	v6 =	vld.msk [tilespmem:s12+$0xFFFFFFFF ss:$0x0], $0xffff;
	[tilespmem:s10+$0x50] =	vst v9  }
0x64a: {  	v13 =	vand.u32 $0xFFFF0000, v13;
	v11 =	vmul.f32 v11, v8;
	v3 =	vmovc v8;
	v9 =	vshll.u32 v14, $0x10;
	v17 =	vld.msk [tilespmem:s12+$0x0 ss:$0x0], $0xffff;
	[tilespmem:s10+$0xF0] =	vst v18  }
0x64b: {  	v8 =	vand.u32 $0xFFFF0000, v14;
	v13 =	vmul.f32 v13, v3;
	s10 =	sadd.s32 $0x200, s10;
	v14 =	vshll.u32 v15, $0x10;
	v18 =	vld [tilespmem:s19+$0xFFFFFFB0];
	[tilespmem:s16+$0x60] =	vst v7  }
0x64c: {  	v15 =	vand.u32 $0xFFFF0000, v15;
	v7 =	vshll.u32 v12, $0x10;
	v12 =	vand.u32 $0xFFFF0000, v12;
	[tilespmem:s10+$0x80] =	vst v11;
	v11 =	vld [tilespmem:s19+$0xFFFFFFF0]  }
0x64d: {  	[tilespmem:s10+$0x90] =	vst v13;
	v13 =	vld [tilespmem:s19+$0x30];
	s19 =	smov.u32 s13  }
0x64e: {  	v7 =	vmul.f32 v7, v16;
	v12 =	vmul.f32 v12, v16;
	v19 =	vld [tilespmem:s13+$0x50];
	[tilespmem:s16+$0x70] =	vst v5;
	s16 =	smov.u32 s0;
	s0 =	smov.u32 s10  }
0x64f: {  	v5 =	vmul.f32 v9, v6;
	v8 =	vmul.f32 v8, v6;
	[tilespmem:s16+$0xE0] =	vst v10  }
0x650: {  	v9 =	vmul.f32 v15, v17;
	[tilespmem:s10+$0xFFFFFF00] =	vst v7;
	v7 =	vmul.f32 v14, v17;
	v10 =	vshll.u32 v18, $0x10  }
0x651: {  	[tilespmem:s10+$0xFFFFFF10] =	vst v12;
	v12 =	vand.u32 $0xFFFF0000, v18;
	v14 =	vshll.u32 v11, $0x10;
	v11 =	vand.u32 $0xFFFF0000, v11  }
0x652: {  	v10 =	vmul.f32 v10, v1;
	v15 =	vld [tilespmem:s13+$0xFFFFFF90];
	[tilespmem:s10+$0xFFFFFF80] =	vst v5;
	v5 =	vshll.u32 v13, $0x10;
	v13 =	vand.u32 $0xFFFF0000, v13  }
0x653: {  	v12 =	vmul.f32 v12, v1;
	v14 =	vmul.f32 v14, v2;
	v1 =	vmovc v16;
	[tilespmem:s10+$0xFFFFFF90] =	vst v8;
	v8 =	vshll.u32 v19, $0x10  }
0x654: {  	v16 =	vld [tilespmem:s13+$0xFFFFFFD0];
	[tilespmem:s10+$0x0] =	vst v7;
	v7 =	vand.u32 $0xFFFF0000, v19;
	v18 =	vmul.f32 v8, v3;
	v8 =	vmul.f32 v11, v2;
	v2 =	vmovc v6  }
0x655: {  	[tilespmem:s10+$0x10] =	vst v9;
	v6 =	vmul.f32 v7, v3;
	v7 =	vmul.f32 v5, v4  }
0x656: {  	v5 =	vmul.f32 v13, v4;
	v4 =	vmov v17;
	v9 =	vld [tilespmem:s13+$0x10];
	[tilespmem:s10+$0xA0] =	vst v18  }
0x657: {  	v11 =	vshll.u32 v15, $0x10;
	v13 =	vand.u32 $0xFFFF0000, v15;
	[tilespmem:s10+$0xB0] =	vst v6  }
0x658: {  	v6 =	vmul.f32 v11, v1;
	v11 =	vmul.f32 v13, v1;
	v13 =	vld [tilespmem:s13+$0x60];
	[tilespmem:s16+$0xFFFFFF60] =	vst v10  }
0x659: {  	v10 =	vshll.u32 v16, $0x10;
	v15 =	vand.u32 $0xFFFF0000, v16;
	[tilespmem:s16+$0xFFFFFF70] =	vst v12  }
0x65a: {  	[tilespmem:s10+$0xFFFFFF20] =	vst v6;
	v6 =	vmul.f32 v10, v2;
	v10 =	vmul.f32 v15, v2  }
0x65b: {  	[tilespmem:s10+$0xFFFFFF30] =	vst v11;
	v11 =	vshll.u32 v9, $0x10;
	v9 =	vand.u32 $0xFFFF0000, v9  }
0x65c: {  	v12 =	vld [tilespmem:s13+$0xFFFFFFA0];
	[tilespmem:s10+$0xFFFFFFA0] =	vst v6;
	v6 =	vmul.f32 v11, v4;
	v9 =	vmul.f32 v9, v4  }
0x65d: {  	[tilespmem:s10+$0xFFFFFFB0] =	vst v10;
	v11 =	vshll.u32 v13, $0x10  }
.Ltmp15:
0x65e: {  	v10 =	vld [tilespmem:s13+$0xFFFFFFE0];
	[tilespmem:s10+$0x20] =	vst v6;
	v6 =	vand.u32 $0xFFFF0000, v13;
	v11 =	vmul.f32 v11, v3;
	(pc) =	sbr.rel @p1 .LBB2_27-.Ltmp15, $4  }
0x65f: {  	[tilespmem:s10+$0x30] =	vst v9;
	v6 =	vmul.f32 v6, v3  }
0x660: {  	v9 =	vld [tilespmem:s13+$0x20];
	[tilespmem:s10+$0xC0] =	vst v11  }
0x661: {  	v11 =	vshll.u32 v12, $0x10;
	v13 =	vand.u32 $0xFFFF0000, v12;
	[tilespmem:s10+$0xD0] =	vst v6  }
0x662: {  	s13 =	sadd.s32 $0x100, s13;
	v12 =	vmul.f32 v11, v1;
	v11 =	vmul.f32 v13, v1;
	v6 =	vld [tilespmem:s19+$0x70];
	[tilespmem:s16+$0xFFFFFFE0] =	vst v14  }
0x663: {  	v13 =	vshll.u32 v10, $0x10;
	[tilespmem:s16+$0xFFFFFFF0] =	vst v8  }
0x664: {  	v49 =	vand.u32 $0xFFFF0000, v10;
	[tilespmem:s10+$0xFFFFFF40] =	vst v12;
	v50 =	vmul.f32 v13, v2  }
0x665: {  	v8 =	vmul.f32 v49, v2;
	[tilespmem:s10+$0xFFFFFF50] =	vst v11;
	v51 =	vshll.u32 v9, $0x10  }
0x666: {  	v52 =	vand.u32 $0xFFFF0000, v9;
	v54 =	vld [tilespmem:s19+$0xFFFFFFB0];
	[tilespmem:s10+$0xFFFFFFC0] =	vst v50;
	v53 =	vmul.f32 v51, v4  }
0x667: {  	v9 =	vmul.f32 v52, v4;
	[tilespmem:s10+$0xFFFFFFD0] =	vst v8  }
0x668: {  	v56 =	vld [tilespmem:s19+$0xFFFFFFF0];
	[tilespmem:s10+$0x40] =	vst v53  }
0x669: {  	v55 =	vand.u32 $0xFFFF0000, v6;
	[tilespmem:s10+$0x50] =	vst v9  }
0x66a: {  	[tilespmem:s16+$0x60] =	vst v7;
	v57 =	vshll.u32 v6, $0x10;
	v8 =	vmul.f32 v55, v3;
	v58 =	vld [tilespmem:s19+$0x30]  }
0x66b: {  	[tilespmem:s16+$0x70] =	vst v5;
	v3 =	vmul.f32 v57, v3;
	v59 =	vshll.u32 v54, $0x10  }
0x66c: {  	[tilespmem:s10+$0xF0] =	vst v8;
	v60 =	vand.u32 $0xFFFF0000, v54;
	v6 =	vmul.f32 v59, v1  }
0x66d: {  	[tilespmem:s0+$0xE0] =	vst v3;
	v1 =	vmul.f32 v60, v1;
	v3 =	vshll.u32 v56, $0x10  }
0x66e: {  	v61 =	vand.u32 $0xFFFF0000, v56;
	v3 =	vmul.f32 v3, v2;
	[tilespmem:s0+$0xFFFFFF60] =	vst v6  }
0x66f: {  	v2 =	vmul.f32 v61, v2;
	[tilespmem:s0+$0xFFFFFF70] =	vst v1;
	v62 =	vshll.u32 v58, $0x10  }
0x670: {  	v1 =	vand.u32 $0xFFFF0000, v58;
	v63 =	vmul.f32 v62, v4;
	[tilespmem:s0+$0xFFFFFFE0] =	vst v3  }
0x671: {  	v1 =	vmul.f32 v1, v4;
	[tilespmem:s0+$0xFFFFFFF0] =	vst v2  }
0x672: {  	p1 =	seq.s32 s5, $0xE;
	[tilespmem:s0+$0x60] =	vst v63  }
0x673: {  	[tilespmem:s0+$0x70] =	vst v1;
	s0 =	smul.u32 @!p1 $0x500, s5  }
0x674: {  	[spmem:s2] =	stream.indirect.scatter.add.f32 [tilespmem:s28], [sflag:$0x4], $0x80, s14, s9, $0xb8;
	[tilespmem:$0x1CD78] =	vst v63  }
0x675: {  	s8 =	simm.s32 $0x17A0;
	s0 =	sshra.s32 @!p1 s0, $0x2  }
0x676: {  	[spmem:s3] =	stream.indirect.scatter.add.f32 [tilespmem:s8], [sflag:$0x4], $0x1, s14, s9, $0xb8;
	[tilespmem:$0x1CD78] =	vst v63  }
0x677: {  	v1 =	vld @!p1 [tilespmem:s0+$0x190];
	_ =	sdelay $0x4  }
0x678: {  	v2 =	vand.u32 @!p1 $0xFFFF, v1  }
0x679: {  	v1 =	vshrl.u32 @!p1 v1, $0x10;
	[tilespmem:$0x1450] =	vst @!p1 v2  }
0x67a: {  	[tilespmem:$0x1590] =	vst @!p1 v1  }
0x67b: {  	v1 =	vld @!p1 [tilespmem:s0+$0x1A0];
	_ =	sdelay $0x4  }
0x67c: {  	v2 =	vand.u32 @!p1 $0xFFFF, v1  }
0x67d: {  	v1 =	vshrl.u32 @!p1 v1, $0x10;
	[tilespmem:$0x1460] =	vst @!p1 v2  }
0x67e: {  	[tilespmem:$0x15A0] =	vst @!p1 v1  }
0x67f: {  	v1 =	vld @!p1 [tilespmem:s0+$0x1B0];
	_ =	sdelay $0x4  }
0x680: {  	v2 =	vand.u32 @!p1 $0xFFFF, v1  }
0x681: {  	v1 =	vshrl.u32 @!p1 v1, $0x10;
	[tilespmem:$0x1470] =	vst @!p1 v2  }
0x682: {  	[tilespmem:$0x15B0] =	vst @!p1 v1  }
0x683: {  	v1 =	vld @!p1 [tilespmem:s0+$0x1C0];
	_ =	sdelay $0x4  }
0x684: {  	v2 =	vand.u32 @!p1 $0xFFFF, v1  }
0x685: {  	v1 =	vshrl.u32 @!p1 v1, $0x10;
	[tilespmem:$0x1480] =	vst @!p1 v2  }
0x686: {  	[tilespmem:$0x15C0] =	vst @!p1 v1  }
0x687: {  	v1 =	vld @!p1 [tilespmem:s0+$0x1D0];
	_ =	sdelay $0x4  }
0x688: {  	v2 =	vand.u32 @!p1 $0xFFFF, v1  }
0x689: {  	v1 =	vshrl.u32 @!p1 v1, $0x10;
	[tilespmem:$0x1490] =	vst @!p1 v2  }
0x68a: {  	s10 =	simm.s32 @!p1 $0x2E80;
	s8 =	simm.s32 @!p1 $0x1450;
	s0 =	simm.s32 @!p1 $0x50;
	[tilespmem:$0x15D0] =	vst @!p1 v1  }
0x68b: {  	[tilespmem:s10], [sflag:$0x2] =	stream.indirect.gather @!p1 [hbm4b:s1+s0], $0x40, s8, s0, $0xb8;
	[tilespmem:$0x1CD78] =	vst v63  }
.Ltmp16:
0x68c: {  	_ = 	snop;
	(pc) =	sbr.rel .LBB2_29-.Ltmp16, $4  }
0x68d: {  	s10 =	simm.s32 @!p1 $0x1850  }
0x68e: {  	[tilespmem:s10], [sflag:$0x2] =	stream.indirect.gather @!p1 [hbm4b:s6+s0], $0x1, s8, s0, $0xb8;
	[tilespmem:$0x1CD78] =	vst v63  }
0x68f: {  	s8 =	simm.s32 @!p1 $0x1590;
	s10 =	simm.s32 @!p1 $0x1990  }
0x690: {  	[tilespmem:s10], [sflag:$0x2] =	stream.indirect.gather @!p1 [hbm4b:s7+s0], $0x1, s8, s0, $0xb8;
	[tilespmem:$0x1CD78] =	vst v63  }
.LBB2_30:
0x691: {  	_ =	swait.ge [sflag:s25], $0x2800  }
0x692: {  	[sflag:s25] =	ssyncset.done $0x0  }
0x693: {  	[sflag:s25] =	ssyncadd.s32 $0xFFFFD800  }
0x694: {  	_ =	swait.ge [sflag:s25], $0x50  }
0x695: {  	[sflag:s25] =	ssyncset.done $0x0  }
0x696: {  	[sflag:s25] =	ssyncadd.s32 $0xFFFFFFB0  }
0x697: {  	_ =	swait.ge [sflag:s31], $0x2800  }
0x698: {  	[sflag:s31] =	ssyncset.done $0x0  }
0x699: {  	[sflag:s31] =	ssyncadd.s32 $0xFFFFD800  }
0x69a: {  	s0 =	sadd.s32 $0x0, s4;
	_ =	swait.ge [sflag:s31], $0x50  }
0x69b: {  	p1 =	sgt.u32 s0, $0x7C;
	[sflag:s31] =	ssyncset.done $0x0  }
0x69c: {  	s0 =	sshll.u32 @!p1 s4, $0x6;
	[sflag:s31] =	ssyncadd.s32 $0xFFFFFFB0  }
0x69d: {  	s5 =	sshrl.u32 @!p1 s23, $0x3;
	s12 =	simm.s32 @!p1 $0x6;
	[bflag:$0x0] =	sbarrier.arrive $0xFFFF  }
0x69e: {  	s0 =	sor.u32 @!p1 $0x1C06, s0;
	p1 =	por p1, p1;
	s10 =	rddreg [dreg:$0x16]  }
0x69f: {  	[hbm:s10], [sflag:s0] =	dma.local @!p1 [spmem:s5], $0x500  }
0x6a0: {  	s8 =	simm.s32 $0x20;
	_ =	swait.ge @!p1 [sflag:s12], $0x500  }
0x6a1: {  	s18 =	smov.u32 s24;
	s19 =	sadd.s32 $0x10, s4;
	[sflag:s12] =	ssyncset.done @!p1 $0x0  }
0x6a2: {  	p3 =	sgt.u32 s19, $0x7C;
	s16 =	simm.s32 @!p1 $0x1800;
	[sflag:s12] =	ssyncadd.s32 @!p1 $0xFFFFFB00  }
0x6a3: {  	[tilespmem:s16], [sflag:$0x6] =	stream.linear.gather @!p1 [spmem:s24], $0x50, $0x38;
	[tilespmem:$0x1CD78] =	vst v63  }
0x6a4: {  	s19 =	sshll.u32 @!p3 s4, $0x6;
	s11 =	rddreg [dreg:$0x17];
	_ =	swait.ge @!p1 [sflag:s12], $0x50  }
0x6a5: {  	s13 =	simm.s32 @!p1 $0x5;
	s10 =	sadd.s32 $0x5000, s10;
	[sflag:s12] =	ssyncset.done @!p1 $0x0  }
0x6a6: {  	s5 =	sadd.s32 $0x500, s24;
	[sflag:s12] =	ssyncadd.s32 @!p1 $0xFFFFFFB0;
	s12 =	simm.s32 @!p1 $0x0  }
0x6a7: {  	[hbm4b:s11+s12] =	stream.linear.scatter @!p1 [tilespmem:s16], [sflag:$0x5], $0x50, $0x38;
	[tilespmem:$0x1CD78] =	vst v63  }
0x6a8: {  	s0 =	sadd.s32 $0xA0, s11;
	s12 =	sadd.s32 $0x28000, s23;
	_ =	swait.ge @!p1 [sflag:s13], $0x50  }
0x6a9: {  	s11 =	smov.u32 s23;
	s16 =	sshrl.u32 @!p3 s12, $0x3;
	[sflag:s13] =	ssyncset.done @!p1 $0x0  }
.LBB2_31:
0x6aa: {  	s19 =	sor.u32 @!p3 $0x1C06, s19;
	s21 =	simm.s32 @!p3 $0x6;
	[sflag:s13] =	ssyncadd.s32 @!p1 $0xFFFFFFB0  }
0x6ab: {  	s23 =	smov.u32 s8;
	s24 =	smov.u32 s0;
	p1 =	por p3, p3  }
0x6ac: {  	[hbm:s10], [sflag:s19] =	dma.local @!p1 [spmem:s16], $0x500  }
0x6ad: {  	s8 =	sadd.s32 $0x10, s8;
	_ =	swait.ge @!p1 [sflag:s21], $0x500  }
0x6ae: {  	p2 =	sne.s32 s8, $0x80;
	[sflag:s21] =	ssyncset.done @!p1 $0x0  }
0x6af: {  	s0 =	sadd.s32 $0xA0, s0;
	s16 =	simm.s32 @!p1 $0x1800;
	[sflag:s21] =	ssyncadd.s32 @!p1 $0xFFFFFB00  }
0x6b0: {  	[tilespmem:s16], [sflag:$0x6] =	stream.linear.gather @!p1 [spmem:s5], $0x50, $0x38;
	[tilespmem:$0x1CD78] =	vst v63  }
0x6b1: {  	s10 =	sadd.s32 $0x5000, s10;
	s5 =	sadd.s32 $0x500, s5;
	_ =	swait.ge @!p1 [sflag:s21], $0x50  }
.Ltmp17:
0x6b2: {  	s13 =	simm.s32 @!p1 $0x5;
	[sflag:s21] =	ssyncset.done @!p1 $0x0;
	(pc) =	sbr.rel @p2 .LBB2_31-.Ltmp17, $4  }
0x6b3: {  	s19 =	sadd.s32 s23, s4;
	[sflag:s21] =	ssyncadd.s32 @!p1 $0xFFFFFFB0;
	s21 =	simm.s32 @!p1 $0x0  }
0x6b4: {  	[hbm4b:s24+s21] =	stream.linear.scatter @!p1 [tilespmem:s16], [sflag:$0x5], $0x50, $0x38;
	[tilespmem:$0x1CD78] =	vst v63  }
0x6b5: {  	s12 =	sadd.s32 $0x28000, s12;
	p3 =	sgt.u32 s19, $0x7C;
	_ =	swait.ge @!p1 [sflag:s13], $0x50  }
0x6b6: {  	s19 =	sshll.u32 @!p3 s4, $0x6;
	s16 =	sshrl.u32 @!p3 s12, $0x3;
	[sflag:s13] =	ssyncset.done @!p1 $0x0  }
0x6b7: {  	s8 =	sor.u32 @!p3 $0x1C06, s19  }
0x6b8: {  	s12 =	simm.s32 @!p3 $0x6;
	[sflag:s13] =	ssyncadd.s32 @!p1 $0xFFFFFFB0;
	p1 =	por p3, p3  }
0x6b9: {  	[hbm:s10], [sflag:s8] =	dma.local @!p1 [spmem:s16], $0x500  }
0x6ba: {  	_ =	swait.ge @!p1 [sflag:s12], $0x500  }
0x6bb: {  	[sflag:s12] =	ssyncset.done @!p1 $0x0  }
0x6bc: {  	s8 =	simm.s32 @!p1 $0x1800;
	[sflag:s12] =	ssyncadd.s32 @!p1 $0xFFFFFB00  }
0x6bd: {  	[tilespmem:s8], [sflag:$0x6] =	stream.linear.gather @!p1 [spmem:s5], $0x50, $0x38;
	[tilespmem:$0x1CD78] =	vst v63  }
0x6be: {  	_ =	swait.ge @!p1 [sflag:s12], $0x50  }
0x6bf: {  	[sflag:s12] =	ssyncset.done @!p1 $0x0  }
0x6c0: {  	s10 =	simm.s32 @!p1 $0x0;
	s5 =	simm.s32 @!p1 $0x5;
	[sflag:s12] =	ssyncadd.s32 @!p1 $0xFFFFFFB0  }
0x6c1: {  	[hbm4b:s0+s10] =	stream.linear.scatter @!p1 [tilespmem:s8], [sflag:$0x5], $0x50, $0x38;
	[tilespmem:$0x1CD78] =	vst v63  }
0x6c2: {  	_ =	swait.ge @!p1 [sflag:s5], $0x50  }
0x6c3: {  	s23 =	rddreg [dreg:$0x5]  }
0x6c4: {  	s24 =	rddreg [dreg:$0x7];
	s13 =	sadd.s32 $0x1, s23  }
0x6c5: {  	p2 =	sne.s32 s13, s24  }
.Ltmp18:
0x6c6: {  	_ = 	snop;
	(pc) =	sbr.rel @p2 .LBB2_1-.Ltmp18, $4  }
0x6c7: {  	_ = 	snop  }
0x6c8: {  	[sflag:s5] =	ssyncset.done @!p1 $0x0  }
0x6c9: {  	[sflag:s5] =	ssyncadd.s32 @!p1 $0xFFFFFFB0;
	s23 =	smov.u32 s11  }
0x6ca: {  	s11 =	simm.s32 $0x5;
	s24 =	smov.u32 s18;
	s18 =	simm.s32 $0x1400  }
0x6cb: {  	_ =	sfence.sel $0x180000  }
0x6cc: {  	[bflag:$0x0] =	sbarrier.arrive $0xFFFF  }
0x6cd: {  	_ =	strace $0x90000047  }
0x6ce: {  	[bflag:$0x2] =	sbarrier.arrive $0xFFFF  }
0x6cf: {  	p0 =	sne.s32 s4, $0x0;
	s0 =	rddreg [dreg:$0x4]  }
0x6d0: {  	s0 =	sadd.s32 @!p0 $0x100000, s0  }
0x6d1: {  	[sflag:s0] =	ssyncadd.tile.s32 @!p0 $0x1;
	_ =	shalt  }
.Lfunc_end2:
_tile_overlayer_lowered:
.L_overlay_start_2:
0x6d2: {  	(tag) =	ssettag $0x2  }
0x6d3: {  	s0 =	rddreg [dreg:$0x0];
	s2 =	stileid.u32  }
0x6d4: {  	s1 =	rddreg [dreg:$0x1];
	p0 =	sne.s32 s2, $0x0  }
0x6d5: {  	s3 =	rddreg [dreg:$0x2];
	[bflag:$0x3] =	sbarrier.arrive $0xFFFF;
	s2 =	simm.s32 @!p0 $0x1C05  }
0x6d6: {  	[timem:s3], [sflag:s2] =	dma.local @!p0 [hbm:s0], s1  }
0x6d7: {  	s0 =	simm.s32 @!p0 $0x5  }
0x6d8: {  	_ =	swait.ge @!p0 [sflag:s0], s1  }
0x6d9: {  	s1 =	ssub.s32 @!p0 $0x0, s1;
	[sflag:s0] =	ssyncset.done @!p0 $0x0  }
0x6da: {  	[sflag:s0] =	ssyncadd.s32 @!p0 s1  }
0x6db: {  	[bflag:$0x3] =	sbarrier.arrive $0xFFFF  }
0x6dc: {  	_ =	shalt  }

</sc_bundles>
